<compile_context>
chip_gen: v7x
topology: tpu7x:2x2x1
jax: 0.10.2.dev20260603
libtpu: 0.0.44.dev20260713+nightly
codegen_flags: <defaults>
</compile_context>

<pallas_src>
import functools

import jax
import jax.numpy as jnp
import numpy as np
from jax import lax
from jax.experimental import pallas as pl
from jax.experimental.pallas import tpu as pltpu
from jax.experimental.pallas import tpu_sc as plsc

N = 10000
E = 320000
D = 128
L = 16
NC = 2
NS = 16
NW = NC * NS
CHUNK = 80
NB = 4
CPW0 = 128
CPW1 = 128
EPAD = NS * (CPW0 + CPW1) * CHUNK
NPAD = 10112
ROWS_PER_TILE = NPAD // NS
MM_BLOCK = 2000

_g = np.arange(D) // 32
_o = np.arange(D) % 32
_COLPERM = _g * 32 + np.where(_o % 2 == 0, _o // 2, 16 + _o // 2)


def _mm_body(x_ref, k_ref, sk_ref, b_ref, h_ref, z_ref):
    xb = x_ref[...]
    h_ref[...] = jnp.dot(
        xb, k_ref[...], preferred_element_type=jnp.float32
    ).astype(jnp.bfloat16)
    z_ref[...] = (
        jnp.dot(xb, sk_ref[...], preferred_element_type=jnp.float32)
        + b_ref[...]
    )


def _matmuls(x2d, w, sw, bias):
    grid = N // MM_BLOCK
    return pl.pallas_call(
        _mm_body,
        grid=(grid,),
        in_specs=[
            pl.BlockSpec((MM_BLOCK, D), lambda i: (i, 0)),
            pl.BlockSpec((D, D), lambda i: (0, 0)),
            pl.BlockSpec((D, D), lambda i: (0, 0)),
            pl.BlockSpec((D,), lambda i: (0,)),
        ],
        out_specs=[
            pl.BlockSpec((MM_BLOCK, D), lambda i: (i, 0)),
            pl.BlockSpec((MM_BLOCK, D), lambda i: (i, 0)),
        ],
        out_shape=[
            jax.ShapeDtypeStruct((N, D), jnp.bfloat16),
            jax.ShapeDtypeStruct((N, D), jnp.float32),
        ],
    )(x2d, w, sw, bias)


def _fin_body(z_ref, p0_ref, p1_ref, o_ref):
    o_ref[...] = jnp.maximum(z_ref[...] + p0_ref[...] + p1_ref[...], 0.0)


def _finalize(z, p0, p1):
    grid = N // MM_BLOCK
    spec = pl.BlockSpec((MM_BLOCK, D), lambda i: (i, 0))
    return pl.pallas_call(
        _fin_body,
        grid=(grid,),
        in_specs=[spec, spec, spec],
        out_specs=spec,
        out_shape=jax.ShapeDtypeStruct((N, D), jnp.float32),
    )(z, p0, p1)


def _sc_aggregate_body(h_hbm, src_hbm, dst_hbm, ew_hbm, p0_hbm, p1_hbm,
                       six, dix, ewr, grow, msg, acc,
                       gsem, ssem, isem, dsem, esem):
    c = lax.axis_index("c")
    s = lax.axis_index("s")
    cpw = jnp.where(c == 0, CPW0, CPW1)
    wbase = jnp.where(c == 0, s * CPW0, NS * CPW0 + s * CPW1) * CHUNK


    def _issue_src_at(b, j):
        pltpu.async_copy(
            src_hbm.at[pl.ds(wbase + j * CHUNK, CHUNK)], six.at[b], isem[b]
        )

    def _issue_dst_ew_at(b, j):
        pltpu.async_copy(
            dst_hbm.at[pl.ds(wbase + j * CHUNK, CHUNK)], dix.at[b], dsem[b]
        )
        pltpu.async_copy(
            ew_hbm.at[pl.ds(wbase + j * CHUNK, CHUNK)],
            ewr.at[pl.ds(b * CHUNK, CHUNK)], esem[b],
        )

    def _wait_idx(semx, b):
        pltpu.make_async_copy(
            src_hbm.at[pl.ds(0, CHUNK)], six.at[b], semx
        ).wait()

    def _wait_ew(b):
        pltpu.make_async_copy(
            ew_hbm.at[pl.ds(0, CHUNK)],
            ewr.at[pl.ds(b * CHUNK, CHUNK)], esem[b],
        ).wait()

    def _wait_gather(b):
        pltpu.make_async_copy(
            h_hbm.at[pl.ds(0, CHUNK)], grow.at[b], gsem[b]
        ).wait()

    def _wait_scatter(p):
        pltpu.make_async_copy(
            p0_hbm.at[pl.ds(0, CHUNK)], msg.at[p], ssem[p]
        ).wait()

    def _scale(b, p):
        def _rows(ri, rcarry):
            r0 = ri * 2
            for r in (r0, r0 + 1):
                w = plsc.load_gather(
                    ewr, [jnp.full((L,), b * CHUNK + r, jnp.int32)]
                )
                for g in range(D // 32):
                    v = grow[b, r, pl.ds(g * L, L)]
                    lo = plsc.bitcast(v << 16, jnp.float32)
                    hi = plsc.bitcast(v & jnp.int32(-65536), jnp.float32)
                    msg[p, r, pl.ds(g * 32, L)] = lo * w
                    msg[p, r, pl.ds(g * 32 + L, L)] = hi * w
            return rcarry

        lax.fori_loop(0, CHUNK // 2, _rows, 0)

    for b in range(NB):
        _issue_src_at(b, b)
    for b in range(2):
        _issue_dst_ew_at(b, b)
    for b in range(3):
        _wait_idx(isem[b], b)
        pltpu.async_copy(h_hbm.at[six.at[b]], grow.at[b], gsem[b])

    def _zrow(r, carry):
        for f in range(D // L):
            msg[0, r, pl.ds(f * L, L)] = jnp.zeros((L,), jnp.float32)
        return carry

    lax.fori_loop(0, CHUNK, _zrow, 0)
    for k in range(ROWS_PER_TILE // CHUNK):
        pltpu.sync_copy(
            msg.at[0],
            acc.at[pl.ds(s * ROWS_PER_TILE + k * CHUNK, CHUNK)],
        )
    _tail = ROWS_PER_TILE % CHUNK
    if _tail:
        pltpu.sync_copy(
            msg.at[0, pl.ds(0, _tail)],
            acc.at[pl.ds(s * ROWS_PER_TILE + ROWS_PER_TILE - _tail, _tail)],
        )
    plsc.subcore_barrier()

    def _slots(jo, carry):
        for b in range(NB):
            j = NB * jo + b
            bn = (b + 2) % NB
            b3 = (b + 3) % NB
            mp = b % 2
            _wait_gather(b)

            @pl.when(j >= 2)
            def _():
                _wait_scatter(mp)

            @pl.when(j + 2 < cpw)
            def _():
                _issue_dst_ew_at(bn, j + 2)

            @pl.when(j + 3 < cpw)
            def _():
                _wait_idx(isem[b3], b3)
                pltpu.async_copy(
                    h_hbm.at[six.at[b3]], grow.at[b3], gsem[b3]
                )

            @pl.when(j + NB < cpw)
            def _():
                _issue_src_at(b, j + NB)

            _wait_ew(b)
            _scale(b, mp)
            _wait_idx(dsem[b], b)
            pltpu.async_copy(
                msg.at[mp], acc.at[dix.at[b]], ssem[mp], add=True
            )
        return carry

    lax.fori_loop(0, cpw // NB, _slots, 0)
    _wait_scatter(0)
    _wait_scatter(1)
    plsc.subcore_barrier()

    @pl.when(c == 0)
    def _():
        pltpu.sync_copy(
            acc.at[pl.ds(s * ROWS_PER_TILE, ROWS_PER_TILE)],
            p0_hbm.at[pl.ds(s * ROWS_PER_TILE, ROWS_PER_TILE)],
        )

    @pl.when(c == 1)
    def _():
        pltpu.sync_copy(
            acc.at[pl.ds(s * ROWS_PER_TILE, ROWS_PER_TILE)],
            p1_hbm.at[pl.ds(s * ROWS_PER_TILE, ROWS_PER_TILE)],
        )


@functools.cache
def _sc_aggregate():
    return pl.kernel(
        _sc_aggregate_body,
        out_type=(
            jax.ShapeDtypeStruct((NPAD, D), jnp.float32),
            jax.ShapeDtypeStruct((NPAD, D), jnp.float32),
        ),
        mesh=plsc.VectorSubcoreMesh(
            core_axis_name="c", subcore_axis_name="s",
            num_cores=NC, num_subcores=NS,
        ),
        scratch_types=[
            pltpu.VMEM((NB, CHUNK), jnp.int32),
            pltpu.VMEM((NB, CHUNK), jnp.int32),
            pltpu.VMEM((NB * CHUNK,), jnp.float32),
            pltpu.VMEM((NB, CHUNK, D // 2), jnp.int32),
            pltpu.VMEM((2, CHUNK, D), jnp.float32),
            pltpu.VMEM_SHARED((NPAD, D), jnp.float32),
            [pltpu.SemaphoreType.DMA] * NB,
            [pltpu.SemaphoreType.DMA] * 2,
            [pltpu.SemaphoreType.DMA] * NB,
            [pltpu.SemaphoreType.DMA] * NB,
            [pltpu.SemaphoreType.DMA] * NB,
        ],
        compiler_params=pltpu.CompilerParams(
            needs_layout_passes=False, use_tc_tiling_on_sc=False
        ),
    )


def kernel(x, edge_index, edge_weight, kernel, self_kernel,
           self_loop_weight, bias):
    x2d = jnp.squeeze(x, axis=0)
    sk_scaled = self_kernel * self_loop_weight[0]
    h, z = _matmuls(x2d, kernel[:, _COLPERM], sk_scaled, bias)
    h32 = jax.lax.bitcast_convert_type(
        h.reshape(N, D // 2, 2), jnp.int32
    )

    pad = EPAD - E
    src = jnp.concatenate(
        [edge_index[0].astype(jnp.int32), jnp.zeros((pad,), jnp.int32)]
    )
    dst = jnp.concatenate(
        [edge_index[1].astype(jnp.int32), jnp.zeros((pad,), jnp.int32)]
    )
    ew = jnp.concatenate(
        [edge_weight.astype(jnp.float32), jnp.zeros((pad,), jnp.float32)]
    )

    p0, p1 = _sc_aggregate()(h32, src, dst, ew)
    out = _finalize(z, p0, p1)
    return out[None, :, :]

# --- scband reference (transcript-rebuilt; emitter-appended) ---
"""Pipeline reference for scband-graph-convolution-12687333393049 (READ-ONLY COPY).

The authoritative reference and input builder live on the scoring server;
editing this copy changes nothing except your own understanding.
"""

import jax, jax.numpy as jnp
import numpy as np

N_NODES = 10000
N_EDGES = 320000
D_FEAT = 128
UNITS = 128


def setup_inputs(seed: int = 0) -> dict:
    key = jax.random.key(seed)
    k1, k2, k3, k4, k5, k6 = jax.random.split(key, 6)
    x = jax.random.normal(k1, (1, N_NODES, D_FEAT), dtype=jnp.float32)
    edge_index = jax.random.randint(k2, (2, N_EDGES), 0, N_NODES, dtype=jnp.int64)
    edge_weight = jax.random.uniform(k3, (N_EDGES,), dtype=jnp.float32)
    # learned parameters (glorot-uniform-like init for kernels)
    limit = float(np.sqrt(6.0 / (D_FEAT + UNITS)))
    kernel = jax.random.uniform(k4, (D_FEAT, UNITS), dtype=jnp.float32, minval=-limit, maxval=limit)
    self_kernel = jax.random.uniform(k5, (D_FEAT, UNITS), dtype=jnp.float32, minval=-limit, maxval=limit)
    self_loop_weight = jnp.ones((1,), dtype=jnp.float32)
    bias = jnp.zeros((UNITS,), dtype=jnp.float32)
    return {"x": x, "edge_index": edge_index, "edge_weight": edge_weight,
            "kernel": kernel, "self_kernel": self_kernel,
            "self_loop_weight": self_loop_weight, "bias": bias}


def reference(x, edge_index, edge_weight, kernel, self_kernel, self_loop_weight, bias):
    # Faithful translation of GraphConvolution.call:
    # features squeezed from (1, N, F) -> (N, F)
    features = jnp.squeeze(x, axis=0)
    h_features = features @ kernel            # (N, units)
    self_h_features = features @ self_kernel  # (N, units)
    # sparse A (N, N) @ h_features via gather + scatter-add over edges
    src = edge_index[0]
    dst = edge_index[1]
    msgs = h_features[src] * edge_weight[:, None]
    output = jax.ops.segment_sum(msgs, dst, num_segments=features.shape[0])
    output = self_loop_weight * self_h_features + output
    output = output[None, :, :]
    output = output + bias
    output = jax.nn.relu(output)
    return output

if __name__ == "__main__":
    import jax
    _d = setup_inputs()
    print(jax.jit(kernel)(*tuple(_d.values())))

</pallas_src>

<mosaic_0001>
#map = affine_map<(d0, d1) -> (0, 0)>
#map1 = affine_map<(d0, d1) -> (0)>
module attributes {stable_mosaic.version = 14 : i64} {
  func.func @_sc_aggregate_body(%arg0: i32, %arg1: i32, %arg2: memref<10000x64xi32, #tpu.memory_space<hbm>>, %arg3: memref<327680xi32, #tpu.memory_space<hbm>>, %arg4: memref<327680xi32, #tpu.memory_space<hbm>>, %arg5: memref<327680xf32, #tpu.memory_space<hbm>>, %arg6: memref<10112x128xf32, #tpu.memory_space<hbm>>, %arg7: memref<10112x128xf32, #tpu.memory_space<hbm>>, %arg8: memref<4x80xi32, #tpu.memory_space<vmem>>, %arg9: memref<4x80xi32, #tpu.memory_space<vmem>>, %arg10: memref<320xf32, #tpu.memory_space<vmem>>, %arg11: memref<4x80x64xi32, #tpu.memory_space<vmem>>, %arg12: memref<2x80x128xf32, #tpu.memory_space<vmem>>, %arg13: memref<10112x128xf32, #tpu.memory_space<vmem_shared>>, %arg14: memref<!tpu.dma_semaphore, #tpu.memory_space<semaphore_mem>>, %arg15: memref<!tpu.dma_semaphore, #tpu.memory_space<semaphore_mem>>, %arg16: memref<!tpu.dma_semaphore, #tpu.memory_space<semaphore_mem>>, %arg17: memref<!tpu.dma_semaphore, #tpu.memory_space<semaphore_mem>>, %arg18: memref<!tpu.dma_semaphore, #tpu.memory_space<semaphore_mem>>, %arg19: memref<!tpu.dma_semaphore, #tpu.memory_space<semaphore_mem>>, %arg20: memref<!tpu.dma_semaphore, #tpu.memory_space<semaphore_mem>>, %arg21: memref<!tpu.dma_semaphore, #tpu.memory_space<semaphore_mem>>, %arg22: memref<!tpu.dma_semaphore, #tpu.memory_space<semaphore_mem>>, %arg23: memref<!tpu.dma_semaphore, #tpu.memory_space<semaphore_mem>>, %arg24: memref<!tpu.dma_semaphore, #tpu.memory_space<semaphore_mem>>, %arg25: memref<!tpu.dma_semaphore, #tpu.memory_space<semaphore_mem>>, %arg26: memref<!tpu.dma_semaphore, #tpu.memory_space<semaphore_mem>>, %arg27: memref<!tpu.dma_semaphore, #tpu.memory_space<semaphore_mem>>, %arg28: memref<!tpu.dma_semaphore, #tpu.memory_space<semaphore_mem>>, %arg29: memref<!tpu.dma_semaphore, #tpu.memory_space<semaphore_mem>>, %arg30: memref<!tpu.dma_semaphore, #tpu.memory_space<semaphore_mem>>, %arg31: memref<!tpu.dma_semaphore, #tpu.memory_space<semaphore_mem>>) attributes {dimension_semantics = [#tpu.dimension_semantics<core_parallel>, #tpu.dimension_semantics<subcore_parallel>], iteration_bounds = array<i64: 2, 16>, scalar_prefetch = 0 : i64, scratch_operands = 24 : i64, tpu.core_type = #tpu.core_type<sc_vector_subcore>, window_params = [{transform_indices = #map}, {transform_indices = #map1}, {transform_indices = #map1}, {transform_indices = #map1}, {transform_indices = #map}, {transform_indices = #map}]} {
    %eq3A = arith.constant 0 : i32
    %eq3A_0 = arith.cmpi eq, %arg0, %eq3A : i32
    %jit3A = arith.constant 128 : i32
    %jit3A_1 = arith.constant 128 : i32
    %select_n3A = arith.select %eq3A_0, %jit3A, %jit3A_1 : i32
    %eq3A_2 = arith.constant 0 : i32
    %eq3A_3 = arith.cmpi eq, %arg0, %eq3A_2 : i32
    %mul3A = arith.constant 128 : i32
    %mul3A_4 = arith.muli %arg1, %mul3A : i32
    %mul3A_5 = arith.constant 128 : i32
    %mul3A_6 = arith.muli %arg1, %mul3A_5 : i32
    %add3A = arith.constant 2048 : i32
    %add3A_7 = arith.addi %add3A, %mul3A_6 : i32
    %select_n3A_8 = arith.select %eq3A_3, %mul3A_4, %add3A_7 : i32
    %mul3A_9 = arith.constant 80 : i32
    %mul3A_10 = arith.muli %select_n3A_8, %mul3A_9 : i32
    %add3A_11 = arith.constant 0 : i32
    %add3A_12 = arith.addi %mul3A_10, %add3A_11 : i32
    %dma_start3A = arith.constant 0 : i32
    %dma_start3A_13 = arith.constant 0 : i32
    %dma_start3A_14 = tpu.memref_slice %arg8[%dma_start3A, %dma_start3A_13] : memref<4x80xi32, #tpu.memory_space<vmem>> -> memref<1x80xi32, #tpu.memory_space<vmem>>
    %dma_start3A_15 = tpu.memref_squeeze %dma_start3A_14 : memref<1x80xi32, #tpu.memory_space<vmem>> -> memref<80xi32, #tpu.memory_space<vmem>>
    %dma_start3A_16 = tpu.memref_slice %arg3[%add3A_12] : memref<327680xi32, #tpu.memory_space<hbm>> -> memref<80xi32, #tpu.memory_space<hbm>>
    %dma_start3A_17 = arith.constant 0 : i32
    %dma_start3A_18 = tpu.memref_slice %arg8[%dma_start3A, %dma_start3A_17] : memref<4x80xi32, #tpu.memory_space<vmem>> -> memref<1x80xi32, #tpu.memory_space<vmem>>
    %dma_start3A_19 = tpu.memref_squeeze %dma_start3A_18 : memref<1x80xi32, #tpu.memory_space<vmem>> -> memref<80xi32, #tpu.memory_space<vmem>>
    %dma_start3A_20 = tpu.memref_slice %arg3[%add3A_12] : memref<327680xi32, #tpu.memory_space<hbm>> -> memref<80xi32, #tpu.memory_space<hbm>>
    tpu.enqueue_dma source(%dma_start3A_20 : memref<80xi32, #tpu.memory_space<hbm>>) target(%dma_start3A_19 : memref<80xi32, #tpu.memory_space<vmem>>) target_semaphore(%arg20 : memref<!tpu.dma_semaphore, #tpu.memory_space<semaphore_mem>>)
    %add3A_21 = arith.constant 80 : i32
    %add3A_22 = arith.addi %mul3A_10, %add3A_21 : i32
    %dma_start3A_23 = arith.constant 1 : i32
    %dma_start3A_24 = arith.constant 0 : i32
    %dma_start3A_25 = tpu.memref_slice %arg8[%dma_start3A_23, %dma_start3A_24] : memref<4x80xi32, #tpu.memory_space<vmem>> -> memref<1x80xi32, #tpu.memory_space<vmem>>
    %dma_start3A_26 = tpu.memref_squeeze %dma_start3A_25 : memref<1x80xi32, #tpu.memory_space<vmem>> -> memref<80xi32, #tpu.memory_space<vmem>>
    %dma_start3A_27 = tpu.memref_slice %arg3[%add3A_22] : memref<327680xi32, #tpu.memory_space<hbm>> -> memref<80xi32, #tpu.memory_space<hbm>>
    %dma_start3A_28 = arith.constant 0 : i32
    %dma_start3A_29 = tpu.memref_slice %arg8[%dma_start3A_23, %dma_start3A_28] : memref<4x80xi32, #tpu.memory_space<vmem>> -> memref<1x80xi32, #tpu.memory_space<vmem>>
    %dma_start3A_30 = tpu.memref_squeeze %dma_start3A_29 : memref<1x80xi32, #tpu.memory_space<vmem>> -> memref<80xi32, #tpu.memory_space<vmem>>
    %dma_start3A_31 = tpu.memref_slice %arg3[%add3A_22] : memref<327680xi32, #tpu.memory_space<hbm>> -> memref<80xi32, #tpu.memory_space<hbm>>
    tpu.enqueue_dma source(%dma_start3A_31 : memref<80xi32, #tpu.memory_space<hbm>>) target(%dma_start3A_30 : memref<80xi32, #tpu.memory_space<vmem>>) target_semaphore(%arg21 : memref<!tpu.dma_semaphore, #tpu.memory_space<semaphore_mem>>)
    %add3A_32 = arith.constant 160 : i32
    %add3A_33 = arith.addi %mul3A_10, %add3A_32 : i32
    %dma_start3A_34 = arith.constant 2 : i32
    %dma_start3A_35 = arith.constant 0 : i32
    %dma_start3A_36 = tpu.memref_slice %arg8[%dma_start3A_34, %dma_start3A_35] : memref<4x80xi32, #tpu.memory_space<vmem>> -> memref<1x80xi32, #tpu.memory_space<vmem>>
    %dma_start3A_37 = tpu.memref_squeeze %dma_start3A_36 : memref<1x80xi32, #tpu.memory_space<vmem>> -> memref<80xi32, #tpu.memory_space<vmem>>
    %dma_start3A_38 = tpu.memref_slice %arg3[%add3A_33] : memref<327680xi32, #tpu.memory_space<hbm>> -> memref<80xi32, #tpu.memory_space<hbm>>
    %dma_start3A_39 = arith.constant 0 : i32
    %dma_start3A_40 = tpu.memref_slice %arg8[%dma_start3A_34, %dma_start3A_39] : memref<4x80xi32, #tpu.memory_space<vmem>> -> memref<1x80xi32, #tpu.memory_space<vmem>>
    %dma_start3A_41 = tpu.memref_squeeze %dma_start3A_40 : memref<1x80xi32, #tpu.memory_space<vmem>> -> memref<80xi32, #tpu.memory_space<vmem>>
    %dma_start3A_42 = tpu.memref_slice %arg3[%add3A_33] : memref<327680xi32, #tpu.memory_space<hbm>> -> memref<80xi32, #tpu.memory_space<hbm>>
    tpu.enqueue_dma source(%dma_start3A_42 : memref<80xi32, #tpu.memory_space<hbm>>) target(%dma_start3A_41 : memref<80xi32, #tpu.memory_space<vmem>>) target_semaphore(%arg22 : memref<!tpu.dma_semaphore, #tpu.memory_space<semaphore_mem>>)
    %add3A_43 = arith.constant 240 : i32
    %add3A_44 = arith.addi %mul3A_10, %add3A_43 : i32
    %dma_start3A_45 = arith.constant 3 : i32
    %dma_start3A_46 = arith.constant 0 : i32
    %dma_start3A_47 = tpu.memref_slice %arg8[%dma_start3A_45, %dma_start3A_46] : memref<4x80xi32, #tpu.memory_space<vmem>> -> memref<1x80xi32, #tpu.memory_space<vmem>>
    %dma_start3A_48 = tpu.memref_squeeze %dma_start3A_47 : memref<1x80xi32, #tpu.memory_space<vmem>> -> memref<80xi32, #tpu.memory_space<vmem>>
    %dma_start3A_49 = tpu.memref_slice %arg3[%add3A_44] : memref<327680xi32, #tpu.memory_space<hbm>> -> memref<80xi32, #tpu.memory_space<hbm>>
    %dma_start3A_50 = arith.constant 0 : i32
    %dma_start3A_51 = tpu.memref_slice %arg8[%dma_start3A_45, %dma_start3A_50] : memref<4x80xi32, #tpu.memory_space<vmem>> -> memref<1x80xi32, #tpu.memory_space<vmem>>
    %dma_start3A_52 = tpu.memref_squeeze %dma_start3A_51 : memref<1x80xi32, #tpu.memory_space<vmem>> -> memref<80xi32, #tpu.memory_space<vmem>>
    %dma_start3A_53 = tpu.memref_slice %arg3[%add3A_44] : memref<327680xi32, #tpu.memory_space<hbm>> -> memref<80xi32, #tpu.memory_space<hbm>>
    tpu.enqueue_dma source(%dma_start3A_53 : memref<80xi32, #tpu.memory_space<hbm>>) target(%dma_start3A_52 : memref<80xi32, #tpu.memory_space<vmem>>) target_semaphore(%arg23 : memref<!tpu.dma_semaphore, #tpu.memory_space<semaphore_mem>>)
    %add3A_54 = arith.constant 0 : i32
    %add3A_55 = arith.addi %mul3A_10, %add3A_54 : i32
    %dma_start3A_56 = arith.constant 0 : i32
    %dma_start3A_57 = arith.constant 0 : i32
    %dma_start3A_58 = tpu.memref_slice %arg9[%dma_start3A_56, %dma_start3A_57] : memref<4x80xi32, #tpu.memory_space<vmem>> -> memref<1x80xi32, #tpu.memory_space<vmem>>
    %dma_start3A_59 = tpu.memref_squeeze %dma_start3A_58 : memref<1x80xi32, #tpu.memory_space<vmem>> -> memref<80xi32, #tpu.memory_space<vmem>>
    %dma_start3A_60 = tpu.memref_slice %arg4[%add3A_55] : memref<327680xi32, #tpu.memory_space<hbm>> -> memref<80xi32, #tpu.memory_space<hbm>>
    %dma_start3A_61 = arith.constant 0 : i32
    %dma_start3A_62 = tpu.memref_slice %arg9[%dma_start3A_56, %dma_start3A_61] : memref<4x80xi32, #tpu.memory_space<vmem>> -> memref<1x80xi32, #tpu.memory_space<vmem>>
    %dma_start3A_63 = tpu.memref_squeeze %dma_start3A_62 : memref<1x80xi32, #tpu.memory_space<vmem>> -> memref<80xi32, #tpu.memory_space<vmem>>
    %dma_start3A_64 = tpu.memref_slice %arg4[%add3A_55] : memref<327680xi32, #tpu.memory_space<hbm>> -> memref<80xi32, #tpu.memory_space<hbm>>
    tpu.enqueue_dma source(%dma_start3A_64 : memref<80xi32, #tpu.memory_space<hbm>>) target(%dma_start3A_63 : memref<80xi32, #tpu.memory_space<vmem>>) target_semaphore(%arg24 : memref<!tpu.dma_semaphore, #tpu.memory_space<semaphore_mem>>)
    %add3A_65 = arith.constant 0 : i32
    %add3A_66 = arith.addi %mul3A_10, %add3A_65 : i32
    %dma_start3A_67 = arith.constant 0 : i32
    %dma_start3A_68 = tpu.memref_slice %arg10[%dma_start3A_67] : memref<320xf32, #tpu.memory_space<vmem>> -> memref<80xf32, #tpu.memory_space<vmem>>
    %dma_start3A_69 = tpu.memref_slice %arg5[%add3A_66] : memref<327680xf32, #tpu.memory_space<hbm>> -> memref<80xf32, #tpu.memory_space<hbm>>
    %dma_start3A_70 = arith.constant 0 : i32
    %dma_start3A_71 = tpu.memref_slice %arg10[%dma_start3A_70] : memref<320xf32, #tpu.memory_space<vmem>> -> memref<80xf32, #tpu.memory_space<vmem>>
    %dma_start3A_72 = tpu.memref_slice %arg5[%add3A_66] : memref<327680xf32, #tpu.memory_space<hbm>> -> memref<80xf32, #tpu.memory_space<hbm>>
    tpu.enqueue_dma source(%dma_start3A_72 : memref<80xf32, #tpu.memory_space<hbm>>) target(%dma_start3A_71 : memref<80xf32, #tpu.memory_space<vmem>>) target_semaphore(%arg28 : memref<!tpu.dma_semaphore, #tpu.memory_space<semaphore_mem>>)
    %add3A_73 = arith.constant 80 : i32
    %add3A_74 = arith.addi %mul3A_10, %add3A_73 : i32
    %dma_start3A_75 = arith.constant 1 : i32
    %dma_start3A_76 = arith.constant 0 : i32
    %dma_start3A_77 = tpu.memref_slice %arg9[%dma_start3A_75, %dma_start3A_76] : memref<4x80xi32, #tpu.memory_space<vmem>> -> memref<1x80xi32, #tpu.memory_space<vmem>>
    %dma_start3A_78 = tpu.memref_squeeze %dma_start3A_77 : memref<1x80xi32, #tpu.memory_space<vmem>> -> memref<80xi32, #tpu.memory_space<vmem>>
    %dma_start3A_79 = tpu.memref_slice %arg4[%add3A_74] : memref<327680xi32, #tpu.memory_space<hbm>> -> memref<80xi32, #tpu.memory_space<hbm>>
    %dma_start3A_80 = arith.constant 0 : i32
    %dma_start3A_81 = tpu.memref_slice %arg9[%dma_start3A_75, %dma_start3A_80] : memref<4x80xi32, #tpu.memory_space<vmem>> -> memref<1x80xi32, #tpu.memory_space<vmem>>
    %dma_start3A_82 = tpu.memref_squeeze %dma_start3A_81 : memref<1x80xi32, #tpu.memory_space<vmem>> -> memref<80xi32, #tpu.memory_space<vmem>>
    %dma_start3A_83 = tpu.memref_slice %arg4[%add3A_74] : memref<327680xi32, #tpu.memory_space<hbm>> -> memref<80xi32, #tpu.memory_space<hbm>>
    tpu.enqueue_dma source(%dma_start3A_83 : memref<80xi32, #tpu.memory_space<hbm>>) target(%dma_start3A_82 : memref<80xi32, #tpu.memory_space<vmem>>) target_semaphore(%arg25 : memref<!tpu.dma_semaphore, #tpu.memory_space<semaphore_mem>>)
    %add3A_84 = arith.constant 80 : i32
    %add3A_85 = arith.addi %mul3A_10, %add3A_84 : i32
    %dma_start3A_86 = arith.constant 80 : i32
    %dma_start3A_87 = tpu.memref_slice %arg10[%dma_start3A_86] : memref<320xf32, #tpu.memory_space<vmem>> -> memref<80xf32, #tpu.memory_space<vmem>>
    %dma_start3A_88 = tpu.memref_slice %arg5[%add3A_85] : memref<327680xf32, #tpu.memory_space<hbm>> -> memref<80xf32, #tpu.memory_space<hbm>>
    %dma_start3A_89 = arith.constant 80 : i32
    %dma_start3A_90 = tpu.memref_slice %arg10[%dma_start3A_89] : memref<320xf32, #tpu.memory_space<vmem>> -> memref<80xf32, #tpu.memory_space<vmem>>
    %dma_start3A_91 = tpu.memref_slice %arg5[%add3A_85] : memref<327680xf32, #tpu.memory_space<hbm>> -> memref<80xf32, #tpu.memory_space<hbm>>
    tpu.enqueue_dma source(%dma_start3A_91 : memref<80xf32, #tpu.memory_space<hbm>>) target(%dma_start3A_90 : memref<80xf32, #tpu.memory_space<vmem>>) target_semaphore(%arg29 : memref<!tpu.dma_semaphore, #tpu.memory_space<semaphore_mem>>)
    %dma_wait3A = arith.constant 0 : i32
    %dma_wait3A_92 = arith.constant 0 : i32
    %dma_wait3A_93 = tpu.memref_slice %arg8[%dma_wait3A, %dma_wait3A_92] : memref<4x80xi32, #tpu.memory_space<vmem>> -> memref<1x80xi32, #tpu.memory_space<vmem>>
    %dma_wait3A_94 = tpu.memref_squeeze %dma_wait3A_93 : memref<1x80xi32, #tpu.memory_space<vmem>> -> memref<80xi32, #tpu.memory_space<vmem>>
    %dma_wait3A_95 = arith.constant 0 : i32
    %dma_wait3A_96 = tpu.memref_slice %arg3[%dma_wait3A_95] : memref<327680xi32, #tpu.memory_space<hbm>> -> memref<80xi32, #tpu.memory_space<hbm>>
    %dma_wait3A_97 = arith.constant 0 : i32
    %dma_wait3A_98 = tpu.memref_slice %arg8[%dma_wait3A, %dma_wait3A_97] : memref<4x80xi32, #tpu.memory_space<vmem>> -> memref<1x80xi32, #tpu.memory_space<vmem>>
    %dma_wait3A_99 = tpu.memref_squeeze %dma_wait3A_98 : memref<1x80xi32, #tpu.memory_space<vmem>> -> memref<80xi32, #tpu.memory_space<vmem>>
    %dma_wait3A_100 = arith.constant 0 : i32
    %dma_wait3A_101 = tpu.memref_slice %arg3[%dma_wait3A_100] : memref<327680xi32, #tpu.memory_space<hbm>> -> memref<80xi32, #tpu.memory_space<hbm>>
    tpu.wait_dma2 semaphore(%arg20 : memref<!tpu.dma_semaphore, #tpu.memory_space<semaphore_mem>>) src(%dma_wait3A_101 : memref<80xi32, #tpu.memory_space<hbm>>) dst(%dma_wait3A_99 : memref<80xi32, #tpu.memory_space<vmem>>)
    %dma_start3A_102 = arith.constant 0 : i32
    %dma_start3A_103 = arith.constant 0 : i32
    %dma_start3A_104 = arith.constant 0 : i32
    %dma_start3A_105 = arith.constant 0 : i32
    %dma_start3A_106 = tpu.memref_slice %arg11[%dma_start3A_103, %dma_start3A_104, %dma_start3A_105] : memref<4x80x64xi32, #tpu.memory_space<vmem>> -> memref<1x80x64xi32, #tpu.memory_space<vmem>>
    %dma_start3A_107 = tpu.memref_squeeze %dma_start3A_106 : memref<1x80x64xi32, #tpu.memory_space<vmem>> -> memref<80x64xi32, #tpu.memory_space<vmem>>
    %dma_start3A_108 = arith.constant 0 : i32
    %dma_start3A_109 = tpu.memref_slice %arg8[%dma_start3A_102, %dma_start3A_108] : memref<4x80xi32, #tpu.memory_space<vmem>> -> memref<1x80xi32, #tpu.memory_space<vmem>>
    %dma_start3A_110 = tpu.memref_squeeze %dma_start3A_109 : memref<1x80xi32, #tpu.memory_space<vmem>> -> memref<80xi32, #tpu.memory_space<vmem>>
    %dma_start3A_111 = arith.constant 0 : i32
    %dma_start3A_112 = arith.constant 0 : i32
    %dma_start3A_113 = tpu.memref_slice %arg2[%dma_start3A_111, %dma_start3A_112] : memref<10000x64xi32, #tpu.memory_space<hbm>> -> memref<10000x64xi32, #tpu.memory_space<hbm>>
    tpu.enqueue_indirect_dma source(%dma_start3A_113 : memref<10000x64xi32, #tpu.memory_space<hbm>>) target(%dma_start3A_107 : memref<80x64xi32, #tpu.memory_space<vmem>>) offsets(%dma_start3A_110 : memref<80xi32, #tpu.memory_space<vmem>>) semaphore(%arg14 : memref<!tpu.dma_semaphore, #tpu.memory_space<semaphore_mem>>)
    %dma_wait3A_114 = arith.constant 1 : i32
    %dma_wait3A_115 = arith.constant 0 : i32
    %dma_wait3A_116 = tpu.memref_slice %arg8[%dma_wait3A_114, %dma_wait3A_115] : memref<4x80xi32, #tpu.memory_space<vmem>> -> memref<1x80xi32, #tpu.memory_space<vmem>>
    %dma_wait3A_117 = tpu.memref_squeeze %dma_wait3A_116 : memref<1x80xi32, #tpu.memory_space<vmem>> -> memref<80xi32, #tpu.memory_space<vmem>>
    %dma_wait3A_118 = arith.constant 0 : i32
    %dma_wait3A_119 = tpu.memref_slice %arg3[%dma_wait3A_118] : memref<327680xi32, #tpu.memory_space<hbm>> -> memref<80xi32, #tpu.memory_space<hbm>>
    %dma_wait3A_120 = arith.constant 0 : i32
    %dma_wait3A_121 = tpu.memref_slice %arg8[%dma_wait3A_114, %dma_wait3A_120] : memref<4x80xi32, #tpu.memory_space<vmem>> -> memref<1x80xi32, #tpu.memory_space<vmem>>
    %dma_wait3A_122 = tpu.memref_squeeze %dma_wait3A_121 : memref<1x80xi32, #tpu.memory_space<vmem>> -> memref<80xi32, #tpu.memory_space<vmem>>
    %dma_wait3A_123 = arith.constant 0 : i32
    %dma_wait3A_124 = tpu.memref_slice %arg3[%dma_wait3A_123] : memref<327680xi32, #tpu.memory_space<hbm>> -> memref<80xi32, #tpu.memory_space<hbm>>
    tpu.wait_dma2 semaphore(%arg21 : memref<!tpu.dma_semaphore, #tpu.memory_space<semaphore_mem>>) src(%dma_wait3A_124 : memref<80xi32, #tpu.memory_space<hbm>>) dst(%dma_wait3A_122 : memref<80xi32, #tpu.memory_space<vmem>>)
    %dma_start3A_125 = arith.constant 1 : i32
    %dma_start3A_126 = arith.constant 1 : i32
    %dma_start3A_127 = arith.constant 0 : i32
    %dma_start3A_128 = arith.constant 0 : i32
    %dma_start3A_129 = tpu.memref_slice %arg11[%dma_start3A_126, %dma_start3A_127, %dma_start3A_128] : memref<4x80x64xi32, #tpu.memory_space<vmem>> -> memref<1x80x64xi32, #tpu.memory_space<vmem>>
    %dma_start3A_130 = tpu.memref_squeeze %dma_start3A_129 : memref<1x80x64xi32, #tpu.memory_space<vmem>> -> memref<80x64xi32, #tpu.memory_space<vmem>>
    %dma_start3A_131 = arith.constant 0 : i32
    %dma_start3A_132 = tpu.memref_slice %arg8[%dma_start3A_125, %dma_start3A_131] : memref<4x80xi32, #tpu.memory_space<vmem>> -> memref<1x80xi32, #tpu.memory_space<vmem>>
    %dma_start3A_133 = tpu.memref_squeeze %dma_start3A_132 : memref<1x80xi32, #tpu.memory_space<vmem>> -> memref<80xi32, #tpu.memory_space<vmem>>
    %dma_start3A_134 = arith.constant 0 : i32
    %dma_start3A_135 = arith.constant 0 : i32
    %dma_start3A_136 = tpu.memref_slice %arg2[%dma_start3A_134, %dma_start3A_135] : memref<10000x64xi32, #tpu.memory_space<hbm>> -> memref<10000x64xi32, #tpu.memory_space<hbm>>
    tpu.enqueue_indirect_dma source(%dma_start3A_136 : memref<10000x64xi32, #tpu.memory_space<hbm>>) target(%dma_start3A_130 : memref<80x64xi32, #tpu.memory_space<vmem>>) offsets(%dma_start3A_133 : memref<80xi32, #tpu.memory_space<vmem>>) semaphore(%arg15 : memref<!tpu.dma_semaphore, #tpu.memory_space<semaphore_mem>>)
    %dma_wait3A_137 = arith.constant 2 : i32
    %dma_wait3A_138 = arith.constant 0 : i32
    %dma_wait3A_139 = tpu.memref_slice %arg8[%dma_wait3A_137, %dma_wait3A_138] : memref<4x80xi32, #tpu.memory_space<vmem>> -> memref<1x80xi32, #tpu.memory_space<vmem>>
    %dma_wait3A_140 = tpu.memref_squeeze %dma_wait3A_139 : memref<1x80xi32, #tpu.memory_space<vmem>> -> memref<80xi32, #tpu.memory_space<vmem>>
    %dma_wait3A_141 = arith.constant 0 : i32
    %dma_wait3A_142 = tpu.memref_slice %arg3[%dma_wait3A_141] : memref<327680xi32, #tpu.memory_space<hbm>> -> memref<80xi32, #tpu.memory_space<hbm>>
    %dma_wait3A_143 = arith.constant 0 : i32
    %dma_wait3A_144 = tpu.memref_slice %arg8[%dma_wait3A_137, %dma_wait3A_143] : memref<4x80xi32, #tpu.memory_space<vmem>> -> memref<1x80xi32, #tpu.memory_space<vmem>>
    %dma_wait3A_145 = tpu.memref_squeeze %dma_wait3A_144 : memref<1x80xi32, #tpu.memory_space<vmem>> -> memref<80xi32, #tpu.memory_space<vmem>>
    %dma_wait3A_146 = arith.constant 0 : i32
    %dma_wait3A_147 = tpu.memref_slice %arg3[%dma_wait3A_146] : memref<327680xi32, #tpu.memory_space<hbm>> -> memref<80xi32, #tpu.memory_space<hbm>>
    tpu.wait_dma2 semaphore(%arg22 : memref<!tpu.dma_semaphore, #tpu.memory_space<semaphore_mem>>) src(%dma_wait3A_147 : memref<80xi32, #tpu.memory_space<hbm>>) dst(%dma_wait3A_145 : memref<80xi32, #tpu.memory_space<vmem>>)
    %dma_start3A_148 = arith.constant 2 : i32
    %dma_start3A_149 = arith.constant 2 : i32
    %dma_start3A_150 = arith.constant 0 : i32
    %dma_start3A_151 = arith.constant 0 : i32
    %dma_start3A_152 = tpu.memref_slice %arg11[%dma_start3A_149, %dma_start3A_150, %dma_start3A_151] : memref<4x80x64xi32, #tpu.memory_space<vmem>> -> memref<1x80x64xi32, #tpu.memory_space<vmem>>
    %dma_start3A_153 = tpu.memref_squeeze %dma_start3A_152 : memref<1x80x64xi32, #tpu.memory_space<vmem>> -> memref<80x64xi32, #tpu.memory_space<vmem>>
    %dma_start3A_154 = arith.constant 0 : i32
    %dma_start3A_155 = tpu.memref_slice %arg8[%dma_start3A_148, %dma_start3A_154] : memref<4x80xi32, #tpu.memory_space<vmem>> -> memref<1x80xi32, #tpu.memory_space<vmem>>
    %dma_start3A_156 = tpu.memref_squeeze %dma_start3A_155 : memref<1x80xi32, #tpu.memory_space<vmem>> -> memref<80xi32, #tpu.memory_space<vmem>>
    %dma_start3A_157 = arith.constant 0 : i32
    %dma_start3A_158 = arith.constant 0 : i32
    %dma_start3A_159 = tpu.memref_slice %arg2[%dma_start3A_157, %dma_start3A_158] : memref<10000x64xi32, #tpu.memory_space<hbm>> -> memref<10000x64xi32, #tpu.memory_space<hbm>>
    tpu.enqueue_indirect_dma source(%dma_start3A_159 : memref<10000x64xi32, #tpu.memory_space<hbm>>) target(%dma_start3A_153 : memref<80x64xi32, #tpu.memory_space<vmem>>) offsets(%dma_start3A_156 : memref<80xi32, #tpu.memory_space<vmem>>) semaphore(%arg16 : memref<!tpu.dma_semaphore, #tpu.memory_space<semaphore_mem>>)
    %scan3A = arith.constant 0 : i32
    %scan3A_160 = arith.constant 0 : i32
    %scan3A_161 = arith.constant 80 : i32
    %scan3A_162 = arith.addi %scan3A_160, %scan3A_161 : i32
    %scan3A_163 = arith.constant 1 : i32
    scf.for %scan3A_272 = %scan3A_160 to %scan3A_162 step %scan3A_163  : i32 {
      %broadcast_in_dim3A = arith.constant 0.000000e+00 : f32
      %broadcast_in_dim3A_273 = vector.broadcast %broadcast_in_dim3A : f32 to vector<16xf32>
      %swap3A = arith.constant 0 : i32
      %swap3A_274 = arith.index_cast %swap3A : i32 to index
      %swap3A_275 = arith.index_cast %scan3A_272 : i32 to index
      %swap3A_276 = arith.constant 0 : index
      %swap3A_277 = tpu.vector_load %arg12[%swap3A_274, %swap3A_275, %swap3A_276] {strides = array<i32>} : memref<2x80x128xf32, #tpu.memory_space<vmem>>, vector<16xf32>,
      tpu.vector_store %arg12[%swap3A_274, %swap3A_275, %swap3A_276], %broadcast_in_dim3A_273 {strides = array<i32>} : memref<2x80x128xf32, #tpu.memory_space<vmem>>, vector<16xf32>,
      %broadcast_in_dim3A_278 = arith.constant 0.000000e+00 : f32
      %broadcast_in_dim3A_279 = vector.broadcast %broadcast_in_dim3A_278 : f32 to vector<16xf32>
      %swap3A_280 = arith.constant 0 : i32
      %swap3A_281 = arith.index_cast %swap3A_280 : i32 to index
      %swap3A_282 = arith.index_cast %scan3A_272 : i32 to index
      %swap3A_283 = arith.constant 16 : index
      %swap3A_284 = tpu.vector_load %arg12[%swap3A_281, %swap3A_282, %swap3A_283] {strides = array<i32>} : memref<2x80x128xf32, #tpu.memory_space<vmem>>, vector<16xf32>,
      tpu.vector_store %arg12[%swap3A_281, %swap3A_282, %swap3A_283], %broadcast_in_dim3A_279 {strides = array<i32>} : memref<2x80x128xf32, #tpu.memory_space<vmem>>, vector<16xf32>,
      %broadcast_in_dim3A_285 = arith.constant 0.000000e+00 : f32
      %broadcast_in_dim3A_286 = vector.broadcast %broadcast_in_dim3A_285 : f32 to vector<16xf32>
      %swap3A_287 = arith.constant 0 : i32
      %swap3A_288 = arith.index_cast %swap3A_287 : i32 to index
      %swap3A_289 = arith.index_cast %scan3A_272 : i32 to index
      %swap3A_290 = arith.constant 32 : index
      %swap3A_291 = tpu.vector_load %arg12[%swap3A_288, %swap3A_289, %swap3A_290] {strides = array<i32>} : memref<2x80x128xf32, #tpu.memory_space<vmem>>, vector<16xf32>,
      tpu.vector_store %arg12[%swap3A_288, %swap3A_289, %swap3A_290], %broadcast_in_dim3A_286 {strides = array<i32>} : memref<2x80x128xf32, #tpu.memory_space<vmem>>, vector<16xf32>,
      %broadcast_in_dim3A_292 = arith.constant 0.000000e+00 : f32
      %broadcast_in_dim3A_293 = vector.broadcast %broadcast_in_dim3A_292 : f32 to vector<16xf32>
      %swap3A_294 = arith.constant 0 : i32
      %swap3A_295 = arith.index_cast %swap3A_294 : i32 to index
      %swap3A_296 = arith.index_cast %scan3A_272 : i32 to index
      %swap3A_297 = arith.constant 48 : index
      %swap3A_298 = tpu.vector_load %arg12[%swap3A_295, %swap3A_296, %swap3A_297] {strides = array<i32>} : memref<2x80x128xf32, #tpu.memory_space<vmem>>, vector<16xf32>,
      tpu.vector_store %arg12[%swap3A_295, %swap3A_296, %swap3A_297], %broadcast_in_dim3A_293 {strides = array<i32>} : memref<2x80x128xf32, #tpu.memory_space<vmem>>, vector<16xf32>,
      %broadcast_in_dim3A_299 = arith.constant 0.000000e+00 : f32
      %broadcast_in_dim3A_300 = vector.broadcast %broadcast_in_dim3A_299 : f32 to vector<16xf32>
      %swap3A_301 = arith.constant 0 : i32
      %swap3A_302 = arith.index_cast %swap3A_301 : i32 to index
      %swap3A_303 = arith.index_cast %scan3A_272 : i32 to index
      %swap3A_304 = arith.constant 64 : index
      %swap3A_305 = tpu.vector_load %arg12[%swap3A_302, %swap3A_303, %swap3A_304] {strides = array<i32>} : memref<2x80x128xf32, #tpu.memory_space<vmem>>, vector<16xf32>,
      tpu.vector_store %arg12[%swap3A_302, %swap3A_303, %swap3A_304], %broadcast_in_dim3A_300 {strides = array<i32>} : memref<2x80x128xf32, #tpu.memory_space<vmem>>, vector<16xf32>,
      %broadcast_in_dim3A_306 = arith.constant 0.000000e+00 : f32
      %broadcast_in_dim3A_307 = vector.broadcast %broadcast_in_dim3A_306 : f32 to vector<16xf32>
      %swap3A_308 = arith.constant 0 : i32
      %swap3A_309 = arith.index_cast %swap3A_308 : i32 to index
      %swap3A_310 = arith.index_cast %scan3A_272 : i32 to index
      %swap3A_311 = arith.constant 80 : index
      %swap3A_312 = tpu.vector_load %arg12[%swap3A_309, %swap3A_310, %swap3A_311] {strides = array<i32>} : memref<2x80x128xf32, #tpu.memory_space<vmem>>, vector<16xf32>,
      tpu.vector_store %arg12[%swap3A_309, %swap3A_310, %swap3A_311], %broadcast_in_dim3A_307 {strides = array<i32>} : memref<2x80x128xf32, #tpu.memory_space<vmem>>, vector<16xf32>,
      %broadcast_in_dim3A_313 = arith.constant 0.000000e+00 : f32
      %broadcast_in_dim3A_314 = vector.broadcast %broadcast_in_dim3A_313 : f32 to vector<16xf32>
      %swap3A_315 = arith.constant 0 : i32
      %swap3A_316 = arith.index_cast %swap3A_315 : i32 to index
      %swap3A_317 = arith.index_cast %scan3A_272 : i32 to index
      %swap3A_318 = arith.constant 96 : index
      %swap3A_319 = tpu.vector_load %arg12[%swap3A_316, %swap3A_317, %swap3A_318] {strides = array<i32>} : memref<2x80x128xf32, #tpu.memory_space<vmem>>, vector<16xf32>,
      tpu.vector_store %arg12[%swap3A_316, %swap3A_317, %swap3A_318], %broadcast_in_dim3A_314 {strides = array<i32>} : memref<2x80x128xf32, #tpu.memory_space<vmem>>, vector<16xf32>,
      %broadcast_in_dim3A_320 = arith.constant 0.000000e+00 : f32
      %broadcast_in_dim3A_321 = vector.broadcast %broadcast_in_dim3A_320 : f32 to vector<16xf32>
      %swap3A_322 = arith.constant 0 : i32
      %swap3A_323 = arith.index_cast %swap3A_322 : i32 to index
      %swap3A_324 = arith.index_cast %scan3A_272 : i32 to index
      %swap3A_325 = arith.constant 112 : index
      %swap3A_326 = tpu.vector_load %arg12[%swap3A_323, %swap3A_324, %swap3A_325] {strides = array<i32>} : memref<2x80x128xf32, #tpu.memory_space<vmem>>, vector<16xf32>,
      tpu.vector_store %arg12[%swap3A_323, %swap3A_324, %swap3A_325], %broadcast_in_dim3A_321 {strides = array<i32>} : memref<2x80x128xf32, #tpu.memory_space<vmem>>, vector<16xf32>,
    }
    %scan3A_164 = arith.constant 80 : i32
    %mul3A_165 = arith.constant 632 : i32
    %mul3A_166 = arith.muli %arg1, %mul3A_165 : i32
    %add3A_167 = arith.constant 0 : i32
    %add3A_168 = arith.addi %mul3A_166, %add3A_167 : i32
    %run_scoped3A = arith.constant 0 : i32
    "tpu.region"() ({
      %run_scoped3A_272 = tpu.sem_alloc : memref<!tpu.dma_semaphore, #tpu.memory_space<semaphore_mem>>
      %dma_start3A_273 = arith.constant 0 : i32
      %dma_start3A_274 = arith.constant 0 : i32
      %dma_start3A_275 = tpu.memref_slice %arg12[%run_scoped3A, %dma_start3A_273, %dma_start3A_274] : memref<2x80x128xf32, #tpu.memory_space<vmem>> -> memref<1x80x128xf32, #tpu.memory_space<vmem>>
      %dma_start3A_276 = tpu.memref_squeeze %dma_start3A_275 : memref<1x80x128xf32, #tpu.memory_space<vmem>> -> memref<80x128xf32, #tpu.memory_space<vmem>>
      %dma_start3A_277 = arith.constant 0 : i32
      %dma_start3A_278 = tpu.memref_slice %arg13[%add3A_168, %dma_start3A_277] : memref<10112x128xf32, #tpu.memory_space<vmem_shared>> -> memref<80x128xf32, #tpu.memory_space<vmem_shared>>
      %dma_start3A_279 = arith.constant 0 : i32
      %dma_start3A_280 = tpu.memref_slice %arg13[%add3A_168, %dma_start3A_279] : memref<10112x128xf32, #tpu.memory_space<vmem_shared>> -> memref<80x128xf32, #tpu.memory_space<vmem_shared>>
      %dma_start3A_281 = arith.constant 0 : i32
      %dma_start3A_282 = arith.constant 0 : i32
      %dma_start3A_283 = tpu.memref_slice %arg12[%run_scoped3A, %dma_start3A_281, %dma_start3A_282] : memref<2x80x128xf32, #tpu.memory_space<vmem>> -> memref<1x80x128xf32, #tpu.memory_space<vmem>>
      %dma_start3A_284 = tpu.memref_squeeze %dma_start3A_283 : memref<1x80x128xf32, #tpu.memory_space<vmem>> -> memref<80x128xf32, #tpu.memory_space<vmem>>
      tpu.enqueue_dma source(%dma_start3A_284 : memref<80x128xf32, #tpu.memory_space<vmem>>) target(%dma_start3A_280 : memref<80x128xf32, #tpu.memory_space<vmem_shared>>) target_semaphore(%run_scoped3A_272 : memref<!tpu.dma_semaphore, #tpu.memory_space<semaphore_mem>>)
      %dma_wait3A_285 = arith.constant 0 : i32
      %dma_wait3A_286 = arith.constant 0 : i32
      %dma_wait3A_287 = tpu.memref_slice %arg12[%run_scoped3A, %dma_wait3A_285, %dma_wait3A_286] : memref<2x80x128xf32, #tpu.memory_space<vmem>> -> memref<1x80x128xf32, #tpu.memory_space<vmem>>
      %dma_wait3A_288 = tpu.memref_squeeze %dma_wait3A_287 : memref<1x80x128xf32, #tpu.memory_space<vmem>> -> memref<80x128xf32, #tpu.memory_space<vmem>>
      %dma_wait3A_289 = arith.constant 0 : i32
      %dma_wait3A_290 = tpu.memref_slice %arg13[%add3A_168, %dma_wait3A_289] : memref<10112x128xf32, #tpu.memory_space<vmem_shared>> -> memref<80x128xf32, #tpu.memory_space<vmem_shared>>
      %dma_wait3A_291 = arith.constant 0 : i32
      %dma_wait3A_292 = tpu.memref_slice %arg13[%add3A_168, %dma_wait3A_291] : memref<10112x128xf32, #tpu.memory_space<vmem_shared>> -> memref<80x128xf32, #tpu.memory_space<vmem_shared>>
      %dma_wait3A_293 = arith.constant 0 : i32
      %dma_wait3A_294 = arith.constant 0 : i32
      %dma_wait3A_295 = tpu.memref_slice %arg12[%run_scoped3A, %dma_wait3A_293, %dma_wait3A_294] : memref<2x80x128xf32, #tpu.memory_space<vmem>> -> memref<1x80x128xf32, #tpu.memory_space<vmem>>
      %dma_wait3A_296 = tpu.memref_squeeze %dma_wait3A_295 : memref<1x80x128xf32, #tpu.memory_space<vmem>> -> memref<80x128xf32, #tpu.memory_space<vmem>>
      tpu.wait_dma2 semaphore(%run_scoped3A_272 : memref<!tpu.dma_semaphore, #tpu.memory_space<semaphore_mem>>) src(%dma_wait3A_296 : memref<80x128xf32, #tpu.memory_space<vmem>>) dst(%dma_wait3A_292 : memref<80x128xf32, #tpu.memory_space<vmem_shared>>)
      tpu.yield
    }) : () -> ()
    %mul3A_169 = arith.constant 632 : i32
    %mul3A_170 = arith.muli %arg1, %mul3A_169 : i32
    %add3A_171 = arith.constant 80 : i32
    %add3A_172 = arith.addi %mul3A_170, %add3A_171 : i32
    %run_scoped3A_173 = arith.constant 0 : i32
    "tpu.region"() ({
      %run_scoped3A_272 = tpu.sem_alloc : memref<!tpu.dma_semaphore, #tpu.memory_space<semaphore_mem>>
      %dma_start3A_273 = arith.constant 0 : i32
      %dma_start3A_274 = arith.constant 0 : i32
      %dma_start3A_275 = tpu.memref_slice %arg12[%run_scoped3A_173, %dma_start3A_273, %dma_start3A_274] : memref<2x80x128xf32, #tpu.memory_space<vmem>> -> memref<1x80x128xf32, #tpu.memory_space<vmem>>
      %dma_start3A_276 = tpu.memref_squeeze %dma_start3A_275 : memref<1x80x128xf32, #tpu.memory_space<vmem>> -> memref<80x128xf32, #tpu.memory_space<vmem>>
      %dma_start3A_277 = arith.constant 0 : i32
      %dma_start3A_278 = tpu.memref_slice %arg13[%add3A_172, %dma_start3A_277] : memref<10112x128xf32, #tpu.memory_space<vmem_shared>> -> memref<80x128xf32, #tpu.memory_space<vmem_shared>>
      %dma_start3A_279 = arith.constant 0 : i32
      %dma_start3A_280 = tpu.memref_slice %arg13[%add3A_172, %dma_start3A_279] : memref<10112x128xf32, #tpu.memory_space<vmem_shared>> -> memref<80x128xf32, #tpu.memory_space<vmem_shared>>
      %dma_start3A_281 = arith.constant 0 : i32
      %dma_start3A_282 = arith.constant 0 : i32
      %dma_start3A_283 = tpu.memref_slice %arg12[%run_scoped3A_173, %dma_start3A_281, %dma_start3A_282] : memref<2x80x128xf32, #tpu.memory_space<vmem>> -> memref<1x80x128xf32, #tpu.memory_space<vmem>>
      %dma_start3A_284 = tpu.memref_squeeze %dma_start3A_283 : memref<1x80x128xf32, #tpu.memory_space<vmem>> -> memref<80x128xf32, #tpu.memory_space<vmem>>
      tpu.enqueue_dma source(%dma_start3A_284 : memref<80x128xf32, #tpu.memory_space<vmem>>) target(%dma_start3A_280 : memref<80x128xf32, #tpu.memory_space<vmem_shared>>) target_semaphore(%run_scoped3A_272 : memref<!tpu.dma_semaphore, #tpu.memory_space<semaphore_mem>>)
      %dma_wait3A_285 = arith.constant 0 : i32
      %dma_wait3A_286 = arith.constant 0 : i32
      %dma_wait3A_287 = tpu.memref_slice %arg12[%run_scoped3A_173, %dma_wait3A_285, %dma_wait3A_286] : memref<2x80x128xf32, #tpu.memory_space<vmem>> -> memref<1x80x128xf32, #tpu.memory_space<vmem>>
      %dma_wait3A_288 = tpu.memref_squeeze %dma_wait3A_287 : memref<1x80x128xf32, #tpu.memory_space<vmem>> -> memref<80x128xf32, #tpu.memory_space<vmem>>
      %dma_wait3A_289 = arith.constant 0 : i32
      %dma_wait3A_290 = tpu.memref_slice %arg13[%add3A_172, %dma_wait3A_289] : memref<10112x128xf32, #tpu.memory_space<vmem_shared>> -> memref<80x128xf32, #tpu.memory_space<vmem_shared>>
      %dma_wait3A_291 = arith.constant 0 : i32
      %dma_wait3A_292 = tpu.memref_slice %arg13[%add3A_172, %dma_wait3A_291] : memref<10112x128xf32, #tpu.memory_space<vmem_shared>> -> memref<80x128xf32, #tpu.memory_space<vmem_shared>>
      %dma_wait3A_293 = arith.constant 0 : i32
      %dma_wait3A_294 = arith.constant 0 : i32
      %dma_wait3A_295 = tpu.memref_slice %arg12[%run_scoped3A_173, %dma_wait3A_293, %dma_wait3A_294] : memref<2x80x128xf32, #tpu.memory_space<vmem>> -> memref<1x80x128xf32, #tpu.memory_space<vmem>>
      %dma_wait3A_296 = tpu.memref_squeeze %dma_wait3A_295 : memref<1x80x128xf32, #tpu.memory_space<vmem>> -> memref<80x128xf32, #tpu.memory_space<vmem>>
      tpu.wait_dma2 semaphore(%run_scoped3A_272 : memref<!tpu.dma_semaphore, #tpu.memory_space<semaphore_mem>>) src(%dma_wait3A_296 : memref<80x128xf32, #tpu.memory_space<vmem>>) dst(%dma_wait3A_292 : memref<80x128xf32, #tpu.memory_space<vmem_shared>>)
      tpu.yield
    }) : () -> ()
    %mul3A_174 = arith.constant 632 : i32
    %mul3A_175 = arith.muli %arg1, %mul3A_174 : i32
    %add3A_176 = arith.constant 160 : i32
    %add3A_177 = arith.addi %mul3A_175, %add3A_176 : i32
    %run_scoped3A_178 = arith.constant 0 : i32
    "tpu.region"() ({
      %run_scoped3A_272 = tpu.sem_alloc : memref<!tpu.dma_semaphore, #tpu.memory_space<semaphore_mem>>
      %dma_start3A_273 = arith.constant 0 : i32
      %dma_start3A_274 = arith.constant 0 : i32
      %dma_start3A_275 = tpu.memref_slice %arg12[%run_scoped3A_178, %dma_start3A_273, %dma_start3A_274] : memref<2x80x128xf32, #tpu.memory_space<vmem>> -> memref<1x80x128xf32, #tpu.memory_space<vmem>>
      %dma_start3A_276 = tpu.memref_squeeze %dma_start3A_275 : memref<1x80x128xf32, #tpu.memory_space<vmem>> -> memref<80x128xf32, #tpu.memory_space<vmem>>
      %dma_start3A_277 = arith.constant 0 : i32
      %dma_start3A_278 = tpu.memref_slice %arg13[%add3A_177, %dma_start3A_277] : memref<10112x128xf32, #tpu.memory_space<vmem_shared>> -> memref<80x128xf32, #tpu.memory_space<vmem_shared>>
      %dma_start3A_279 = arith.constant 0 : i32
      %dma_start3A_280 = tpu.memref_slice %arg13[%add3A_177, %dma_start3A_279] : memref<10112x128xf32, #tpu.memory_space<vmem_shared>> -> memref<80x128xf32, #tpu.memory_space<vmem_shared>>
      %dma_start3A_281 = arith.constant 0 : i32
      %dma_start3A_282 = arith.constant 0 : i32
      %dma_start3A_283 = tpu.memref_slice %arg12[%run_scoped3A_178, %dma_start3A_281, %dma_start3A_282] : memref<2x80x128xf32, #tpu.memory_space<vmem>> -> memref<1x80x128xf32, #tpu.memory_space<vmem>>
      %dma_start3A_284 = tpu.memref_squeeze %dma_start3A_283 : memref<1x80x128xf32, #tpu.memory_space<vmem>> -> memref<80x128xf32, #tpu.memory_space<vmem>>
      tpu.enqueue_dma source(%dma_start3A_284 : memref<80x128xf32, #tpu.memory_space<vmem>>) target(%dma_start3A_280 : memref<80x128xf32, #tpu.memory_space<vmem_shared>>) target_semaphore(%run_scoped3A_272 : memref<!tpu.dma_semaphore, #tpu.memory_space<semaphore_mem>>)
      %dma_wait3A_285 = arith.constant 0 : i32
      %dma_wait3A_286 = arith.constant 0 : i32
      %dma_wait3A_287 = tpu.memref_slice %arg12[%run_scoped3A_178, %dma_wait3A_285, %dma_wait3A_286] : memref<2x80x128xf32, #tpu.memory_space<vmem>> -> memref<1x80x128xf32, #tpu.memory_space<vmem>>
      %dma_wait3A_288 = tpu.memref_squeeze %dma_wait3A_287 : memref<1x80x128xf32, #tpu.memory_space<vmem>> -> memref<80x128xf32, #tpu.memory_space<vmem>>
      %dma_wait3A_289 = arith.constant 0 : i32
      %dma_wait3A_290 = tpu.memref_slice %arg13[%add3A_177, %dma_wait3A_289] : memref<10112x128xf32, #tpu.memory_space<vmem_shared>> -> memref<80x128xf32, #tpu.memory_space<vmem_shared>>
      %dma_wait3A_291 = arith.constant 0 : i32
      %dma_wait3A_292 = tpu.memref_slice %arg13[%add3A_177, %dma_wait3A_291] : memref<10112x128xf32, #tpu.memory_space<vmem_shared>> -> memref<80x128xf32, #tpu.memory_space<vmem_shared>>
      %dma_wait3A_293 = arith.constant 0 : i32
      %dma_wait3A_294 = arith.constant 0 : i32
      %dma_wait3A_295 = tpu.memref_slice %arg12[%run_scoped3A_178, %dma_wait3A_293, %dma_wait3A_294] : memref<2x80x128xf32, #tpu.memory_space<vmem>> -> memref<1x80x128xf32, #tpu.memory_space<vmem>>
      %dma_wait3A_296 = tpu.memref_squeeze %dma_wait3A_295 : memref<1x80x128xf32, #tpu.memory_space<vmem>> -> memref<80x128xf32, #tpu.memory_space<vmem>>
      tpu.wait_dma2 semaphore(%run_scoped3A_272 : memref<!tpu.dma_semaphore, #tpu.memory_space<semaphore_mem>>) src(%dma_wait3A_296 : memref<80x128xf32, #tpu.memory_space<vmem>>) dst(%dma_wait3A_292 : memref<80x128xf32, #tpu.memory_space<vmem_shared>>)
      tpu.yield
    }) : () -> ()
    %mul3A_179 = arith.constant 632 : i32
    %mul3A_180 = arith.muli %arg1, %mul3A_179 : i32
    %add3A_181 = arith.constant 240 : i32
    %add3A_182 = arith.addi %mul3A_180, %add3A_181 : i32
    %run_scoped3A_183 = arith.constant 0 : i32
    "tpu.region"() ({
      %run_scoped3A_272 = tpu.sem_alloc : memref<!tpu.dma_semaphore, #tpu.memory_space<semaphore_mem>>
      %dma_start3A_273 = arith.constant 0 : i32
      %dma_start3A_274 = arith.constant 0 : i32
      %dma_start3A_275 = tpu.memref_slice %arg12[%run_scoped3A_183, %dma_start3A_273, %dma_start3A_274] : memref<2x80x128xf32, #tpu.memory_space<vmem>> -> memref<1x80x128xf32, #tpu.memory_space<vmem>>
      %dma_start3A_276 = tpu.memref_squeeze %dma_start3A_275 : memref<1x80x128xf32, #tpu.memory_space<vmem>> -> memref<80x128xf32, #tpu.memory_space<vmem>>
      %dma_start3A_277 = arith.constant 0 : i32
      %dma_start3A_278 = tpu.memref_slice %arg13[%add3A_182, %dma_start3A_277] : memref<10112x128xf32, #tpu.memory_space<vmem_shared>> -> memref<80x128xf32, #tpu.memory_space<vmem_shared>>
      %dma_start3A_279 = arith.constant 0 : i32
      %dma_start3A_280 = tpu.memref_slice %arg13[%add3A_182, %dma_start3A_279] : memref<10112x128xf32, #tpu.memory_space<vmem_shared>> -> memref<80x128xf32, #tpu.memory_space<vmem_shared>>
      %dma_start3A_281 = arith.constant 0 : i32
      %dma_start3A_282 = arith.constant 0 : i32
      %dma_start3A_283 = tpu.memref_slice %arg12[%run_scoped3A_183, %dma_start3A_281, %dma_start3A_282] : memref<2x80x128xf32, #tpu.memory_space<vmem>> -> memref<1x80x128xf32, #tpu.memory_space<vmem>>
      %dma_start3A_284 = tpu.memref_squeeze %dma_start3A_283 : memref<1x80x128xf32, #tpu.memory_space<vmem>> -> memref<80x128xf32, #tpu.memory_space<vmem>>
      tpu.enqueue_dma source(%dma_start3A_284 : memref<80x128xf32, #tpu.memory_space<vmem>>) target(%dma_start3A_280 : memref<80x128xf32, #tpu.memory_space<vmem_shared>>) target_semaphore(%run_scoped3A_272 : memref<!tpu.dma_semaphore, #tpu.memory_space<semaphore_mem>>)
      %dma_wait3A_285 = arith.constant 0 : i32
      %dma_wait3A_286 = arith.constant 0 : i32
      %dma_wait3A_287 = tpu.memref_slice %arg12[%run_scoped3A_183, %dma_wait3A_285, %dma_wait3A_286] : memref<2x80x128xf32, #tpu.memory_space<vmem>> -> memref<1x80x128xf32, #tpu.memory_space<vmem>>
      %dma_wait3A_288 = tpu.memref_squeeze %dma_wait3A_287 : memref<1x80x128xf32, #tpu.memory_space<vmem>> -> memref<80x128xf32, #tpu.memory_space<vmem>>
      %dma_wait3A_289 = arith.constant 0 : i32
      %dma_wait3A_290 = tpu.memref_slice %arg13[%add3A_182, %dma_wait3A_289] : memref<10112x128xf32, #tpu.memory_space<vmem_shared>> -> memref<80x128xf32, #tpu.memory_space<vmem_shared>>
      %dma_wait3A_291 = arith.constant 0 : i32
      %dma_wait3A_292 = tpu.memref_slice %arg13[%add3A_182, %dma_wait3A_291] : memref<10112x128xf32, #tpu.memory_space<vmem_shared>> -> memref<80x128xf32, #tpu.memory_space<vmem_shared>>
      %dma_wait3A_293 = arith.constant 0 : i32
      %dma_wait3A_294 = arith.constant 0 : i32
      %dma_wait3A_295 = tpu.memref_slice %arg12[%run_scoped3A_183, %dma_wait3A_293, %dma_wait3A_294] : memref<2x80x128xf32, #tpu.memory_space<vmem>> -> memref<1x80x128xf32, #tpu.memory_space<vmem>>
      %dma_wait3A_296 = tpu.memref_squeeze %dma_wait3A_295 : memref<1x80x128xf32, #tpu.memory_space<vmem>> -> memref<80x128xf32, #tpu.memory_space<vmem>>
      tpu.wait_dma2 semaphore(%run_scoped3A_272 : memref<!tpu.dma_semaphore, #tpu.memory_space<semaphore_mem>>) src(%dma_wait3A_296 : memref<80x128xf32, #tpu.memory_space<vmem>>) dst(%dma_wait3A_292 : memref<80x128xf32, #tpu.memory_space<vmem_shared>>)
      tpu.yield
    }) : () -> ()
    %mul3A_184 = arith.constant 632 : i32
    %mul3A_185 = arith.muli %arg1, %mul3A_184 : i32
    %add3A_186 = arith.constant 320 : i32
    %add3A_187 = arith.addi %mul3A_185, %add3A_186 : i32
    %run_scoped3A_188 = arith.constant 0 : i32
    "tpu.region"() ({
      %run_scoped3A_272 = tpu.sem_alloc : memref<!tpu.dma_semaphore, #tpu.memory_space<semaphore_mem>>
      %dma_start3A_273 = arith.constant 0 : i32
      %dma_start3A_274 = arith.constant 0 : i32
      %dma_start3A_275 = tpu.memref_slice %arg12[%run_scoped3A_188, %dma_start3A_273, %dma_start3A_274] : memref<2x80x128xf32, #tpu.memory_space<vmem>> -> memref<1x80x128xf32, #tpu.memory_space<vmem>>
      %dma_start3A_276 = tpu.memref_squeeze %dma_start3A_275 : memref<1x80x128xf32, #tpu.memory_space<vmem>> -> memref<80x128xf32, #tpu.memory_space<vmem>>
      %dma_start3A_277 = arith.constant 0 : i32
      %dma_start3A_278 = tpu.memref_slice %arg13[%add3A_187, %dma_start3A_277] : memref<10112x128xf32, #tpu.memory_space<vmem_shared>> -> memref<80x128xf32, #tpu.memory_space<vmem_shared>>
      %dma_start3A_279 = arith.constant 0 : i32
      %dma_start3A_280 = tpu.memref_slice %arg13[%add3A_187, %dma_start3A_279] : memref<10112x128xf32, #tpu.memory_space<vmem_shared>> -> memref<80x128xf32, #tpu.memory_space<vmem_shared>>
      %dma_start3A_281 = arith.constant 0 : i32
      %dma_start3A_282 = arith.constant 0 : i32
      %dma_start3A_283 = tpu.memref_slice %arg12[%run_scoped3A_188, %dma_start3A_281, %dma_start3A_282] : memref<2x80x128xf32, #tpu.memory_space<vmem>> -> memref<1x80x128xf32, #tpu.memory_space<vmem>>
      %dma_start3A_284 = tpu.memref_squeeze %dma_start3A_283 : memref<1x80x128xf32, #tpu.memory_space<vmem>> -> memref<80x128xf32, #tpu.memory_space<vmem>>
      tpu.enqueue_dma source(%dma_start3A_284 : memref<80x128xf32, #tpu.memory_space<vmem>>) target(%dma_start3A_280 : memref<80x128xf32, #tpu.memory_space<vmem_shared>>) target_semaphore(%run_scoped3A_272 : memref<!tpu.dma_semaphore, #tpu.memory_space<semaphore_mem>>)
      %dma_wait3A_285 = arith.constant 0 : i32
      %dma_wait3A_286 = arith.constant 0 : i32
      %dma_wait3A_287 = tpu.memref_slice %arg12[%run_scoped3A_188, %dma_wait3A_285, %dma_wait3A_286] : memref<2x80x128xf32, #tpu.memory_space<vmem>> -> memref<1x80x128xf32, #tpu.memory_space<vmem>>
      %dma_wait3A_288 = tpu.memref_squeeze %dma_wait3A_287 : memref<1x80x128xf32, #tpu.memory_space<vmem>> -> memref<80x128xf32, #tpu.memory_space<vmem>>
      %dma_wait3A_289 = arith.constant 0 : i32
      %dma_wait3A_290 = tpu.memref_slice %arg13[%add3A_187, %dma_wait3A_289] : memref<10112x128xf32, #tpu.memory_space<vmem_shared>> -> memref<80x128xf32, #tpu.memory_space<vmem_shared>>
      %dma_wait3A_291 = arith.constant 0 : i32
      %dma_wait3A_292 = tpu.memref_slice %arg13[%add3A_187, %dma_wait3A_291] : memref<10112x128xf32, #tpu.memory_space<vmem_shared>> -> memref<80x128xf32, #tpu.memory_space<vmem_shared>>
      %dma_wait3A_293 = arith.constant 0 : i32
      %dma_wait3A_294 = arith.constant 0 : i32
      %dma_wait3A_295 = tpu.memref_slice %arg12[%run_scoped3A_188, %dma_wait3A_293, %dma_wait3A_294] : memref<2x80x128xf32, #tpu.memory_space<vmem>> -> memref<1x80x128xf32, #tpu.memory_space<vmem>>
      %dma_wait3A_296 = tpu.memref_squeeze %dma_wait3A_295 : memref<1x80x128xf32, #tpu.memory_space<vmem>> -> memref<80x128xf32, #tpu.memory_space<vmem>>
      tpu.wait_dma2 semaphore(%run_scoped3A_272 : memref<!tpu.dma_semaphore, #tpu.memory_space<semaphore_mem>>) src(%dma_wait3A_296 : memref<80x128xf32, #tpu.memory_space<vmem>>) dst(%dma_wait3A_292 : memref<80x128xf32, #tpu.memory_space<vmem_shared>>)
      tpu.yield
    }) : () -> ()
    %mul3A_189 = arith.constant 632 : i32
    %mul3A_190 = arith.muli %arg1, %mul3A_189 : i32
    %add3A_191 = arith.constant 400 : i32
    %add3A_192 = arith.addi %mul3A_190, %add3A_191 : i32
    %run_scoped3A_193 = arith.constant 0 : i32
    "tpu.region"() ({
      %run_scoped3A_272 = tpu.sem_alloc : memref<!tpu.dma_semaphore, #tpu.memory_space<semaphore_mem>>
      %dma_start3A_273 = arith.constant 0 : i32
      %dma_start3A_274 = arith.constant 0 : i32
      %dma_start3A_275 = tpu.memref_slice %arg12[%run_scoped3A_193, %dma_start3A_273, %dma_start3A_274] : memref<2x80x128xf32, #tpu.memory_space<vmem>> -> memref<1x80x128xf32, #tpu.memory_space<vmem>>
      %dma_start3A_276 = tpu.memref_squeeze %dma_start3A_275 : memref<1x80x128xf32, #tpu.memory_space<vmem>> -> memref<80x128xf32, #tpu.memory_space<vmem>>
      %dma_start3A_277 = arith.constant 0 : i32
      %dma_start3A_278 = tpu.memref_slice %arg13[%add3A_192, %dma_start3A_277] : memref<10112x128xf32, #tpu.memory_space<vmem_shared>> -> memref<80x128xf32, #tpu.memory_space<vmem_shared>>
      %dma_start3A_279 = arith.constant 0 : i32
      %dma_start3A_280 = tpu.memref_slice %arg13[%add3A_192, %dma_start3A_279] : memref<10112x128xf32, #tpu.memory_space<vmem_shared>> -> memref<80x128xf32, #tpu.memory_space<vmem_shared>>
      %dma_start3A_281 = arith.constant 0 : i32
      %dma_start3A_282 = arith.constant 0 : i32
      %dma_start3A_283 = tpu.memref_slice %arg12[%run_scoped3A_193, %dma_start3A_281, %dma_start3A_282] : memref<2x80x128xf32, #tpu.memory_space<vmem>> -> memref<1x80x128xf32, #tpu.memory_space<vmem>>
      %dma_start3A_284 = tpu.memref_squeeze %dma_start3A_283 : memref<1x80x128xf32, #tpu.memory_space<vmem>> -> memref<80x128xf32, #tpu.memory_space<vmem>>
      tpu.enqueue_dma source(%dma_start3A_284 : memref<80x128xf32, #tpu.memory_space<vmem>>) target(%dma_start3A_280 : memref<80x128xf32, #tpu.memory_space<vmem_shared>>) target_semaphore(%run_scoped3A_272 : memref<!tpu.dma_semaphore, #tpu.memory_space<semaphore_mem>>)
      %dma_wait3A_285 = arith.constant 0 : i32
      %dma_wait3A_286 = arith.constant 0 : i32
      %dma_wait3A_287 = tpu.memref_slice %arg12[%run_scoped3A_193, %dma_wait3A_285, %dma_wait3A_286] : memref<2x80x128xf32, #tpu.memory_space<vmem>> -> memref<1x80x128xf32, #tpu.memory_space<vmem>>
      %dma_wait3A_288 = tpu.memref_squeeze %dma_wait3A_287 : memref<1x80x128xf32, #tpu.memory_space<vmem>> -> memref<80x128xf32, #tpu.memory_space<vmem>>
      %dma_wait3A_289 = arith.constant 0 : i32
      %dma_wait3A_290 = tpu.memref_slice %arg13[%add3A_192, %dma_wait3A_289] : memref<10112x128xf32, #tpu.memory_space<vmem_shared>> -> memref<80x128xf32, #tpu.memory_space<vmem_shared>>
      %dma_wait3A_291 = arith.constant 0 : i32
      %dma_wait3A_292 = tpu.memref_slice %arg13[%add3A_192, %dma_wait3A_291] : memref<10112x128xf32, #tpu.memory_space<vmem_shared>> -> memref<80x128xf32, #tpu.memory_space<vmem_shared>>
      %dma_wait3A_293 = arith.constant 0 : i32
      %dma_wait3A_294 = arith.constant 0 : i32
      %dma_wait3A_295 = tpu.memref_slice %arg12[%run_scoped3A_193, %dma_wait3A_293, %dma_wait3A_294] : memref<2x80x128xf32, #tpu.memory_space<vmem>> -> memref<1x80x128xf32, #tpu.memory_space<vmem>>
      %dma_wait3A_296 = tpu.memref_squeeze %dma_wait3A_295 : memref<1x80x128xf32, #tpu.memory_space<vmem>> -> memref<80x128xf32, #tpu.memory_space<vmem>>
      tpu.wait_dma2 semaphore(%run_scoped3A_272 : memref<!tpu.dma_semaphore, #tpu.memory_space<semaphore_mem>>) src(%dma_wait3A_296 : memref<80x128xf32, #tpu.memory_space<vmem>>) dst(%dma_wait3A_292 : memref<80x128xf32, #tpu.memory_space<vmem_shared>>)
      tpu.yield
    }) : () -> ()
    %mul3A_194 = arith.constant 632 : i32
    %mul3A_195 = arith.muli %arg1, %mul3A_194 : i32
    %add3A_196 = arith.constant 480 : i32
    %add3A_197 = arith.addi %mul3A_195, %add3A_196 : i32
    %run_scoped3A_198 = arith.constant 0 : i32
    "tpu.region"() ({
      %run_scoped3A_272 = tpu.sem_alloc : memref<!tpu.dma_semaphore, #tpu.memory_space<semaphore_mem>>
      %dma_start3A_273 = arith.constant 0 : i32
      %dma_start3A_274 = arith.constant 0 : i32
      %dma_start3A_275 = tpu.memref_slice %arg12[%run_scoped3A_198, %dma_start3A_273, %dma_start3A_274] : memref<2x80x128xf32, #tpu.memory_space<vmem>> -> memref<1x80x128xf32, #tpu.memory_space<vmem>>
      %dma_start3A_276 = tpu.memref_squeeze %dma_start3A_275 : memref<1x80x128xf32, #tpu.memory_space<vmem>> -> memref<80x128xf32, #tpu.memory_space<vmem>>
      %dma_start3A_277 = arith.constant 0 : i32
      %dma_start3A_278 = tpu.memref_slice %arg13[%add3A_197, %dma_start3A_277] : memref<10112x128xf32, #tpu.memory_space<vmem_shared>> -> memref<80x128xf32, #tpu.memory_space<vmem_shared>>
      %dma_start3A_279 = arith.constant 0 : i32
      %dma_start3A_280 = tpu.memref_slice %arg13[%add3A_197, %dma_start3A_279] : memref<10112x128xf32, #tpu.memory_space<vmem_shared>> -> memref<80x128xf32, #tpu.memory_space<vmem_shared>>
      %dma_start3A_281 = arith.constant 0 : i32
      %dma_start3A_282 = arith.constant 0 : i32
      %dma_start3A_283 = tpu.memref_slice %arg12[%run_scoped3A_198, %dma_start3A_281, %dma_start3A_282] : memref<2x80x128xf32, #tpu.memory_space<vmem>> -> memref<1x80x128xf32, #tpu.memory_space<vmem>>
      %dma_start3A_284 = tpu.memref_squeeze %dma_start3A_283 : memref<1x80x128xf32, #tpu.memory_space<vmem>> -> memref<80x128xf32, #tpu.memory_space<vmem>>
      tpu.enqueue_dma source(%dma_start3A_284 : memref<80x128xf32, #tpu.memory_space<vmem>>) target(%dma_start3A_280 : memref<80x128xf32, #tpu.memory_space<vmem_shared>>) target_semaphore(%run_scoped3A_272 : memref<!tpu.dma_semaphore, #tpu.memory_space<semaphore_mem>>)
      %dma_wait3A_285 = arith.constant 0 : i32
      %dma_wait3A_286 = arith.constant 0 : i32
      %dma_wait3A_287 = tpu.memref_slice %arg12[%run_scoped3A_198, %dma_wait3A_285, %dma_wait3A_286] : memref<2x80x128xf32, #tpu.memory_space<vmem>> -> memref<1x80x128xf32, #tpu.memory_space<vmem>>
      %dma_wait3A_288 = tpu.memref_squeeze %dma_wait3A_287 : memref<1x80x128xf32, #tpu.memory_space<vmem>> -> memref<80x128xf32, #tpu.memory_space<vmem>>
      %dma_wait3A_289 = arith.constant 0 : i32
      %dma_wait3A_290 = tpu.memref_slice %arg13[%add3A_197, %dma_wait3A_289] : memref<10112x128xf32, #tpu.memory_space<vmem_shared>> -> memref<80x128xf32, #tpu.memory_space<vmem_shared>>
      %dma_wait3A_291 = arith.constant 0 : i32
      %dma_wait3A_292 = tpu.memref_slice %arg13[%add3A_197, %dma_wait3A_291] : memref<10112x128xf32, #tpu.memory_space<vmem_shared>> -> memref<80x128xf32, #tpu.memory_space<vmem_shared>>
      %dma_wait3A_293 = arith.constant 0 : i32
      %dma_wait3A_294 = arith.constant 0 : i32
      %dma_wait3A_295 = tpu.memref_slice %arg12[%run_scoped3A_198, %dma_wait3A_293, %dma_wait3A_294] : memref<2x80x128xf32, #tpu.memory_space<vmem>> -> memref<1x80x128xf32, #tpu.memory_space<vmem>>
      %dma_wait3A_296 = tpu.memref_squeeze %dma_wait3A_295 : memref<1x80x128xf32, #tpu.memory_space<vmem>> -> memref<80x128xf32, #tpu.memory_space<vmem>>
      tpu.wait_dma2 semaphore(%run_scoped3A_272 : memref<!tpu.dma_semaphore, #tpu.memory_space<semaphore_mem>>) src(%dma_wait3A_296 : memref<80x128xf32, #tpu.memory_space<vmem>>) dst(%dma_wait3A_292 : memref<80x128xf32, #tpu.memory_space<vmem_shared>>)
      tpu.yield
    }) : () -> ()
    %mul3A_199 = arith.constant 632 : i32
    %mul3A_200 = arith.muli %arg1, %mul3A_199 : i32
    %add3A_201 = arith.constant 632 : i32
    %add3A_202 = arith.addi %mul3A_200, %add3A_201 : i32
    %sub3A = arith.constant 72 : i32
    %sub3A_203 = arith.subi %add3A_202, %sub3A : i32
    %run_scoped3A_204 = arith.constant 0 : i32
    "tpu.region"() ({
      %run_scoped3A_272 = tpu.sem_alloc : memref<!tpu.dma_semaphore, #tpu.memory_space<semaphore_mem>>
      %dma_start3A_273 = arith.constant 0 : i32
      %dma_start3A_274 = arith.constant 0 : i32
      %dma_start3A_275 = tpu.memref_slice %arg12[%run_scoped3A_204, %dma_start3A_273, %dma_start3A_274] : memref<2x80x128xf32, #tpu.memory_space<vmem>> -> memref<1x72x128xf32, #tpu.memory_space<vmem>>
      %dma_start3A_276 = tpu.memref_squeeze %dma_start3A_275 : memref<1x72x128xf32, #tpu.memory_space<vmem>> -> memref<72x128xf32, #tpu.memory_space<vmem>>
      %dma_start3A_277 = arith.constant 0 : i32
      %dma_start3A_278 = tpu.memref_slice %arg13[%sub3A_203, %dma_start3A_277] : memref<10112x128xf32, #tpu.memory_space<vmem_shared>> -> memref<72x128xf32, #tpu.memory_space<vmem_shared>>
      %dma_start3A_279 = arith.constant 0 : i32
      %dma_start3A_280 = tpu.memref_slice %arg13[%sub3A_203, %dma_start3A_279] : memref<10112x128xf32, #tpu.memory_space<vmem_shared>> -> memref<72x128xf32, #tpu.memory_space<vmem_shared>>
      %dma_start3A_281 = arith.constant 0 : i32
      %dma_start3A_282 = arith.constant 0 : i32
      %dma_start3A_283 = tpu.memref_slice %arg12[%run_scoped3A_204, %dma_start3A_281, %dma_start3A_282] : memref<2x80x128xf32, #tpu.memory_space<vmem>> -> memref<1x72x128xf32, #tpu.memory_space<vmem>>
      %dma_start3A_284 = tpu.memref_squeeze %dma_start3A_283 : memref<1x72x128xf32, #tpu.memory_space<vmem>> -> memref<72x128xf32, #tpu.memory_space<vmem>>
      tpu.enqueue_dma source(%dma_start3A_284 : memref<72x128xf32, #tpu.memory_space<vmem>>) target(%dma_start3A_280 : memref<72x128xf32, #tpu.memory_space<vmem_shared>>) target_semaphore(%run_scoped3A_272 : memref<!tpu.dma_semaphore, #tpu.memory_space<semaphore_mem>>)
      %dma_wait3A_285 = arith.constant 0 : i32
      %dma_wait3A_286 = arith.constant 0 : i32
      %dma_wait3A_287 = tpu.memref_slice %arg12[%run_scoped3A_204, %dma_wait3A_285, %dma_wait3A_286] : memref<2x80x128xf32, #tpu.memory_space<vmem>> -> memref<1x72x128xf32, #tpu.memory_space<vmem>>
      %dma_wait3A_288 = tpu.memref_squeeze %dma_wait3A_287 : memref<1x72x128xf32, #tpu.memory_space<vmem>> -> memref<72x128xf32, #tpu.memory_space<vmem>>
      %dma_wait3A_289 = arith.constant 0 : i32
      %dma_wait3A_290 = tpu.memref_slice %arg13[%sub3A_203, %dma_wait3A_289] : memref<10112x128xf32, #tpu.memory_space<vmem_shared>> -> memref<72x128xf32, #tpu.memory_space<vmem_shared>>
      %dma_wait3A_291 = arith.constant 0 : i32
      %dma_wait3A_292 = tpu.memref_slice %arg13[%sub3A_203, %dma_wait3A_291] : memref<10112x128xf32, #tpu.memory_space<vmem_shared>> -> memref<72x128xf32, #tpu.memory_space<vmem_shared>>
      %dma_wait3A_293 = arith.constant 0 : i32
      %dma_wait3A_294 = arith.constant 0 : i32
      %dma_wait3A_295 = tpu.memref_slice %arg12[%run_scoped3A_204, %dma_wait3A_293, %dma_wait3A_294] : memref<2x80x128xf32, #tpu.memory_space<vmem>> -> memref<1x72x128xf32, #tpu.memory_space<vmem>>
      %dma_wait3A_296 = tpu.memref_squeeze %dma_wait3A_295 : memref<1x72x128xf32, #tpu.memory_space<vmem>> -> memref<72x128xf32, #tpu.memory_space<vmem>>
      tpu.wait_dma2 semaphore(%run_scoped3A_272 : memref<!tpu.dma_semaphore, #tpu.memory_space<semaphore_mem>>) src(%dma_wait3A_296 : memref<72x128xf32, #tpu.memory_space<vmem>>) dst(%dma_wait3A_292 : memref<72x128xf32, #tpu.memory_space<vmem_shared>>)
      tpu.yield
    }) : () -> ()
    %barrier3A = arith.constant 0 : index
    tpu.barrier barrier_id(%barrier3A)
    %jit3A_205 = arith.constant 4 : i32
    %div3A = arith.divsi %select_n3A, %jit3A_205 : i32
    %sign3A = arith.constant 0 : i32
    %sign3A_206 = arith.cmpi sgt, %select_n3A, %sign3A : i32
    %sign3A_207 = arith.extui %sign3A_206 : i1 to i32
    %sign3A_208 = arith.constant 0 : i32
    %sign3A_209 = arith.cmpi slt, %select_n3A, %sign3A_208 : i32
    %sign3A_210 = arith.extui %sign3A_209 : i1 to i32
    %sign3A_211 = arith.subi %sign3A_207, %sign3A_210 : i32
    %sign3A_212 = arith.constant 0 : i32
    %sign3A_213 = arith.cmpi sgt, %jit3A_205, %sign3A_212 : i32
    %sign3A_214 = arith.extui %sign3A_213 : i1 to i32
    %sign3A_215 = arith.constant 0 : i32
    %sign3A_216 = arith.cmpi slt, %jit3A_205, %sign3A_215 : i32
    %sign3A_217 = arith.extui %sign3A_216 : i1 to i32
    %sign3A_218 = arith.subi %sign3A_214, %sign3A_217 : i32
    %ne3A = arith.cmpi ne, %sign3A_211, %sign3A_218 : i32
    %rem3A = arith.remsi %select_n3A, %jit3A_205 : i32
    %ne3A_219 = arith.constant 0 : i32
    %ne3A_220 = arith.cmpi ne, %rem3A, %ne3A_219 : i32
    %and3A = arith.andi %ne3A, %ne3A_220 : i1
    %sub3A_221 = arith.constant 1 : i32
    %sub3A_222 = arith.subi %div3A, %sub3A_221 : i32
    %select_n3A_223 = arith.select %and3A, %sub3A_222, %div3A : i32
    %while3A = arith.constant 0 : i32
    %while3A_224 = arith.constant 0 : i32
    %while3A_225 = arith.subi %select_n3A_223, %while3A_224 : i32
    %while3A_226 = arith.addi %while3A_224, %while3A_225 : i32
    %while3A_227 = arith.constant 1 : i32
    %while3A_228 = arith.divsi %while3A_225, %while3A_227 : i32
    %while3A_229 = arith.muli %while3A_228, %while3A_227 : i32
    %while3A_230 = arith.addi %while3A_224, %while3A_229 : i32
    %while3A_231 = arith.constant 1 : i32
    scf.for %while3A_272 = %while3A_224 to %while3A_230 step %while3A_231  : i32 {
      %mul3A_273 = arith.constant 4 : i32
      %mul3A_274 = arith.muli %mul3A_273, %while3A_272 : i32
      %add3A_275 = arith.constant 0 : i32
      %add3A_276 = arith.addi %mul3A_274, %add3A_275 : i32
      %dma_wait3A_277 = arith.constant 0 : i32
      %dma_wait3A_278 = arith.constant 0 : i32
      %dma_wait3A_279 = arith.constant 0 : i32
      %dma_wait3A_280 = tpu.memref_slice %arg11[%dma_wait3A_277, %dma_wait3A_278, %dma_wait3A_279] : memref<4x80x64xi32, #tpu.memory_space<vmem>> -> memref<1x80x64xi32, #tpu.memory_space<vmem>>
      %dma_wait3A_281 = tpu.memref_squeeze %dma_wait3A_280 : memref<1x80x64xi32, #tpu.memory_space<vmem>> -> memref<80x64xi32, #tpu.memory_space<vmem>>
      %dma_wait3A_282 = arith.constant 0 : i32
      %dma_wait3A_283 = arith.constant 0 : i32
      %dma_wait3A_284 = tpu.memref_slice %arg2[%dma_wait3A_282, %dma_wait3A_283] : memref<10000x64xi32, #tpu.memory_space<hbm>> -> memref<80x64xi32, #tpu.memory_space<hbm>>
      %dma_wait3A_285 = arith.constant 0 : i32
      %dma_wait3A_286 = arith.constant 0 : i32
      %dma_wait3A_287 = tpu.memref_slice %arg11[%dma_wait3A_277, %dma_wait3A_285, %dma_wait3A_286] : memref<4x80x64xi32, #tpu.memory_space<vmem>> -> memref<1x80x64xi32, #tpu.memory_space<vmem>>
      %dma_wait3A_288 = tpu.memref_squeeze %dma_wait3A_287 : memref<1x80x64xi32, #tpu.memory_space<vmem>> -> memref<80x64xi32, #tpu.memory_space<vmem>>
      %dma_wait3A_289 = arith.constant 0 : i32
      %dma_wait3A_290 = arith.constant 0 : i32
      %dma_wait3A_291 = tpu.memref_slice %arg2[%dma_wait3A_289, %dma_wait3A_290] : memref<10000x64xi32, #tpu.memory_space<hbm>> -> memref<80x64xi32, #tpu.memory_space<hbm>>
      tpu.wait_dma2 semaphore(%arg14 : memref<!tpu.dma_semaphore, #tpu.memory_space<semaphore_mem>>) src(%dma_wait3A_291 : memref<80x64xi32, #tpu.memory_space<hbm>>) dst(%dma_wait3A_288 : memref<80x64xi32, #tpu.memory_space<vmem>>)
      %ge3A = arith.constant 2 : i32
      %ge3A_292 = arith.cmpi sge, %add3A_276, %ge3A : i32
      %convert_element_type3A_293 = arith.extui %ge3A_292 : i1 to i32
      %cond3A_294 = arith.constant 0 : i32
      %cond3A_295 = arith.cmpi ne, %convert_element_type3A_293, %cond3A_294 : i32
      scf.if %cond3A_295 {
        %dma_wait3A_587 = arith.constant 0 : i32
        %dma_wait3A_588 = arith.constant 0 : i32
        %dma_wait3A_589 = arith.constant 0 : i32
        %dma_wait3A_590 = tpu.memref_slice %arg12[%dma_wait3A_587, %dma_wait3A_588, %dma_wait3A_589] : memref<2x80x128xf32, #tpu.memory_space<vmem>> -> memref<1x80x128xf32, #tpu.memory_space<vmem>>
        %dma_wait3A_591 = tpu.memref_squeeze %dma_wait3A_590 : memref<1x80x128xf32, #tpu.memory_space<vmem>> -> memref<80x128xf32, #tpu.memory_space<vmem>>
        %dma_wait3A_592 = arith.constant 0 : i32
        %dma_wait3A_593 = arith.constant 0 : i32
        %dma_wait3A_594 = tpu.memref_slice %arg6[%dma_wait3A_592, %dma_wait3A_593] : memref<10112x128xf32, #tpu.memory_space<hbm>> -> memref<80x128xf32, #tpu.memory_space<hbm>>
        %dma_wait3A_595 = arith.constant 0 : i32
        %dma_wait3A_596 = arith.constant 0 : i32
        %dma_wait3A_597 = tpu.memref_slice %arg12[%dma_wait3A_587, %dma_wait3A_595, %dma_wait3A_596] : memref<2x80x128xf32, #tpu.memory_space<vmem>> -> memref<1x80x128xf32, #tpu.memory_space<vmem>>
        %dma_wait3A_598 = tpu.memref_squeeze %dma_wait3A_597 : memref<1x80x128xf32, #tpu.memory_space<vmem>> -> memref<80x128xf32, #tpu.memory_space<vmem>>
        %dma_wait3A_599 = arith.constant 0 : i32
        %dma_wait3A_600 = arith.constant 0 : i32
        %dma_wait3A_601 = tpu.memref_slice %arg6[%dma_wait3A_599, %dma_wait3A_600] : memref<10112x128xf32, #tpu.memory_space<hbm>> -> memref<80x128xf32, #tpu.memory_space<hbm>>
        tpu.wait_dma2 semaphore(%arg18 : memref<!tpu.dma_semaphore, #tpu.memory_space<semaphore_mem>>) src(%dma_wait3A_601 : memref<80x128xf32, #tpu.memory_space<hbm>>) dst(%dma_wait3A_598 : memref<80x128xf32, #tpu.memory_space<vmem>>)
      } else {
      }
      %add3A_296 = arith.constant 2 : i32
      %add3A_297 = arith.addi %add3A_276, %add3A_296 : i32
      %lt3A = arith.cmpi slt, %add3A_297, %select_n3A : i32
      %convert_element_type3A_298 = arith.extui %lt3A : i1 to i32
      %cond3A_299 = arith.constant 0 : i32
      %cond3A_300 = arith.cmpi ne, %convert_element_type3A_298, %cond3A_299 : i32
      scf.if %cond3A_300 {
        %add3A_587 = arith.constant 2 : i32
        %add3A_588 = arith.addi %add3A_276, %add3A_587 : i32
        %mul3A_589 = arith.constant 80 : i32
        %mul3A_590 = arith.muli %add3A_588, %mul3A_589 : i32
        %add3A_591 = arith.addi %mul3A_10, %mul3A_590 : i32
        %dma_start3A_592 = arith.constant 2 : i32
        %dma_start3A_593 = arith.constant 0 : i32
        %dma_start3A_594 = tpu.memref_slice %arg9[%dma_start3A_592, %dma_start3A_593] : memref<4x80xi32, #tpu.memory_space<vmem>> -> memref<1x80xi32, #tpu.memory_space<vmem>>
        %dma_start3A_595 = tpu.memref_squeeze %dma_start3A_594 : memref<1x80xi32, #tpu.memory_space<vmem>> -> memref<80xi32, #tpu.memory_space<vmem>>
        %dma_start3A_596 = tpu.memref_slice %arg4[%add3A_591] : memref<327680xi32, #tpu.memory_space<hbm>> -> memref<80xi32, #tpu.memory_space<hbm>>
        %dma_start3A_597 = arith.constant 0 : i32
        %dma_start3A_598 = tpu.memref_slice %arg9[%dma_start3A_592, %dma_start3A_597] : memref<4x80xi32, #tpu.memory_space<vmem>> -> memref<1x80xi32, #tpu.memory_space<vmem>>
        %dma_start3A_599 = tpu.memref_squeeze %dma_start3A_598 : memref<1x80xi32, #tpu.memory_space<vmem>> -> memref<80xi32, #tpu.memory_space<vmem>>
        %dma_start3A_600 = tpu.memref_slice %arg4[%add3A_591] : memref<327680xi32, #tpu.memory_space<hbm>> -> memref<80xi32, #tpu.memory_space<hbm>>
        tpu.enqueue_dma source(%dma_start3A_600 : memref<80xi32, #tpu.memory_space<hbm>>) target(%dma_start3A_599 : memref<80xi32, #tpu.memory_space<vmem>>) target_semaphore(%arg26 : memref<!tpu.dma_semaphore, #tpu.memory_space<semaphore_mem>>)
        %mul3A_601 = arith.constant 80 : i32
        %mul3A_602 = arith.muli %add3A_588, %mul3A_601 : i32
        %add3A_603 = arith.addi %mul3A_10, %mul3A_602 : i32
        %dma_start3A_604 = arith.constant 160 : i32
        %dma_start3A_605 = tpu.memref_slice %arg10[%dma_start3A_604] : memref<320xf32, #tpu.memory_space<vmem>> -> memref<80xf32, #tpu.memory_space<vmem>>
        %dma_start3A_606 = tpu.memref_slice %arg5[%add3A_603] : memref<327680xf32, #tpu.memory_space<hbm>> -> memref<80xf32, #tpu.memory_space<hbm>>
        %dma_start3A_607 = arith.constant 160 : i32
        %dma_start3A_608 = tpu.memref_slice %arg10[%dma_start3A_607] : memref<320xf32, #tpu.memory_space<vmem>> -> memref<80xf32, #tpu.memory_space<vmem>>
        %dma_start3A_609 = tpu.memref_slice %arg5[%add3A_603] : memref<327680xf32, #tpu.memory_space<hbm>> -> memref<80xf32, #tpu.memory_space<hbm>>
        tpu.enqueue_dma source(%dma_start3A_609 : memref<80xf32, #tpu.memory_space<hbm>>) target(%dma_start3A_608 : memref<80xf32, #tpu.memory_space<vmem>>) target_semaphore(%arg30 : memref<!tpu.dma_semaphore, #tpu.memory_space<semaphore_mem>>)
      } else {
      }
      %add3A_301 = arith.constant 3 : i32
      %add3A_302 = arith.addi %add3A_276, %add3A_301 : i32
      %lt3A_303 = arith.cmpi slt, %add3A_302, %select_n3A : i32
      %convert_element_type3A_304 = arith.extui %lt3A_303 : i1 to i32
      %cond3A_305 = arith.constant 0 : i32
      %cond3A_306 = arith.cmpi ne, %convert_element_type3A_304, %cond3A_305 : i32
      scf.if %cond3A_306 {
        %dma_wait3A_587 = arith.constant 3 : i32
        %dma_wait3A_588 = arith.constant 0 : i32
        %dma_wait3A_589 = tpu.memref_slice %arg8[%dma_wait3A_587, %dma_wait3A_588] : memref<4x80xi32, #tpu.memory_space<vmem>> -> memref<1x80xi32, #tpu.memory_space<vmem>>
        %dma_wait3A_590 = tpu.memref_squeeze %dma_wait3A_589 : memref<1x80xi32, #tpu.memory_space<vmem>> -> memref<80xi32, #tpu.memory_space<vmem>>
        %dma_wait3A_591 = arith.constant 0 : i32
        %dma_wait3A_592 = tpu.memref_slice %arg3[%dma_wait3A_591] : memref<327680xi32, #tpu.memory_space<hbm>> -> memref<80xi32, #tpu.memory_space<hbm>>
        %dma_wait3A_593 = arith.constant 0 : i32
        %dma_wait3A_594 = tpu.memref_slice %arg8[%dma_wait3A_587, %dma_wait3A_593] : memref<4x80xi32, #tpu.memory_space<vmem>> -> memref<1x80xi32, #tpu.memory_space<vmem>>
        %dma_wait3A_595 = tpu.memref_squeeze %dma_wait3A_594 : memref<1x80xi32, #tpu.memory_space<vmem>> -> memref<80xi32, #tpu.memory_space<vmem>>
        %dma_wait3A_596 = arith.constant 0 : i32
        %dma_wait3A_597 = tpu.memref_slice %arg3[%dma_wait3A_596] : memref<327680xi32, #tpu.memory_space<hbm>> -> memref<80xi32, #tpu.memory_space<hbm>>
        tpu.wait_dma2 semaphore(%arg23 : memref<!tpu.dma_semaphore, #tpu.memory_space<semaphore_mem>>) src(%dma_wait3A_597 : memref<80xi32, #tpu.memory_space<hbm>>) dst(%dma_wait3A_595 : memref<80xi32, #tpu.memory_space<vmem>>)
        %dma_start3A_598 = arith.constant 3 : i32
        %dma_start3A_599 = arith.constant 3 : i32
        %dma_start3A_600 = arith.constant 0 : i32
        %dma_start3A_601 = arith.constant 0 : i32
        %dma_start3A_602 = tpu.memref_slice %arg11[%dma_start3A_599, %dma_start3A_600, %dma_start3A_601] : memref<4x80x64xi32, #tpu.memory_space<vmem>> -> memref<1x80x64xi32, #tpu.memory_space<vmem>>
        %dma_start3A_603 = tpu.memref_squeeze %dma_start3A_602 : memref<1x80x64xi32, #tpu.memory_space<vmem>> -> memref<80x64xi32, #tpu.memory_space<vmem>>
        %dma_start3A_604 = arith.constant 0 : i32
        %dma_start3A_605 = tpu.memref_slice %arg8[%dma_start3A_598, %dma_start3A_604] : memref<4x80xi32, #tpu.memory_space<vmem>> -> memref<1x80xi32, #tpu.memory_space<vmem>>
        %dma_start3A_606 = tpu.memref_squeeze %dma_start3A_605 : memref<1x80xi32, #tpu.memory_space<vmem>> -> memref<80xi32, #tpu.memory_space<vmem>>
        %dma_start3A_607 = arith.constant 0 : i32
        %dma_start3A_608 = arith.constant 0 : i32
        %dma_start3A_609 = tpu.memref_slice %arg2[%dma_start3A_607, %dma_start3A_608] : memref<10000x64xi32, #tpu.memory_space<hbm>> -> memref<10000x64xi32, #tpu.memory_space<hbm>>
        tpu.enqueue_indirect_dma source(%dma_start3A_609 : memref<10000x64xi32, #tpu.memory_space<hbm>>) target(%dma_start3A_603 : memref<80x64xi32, #tpu.memory_space<vmem>>) offsets(%dma_start3A_606 : memref<80xi32, #tpu.memory_space<vmem>>) semaphore(%arg17 : memref<!tpu.dma_semaphore, #tpu.memory_space<semaphore_mem>>)
      } else {
      }
      %add3A_307 = arith.constant 4 : i32
      %add3A_308 = arith.addi %add3A_276, %add3A_307 : i32
      %lt3A_309 = arith.cmpi slt, %add3A_308, %select_n3A : i32
      %convert_element_type3A_310 = arith.extui %lt3A_309 : i1 to i32
      %cond3A_311 = arith.constant 0 : i32
      %cond3A_312 = arith.cmpi ne, %convert_element_type3A_310, %cond3A_311 : i32
      scf.if %cond3A_312 {
        %add3A_587 = arith.constant 4 : i32
        %add3A_588 = arith.addi %add3A_276, %add3A_587 : i32
        %mul3A_589 = arith.constant 80 : i32
        %mul3A_590 = arith.muli %add3A_588, %mul3A_589 : i32
        %add3A_591 = arith.addi %mul3A_10, %mul3A_590 : i32
        %dma_start3A_592 = arith.constant 0 : i32
        %dma_start3A_593 = arith.constant 0 : i32
        %dma_start3A_594 = tpu.memref_slice %arg8[%dma_start3A_592, %dma_start3A_593] : memref<4x80xi32, #tpu.memory_space<vmem>> -> memref<1x80xi32, #tpu.memory_space<vmem>>
        %dma_start3A_595 = tpu.memref_squeeze %dma_start3A_594 : memref<1x80xi32, #tpu.memory_space<vmem>> -> memref<80xi32, #tpu.memory_space<vmem>>
        %dma_start3A_596 = tpu.memref_slice %arg3[%add3A_591] : memref<327680xi32, #tpu.memory_space<hbm>> -> memref<80xi32, #tpu.memory_space<hbm>>
        %dma_start3A_597 = arith.constant 0 : i32
        %dma_start3A_598 = tpu.memref_slice %arg8[%dma_start3A_592, %dma_start3A_597] : memref<4x80xi32, #tpu.memory_space<vmem>> -> memref<1x80xi32, #tpu.memory_space<vmem>>
        %dma_start3A_599 = tpu.memref_squeeze %dma_start3A_598 : memref<1x80xi32, #tpu.memory_space<vmem>> -> memref<80xi32, #tpu.memory_space<vmem>>
        %dma_start3A_600 = tpu.memref_slice %arg3[%add3A_591] : memref<327680xi32, #tpu.memory_space<hbm>> -> memref<80xi32, #tpu.memory_space<hbm>>
        tpu.enqueue_dma source(%dma_start3A_600 : memref<80xi32, #tpu.memory_space<hbm>>) target(%dma_start3A_599 : memref<80xi32, #tpu.memory_space<vmem>>) target_semaphore(%arg20 : memref<!tpu.dma_semaphore, #tpu.memory_space<semaphore_mem>>)
      } else {
      }
      %dma_wait3A_313 = arith.constant 0 : i32
      %dma_wait3A_314 = tpu.memref_slice %arg10[%dma_wait3A_313] : memref<320xf32, #tpu.memory_space<vmem>> -> memref<80xf32, #tpu.memory_space<vmem>>
      %dma_wait3A_315 = arith.constant 0 : i32
      %dma_wait3A_316 = tpu.memref_slice %arg5[%dma_wait3A_315] : memref<327680xf32, #tpu.memory_space<hbm>> -> memref<80xf32, #tpu.memory_space<hbm>>
      %dma_wait3A_317 = arith.constant 0 : i32
      %dma_wait3A_318 = tpu.memref_slice %arg10[%dma_wait3A_317] : memref<320xf32, #tpu.memory_space<vmem>> -> memref<80xf32, #tpu.memory_space<vmem>>
      %dma_wait3A_319 = arith.constant 0 : i32
      %dma_wait3A_320 = tpu.memref_slice %arg5[%dma_wait3A_319] : memref<327680xf32, #tpu.memory_space<hbm>> -> memref<80xf32, #tpu.memory_space<hbm>>
      tpu.wait_dma2 semaphore(%arg28 : memref<!tpu.dma_semaphore, #tpu.memory_space<semaphore_mem>>) src(%dma_wait3A_320 : memref<80xf32, #tpu.memory_space<hbm>>) dst(%dma_wait3A_318 : memref<80xf32, #tpu.memory_space<vmem>>)
      %scan3A_321 = arith.constant 0 : i32
      %scan3A_322 = arith.constant 0 : i32
      %scan3A_323 = arith.constant 40 : i32
      %scan3A_324 = arith.addi %scan3A_322, %scan3A_323 : i32
      %scan3A_325 = arith.constant 1 : i32
      scf.for %scan3A_587 = %scan3A_322 to %scan3A_324 step %scan3A_325  : i32 {
        %mul3A_588 = arith.constant 2 : i32
        %mul3A_589 = arith.muli %scan3A_587, %mul3A_588 : i32
        %add3A_590 = arith.constant 1 : i32
        %add3A_591 = arith.addi %mul3A_589, %add3A_590 : i32
        %add3A_592 = arith.constant 0 : i32
        %add3A_593 = arith.addi %add3A_592, %mul3A_589 : i32
        %broadcast_in_dim3A = vector.broadcast %add3A_593 : i32 to vector<16xi32>
        %gather3A = tpu.vector_load_idx %arg10[%broadcast_in_dim3A] : memref<320xf32, #tpu.memory_space<vmem>>[vector<16xi32>], vector<16xf32>,
        %get3A = arith.constant 0 : i32
        %get3A_594 = arith.index_cast %get3A : i32 to index
        %get3A_595 = arith.index_cast %mul3A_589 : i32 to index
        %get3A_596 = arith.constant 0 : index
        %get3A_597 = tpu.vector_load %arg11[%get3A_594, %get3A_595, %get3A_596] {strides = array<i32>} : memref<4x80x64xi32, #tpu.memory_space<vmem>>, vector<16xi32>,
        %shift_left3A = arith.constant 16 : i32
        %shift_left3A_598 = vector.broadcast %shift_left3A : i32 to vector<16xi32>
        %shift_left3A_599 = arith.shli %get3A_597, %shift_left3A_598 : vector<16xi32>
        %bitcast3A = vector.bitcast %shift_left3A_599 : vector<16xi32> to vector<16xf32>
        %and3A_600 = arith.constant -65536 : i32
        %and3A_601 = vector.broadcast %and3A_600 : i32 to vector<16xi32>
        %and3A_602 = arith.andi %get3A_597, %and3A_601 : vector<16xi32>
        %bitcast3A_603 = vector.bitcast %and3A_602 : vector<16xi32> to vector<16xf32>
        %mul3A_604 = arith.mulf %bitcast3A, %gather3A : vector<16xf32>
        %swap3A = arith.constant 0 : i32
        %swap3A_605 = arith.index_cast %swap3A : i32 to index
        %swap3A_606 = arith.index_cast %mul3A_589 : i32 to index
        %swap3A_607 = arith.constant 0 : index
        %swap3A_608 = tpu.vector_load %arg12[%swap3A_605, %swap3A_606, %swap3A_607] {strides = array<i32>} : memref<2x80x128xf32, #tpu.memory_space<vmem>>, vector<16xf32>,
        tpu.vector_store %arg12[%swap3A_605, %swap3A_606, %swap3A_607], %mul3A_604 {strides = array<i32>} : memref<2x80x128xf32, #tpu.memory_space<vmem>>, vector<16xf32>,
        %mul3A_609 = arith.mulf %bitcast3A_603, %gather3A : vector<16xf32>
        %swap3A_610 = arith.constant 0 : i32
        %swap3A_611 = arith.index_cast %swap3A_610 : i32 to index
        %swap3A_612 = arith.index_cast %mul3A_589 : i32 to index
        %swap3A_613 = arith.constant 16 : index
        %swap3A_614 = tpu.vector_load %arg12[%swap3A_611, %swap3A_612, %swap3A_613] {strides = array<i32>} : memref<2x80x128xf32, #tpu.memory_space<vmem>>, vector<16xf32>,
        tpu.vector_store %arg12[%swap3A_611, %swap3A_612, %swap3A_613], %mul3A_609 {strides = array<i32>} : memref<2x80x128xf32, #tpu.memory_space<vmem>>, vector<16xf32>,
        %get3A_615 = arith.constant 0 : i32
        %get3A_616 = arith.index_cast %get3A_615 : i32 to index
        %get3A_617 = arith.index_cast %mul3A_589 : i32 to index
        %get3A_618 = arith.constant 16 : index
        %get3A_619 = tpu.vector_load %arg11[%get3A_616, %get3A_617, %get3A_618] {strides = array<i32>} : memref<4x80x64xi32, #tpu.memory_space<vmem>>, vector<16xi32>,
        %shift_left3A_620 = arith.constant 16 : i32
        %shift_left3A_621 = vector.broadcast %shift_left3A_620 : i32 to vector<16xi32>
        %shift_left3A_622 = arith.shli %get3A_619, %shift_left3A_621 : vector<16xi32>
        %bitcast3A_623 = vector.bitcast %shift_left3A_622 : vector<16xi32> to vector<16xf32>
        %and3A_624 = arith.constant -65536 : i32
        %and3A_625 = vector.broadcast %and3A_624 : i32 to vector<16xi32>
        %and3A_626 = arith.andi %get3A_619, %and3A_625 : vector<16xi32>
        %bitcast3A_627 = vector.bitcast %and3A_626 : vector<16xi32> to vector<16xf32>
        %mul3A_628 = arith.mulf %bitcast3A_623, %gather3A : vector<16xf32>
        %swap3A_629 = arith.constant 0 : i32
        %swap3A_630 = arith.index_cast %swap3A_629 : i32 to index
        %swap3A_631 = arith.index_cast %mul3A_589 : i32 to index
        %swap3A_632 = arith.constant 32 : index
        %swap3A_633 = tpu.vector_load %arg12[%swap3A_630, %swap3A_631, %swap3A_632] {strides = array<i32>} : memref<2x80x128xf32, #tpu.memory_space<vmem>>, vector<16xf32>,
        tpu.vector_store %arg12[%swap3A_630, %swap3A_631, %swap3A_632], %mul3A_628 {strides = array<i32>} : memref<2x80x128xf32, #tpu.memory_space<vmem>>, vector<16xf32>,
        %mul3A_634 = arith.mulf %bitcast3A_627, %gather3A : vector<16xf32>
        %swap3A_635 = arith.constant 0 : i32
        %swap3A_636 = arith.index_cast %swap3A_635 : i32 to index
        %swap3A_637 = arith.index_cast %mul3A_589 : i32 to index
        %swap3A_638 = arith.constant 48 : index
        %swap3A_639 = tpu.vector_load %arg12[%swap3A_636, %swap3A_637, %swap3A_638] {strides = array<i32>} : memref<2x80x128xf32, #tpu.memory_space<vmem>>, vector<16xf32>,
        tpu.vector_store %arg12[%swap3A_636, %swap3A_637, %swap3A_638], %mul3A_634 {strides = array<i32>} : memref<2x80x128xf32, #tpu.memory_space<vmem>>, vector<16xf32>,
        %get3A_640 = arith.constant 0 : i32
        %get3A_641 = arith.index_cast %get3A_640 : i32 to index
        %get3A_642 = arith.index_cast %mul3A_589 : i32 to index
        %get3A_643 = arith.constant 32 : index
        %get3A_644 = tpu.vector_load %arg11[%get3A_641, %get3A_642, %get3A_643] {strides = array<i32>} : memref<4x80x64xi32, #tpu.memory_space<vmem>>, vector<16xi32>,
        %shift_left3A_645 = arith.constant 16 : i32
        %shift_left3A_646 = vector.broadcast %shift_left3A_645 : i32 to vector<16xi32>
        %shift_left3A_647 = arith.shli %get3A_644, %shift_left3A_646 : vector<16xi32>
        %bitcast3A_648 = vector.bitcast %shift_left3A_647 : vector<16xi32> to vector<16xf32>
        %and3A_649 = arith.constant -65536 : i32
        %and3A_650 = vector.broadcast %and3A_649 : i32 to vector<16xi32>
        %and3A_651 = arith.andi %get3A_644, %and3A_650 : vector<16xi32>
        %bitcast3A_652 = vector.bitcast %and3A_651 : vector<16xi32> to vector<16xf32>
        %mul3A_653 = arith.mulf %bitcast3A_648, %gather3A : vector<16xf32>
        %swap3A_654 = arith.constant 0 : i32
        %swap3A_655 = arith.index_cast %swap3A_654 : i32 to index
        %swap3A_656 = arith.index_cast %mul3A_589 : i32 to index
        %swap3A_657 = arith.constant 64 : index
        %swap3A_658 = tpu.vector_load %arg12[%swap3A_655, %swap3A_656, %swap3A_657] {strides = array<i32>} : memref<2x80x128xf32, #tpu.memory_space<vmem>>, vector<16xf32>,
        tpu.vector_store %arg12[%swap3A_655, %swap3A_656, %swap3A_657], %mul3A_653 {strides = array<i32>} : memref<2x80x128xf32, #tpu.memory_space<vmem>>, vector<16xf32>,
        %mul3A_659 = arith.mulf %bitcast3A_652, %gather3A : vector<16xf32>
        %swap3A_660 = arith.constant 0 : i32
        %swap3A_661 = arith.index_cast %swap3A_660 : i32 to index
        %swap3A_662 = arith.index_cast %mul3A_589 : i32 to index
        %swap3A_663 = arith.constant 80 : index
        %swap3A_664 = tpu.vector_load %arg12[%swap3A_661, %swap3A_662, %swap3A_663] {strides = array<i32>} : memref<2x80x128xf32, #tpu.memory_space<vmem>>, vector<16xf32>,
        tpu.vector_store %arg12[%swap3A_661, %swap3A_662, %swap3A_663], %mul3A_659 {strides = array<i32>} : memref<2x80x128xf32, #tpu.memory_space<vmem>>, vector<16xf32>,
        %get3A_665 = arith.constant 0 : i32
        %get3A_666 = arith.index_cast %get3A_665 : i32 to index
        %get3A_667 = arith.index_cast %mul3A_589 : i32 to index
        %get3A_668 = arith.constant 48 : index
        %get3A_669 = tpu.vector_load %arg11[%get3A_666, %get3A_667, %get3A_668] {strides = array<i32>} : memref<4x80x64xi32, #tpu.memory_space<vmem>>, vector<16xi32>,
        %shift_left3A_670 = arith.constant 16 : i32
        %shift_left3A_671 = vector.broadcast %shift_left3A_670 : i32 to vector<16xi32>
        %shift_left3A_672 = arith.shli %get3A_669, %shift_left3A_671 : vector<16xi32>
        %bitcast3A_673 = vector.bitcast %shift_left3A_672 : vector<16xi32> to vector<16xf32>
        %and3A_674 = arith.constant -65536 : i32
        %and3A_675 = vector.broadcast %and3A_674 : i32 to vector<16xi32>
        %and3A_676 = arith.andi %get3A_669, %and3A_675 : vector<16xi32>
        %bitcast3A_677 = vector.bitcast %and3A_676 : vector<16xi32> to vector<16xf32>
        %mul3A_678 = arith.mulf %bitcast3A_673, %gather3A : vector<16xf32>
        %swap3A_679 = arith.constant 0 : i32
        %swap3A_680 = arith.index_cast %swap3A_679 : i32 to index
        %swap3A_681 = arith.index_cast %mul3A_589 : i32 to index
        %swap3A_682 = arith.constant 96 : index
        %swap3A_683 = tpu.vector_load %arg12[%swap3A_680, %swap3A_681, %swap3A_682] {strides = array<i32>} : memref<2x80x128xf32, #tpu.memory_space<vmem>>, vector<16xf32>,
        tpu.vector_store %arg12[%swap3A_680, %swap3A_681, %swap3A_682], %mul3A_678 {strides = array<i32>} : memref<2x80x128xf32, #tpu.memory_space<vmem>>, vector<16xf32>,
        %mul3A_684 = arith.mulf %bitcast3A_677, %gather3A : vector<16xf32>
        %swap3A_685 = arith.constant 0 : i32
        %swap3A_686 = arith.index_cast %swap3A_685 : i32 to index
        %swap3A_687 = arith.index_cast %mul3A_589 : i32 to index
        %swap3A_688 = arith.constant 112 : index
        %swap3A_689 = tpu.vector_load %arg12[%swap3A_686, %swap3A_687, %swap3A_688] {strides = array<i32>} : memref<2x80x128xf32, #tpu.memory_space<vmem>>, vector<16xf32>,
        tpu.vector_store %arg12[%swap3A_686, %swap3A_687, %swap3A_688], %mul3A_684 {strides = array<i32>} : memref<2x80x128xf32, #tpu.memory_space<vmem>>, vector<16xf32>,
        %add3A_690 = arith.constant 0 : i32
        %add3A_691 = arith.addi %add3A_690, %add3A_591 : i32
        %broadcast_in_dim3A_692 = vector.broadcast %add3A_691 : i32 to vector<16xi32>
        %gather3A_693 = tpu.vector_load_idx %arg10[%broadcast_in_dim3A_692] : memref<320xf32, #tpu.memory_space<vmem>>[vector<16xi32>], vector<16xf32>,
        %get3A_694 = arith.constant 0 : i32
        %get3A_695 = arith.index_cast %get3A_694 : i32 to index
        %get3A_696 = arith.index_cast %add3A_591 : i32 to index
        %get3A_697 = arith.constant 0 : index
        %get3A_698 = tpu.vector_load %arg11[%get3A_695, %get3A_696, %get3A_697] {strides = array<i32>} : memref<4x80x64xi32, #tpu.memory_space<vmem>>, vector<16xi32>,
        %shift_left3A_699 = arith.constant 16 : i32
        %shift_left3A_700 = vector.broadcast %shift_left3A_699 : i32 to vector<16xi32>
        %shift_left3A_701 = arith.shli %get3A_698, %shift_left3A_700 : vector<16xi32>
        %bitcast3A_702 = vector.bitcast %shift_left3A_701 : vector<16xi32> to vector<16xf32>
        %and3A_703 = arith.constant -65536 : i32
        %and3A_704 = vector.broadcast %and3A_703 : i32 to vector<16xi32>
        %and3A_705 = arith.andi %get3A_698, %and3A_704 : vector<16xi32>
        %bitcast3A_706 = vector.bitcast %and3A_705 : vector<16xi32> to vector<16xf32>
        %mul3A_707 = arith.mulf %bitcast3A_702, %gather3A_693 : vector<16xf32>
        %swap3A_708 = arith.constant 0 : i32
        %swap3A_709 = arith.index_cast %swap3A_708 : i32 to index
        %swap3A_710 = arith.index_cast %add3A_591 : i32 to index
        %swap3A_711 = arith.constant 0 : index
        %swap3A_712 = tpu.vector_load %arg12[%swap3A_709, %swap3A_710, %swap3A_711] {strides = array<i32>} : memref<2x80x128xf32, #tpu.memory_space<vmem>>, vector<16xf32>,
        tpu.vector_store %arg12[%swap3A_709, %swap3A_710, %swap3A_711], %mul3A_707 {strides = array<i32>} : memref<2x80x128xf32, #tpu.memory_space<vmem>>, vector<16xf32>,
        %mul3A_713 = arith.mulf %bitcast3A_706, %gather3A_693 : vector<16xf32>
        %swap3A_714 = arith.constant 0 : i32
        %swap3A_715 = arith.index_cast %swap3A_714 : i32 to index
        %swap3A_716 = arith.index_cast %add3A_591 : i32 to index
        %swap3A_717 = arith.constant 16 : index
        %swap3A_718 = tpu.vector_load %arg12[%swap3A_715, %swap3A_716, %swap3A_717] {strides = array<i32>} : memref<2x80x128xf32, #tpu.memory_space<vmem>>, vector<16xf32>,
        tpu.vector_store %arg12[%swap3A_715, %swap3A_716, %swap3A_717], %mul3A_713 {strides = array<i32>} : memref<2x80x128xf32, #tpu.memory_space<vmem>>, vector<16xf32>,
        %get3A_719 = arith.constant 0 : i32
        %get3A_720 = arith.index_cast %get3A_719 : i32 to index
        %get3A_721 = arith.index_cast %add3A_591 : i32 to index
        %get3A_722 = arith.constant 16 : index
        %get3A_723 = tpu.vector_load %arg11[%get3A_720, %get3A_721, %get3A_722] {strides = array<i32>} : memref<4x80x64xi32, #tpu.memory_space<vmem>>, vector<16xi32>,
        %shift_left3A_724 = arith.constant 16 : i32
        %shift_left3A_725 = vector.broadcast %shift_left3A_724 : i32 to vector<16xi32>
        %shift_left3A_726 = arith.shli %get3A_723, %shift_left3A_725 : vector<16xi32>
        %bitcast3A_727 = vector.bitcast %shift_left3A_726 : vector<16xi32> to vector<16xf32>
        %and3A_728 = arith.constant -65536 : i32
        %and3A_729 = vector.broadcast %and3A_728 : i32 to vector<16xi32>
        %and3A_730 = arith.andi %get3A_723, %and3A_729 : vector<16xi32>
        %bitcast3A_731 = vector.bitcast %and3A_730 : vector<16xi32> to vector<16xf32>
        %mul3A_732 = arith.mulf %bitcast3A_727, %gather3A_693 : vector<16xf32>
        %swap3A_733 = arith.constant 0 : i32
        %swap3A_734 = arith.index_cast %swap3A_733 : i32 to index
        %swap3A_735 = arith.index_cast %add3A_591 : i32 to index
        %swap3A_736 = arith.constant 32 : index
        %swap3A_737 = tpu.vector_load %arg12[%swap3A_734, %swap3A_735, %swap3A_736] {strides = array<i32>} : memref<2x80x128xf32, #tpu.memory_space<vmem>>, vector<16xf32>,
        tpu.vector_store %arg12[%swap3A_734, %swap3A_735, %swap3A_736], %mul3A_732 {strides = array<i32>} : memref<2x80x128xf32, #tpu.memory_space<vmem>>, vector<16xf32>,
        %mul3A_738 = arith.mulf %bitcast3A_731, %gather3A_693 : vector<16xf32>
        %swap3A_739 = arith.constant 0 : i32
        %swap3A_740 = arith.index_cast %swap3A_739 : i32 to index
        %swap3A_741 = arith.index_cast %add3A_591 : i32 to index
        %swap3A_742 = arith.constant 48 : index
        %swap3A_743 = tpu.vector_load %arg12[%swap3A_740, %swap3A_741, %swap3A_742] {strides = array<i32>} : memref<2x80x128xf32, #tpu.memory_space<vmem>>, vector<16xf32>,
        tpu.vector_store %arg12[%swap3A_740, %swap3A_741, %swap3A_742], %mul3A_738 {strides = array<i32>} : memref<2x80x128xf32, #tpu.memory_space<vmem>>, vector<16xf32>,
        %get3A_744 = arith.constant 0 : i32
        %get3A_745 = arith.index_cast %get3A_744 : i32 to index
        %get3A_746 = arith.index_cast %add3A_591 : i32 to index
        %get3A_747 = arith.constant 32 : index
        %get3A_748 = tpu.vector_load %arg11[%get3A_745, %get3A_746, %get3A_747] {strides = array<i32>} : memref<4x80x64xi32, #tpu.memory_space<vmem>>, vector<16xi32>,
        %shift_left3A_749 = arith.constant 16 : i32
        %shift_left3A_750 = vector.broadcast %shift_left3A_749 : i32 to vector<16xi32>
        %shift_left3A_751 = arith.shli %get3A_748, %shift_left3A_750 : vector<16xi32>
        %bitcast3A_752 = vector.bitcast %shift_left3A_751 : vector<16xi32> to vector<16xf32>
        %and3A_753 = arith.constant -65536 : i32
        %and3A_754 = vector.broadcast %and3A_753 : i32 to vector<16xi32>
        %and3A_755 = arith.andi %get3A_748, %and3A_754 : vector<16xi32>
        %bitcast3A_756 = vector.bitcast %and3A_755 : vector<16xi32> to vector<16xf32>
        %mul3A_757 = arith.mulf %bitcast3A_752, %gather3A_693 : vector<16xf32>
        %swap3A_758 = arith.constant 0 : i32
        %swap3A_759 = arith.index_cast %swap3A_758 : i32 to index
        %swap3A_760 = arith.index_cast %add3A_591 : i32 to index
        %swap3A_761 = arith.constant 64 : index
        %swap3A_762 = tpu.vector_load %arg12[%swap3A_759, %swap3A_760, %swap3A_761] {strides = array<i32>} : memref<2x80x128xf32, #tpu.memory_space<vmem>>, vector<16xf32>,
        tpu.vector_store %arg12[%swap3A_759, %swap3A_760, %swap3A_761], %mul3A_757 {strides = array<i32>} : memref<2x80x128xf32, #tpu.memory_space<vmem>>, vector<16xf32>,
        %mul3A_763 = arith.mulf %bitcast3A_756, %gather3A_693 : vector<16xf32>
        %swap3A_764 = arith.constant 0 : i32
        %swap3A_765 = arith.index_cast %swap3A_764 : i32 to index
        %swap3A_766 = arith.index_cast %add3A_591 : i32 to index
        %swap3A_767 = arith.constant 80 : index
        %swap3A_768 = tpu.vector_load %arg12[%swap3A_765, %swap3A_766, %swap3A_767] {strides = array<i32>} : memref<2x80x128xf32, #tpu.memory_space<vmem>>, vector<16xf32>,
        tpu.vector_store %arg12[%swap3A_765, %swap3A_766, %swap3A_767], %mul3A_763 {strides = array<i32>} : memref<2x80x128xf32, #tpu.memory_space<vmem>>, vector<16xf32>,
        %get3A_769 = arith.constant 0 : i32
        %get3A_770 = arith.index_cast %get3A_769 : i32 to index
        %get3A_771 = arith.index_cast %add3A_591 : i32 to index
        %get3A_772 = arith.constant 48 : index
        %get3A_773 = tpu.vector_load %arg11[%get3A_770, %get3A_771, %get3A_772] {strides = array<i32>} : memref<4x80x64xi32, #tpu.memory_space<vmem>>, vector<16xi32>,
        %shift_left3A_774 = arith.constant 16 : i32
        %shift_left3A_775 = vector.broadcast %shift_left3A_774 : i32 to vector<16xi32>
        %shift_left3A_776 = arith.shli %get3A_773, %shift_left3A_775 : vector<16xi32>
        %bitcast3A_777 = vector.bitcast %shift_left3A_776 : vector<16xi32> to vector<16xf32>
        %and3A_778 = arith.constant -65536 : i32
        %and3A_779 = vector.broadcast %and3A_778 : i32 to vector<16xi32>
        %and3A_780 = arith.andi %get3A_773, %and3A_779 : vector<16xi32>
        %bitcast3A_781 = vector.bitcast %and3A_780 : vector<16xi32> to vector<16xf32>
        %mul3A_782 = arith.mulf %bitcast3A_777, %gather3A_693 : vector<16xf32>
        %swap3A_783 = arith.constant 0 : i32
        %swap3A_784 = arith.index_cast %swap3A_783 : i32 to index
        %swap3A_785 = arith.index_cast %add3A_591 : i32 to index
        %swap3A_786 = arith.constant 96 : index
        %swap3A_787 = tpu.vector_load %arg12[%swap3A_784, %swap3A_785, %swap3A_786] {strides = array<i32>} : memref<2x80x128xf32, #tpu.memory_space<vmem>>, vector<16xf32>,
        tpu.vector_store %arg12[%swap3A_784, %swap3A_785, %swap3A_786], %mul3A_782 {strides = array<i32>} : memref<2x80x128xf32, #tpu.memory_space<vmem>>, vector<16xf32>,
        %mul3A_788 = arith.mulf %bitcast3A_781, %gather3A_693 : vector<16xf32>
        %swap3A_789 = arith.constant 0 : i32
        %swap3A_790 = arith.index_cast %swap3A_789 : i32 to index
        %swap3A_791 = arith.index_cast %add3A_591 : i32 to index
        %swap3A_792 = arith.constant 112 : index
        %swap3A_793 = tpu.vector_load %arg12[%swap3A_790, %swap3A_791, %swap3A_792] {strides = array<i32>} : memref<2x80x128xf32, #tpu.memory_space<vmem>>, vector<16xf32>,
        tpu.vector_store %arg12[%swap3A_790, %swap3A_791, %swap3A_792], %mul3A_788 {strides = array<i32>} : memref<2x80x128xf32, #tpu.memory_space<vmem>>, vector<16xf32>,
      }
      %scan3A_326 = arith.constant 40 : i32
      %dma_wait3A_327 = arith.constant 0 : i32
      %dma_wait3A_328 = arith.constant 0 : i32
      %dma_wait3A_329 = tpu.memref_slice %arg8[%dma_wait3A_327, %dma_wait3A_328] : memref<4x80xi32, #tpu.memory_space<vmem>> -> memref<1x80xi32, #tpu.memory_space<vmem>>
      %dma_wait3A_330 = tpu.memref_squeeze %dma_wait3A_329 : memref<1x80xi32, #tpu.memory_space<vmem>> -> memref<80xi32, #tpu.memory_space<vmem>>
      %dma_wait3A_331 = arith.constant 0 : i32
      %dma_wait3A_332 = tpu.memref_slice %arg3[%dma_wait3A_331] : memref<327680xi32, #tpu.memory_space<hbm>> -> memref<80xi32, #tpu.memory_space<hbm>>
      %dma_wait3A_333 = arith.constant 0 : i32
      %dma_wait3A_334 = tpu.memref_slice %arg8[%dma_wait3A_327, %dma_wait3A_333] : memref<4x80xi32, #tpu.memory_space<vmem>> -> memref<1x80xi32, #tpu.memory_space<vmem>>
      %dma_wait3A_335 = tpu.memref_squeeze %dma_wait3A_334 : memref<1x80xi32, #tpu.memory_space<vmem>> -> memref<80xi32, #tpu.memory_space<vmem>>
      %dma_wait3A_336 = arith.constant 0 : i32
      %dma_wait3A_337 = tpu.memref_slice %arg3[%dma_wait3A_336] : memref<327680xi32, #tpu.memory_space<hbm>> -> memref<80xi32, #tpu.memory_space<hbm>>
      tpu.wait_dma2 semaphore(%arg24 : memref<!tpu.dma_semaphore, #tpu.memory_space<semaphore_mem>>) src(%dma_wait3A_337 : memref<80xi32, #tpu.memory_space<hbm>>) dst(%dma_wait3A_335 : memref<80xi32, #tpu.memory_space<vmem>>)
      %dma_start3A_338 = arith.constant 0 : i32
      %dma_start3A_339 = arith.constant 0 : i32
      %dma_start3A_340 = arith.constant 0 : i32
      %dma_start3A_341 = arith.constant 0 : i32
      %dma_start3A_342 = tpu.memref_slice %arg12[%dma_start3A_338, %dma_start3A_340, %dma_start3A_341] : memref<2x80x128xf32, #tpu.memory_space<vmem>> -> memref<1x80x128xf32, #tpu.memory_space<vmem>>
      %dma_start3A_343 = tpu.memref_squeeze %dma_start3A_342 : memref<1x80x128xf32, #tpu.memory_space<vmem>> -> memref<80x128xf32, #tpu.memory_space<vmem>>
      %dma_start3A_344 = arith.constant 0 : i32
      %dma_start3A_345 = tpu.memref_slice %arg9[%dma_start3A_339, %dma_start3A_344] : memref<4x80xi32, #tpu.memory_space<vmem>> -> memref<1x80xi32, #tpu.memory_space<vmem>>
      %dma_start3A_346 = tpu.memref_squeeze %dma_start3A_345 : memref<1x80xi32, #tpu.memory_space<vmem>> -> memref<80xi32, #tpu.memory_space<vmem>>
      %dma_start3A_347 = arith.constant 0 : i32
      %dma_start3A_348 = arith.constant 0 : i32
      %dma_start3A_349 = tpu.memref_slice %arg13[%dma_start3A_347, %dma_start3A_348] : memref<10112x128xf32, #tpu.memory_space<vmem_shared>> -> memref<10112x128xf32, #tpu.memory_space<vmem_shared>>
      tpu.enqueue_indirect_dma source(%dma_start3A_343 : memref<80x128xf32, #tpu.memory_space<vmem>>) target(%dma_start3A_349 : memref<10112x128xf32, #tpu.memory_space<vmem_shared>>) offsets(%dma_start3A_346 : memref<80xi32, #tpu.memory_space<vmem>>) semaphore(%arg18 : memref<!tpu.dma_semaphore, #tpu.memory_space<semaphore_mem>>) {add = true}
      %mul3A_350 = arith.constant 4 : i32
      %mul3A_351 = arith.muli %mul3A_350, %while3A_272 : i32
      %add3A_352 = arith.constant 1 : i32
      %add3A_353 = arith.addi %mul3A_351, %add3A_352 : i32
      %dma_wait3A_354 = arith.constant 1 : i32
      %dma_wait3A_355 = arith.constant 0 : i32
      %dma_wait3A_356 = arith.constant 0 : i32
      %dma_wait3A_357 = tpu.memref_slice %arg11[%dma_wait3A_354, %dma_wait3A_355, %dma_wait3A_356] : memref<4x80x64xi32, #tpu.memory_space<vmem>> -> memref<1x80x64xi32, #tpu.memory_space<vmem>>
      %dma_wait3A_358 = tpu.memref_squeeze %dma_wait3A_357 : memref<1x80x64xi32, #tpu.memory_space<vmem>> -> memref<80x64xi32, #tpu.memory_space<vmem>>
      %dma_wait3A_359 = arith.constant 0 : i32
      %dma_wait3A_360 = arith.constant 0 : i32
      %dma_wait3A_361 = tpu.memref_slice %arg2[%dma_wait3A_359, %dma_wait3A_360] : memref<10000x64xi32, #tpu.memory_space<hbm>> -> memref<80x64xi32, #tpu.memory_space<hbm>>
      %dma_wait3A_362 = arith.constant 0 : i32
      %dma_wait3A_363 = arith.constant 0 : i32
      %dma_wait3A_364 = tpu.memref_slice %arg11[%dma_wait3A_354, %dma_wait3A_362, %dma_wait3A_363] : memref<4x80x64xi32, #tpu.memory_space<vmem>> -> memref<1x80x64xi32, #tpu.memory_space<vmem>>
      %dma_wait3A_365 = tpu.memref_squeeze %dma_wait3A_364 : memref<1x80x64xi32, #tpu.memory_space<vmem>> -> memref<80x64xi32, #tpu.memory_space<vmem>>
      %dma_wait3A_366 = arith.constant 0 : i32
      %dma_wait3A_367 = arith.constant 0 : i32
      %dma_wait3A_368 = tpu.memref_slice %arg2[%dma_wait3A_366, %dma_wait3A_367] : memref<10000x64xi32, #tpu.memory_space<hbm>> -> memref<80x64xi32, #tpu.memory_space<hbm>>
      tpu.wait_dma2 semaphore(%arg15 : memref<!tpu.dma_semaphore, #tpu.memory_space<semaphore_mem>>) src(%dma_wait3A_368 : memref<80x64xi32, #tpu.memory_space<hbm>>) dst(%dma_wait3A_365 : memref<80x64xi32, #tpu.memory_space<vmem>>)
      %ge3A_369 = arith.constant 2 : i32
      %ge3A_370 = arith.cmpi sge, %add3A_353, %ge3A_369 : i32
      %convert_element_type3A_371 = arith.extui %ge3A_370 : i1 to i32
      %cond3A_372 = arith.constant 0 : i32
      %cond3A_373 = arith.cmpi ne, %convert_element_type3A_371, %cond3A_372 : i32
      scf.if %cond3A_373 {
        %dma_wait3A_587 = arith.constant 1 : i32
        %dma_wait3A_588 = arith.constant 0 : i32
        %dma_wait3A_589 = arith.constant 0 : i32
        %dma_wait3A_590 = tpu.memref_slice %arg12[%dma_wait3A_587, %dma_wait3A_588, %dma_wait3A_589] : memref<2x80x128xf32, #tpu.memory_space<vmem>> -> memref<1x80x128xf32, #tpu.memory_space<vmem>>
        %dma_wait3A_591 = tpu.memref_squeeze %dma_wait3A_590 : memref<1x80x128xf32, #tpu.memory_space<vmem>> -> memref<80x128xf32, #tpu.memory_space<vmem>>
        %dma_wait3A_592 = arith.constant 0 : i32
        %dma_wait3A_593 = arith.constant 0 : i32
        %dma_wait3A_594 = tpu.memref_slice %arg6[%dma_wait3A_592, %dma_wait3A_593] : memref<10112x128xf32, #tpu.memory_space<hbm>> -> memref<80x128xf32, #tpu.memory_space<hbm>>
        %dma_wait3A_595 = arith.constant 0 : i32
        %dma_wait3A_596 = arith.constant 0 : i32
        %dma_wait3A_597 = tpu.memref_slice %arg12[%dma_wait3A_587, %dma_wait3A_595, %dma_wait3A_596] : memref<2x80x128xf32, #tpu.memory_space<vmem>> -> memref<1x80x128xf32, #tpu.memory_space<vmem>>
        %dma_wait3A_598 = tpu.memref_squeeze %dma_wait3A_597 : memref<1x80x128xf32, #tpu.memory_space<vmem>> -> memref<80x128xf32, #tpu.memory_space<vmem>>
        %dma_wait3A_599 = arith.constant 0 : i32
        %dma_wait3A_600 = arith.constant 0 : i32
        %dma_wait3A_601 = tpu.memref_slice %arg6[%dma_wait3A_599, %dma_wait3A_600] : memref<10112x128xf32, #tpu.memory_space<hbm>> -> memref<80x128xf32, #tpu.memory_space<hbm>>
        tpu.wait_dma2 semaphore(%arg19 : memref<!tpu.dma_semaphore, #tpu.memory_space<semaphore_mem>>) src(%dma_wait3A_601 : memref<80x128xf32, #tpu.memory_space<hbm>>) dst(%dma_wait3A_598 : memref<80x128xf32, #tpu.memory_space<vmem>>)
      } else {
      }
      %add3A_374 = arith.constant 2 : i32
      %add3A_375 = arith.addi %add3A_353, %add3A_374 : i32
      %lt3A_376 = arith.cmpi slt, %add3A_375, %select_n3A : i32
      %convert_element_type3A_377 = arith.extui %lt3A_376 : i1 to i32
      %cond3A_378 = arith.constant 0 : i32
      %cond3A_379 = arith.cmpi ne, %convert_element_type3A_377, %cond3A_378 : i32
      scf.if %cond3A_379 {
        %add3A_587 = arith.constant 2 : i32
        %add3A_588 = arith.addi %add3A_353, %add3A_587 : i32
        %mul3A_589 = arith.constant 80 : i32
        %mul3A_590 = arith.muli %add3A_588, %mul3A_589 : i32
        %add3A_591 = arith.addi %mul3A_10, %mul3A_590 : i32
        %dma_start3A_592 = arith.constant 3 : i32
        %dma_start3A_593 = arith.constant 0 : i32
        %dma_start3A_594 = tpu.memref_slice %arg9[%dma_start3A_592, %dma_start3A_593] : memref<4x80xi32, #tpu.memory_space<vmem>> -> memref<1x80xi32, #tpu.memory_space<vmem>>
        %dma_start3A_595 = tpu.memref_squeeze %dma_start3A_594 : memref<1x80xi32, #tpu.memory_space<vmem>> -> memref<80xi32, #tpu.memory_space<vmem>>
        %dma_start3A_596 = tpu.memref_slice %arg4[%add3A_591] : memref<327680xi32, #tpu.memory_space<hbm>> -> memref<80xi32, #tpu.memory_space<hbm>>
        %dma_start3A_597 = arith.constant 0 : i32
        %dma_start3A_598 = tpu.memref_slice %arg9[%dma_start3A_592, %dma_start3A_597] : memref<4x80xi32, #tpu.memory_space<vmem>> -> memref<1x80xi32, #tpu.memory_space<vmem>>
        %dma_start3A_599 = tpu.memref_squeeze %dma_start3A_598 : memref<1x80xi32, #tpu.memory_space<vmem>> -> memref<80xi32, #tpu.memory_space<vmem>>
        %dma_start3A_600 = tpu.memref_slice %arg4[%add3A_591] : memref<327680xi32, #tpu.memory_space<hbm>> -> memref<80xi32, #tpu.memory_space<hbm>>
        tpu.enqueue_dma source(%dma_start3A_600 : memref<80xi32, #tpu.memory_space<hbm>>) target(%dma_start3A_599 : memref<80xi32, #tpu.memory_space<vmem>>) target_semaphore(%arg27 : memref<!tpu.dma_semaphore, #tpu.memory_space<semaphore_mem>>)
        %mul3A_601 = arith.constant 80 : i32
        %mul3A_602 = arith.muli %add3A_588, %mul3A_601 : i32
        %add3A_603 = arith.addi %mul3A_10, %mul3A_602 : i32
        %dma_start3A_604 = arith.constant 240 : i32
        %dma_start3A_605 = tpu.memref_slice %arg10[%dma_start3A_604] : memref<320xf32, #tpu.memory_space<vmem>> -> memref<80xf32, #tpu.memory_space<vmem>>
        %dma_start3A_606 = tpu.memref_slice %arg5[%add3A_603] : memref<327680xf32, #tpu.memory_space<hbm>> -> memref<80xf32, #tpu.memory_space<hbm>>
        %dma_start3A_607 = arith.constant 240 : i32
        %dma_start3A_608 = tpu.memref_slice %arg10[%dma_start3A_607] : memref<320xf32, #tpu.memory_space<vmem>> -> memref<80xf32, #tpu.memory_space<vmem>>
        %dma_start3A_609 = tpu.memref_slice %arg5[%add3A_603] : memref<327680xf32, #tpu.memory_space<hbm>> -> memref<80xf32, #tpu.memory_space<hbm>>
        tpu.enqueue_dma source(%dma_start3A_609 : memref<80xf32, #tpu.memory_space<hbm>>) target(%dma_start3A_608 : memref<80xf32, #tpu.memory_space<vmem>>) target_semaphore(%arg31 : memref<!tpu.dma_semaphore, #tpu.memory_space<semaphore_mem>>)
      } else {
      }
      %add3A_380 = arith.constant 3 : i32
      %add3A_381 = arith.addi %add3A_353, %add3A_380 : i32
      %lt3A_382 = arith.cmpi slt, %add3A_381, %select_n3A : i32
      %convert_element_type3A_383 = arith.extui %lt3A_382 : i1 to i32
      %cond3A_384 = arith.constant 0 : i32
      %cond3A_385 = arith.cmpi ne, %convert_element_type3A_383, %cond3A_384 : i32
      scf.if %cond3A_385 {
        %dma_wait3A_587 = arith.constant 0 : i32
        %dma_wait3A_588 = arith.constant 0 : i32
        %dma_wait3A_589 = tpu.memref_slice %arg8[%dma_wait3A_587, %dma_wait3A_588] : memref<4x80xi32, #tpu.memory_space<vmem>> -> memref<1x80xi32, #tpu.memory_space<vmem>>
        %dma_wait3A_590 = tpu.memref_squeeze %dma_wait3A_589 : memref<1x80xi32, #tpu.memory_space<vmem>> -> memref<80xi32, #tpu.memory_space<vmem>>
        %dma_wait3A_591 = arith.constant 0 : i32
        %dma_wait3A_592 = tpu.memref_slice %arg3[%dma_wait3A_591] : memref<327680xi32, #tpu.memory_space<hbm>> -> memref<80xi32, #tpu.memory_space<hbm>>
        %dma_wait3A_593 = arith.constant 0 : i32
        %dma_wait3A_594 = tpu.memref_slice %arg8[%dma_wait3A_587, %dma_wait3A_593] : memref<4x80xi32, #tpu.memory_space<vmem>> -> memref<1x80xi32, #tpu.memory_space<vmem>>
        %dma_wait3A_595 = tpu.memref_squeeze %dma_wait3A_594 : memref<1x80xi32, #tpu.memory_space<vmem>> -> memref<80xi32, #tpu.memory_space<vmem>>
        %dma_wait3A_596 = arith.constant 0 : i32
        %dma_wait3A_597 = tpu.memref_slice %arg3[%dma_wait3A_596] : memref<327680xi32, #tpu.memory_space<hbm>> -> memref<80xi32, #tpu.memory_space<hbm>>
        tpu.wait_dma2 semaphore(%arg20 : memref<!tpu.dma_semaphore, #tpu.memory_space<semaphore_mem>>) src(%dma_wait3A_597 : memref<80xi32, #tpu.memory_space<hbm>>) dst(%dma_wait3A_595 : memref<80xi32, #tpu.memory_space<vmem>>)
        %dma_start3A_598 = arith.constant 0 : i32
        %dma_start3A_599 = arith.constant 0 : i32
        %dma_start3A_600 = arith.constant 0 : i32
        %dma_start3A_601 = arith.constant 0 : i32
        %dma_start3A_602 = tpu.memref_slice %arg11[%dma_start3A_599, %dma_start3A_600, %dma_start3A_601] : memref<4x80x64xi32, #tpu.memory_space<vmem>> -> memref<1x80x64xi32, #tpu.memory_space<vmem>>
        %dma_start3A_603 = tpu.memref_squeeze %dma_start3A_602 : memref<1x80x64xi32, #tpu.memory_space<vmem>> -> memref<80x64xi32, #tpu.memory_space<vmem>>
        %dma_start3A_604 = arith.constant 0 : i32
        %dma_start3A_605 = tpu.memref_slice %arg8[%dma_start3A_598, %dma_start3A_604] : memref<4x80xi32, #tpu.memory_space<vmem>> -> memref<1x80xi32, #tpu.memory_space<vmem>>
        %dma_start3A_606 = tpu.memref_squeeze %dma_start3A_605 : memref<1x80xi32, #tpu.memory_space<vmem>> -> memref<80xi32, #tpu.memory_space<vmem>>
        %dma_start3A_607 = arith.constant 0 : i32
        %dma_start3A_608 = arith.constant 0 : i32
        %dma_start3A_609 = tpu.memref_slice %arg2[%dma_start3A_607, %dma_start3A_608] : memref<10000x64xi32, #tpu.memory_space<hbm>> -> memref<10000x64xi32, #tpu.memory_space<hbm>>
        tpu.enqueue_indirect_dma source(%dma_start3A_609 : memref<10000x64xi32, #tpu.memory_space<hbm>>) target(%dma_start3A_603 : memref<80x64xi32, #tpu.memory_space<vmem>>) offsets(%dma_start3A_606 : memref<80xi32, #tpu.memory_space<vmem>>) semaphore(%arg14 : memref<!tpu.dma_semaphore, #tpu.memory_space<semaphore_mem>>)
      } else {
      }
      %add3A_386 = arith.constant 4 : i32
      %add3A_387 = arith.addi %add3A_353, %add3A_386 : i32
      %lt3A_388 = arith.cmpi slt, %add3A_387, %select_n3A : i32
      %convert_element_type3A_389 = arith.extui %lt3A_388 : i1 to i32
      %cond3A_390 = arith.constant 0 : i32
      %cond3A_391 = arith.cmpi ne, %convert_element_type3A_389, %cond3A_390 : i32
      scf.if %cond3A_391 {
        %add3A_587 = arith.constant 4 : i32
        %add3A_588 = arith.addi %add3A_353, %add3A_587 : i32
        %mul3A_589 = arith.constant 80 : i32
        %mul3A_590 = arith.muli %add3A_588, %mul3A_589 : i32
        %add3A_591 = arith.addi %mul3A_10, %mul3A_590 : i32
        %dma_start3A_592 = arith.constant 1 : i32
        %dma_start3A_593 = arith.constant 0 : i32
        %dma_start3A_594 = tpu.memref_slice %arg8[%dma_start3A_592, %dma_start3A_593] : memref<4x80xi32, #tpu.memory_space<vmem>> -> memref<1x80xi32, #tpu.memory_space<vmem>>
        %dma_start3A_595 = tpu.memref_squeeze %dma_start3A_594 : memref<1x80xi32, #tpu.memory_space<vmem>> -> memref<80xi32, #tpu.memory_space<vmem>>
        %dma_start3A_596 = tpu.memref_slice %arg3[%add3A_591] : memref<327680xi32, #tpu.memory_space<hbm>> -> memref<80xi32, #tpu.memory_space<hbm>>
        %dma_start3A_597 = arith.constant 0 : i32
        %dma_start3A_598 = tpu.memref_slice %arg8[%dma_start3A_592, %dma_start3A_597] : memref<4x80xi32, #tpu.memory_space<vmem>> -> memref<1x80xi32, #tpu.memory_space<vmem>>
        %dma_start3A_599 = tpu.memref_squeeze %dma_start3A_598 : memref<1x80xi32, #tpu.memory_space<vmem>> -> memref<80xi32, #tpu.memory_space<vmem>>
        %dma_start3A_600 = tpu.memref_slice %arg3[%add3A_591] : memref<327680xi32, #tpu.memory_space<hbm>> -> memref<80xi32, #tpu.memory_space<hbm>>
        tpu.enqueue_dma source(%dma_start3A_600 : memref<80xi32, #tpu.memory_space<hbm>>) target(%dma_start3A_599 : memref<80xi32, #tpu.memory_space<vmem>>) target_semaphore(%arg21 : memref<!tpu.dma_semaphore, #tpu.memory_space<semaphore_mem>>)
      } else {
      }
      %dma_wait3A_392 = arith.constant 80 : i32
      %dma_wait3A_393 = tpu.memref_slice %arg10[%dma_wait3A_392] : memref<320xf32, #tpu.memory_space<vmem>> -> memref<80xf32, #tpu.memory_space<vmem>>
      %dma_wait3A_394 = arith.constant 0 : i32
      %dma_wait3A_395 = tpu.memref_slice %arg5[%dma_wait3A_394] : memref<327680xf32, #tpu.memory_space<hbm>> -> memref<80xf32, #tpu.memory_space<hbm>>
      %dma_wait3A_396 = arith.constant 80 : i32
      %dma_wait3A_397 = tpu.memref_slice %arg10[%dma_wait3A_396] : memref<320xf32, #tpu.memory_space<vmem>> -> memref<80xf32, #tpu.memory_space<vmem>>
      %dma_wait3A_398 = arith.constant 0 : i32
      %dma_wait3A_399 = tpu.memref_slice %arg5[%dma_wait3A_398] : memref<327680xf32, #tpu.memory_space<hbm>> -> memref<80xf32, #tpu.memory_space<hbm>>
      tpu.wait_dma2 semaphore(%arg29 : memref<!tpu.dma_semaphore, #tpu.memory_space<semaphore_mem>>) src(%dma_wait3A_399 : memref<80xf32, #tpu.memory_space<hbm>>) dst(%dma_wait3A_397 : memref<80xf32, #tpu.memory_space<vmem>>)
      %scan3A_400 = arith.constant 0 : i32
      %scan3A_401 = arith.constant 0 : i32
      %scan3A_402 = arith.constant 40 : i32
      %scan3A_403 = arith.addi %scan3A_401, %scan3A_402 : i32
      %scan3A_404 = arith.constant 1 : i32
      scf.for %scan3A_587 = %scan3A_401 to %scan3A_403 step %scan3A_404  : i32 {
        %mul3A_588 = arith.constant 2 : i32
        %mul3A_589 = arith.muli %scan3A_587, %mul3A_588 : i32
        %add3A_590 = arith.constant 1 : i32
        %add3A_591 = arith.addi %mul3A_589, %add3A_590 : i32
        %add3A_592 = arith.constant 80 : i32
        %add3A_593 = arith.addi %add3A_592, %mul3A_589 : i32
        %broadcast_in_dim3A = vector.broadcast %add3A_593 : i32 to vector<16xi32>
        %gather3A = tpu.vector_load_idx %arg10[%broadcast_in_dim3A] : memref<320xf32, #tpu.memory_space<vmem>>[vector<16xi32>], vector<16xf32>,
        %get3A = arith.constant 1 : i32
        %get3A_594 = arith.index_cast %get3A : i32 to index
        %get3A_595 = arith.index_cast %mul3A_589 : i32 to index
        %get3A_596 = arith.constant 0 : index
        %get3A_597 = tpu.vector_load %arg11[%get3A_594, %get3A_595, %get3A_596] {strides = array<i32>} : memref<4x80x64xi32, #tpu.memory_space<vmem>>, vector<16xi32>,
        %shift_left3A = arith.constant 16 : i32
        %shift_left3A_598 = vector.broadcast %shift_left3A : i32 to vector<16xi32>
        %shift_left3A_599 = arith.shli %get3A_597, %shift_left3A_598 : vector<16xi32>
        %bitcast3A = vector.bitcast %shift_left3A_599 : vector<16xi32> to vector<16xf32>
        %and3A_600 = arith.constant -65536 : i32
        %and3A_601 = vector.broadcast %and3A_600 : i32 to vector<16xi32>
        %and3A_602 = arith.andi %get3A_597, %and3A_601 : vector<16xi32>
        %bitcast3A_603 = vector.bitcast %and3A_602 : vector<16xi32> to vector<16xf32>
        %mul3A_604 = arith.mulf %bitcast3A, %gather3A : vector<16xf32>
        %swap3A = arith.constant 1 : i32
        %swap3A_605 = arith.index_cast %swap3A : i32 to index
        %swap3A_606 = arith.index_cast %mul3A_589 : i32 to index
        %swap3A_607 = arith.constant 0 : index
        %swap3A_608 = tpu.vector_load %arg12[%swap3A_605, %swap3A_606, %swap3A_607] {strides = array<i32>} : memref<2x80x128xf32, #tpu.memory_space<vmem>>, vector<16xf32>,
        tpu.vector_store %arg12[%swap3A_605, %swap3A_606, %swap3A_607], %mul3A_604 {strides = array<i32>} : memref<2x80x128xf32, #tpu.memory_space<vmem>>, vector<16xf32>,
        %mul3A_609 = arith.mulf %bitcast3A_603, %gather3A : vector<16xf32>
        %swap3A_610 = arith.constant 1 : i32
        %swap3A_611 = arith.index_cast %swap3A_610 : i32 to index
        %swap3A_612 = arith.index_cast %mul3A_589 : i32 to index
        %swap3A_613 = arith.constant 16 : index
        %swap3A_614 = tpu.vector_load %arg12[%swap3A_611, %swap3A_612, %swap3A_613] {strides = array<i32>} : memref<2x80x128xf32, #tpu.memory_space<vmem>>, vector<16xf32>,
        tpu.vector_store %arg12[%swap3A_611, %swap3A_612, %swap3A_613], %mul3A_609 {strides = array<i32>} : memref<2x80x128xf32, #tpu.memory_space<vmem>>, vector<16xf32>,
        %get3A_615 = arith.constant 1 : i32
        %get3A_616 = arith.index_cast %get3A_615 : i32 to index
        %get3A_617 = arith.index_cast %mul3A_589 : i32 to index
        %get3A_618 = arith.constant 16 : index
        %get3A_619 = tpu.vector_load %arg11[%get3A_616, %get3A_617, %get3A_618] {strides = array<i32>} : memref<4x80x64xi32, #tpu.memory_space<vmem>>, vector<16xi32>,
        %shift_left3A_620 = arith.constant 16 : i32
        %shift_left3A_621 = vector.broadcast %shift_left3A_620 : i32 to vector<16xi32>
        %shift_left3A_622 = arith.shli %get3A_619, %shift_left3A_621 : vector<16xi32>
        %bitcast3A_623 = vector.bitcast %shift_left3A_622 : vector<16xi32> to vector<16xf32>
        %and3A_624 = arith.constant -65536 : i32
        %and3A_625 = vector.broadcast %and3A_624 : i32 to vector<16xi32>
        %and3A_626 = arith.andi %get3A_619, %and3A_625 : vector<16xi32>
        %bitcast3A_627 = vector.bitcast %and3A_626 : vector<16xi32> to vector<16xf32>
        %mul3A_628 = arith.mulf %bitcast3A_623, %gather3A : vector<16xf32>
        %swap3A_629 = arith.constant 1 : i32
        %swap3A_630 = arith.index_cast %swap3A_629 : i32 to index
        %swap3A_631 = arith.index_cast %mul3A_589 : i32 to index
        %swap3A_632 = arith.constant 32 : index
        %swap3A_633 = tpu.vector_load %arg12[%swap3A_630, %swap3A_631, %swap3A_632] {strides = array<i32>} : memref<2x80x128xf32, #tpu.memory_space<vmem>>, vector<16xf32>,
        tpu.vector_store %arg12[%swap3A_630, %swap3A_631, %swap3A_632], %mul3A_628 {strides = array<i32>} : memref<2x80x128xf32, #tpu.memory_space<vmem>>, vector<16xf32>,
        %mul3A_634 = arith.mulf %bitcast3A_627, %gather3A : vector<16xf32>
        %swap3A_635 = arith.constant 1 : i32
        %swap3A_636 = arith.index_cast %swap3A_635 : i32 to index
        %swap3A_637 = arith.index_cast %mul3A_589 : i32 to index
        %swap3A_638 = arith.constant 48 : index
        %swap3A_639 = tpu.vector_load %arg12[%swap3A_636, %swap3A_637, %swap3A_638] {strides = array<i32>} : memref<2x80x128xf32, #tpu.memory_space<vmem>>, vector<16xf32>,
        tpu.vector_store %arg12[%swap3A_636, %swap3A_637, %swap3A_638], %mul3A_634 {strides = array<i32>} : memref<2x80x128xf32, #tpu.memory_space<vmem>>, vector<16xf32>,
        %get3A_640 = arith.constant 1 : i32
        %get3A_641 = arith.index_cast %get3A_640 : i32 to index
        %get3A_642 = arith.index_cast %mul3A_589 : i32 to index
        %get3A_643 = arith.constant 32 : index
        %get3A_644 = tpu.vector_load %arg11[%get3A_641, %get3A_642, %get3A_643] {strides = array<i32>} : memref<4x80x64xi32, #tpu.memory_space<vmem>>, vector<16xi32>,
        %shift_left3A_645 = arith.constant 16 : i32
        %shift_left3A_646 = vector.broadcast %shift_left3A_645 : i32 to vector<16xi32>
        %shift_left3A_647 = arith.shli %get3A_644, %shift_left3A_646 : vector<16xi32>
        %bitcast3A_648 = vector.bitcast %shift_left3A_647 : vector<16xi32> to vector<16xf32>
        %and3A_649 = arith.constant -65536 : i32
        %and3A_650 = vector.broadcast %and3A_649 : i32 to vector<16xi32>
        %and3A_651 = arith.andi %get3A_644, %and3A_650 : vector<16xi32>
        %bitcast3A_652 = vector.bitcast %and3A_651 : vector<16xi32> to vector<16xf32>
        %mul3A_653 = arith.mulf %bitcast3A_648, %gather3A : vector<16xf32>
        %swap3A_654 = arith.constant 1 : i32
        %swap3A_655 = arith.index_cast %swap3A_654 : i32 to index
        %swap3A_656 = arith.index_cast %mul3A_589 : i32 to index
        %swap3A_657 = arith.constant 64 : index
        %swap3A_658 = tpu.vector_load %arg12[%swap3A_655, %swap3A_656, %swap3A_657] {strides = array<i32>} : memref<2x80x128xf32, #tpu.memory_space<vmem>>, vector<16xf32>,
        tpu.vector_store %arg12[%swap3A_655, %swap3A_656, %swap3A_657], %mul3A_653 {strides = array<i32>} : memref<2x80x128xf32, #tpu.memory_space<vmem>>, vector<16xf32>,
        %mul3A_659 = arith.mulf %bitcast3A_652, %gather3A : vector<16xf32>
        %swap3A_660 = arith.constant 1 : i32
        %swap3A_661 = arith.index_cast %swap3A_660 : i32 to index
        %swap3A_662 = arith.index_cast %mul3A_589 : i32 to index
        %swap3A_663 = arith.constant 80 : index
        %swap3A_664 = tpu.vector_load %arg12[%swap3A_661, %swap3A_662, %swap3A_663] {strides = array<i32>} : memref<2x80x128xf32, #tpu.memory_space<vmem>>, vector<16xf32>,
        tpu.vector_store %arg12[%swap3A_661, %swap3A_662, %swap3A_663], %mul3A_659 {strides = array<i32>} : memref<2x80x128xf32, #tpu.memory_space<vmem>>, vector<16xf32>,
        %get3A_665 = arith.constant 1 : i32
        %get3A_666 = arith.index_cast %get3A_665 : i32 to index
        %get3A_667 = arith.index_cast %mul3A_589 : i32 to index
        %get3A_668 = arith.constant 48 : index
        %get3A_669 = tpu.vector_load %arg11[%get3A_666, %get3A_667, %get3A_668] {strides = array<i32>} : memref<4x80x64xi32, #tpu.memory_space<vmem>>, vector<16xi32>,
        %shift_left3A_670 = arith.constant 16 : i32
        %shift_left3A_671 = vector.broadcast %shift_left3A_670 : i32 to vector<16xi32>
        %shift_left3A_672 = arith.shli %get3A_669, %shift_left3A_671 : vector<16xi32>
        %bitcast3A_673 = vector.bitcast %shift_left3A_672 : vector<16xi32> to vector<16xf32>
        %and3A_674 = arith.constant -65536 : i32
        %and3A_675 = vector.broadcast %and3A_674 : i32 to vector<16xi32>
        %and3A_676 = arith.andi %get3A_669, %and3A_675 : vector<16xi32>
        %bitcast3A_677 = vector.bitcast %and3A_676 : vector<16xi32> to vector<16xf32>
        %mul3A_678 = arith.mulf %bitcast3A_673, %gather3A : vector<16xf32>
        %swap3A_679 = arith.constant 1 : i32
        %swap3A_680 = arith.index_cast %swap3A_679 : i32 to index
        %swap3A_681 = arith.index_cast %mul3A_589 : i32 to index
        %swap3A_682 = arith.constant 96 : index
        %swap3A_683 = tpu.vector_load %arg12[%swap3A_680, %swap3A_681, %swap3A_682] {strides = array<i32>} : memref<2x80x128xf32, #tpu.memory_space<vmem>>, vector<16xf32>,
        tpu.vector_store %arg12[%swap3A_680, %swap3A_681, %swap3A_682], %mul3A_678 {strides = array<i32>} : memref<2x80x128xf32, #tpu.memory_space<vmem>>, vector<16xf32>,
        %mul3A_684 = arith.mulf %bitcast3A_677, %gather3A : vector<16xf32>
        %swap3A_685 = arith.constant 1 : i32
        %swap3A_686 = arith.index_cast %swap3A_685 : i32 to index
        %swap3A_687 = arith.index_cast %mul3A_589 : i32 to index
        %swap3A_688 = arith.constant 112 : index
        %swap3A_689 = tpu.vector_load %arg12[%swap3A_686, %swap3A_687, %swap3A_688] {strides = array<i32>} : memref<2x80x128xf32, #tpu.memory_space<vmem>>, vector<16xf32>,
        tpu.vector_store %arg12[%swap3A_686, %swap3A_687, %swap3A_688], %mul3A_684 {strides = array<i32>} : memref<2x80x128xf32, #tpu.memory_space<vmem>>, vector<16xf32>,
        %add3A_690 = arith.constant 80 : i32
        %add3A_691 = arith.addi %add3A_690, %add3A_591 : i32
        %broadcast_in_dim3A_692 = vector.broadcast %add3A_691 : i32 to vector<16xi32>
        %gather3A_693 = tpu.vector_load_idx %arg10[%broadcast_in_dim3A_692] : memref<320xf32, #tpu.memory_space<vmem>>[vector<16xi32>], vector<16xf32>,
        %get3A_694 = arith.constant 1 : i32
        %get3A_695 = arith.index_cast %get3A_694 : i32 to index
        %get3A_696 = arith.index_cast %add3A_591 : i32 to index
        %get3A_697 = arith.constant 0 : index
        %get3A_698 = tpu.vector_load %arg11[%get3A_695, %get3A_696, %get3A_697] {strides = array<i32>} : memref<4x80x64xi32, #tpu.memory_space<vmem>>, vector<16xi32>,
        %shift_left3A_699 = arith.constant 16 : i32
        %shift_left3A_700 = vector.broadcast %shift_left3A_699 : i32 to vector<16xi32>
        %shift_left3A_701 = arith.shli %get3A_698, %shift_left3A_700 : vector<16xi32>
        %bitcast3A_702 = vector.bitcast %shift_left3A_701 : vector<16xi32> to vector<16xf32>
        %and3A_703 = arith.constant -65536 : i32
        %and3A_704 = vector.broadcast %and3A_703 : i32 to vector<16xi32>
        %and3A_705 = arith.andi %get3A_698, %and3A_704 : vector<16xi32>
        %bitcast3A_706 = vector.bitcast %and3A_705 : vector<16xi32> to vector<16xf32>
        %mul3A_707 = arith.mulf %bitcast3A_702, %gather3A_693 : vector<16xf32>
        %swap3A_708 = arith.constant 1 : i32
        %swap3A_709 = arith.index_cast %swap3A_708 : i32 to index
        %swap3A_710 = arith.index_cast %add3A_591 : i32 to index
        %swap3A_711 = arith.constant 0 : index
        %swap3A_712 = tpu.vector_load %arg12[%swap3A_709, %swap3A_710, %swap3A_711] {strides = array<i32>} : memref<2x80x128xf32, #tpu.memory_space<vmem>>, vector<16xf32>,
        tpu.vector_store %arg12[%swap3A_709, %swap3A_710, %swap3A_711], %mul3A_707 {strides = array<i32>} : memref<2x80x128xf32, #tpu.memory_space<vmem>>, vector<16xf32>,
        %mul3A_713 = arith.mulf %bitcast3A_706, %gather3A_693 : vector<16xf32>
        %swap3A_714 = arith.constant 1 : i32
        %swap3A_715 = arith.index_cast %swap3A_714 : i32 to index
        %swap3A_716 = arith.index_cast %add3A_591 : i32 to index
        %swap3A_717 = arith.constant 16 : index
        %swap3A_718 = tpu.vector_load %arg12[%swap3A_715, %swap3A_716, %swap3A_717] {strides = array<i32>} : memref<2x80x128xf32, #tpu.memory_space<vmem>>, vector<16xf32>,
        tpu.vector_store %arg12[%swap3A_715, %swap3A_716, %swap3A_717], %mul3A_713 {strides = array<i32>} : memref<2x80x128xf32, #tpu.memory_space<vmem>>, vector<16xf32>,
        %get3A_719 = arith.constant 1 : i32
        %get3A_720 = arith.index_cast %get3A_719 : i32 to index
        %get3A_721 = arith.index_cast %add3A_591 : i32 to index
        %get3A_722 = arith.constant 16 : index
        %get3A_723 = tpu.vector_load %arg11[%get3A_720, %get3A_721, %get3A_722] {strides = array<i32>} : memref<4x80x64xi32, #tpu.memory_space<vmem>>, vector<16xi32>,
        %shift_left3A_724 = arith.constant 16 : i32
        %shift_left3A_725 = vector.broadcast %shift_left3A_724 : i32 to vector<16xi32>
        %shift_left3A_726 = arith.shli %get3A_723, %shift_left3A_725 : vector<16xi32>
        %bitcast3A_727 = vector.bitcast %shift_left3A_726 : vector<16xi32> to vector<16xf32>
        %and3A_728 = arith.constant -65536 : i32
        %and3A_729 = vector.broadcast %and3A_728 : i32 to vector<16xi32>
        %and3A_730 = arith.andi %get3A_723, %and3A_729 : vector<16xi32>
        %bitcast3A_731 = vector.bitcast %and3A_730 : vector<16xi32> to vector<16xf32>
        %mul3A_732 = arith.mulf %bitcast3A_727, %gather3A_693 : vector<16xf32>
        %swap3A_733 = arith.constant 1 : i32
        %swap3A_734 = arith.index_cast %swap3A_733 : i32 to index
        %swap3A_735 = arith.index_cast %add3A_591 : i32 to index
        %swap3A_736 = arith.constant 32 : index
        %swap3A_737 = tpu.vector_load %arg12[%swap3A_734, %swap3A_735, %swap3A_736] {strides = array<i32>} : memref<2x80x128xf32, #tpu.memory_space<vmem>>, vector<16xf32>,
        tpu.vector_store %arg12[%swap3A_734, %swap3A_735, %swap3A_736], %mul3A_732 {strides = array<i32>} : memref<2x80x128xf32, #tpu.memory_space<vmem>>, vector<16xf32>,
        %mul3A_738 = arith.mulf %bitcast3A_731, %gather3A_693 : vector<16xf32>
        %swap3A_739 = arith.constant 1 : i32
        %swap3A_740 = arith.index_cast %swap3A_739 : i32 to index
        %swap3A_741 = arith.index_cast %add3A_591 : i32 to index
        %swap3A_742 = arith.constant 48 : index
        %swap3A_743 = tpu.vector_load %arg12[%swap3A_740, %swap3A_741, %swap3A_742] {strides = array<i32>} : memref<2x80x128xf32, #tpu.memory_space<vmem>>, vector<16xf32>,
        tpu.vector_store %arg12[%swap3A_740, %swap3A_741, %swap3A_742], %mul3A_738 {strides = array<i32>} : memref<2x80x128xf32, #tpu.memory_space<vmem>>, vector<16xf32>,
        %get3A_744 = arith.constant 1 : i32
        %get3A_745 = arith.index_cast %get3A_744 : i32 to index
        %get3A_746 = arith.index_cast %add3A_591 : i32 to index
        %get3A_747 = arith.constant 32 : index
        %get3A_748 = tpu.vector_load %arg11[%get3A_745, %get3A_746, %get3A_747] {strides = array<i32>} : memref<4x80x64xi32, #tpu.memory_space<vmem>>, vector<16xi32>,
        %shift_left3A_749 = arith.constant 16 : i32
        %shift_left3A_750 = vector.broadcast %shift_left3A_749 : i32 to vector<16xi32>
        %shift_left3A_751 = arith.shli %get3A_748, %shift_left3A_750 : vector<16xi32>
        %bitcast3A_752 = vector.bitcast %shift_left3A_751 : vector<16xi32> to vector<16xf32>
        %and3A_753 = arith.constant -65536 : i32
        %and3A_754 = vector.broadcast %and3A_753 : i32 to vector<16xi32>
        %and3A_755 = arith.andi %get3A_748, %and3A_754 : vector<16xi32>
        %bitcast3A_756 = vector.bitcast %and3A_755 : vector<16xi32> to vector<16xf32>
        %mul3A_757 = arith.mulf %bitcast3A_752, %gather3A_693 : vector<16xf32>
        %swap3A_758 = arith.constant 1 : i32
        %swap3A_759 = arith.index_cast %swap3A_758 : i32 to index
        %swap3A_760 = arith.index_cast %add3A_591 : i32 to index
        %swap3A_761 = arith.constant 64 : index
        %swap3A_762 = tpu.vector_load %arg12[%swap3A_759, %swap3A_760, %swap3A_761] {strides = array<i32>} : memref<2x80x128xf32, #tpu.memory_space<vmem>>, vector<16xf32>,
        tpu.vector_store %arg12[%swap3A_759, %swap3A_760, %swap3A_761], %mul3A_757 {strides = array<i32>} : memref<2x80x128xf32, #tpu.memory_space<vmem>>, vector<16xf32>,
        %mul3A_763 = arith.mulf %bitcast3A_756, %gather3A_693 : vector<16xf32>
        %swap3A_764 = arith.constant 1 : i32
        %swap3A_765 = arith.index_cast %swap3A_764 : i32 to index
        %swap3A_766 = arith.index_cast %add3A_591 : i32 to index
        %swap3A_767 = arith.constant 80 : index
        %swap3A_768 = tpu.vector_load %arg12[%swap3A_765, %swap3A_766, %swap3A_767] {strides = array<i32>} : memref<2x80x128xf32, #tpu.memory_space<vmem>>, vector<16xf32>,
        tpu.vector_store %arg12[%swap3A_765, %swap3A_766, %swap3A_767], %mul3A_763 {strides = array<i32>} : memref<2x80x128xf32, #tpu.memory_space<vmem>>, vector<16xf32>,
        %get3A_769 = arith.constant 1 : i32
        %get3A_770 = arith.index_cast %get3A_769 : i32 to index
        %get3A_771 = arith.index_cast %add3A_591 : i32 to index
        %get3A_772 = arith.constant 48 : index
        %get3A_773 = tpu.vector_load %arg11[%get3A_770, %get3A_771, %get3A_772] {strides = array<i32>} : memref<4x80x64xi32, #tpu.memory_space<vmem>>, vector<16xi32>,
        %shift_left3A_774 = arith.constant 16 : i32
        %shift_left3A_775 = vector.broadcast %shift_left3A_774 : i32 to vector<16xi32>
        %shift_left3A_776 = arith.shli %get3A_773, %shift_left3A_775 : vector<16xi32>
        %bitcast3A_777 = vector.bitcast %shift_left3A_776 : vector<16xi32> to vector<16xf32>
        %and3A_778 = arith.constant -65536 : i32
        %and3A_779 = vector.broadcast %and3A_778 : i32 to vector<16xi32>
        %and3A_780 = arith.andi %get3A_773, %and3A_779 : vector<16xi32>
        %bitcast3A_781 = vector.bitcast %and3A_780 : vector<16xi32> to vector<16xf32>
        %mul3A_782 = arith.mulf %bitcast3A_777, %gather3A_693 : vector<16xf32>
        %swap3A_783 = arith.constant 1 : i32
        %swap3A_784 = arith.index_cast %swap3A_783 : i32 to index
        %swap3A_785 = arith.index_cast %add3A_591 : i32 to index
        %swap3A_786 = arith.constant 96 : index
        %swap3A_787 = tpu.vector_load %arg12[%swap3A_784, %swap3A_785, %swap3A_786] {strides = array<i32>} : memref<2x80x128xf32, #tpu.memory_space<vmem>>, vector<16xf32>,
        tpu.vector_store %arg12[%swap3A_784, %swap3A_785, %swap3A_786], %mul3A_782 {strides = array<i32>} : memref<2x80x128xf32, #tpu.memory_space<vmem>>, vector<16xf32>,
        %mul3A_788 = arith.mulf %bitcast3A_781, %gather3A_693 : vector<16xf32>
        %swap3A_789 = arith.constant 1 : i32
        %swap3A_790 = arith.index_cast %swap3A_789 : i32 to index
        %swap3A_791 = arith.index_cast %add3A_591 : i32 to index
        %swap3A_792 = arith.constant 112 : index
        %swap3A_793 = tpu.vector_load %arg12[%swap3A_790, %swap3A_791, %swap3A_792] {strides = array<i32>} : memref<2x80x128xf32, #tpu.memory_space<vmem>>, vector<16xf32>,
        tpu.vector_store %arg12[%swap3A_790, %swap3A_791, %swap3A_792], %mul3A_788 {strides = array<i32>} : memref<2x80x128xf32, #tpu.memory_space<vmem>>, vector<16xf32>,
      }
      %scan3A_405 = arith.constant 40 : i32
      %dma_wait3A_406 = arith.constant 1 : i32
      %dma_wait3A_407 = arith.constant 0 : i32
      %dma_wait3A_408 = tpu.memref_slice %arg8[%dma_wait3A_406, %dma_wait3A_407] : memref<4x80xi32, #tpu.memory_space<vmem>> -> memref<1x80xi32, #tpu.memory_space<vmem>>
      %dma_wait3A_409 = tpu.memref_squeeze %dma_wait3A_408 : memref<1x80xi32, #tpu.memory_space<vmem>> -> memref<80xi32, #tpu.memory_space<vmem>>
      %dma_wait3A_410 = arith.constant 0 : i32
      %dma_wait3A_411 = tpu.memref_slice %arg3[%dma_wait3A_410] : memref<327680xi32, #tpu.memory_space<hbm>> -> memref<80xi32, #tpu.memory_space<hbm>>
      %dma_wait3A_412 = arith.constant 0 : i32
      %dma_wait3A_413 = tpu.memref_slice %arg8[%dma_wait3A_406, %dma_wait3A_412] : memref<4x80xi32, #tpu.memory_space<vmem>> -> memref<1x80xi32, #tpu.memory_space<vmem>>
      %dma_wait3A_414 = tpu.memref_squeeze %dma_wait3A_413 : memref<1x80xi32, #tpu.memory_space<vmem>> -> memref<80xi32, #tpu.memory_space<vmem>>
      %dma_wait3A_415 = arith.constant 0 : i32
      %dma_wait3A_416 = tpu.memref_slice %arg3[%dma_wait3A_415] : memref<327680xi32, #tpu.memory_space<hbm>> -> memref<80xi32, #tpu.memory_space<hbm>>
      tpu.wait_dma2 semaphore(%arg25 : memref<!tpu.dma_semaphore, #tpu.memory_space<semaphore_mem>>) src(%dma_wait3A_416 : memref<80xi32, #tpu.memory_space<hbm>>) dst(%dma_wait3A_414 : memref<80xi32, #tpu.memory_space<vmem>>)
      %dma_start3A_417 = arith.constant 1 : i32
      %dma_start3A_418 = arith.constant 1 : i32
      %dma_start3A_419 = arith.constant 0 : i32
      %dma_start3A_420 = arith.constant 0 : i32
      %dma_start3A_421 = tpu.memref_slice %arg12[%dma_start3A_417, %dma_start3A_419, %dma_start3A_420] : memref<2x80x128xf32, #tpu.memory_space<vmem>> -> memref<1x80x128xf32, #tpu.memory_space<vmem>>
      %dma_start3A_422 = tpu.memref_squeeze %dma_start3A_421 : memref<1x80x128xf32, #tpu.memory_space<vmem>> -> memref<80x128xf32, #tpu.memory_space<vmem>>
      %dma_start3A_423 = arith.constant 0 : i32
      %dma_start3A_424 = tpu.memref_slice %arg9[%dma_start3A_418, %dma_start3A_423] : memref<4x80xi32, #tpu.memory_space<vmem>> -> memref<1x80xi32, #tpu.memory_space<vmem>>
      %dma_start3A_425 = tpu.memref_squeeze %dma_start3A_424 : memref<1x80xi32, #tpu.memory_space<vmem>> -> memref<80xi32, #tpu.memory_space<vmem>>
      %dma_start3A_426 = arith.constant 0 : i32
      %dma_start3A_427 = arith.constant 0 : i32
      %dma_start3A_428 = tpu.memref_slice %arg13[%dma_start3A_426, %dma_start3A_427] : memref<10112x128xf32, #tpu.memory_space<vmem_shared>> -> memref<10112x128xf32, #tpu.memory_space<vmem_shared>>
      tpu.enqueue_indirect_dma source(%dma_start3A_422 : memref<80x128xf32, #tpu.memory_space<vmem>>) target(%dma_start3A_428 : memref<10112x128xf32, #tpu.memory_space<vmem_shared>>) offsets(%dma_start3A_425 : memref<80xi32, #tpu.memory_space<vmem>>) semaphore(%arg19 : memref<!tpu.dma_semaphore, #tpu.memory_space<semaphore_mem>>) {add = true}
      %mul3A_429 = arith.constant 4 : i32
      %mul3A_430 = arith.muli %mul3A_429, %while3A_272 : i32
      %add3A_431 = arith.constant 2 : i32
      %add3A_432 = arith.addi %mul3A_430, %add3A_431 : i32
      %dma_wait3A_433 = arith.constant 2 : i32
      %dma_wait3A_434 = arith.constant 0 : i32
      %dma_wait3A_435 = arith.constant 0 : i32
      %dma_wait3A_436 = tpu.memref_slice %arg11[%dma_wait3A_433, %dma_wait3A_434, %dma_wait3A_435] : memref<4x80x64xi32, #tpu.memory_space<vmem>> -> memref<1x80x64xi32, #tpu.memory_space<vmem>>
      %dma_wait3A_437 = tpu.memref_squeeze %dma_wait3A_436 : memref<1x80x64xi32, #tpu.memory_space<vmem>> -> memref<80x64xi32, #tpu.memory_space<vmem>>
      %dma_wait3A_438 = arith.constant 0 : i32
      %dma_wait3A_439 = arith.constant 0 : i32
      %dma_wait3A_440 = tpu.memref_slice %arg2[%dma_wait3A_438, %dma_wait3A_439] : memref<10000x64xi32, #tpu.memory_space<hbm>> -> memref<80x64xi32, #tpu.memory_space<hbm>>
      %dma_wait3A_441 = arith.constant 0 : i32
      %dma_wait3A_442 = arith.constant 0 : i32
      %dma_wait3A_443 = tpu.memref_slice %arg11[%dma_wait3A_433, %dma_wait3A_441, %dma_wait3A_442] : memref<4x80x64xi32, #tpu.memory_space<vmem>> -> memref<1x80x64xi32, #tpu.memory_space<vmem>>
      %dma_wait3A_444 = tpu.memref_squeeze %dma_wait3A_443 : memref<1x80x64xi32, #tpu.memory_space<vmem>> -> memref<80x64xi32, #tpu.memory_space<vmem>>
      %dma_wait3A_445 = arith.constant 0 : i32
      %dma_wait3A_446 = arith.constant 0 : i32
      %dma_wait3A_447 = tpu.memref_slice %arg2[%dma_wait3A_445, %dma_wait3A_446] : memref<10000x64xi32, #tpu.memory_space<hbm>> -> memref<80x64xi32, #tpu.memory_space<hbm>>
      tpu.wait_dma2 semaphore(%arg16 : memref<!tpu.dma_semaphore, #tpu.memory_space<semaphore_mem>>) src(%dma_wait3A_447 : memref<80x64xi32, #tpu.memory_space<hbm>>) dst(%dma_wait3A_444 : memref<80x64xi32, #tpu.memory_space<vmem>>)
      %ge3A_448 = arith.constant 2 : i32
      %ge3A_449 = arith.cmpi sge, %add3A_432, %ge3A_448 : i32
      %convert_element_type3A_450 = arith.extui %ge3A_449 : i1 to i32
      %cond3A_451 = arith.constant 0 : i32
      %cond3A_452 = arith.cmpi ne, %convert_element_type3A_450, %cond3A_451 : i32
      scf.if %cond3A_452 {
        %dma_wait3A_587 = arith.constant 0 : i32
        %dma_wait3A_588 = arith.constant 0 : i32
        %dma_wait3A_589 = arith.constant 0 : i32
        %dma_wait3A_590 = tpu.memref_slice %arg12[%dma_wait3A_587, %dma_wait3A_588, %dma_wait3A_589] : memref<2x80x128xf32, #tpu.memory_space<vmem>> -> memref<1x80x128xf32, #tpu.memory_space<vmem>>
        %dma_wait3A_591 = tpu.memref_squeeze %dma_wait3A_590 : memref<1x80x128xf32, #tpu.memory_space<vmem>> -> memref<80x128xf32, #tpu.memory_space<vmem>>
        %dma_wait3A_592 = arith.constant 0 : i32
        %dma_wait3A_593 = arith.constant 0 : i32
        %dma_wait3A_594 = tpu.memref_slice %arg6[%dma_wait3A_592, %dma_wait3A_593] : memref<10112x128xf32, #tpu.memory_space<hbm>> -> memref<80x128xf32, #tpu.memory_space<hbm>>
        %dma_wait3A_595 = arith.constant 0 : i32
        %dma_wait3A_596 = arith.constant 0 : i32
        %dma_wait3A_597 = tpu.memref_slice %arg12[%dma_wait3A_587, %dma_wait3A_595, %dma_wait3A_596] : memref<2x80x128xf32, #tpu.memory_space<vmem>> -> memref<1x80x128xf32, #tpu.memory_space<vmem>>
        %dma_wait3A_598 = tpu.memref_squeeze %dma_wait3A_597 : memref<1x80x128xf32, #tpu.memory_space<vmem>> -> memref<80x128xf32, #tpu.memory_space<vmem>>
        %dma_wait3A_599 = arith.constant 0 : i32
        %dma_wait3A_600 = arith.constant 0 : i32
        %dma_wait3A_601 = tpu.memref_slice %arg6[%dma_wait3A_599, %dma_wait3A_600] : memref<10112x128xf32, #tpu.memory_space<hbm>> -> memref<80x128xf32, #tpu.memory_space<hbm>>
        tpu.wait_dma2 semaphore(%arg18 : memref<!tpu.dma_semaphore, #tpu.memory_space<semaphore_mem>>) src(%dma_wait3A_601 : memref<80x128xf32, #tpu.memory_space<hbm>>) dst(%dma_wait3A_598 : memref<80x128xf32, #tpu.memory_space<vmem>>)
      } else {
      }
      %add3A_453 = arith.constant 2 : i32
      %add3A_454 = arith.addi %add3A_432, %add3A_453 : i32
      %lt3A_455 = arith.cmpi slt, %add3A_454, %select_n3A : i32
      %convert_element_type3A_456 = arith.extui %lt3A_455 : i1 to i32
      %cond3A_457 = arith.constant 0 : i32
      %cond3A_458 = arith.cmpi ne, %convert_element_type3A_456, %cond3A_457 : i32
      scf.if %cond3A_458 {
        %add3A_587 = arith.constant 2 : i32
        %add3A_588 = arith.addi %add3A_432, %add3A_587 : i32
        %mul3A_589 = arith.constant 80 : i32
        %mul3A_590 = arith.muli %add3A_588, %mul3A_589 : i32
        %add3A_591 = arith.addi %mul3A_10, %mul3A_590 : i32
        %dma_start3A_592 = arith.constant 0 : i32
        %dma_start3A_593 = arith.constant 0 : i32
        %dma_start3A_594 = tpu.memref_slice %arg9[%dma_start3A_592, %dma_start3A_593] : memref<4x80xi32, #tpu.memory_space<vmem>> -> memref<1x80xi32, #tpu.memory_space<vmem>>
        %dma_start3A_595 = tpu.memref_squeeze %dma_start3A_594 : memref<1x80xi32, #tpu.memory_space<vmem>> -> memref<80xi32, #tpu.memory_space<vmem>>
        %dma_start3A_596 = tpu.memref_slice %arg4[%add3A_591] : memref<327680xi32, #tpu.memory_space<hbm>> -> memref<80xi32, #tpu.memory_space<hbm>>
        %dma_start3A_597 = arith.constant 0 : i32
        %dma_start3A_598 = tpu.memref_slice %arg9[%dma_start3A_592, %dma_start3A_597] : memref<4x80xi32, #tpu.memory_space<vmem>> -> memref<1x80xi32, #tpu.memory_space<vmem>>
        %dma_start3A_599 = tpu.memref_squeeze %dma_start3A_598 : memref<1x80xi32, #tpu.memory_space<vmem>> -> memref<80xi32, #tpu.memory_space<vmem>>
        %dma_start3A_600 = tpu.memref_slice %arg4[%add3A_591] : memref<327680xi32, #tpu.memory_space<hbm>> -> memref<80xi32, #tpu.memory_space<hbm>>
        tpu.enqueue_dma source(%dma_start3A_600 : memref<80xi32, #tpu.memory_space<hbm>>) target(%dma_start3A_599 : memref<80xi32, #tpu.memory_space<vmem>>) target_semaphore(%arg24 : memref<!tpu.dma_semaphore, #tpu.memory_space<semaphore_mem>>)
        %mul3A_601 = arith.constant 80 : i32
        %mul3A_602 = arith.muli %add3A_588, %mul3A_601 : i32
        %add3A_603 = arith.addi %mul3A_10, %mul3A_602 : i32
        %dma_start3A_604 = arith.constant 0 : i32
        %dma_start3A_605 = tpu.memref_slice %arg10[%dma_start3A_604] : memref<320xf32, #tpu.memory_space<vmem>> -> memref<80xf32, #tpu.memory_space<vmem>>
        %dma_start3A_606 = tpu.memref_slice %arg5[%add3A_603] : memref<327680xf32, #tpu.memory_space<hbm>> -> memref<80xf32, #tpu.memory_space<hbm>>
        %dma_start3A_607 = arith.constant 0 : i32
        %dma_start3A_608 = tpu.memref_slice %arg10[%dma_start3A_607] : memref<320xf32, #tpu.memory_space<vmem>> -> memref<80xf32, #tpu.memory_space<vmem>>
        %dma_start3A_609 = tpu.memref_slice %arg5[%add3A_603] : memref<327680xf32, #tpu.memory_space<hbm>> -> memref<80xf32, #tpu.memory_space<hbm>>
        tpu.enqueue_dma source(%dma_start3A_609 : memref<80xf32, #tpu.memory_space<hbm>>) target(%dma_start3A_608 : memref<80xf32, #tpu.memory_space<vmem>>) target_semaphore(%arg28 : memref<!tpu.dma_semaphore, #tpu.memory_space<semaphore_mem>>)
      } else {
      }
      %add3A_459 = arith.constant 3 : i32
      %add3A_460 = arith.addi %add3A_432, %add3A_459 : i32
      %lt3A_461 = arith.cmpi slt, %add3A_460, %select_n3A : i32
      %convert_element_type3A_462 = arith.extui %lt3A_461 : i1 to i32
      %cond3A_463 = arith.constant 0 : i32
      %cond3A_464 = arith.cmpi ne, %convert_element_type3A_462, %cond3A_463 : i32
      scf.if %cond3A_464 {
        %dma_wait3A_587 = arith.constant 1 : i32
        %dma_wait3A_588 = arith.constant 0 : i32
        %dma_wait3A_589 = tpu.memref_slice %arg8[%dma_wait3A_587, %dma_wait3A_588] : memref<4x80xi32, #tpu.memory_space<vmem>> -> memref<1x80xi32, #tpu.memory_space<vmem>>
        %dma_wait3A_590 = tpu.memref_squeeze %dma_wait3A_589 : memref<1x80xi32, #tpu.memory_space<vmem>> -> memref<80xi32, #tpu.memory_space<vmem>>
        %dma_wait3A_591 = arith.constant 0 : i32
        %dma_wait3A_592 = tpu.memref_slice %arg3[%dma_wait3A_591] : memref<327680xi32, #tpu.memory_space<hbm>> -> memref<80xi32, #tpu.memory_space<hbm>>
        %dma_wait3A_593 = arith.constant 0 : i32
        %dma_wait3A_594 = tpu.memref_slice %arg8[%dma_wait3A_587, %dma_wait3A_593] : memref<4x80xi32, #tpu.memory_space<vmem>> -> memref<1x80xi32, #tpu.memory_space<vmem>>
        %dma_wait3A_595 = tpu.memref_squeeze %dma_wait3A_594 : memref<1x80xi32, #tpu.memory_space<vmem>> -> memref<80xi32, #tpu.memory_space<vmem>>
        %dma_wait3A_596 = arith.constant 0 : i32
        %dma_wait3A_597 = tpu.memref_slice %arg3[%dma_wait3A_596] : memref<327680xi32, #tpu.memory_space<hbm>> -> memref<80xi32, #tpu.memory_space<hbm>>
        tpu.wait_dma2 semaphore(%arg21 : memref<!tpu.dma_semaphore, #tpu.memory_space<semaphore_mem>>) src(%dma_wait3A_597 : memref<80xi32, #tpu.memory_space<hbm>>) dst(%dma_wait3A_595 : memref<80xi32, #tpu.memory_space<vmem>>)
        %dma_start3A_598 = arith.constant 1 : i32
        %dma_start3A_599 = arith.constant 1 : i32
        %dma_start3A_600 = arith.constant 0 : i32
        %dma_start3A_601 = arith.constant 0 : i32
        %dma_start3A_602 = tpu.memref_slice %arg11[%dma_start3A_599, %dma_start3A_600, %dma_start3A_601] : memref<4x80x64xi32, #tpu.memory_space<vmem>> -> memref<1x80x64xi32, #tpu.memory_space<vmem>>
        %dma_start3A_603 = tpu.memref_squeeze %dma_start3A_602 : memref<1x80x64xi32, #tpu.memory_space<vmem>> -> memref<80x64xi32, #tpu.memory_space<vmem>>
        %dma_start3A_604 = arith.constant 0 : i32
        %dma_start3A_605 = tpu.memref_slice %arg8[%dma_start3A_598, %dma_start3A_604] : memref<4x80xi32, #tpu.memory_space<vmem>> -> memref<1x80xi32, #tpu.memory_space<vmem>>
        %dma_start3A_606 = tpu.memref_squeeze %dma_start3A_605 : memref<1x80xi32, #tpu.memory_space<vmem>> -> memref<80xi32, #tpu.memory_space<vmem>>
        %dma_start3A_607 = arith.constant 0 : i32
        %dma_start3A_608 = arith.constant 0 : i32
        %dma_start3A_609 = tpu.memref_slice %arg2[%dma_start3A_607, %dma_start3A_608] : memref<10000x64xi32, #tpu.memory_space<hbm>> -> memref<10000x64xi32, #tpu.memory_space<hbm>>
        tpu.enqueue_indirect_dma source(%dma_start3A_609 : memref<10000x64xi32, #tpu.memory_space<hbm>>) target(%dma_start3A_603 : memref<80x64xi32, #tpu.memory_space<vmem>>) offsets(%dma_start3A_606 : memref<80xi32, #tpu.memory_space<vmem>>) semaphore(%arg15 : memref<!tpu.dma_semaphore, #tpu.memory_space<semaphore_mem>>)
      } else {
      }
      %add3A_465 = arith.constant 4 : i32
      %add3A_466 = arith.addi %add3A_432, %add3A_465 : i32
      %lt3A_467 = arith.cmpi slt, %add3A_466, %select_n3A : i32
      %convert_element_type3A_468 = arith.extui %lt3A_467 : i1 to i32
      %cond3A_469 = arith.constant 0 : i32
      %cond3A_470 = arith.cmpi ne, %convert_element_type3A_468, %cond3A_469 : i32
      scf.if %cond3A_470 {
        %add3A_587 = arith.constant 4 : i32
        %add3A_588 = arith.addi %add3A_432, %add3A_587 : i32
        %mul3A_589 = arith.constant 80 : i32
        %mul3A_590 = arith.muli %add3A_588, %mul3A_589 : i32
        %add3A_591 = arith.addi %mul3A_10, %mul3A_590 : i32
        %dma_start3A_592 = arith.constant 2 : i32
        %dma_start3A_593 = arith.constant 0 : i32
        %dma_start3A_594 = tpu.memref_slice %arg8[%dma_start3A_592, %dma_start3A_593] : memref<4x80xi32, #tpu.memory_space<vmem>> -> memref<1x80xi32, #tpu.memory_space<vmem>>
        %dma_start3A_595 = tpu.memref_squeeze %dma_start3A_594 : memref<1x80xi32, #tpu.memory_space<vmem>> -> memref<80xi32, #tpu.memory_space<vmem>>
        %dma_start3A_596 = tpu.memref_slice %arg3[%add3A_591] : memref<327680xi32, #tpu.memory_space<hbm>> -> memref<80xi32, #tpu.memory_space<hbm>>
        %dma_start3A_597 = arith.constant 0 : i32
        %dma_start3A_598 = tpu.memref_slice %arg8[%dma_start3A_592, %dma_start3A_597] : memref<4x80xi32, #tpu.memory_space<vmem>> -> memref<1x80xi32, #tpu.memory_space<vmem>>
        %dma_start3A_599 = tpu.memref_squeeze %dma_start3A_598 : memref<1x80xi32, #tpu.memory_space<vmem>> -> memref<80xi32, #tpu.memory_space<vmem>>
        %dma_start3A_600 = tpu.memref_slice %arg3[%add3A_591] : memref<327680xi32, #tpu.memory_space<hbm>> -> memref<80xi32, #tpu.memory_space<hbm>>
        tpu.enqueue_dma source(%dma_start3A_600 : memref<80xi32, #tpu.memory_space<hbm>>) target(%dma_start3A_599 : memref<80xi32, #tpu.memory_space<vmem>>) target_semaphore(%arg22 : memref<!tpu.dma_semaphore, #tpu.memory_space<semaphore_mem>>)
      } else {
      }
      %dma_wait3A_471 = arith.constant 160 : i32
      %dma_wait3A_472 = tpu.memref_slice %arg10[%dma_wait3A_471] : memref<320xf32, #tpu.memory_space<vmem>> -> memref<80xf32, #tpu.memory_space<vmem>>
      %dma_wait3A_473 = arith.constant 0 : i32
      %dma_wait3A_474 = tpu.memref_slice %arg5[%dma_wait3A_473] : memref<327680xf32, #tpu.memory_space<hbm>> -> memref<80xf32, #tpu.memory_space<hbm>>
      %dma_wait3A_475 = arith.constant 160 : i32
      %dma_wait3A_476 = tpu.memref_slice %arg10[%dma_wait3A_475] : memref<320xf32, #tpu.memory_space<vmem>> -> memref<80xf32, #tpu.memory_space<vmem>>
      %dma_wait3A_477 = arith.constant 0 : i32
      %dma_wait3A_478 = tpu.memref_slice %arg5[%dma_wait3A_477] : memref<327680xf32, #tpu.memory_space<hbm>> -> memref<80xf32, #tpu.memory_space<hbm>>
      tpu.wait_dma2 semaphore(%arg30 : memref<!tpu.dma_semaphore, #tpu.memory_space<semaphore_mem>>) src(%dma_wait3A_478 : memref<80xf32, #tpu.memory_space<hbm>>) dst(%dma_wait3A_476 : memref<80xf32, #tpu.memory_space<vmem>>)
      %scan3A_479 = arith.constant 0 : i32
      %scan3A_480 = arith.constant 0 : i32
      %scan3A_481 = arith.constant 40 : i32
      %scan3A_482 = arith.addi %scan3A_480, %scan3A_481 : i32
      %scan3A_483 = arith.constant 1 : i32
      scf.for %scan3A_587 = %scan3A_480 to %scan3A_482 step %scan3A_483  : i32 {
        %mul3A_588 = arith.constant 2 : i32
        %mul3A_589 = arith.muli %scan3A_587, %mul3A_588 : i32
        %add3A_590 = arith.constant 1 : i32
        %add3A_591 = arith.addi %mul3A_589, %add3A_590 : i32
        %add3A_592 = arith.constant 160 : i32
        %add3A_593 = arith.addi %add3A_592, %mul3A_589 : i32
        %broadcast_in_dim3A = vector.broadcast %add3A_593 : i32 to vector<16xi32>
        %gather3A = tpu.vector_load_idx %arg10[%broadcast_in_dim3A] : memref<320xf32, #tpu.memory_space<vmem>>[vector<16xi32>], vector<16xf32>,
        %get3A = arith.constant 2 : i32
        %get3A_594 = arith.index_cast %get3A : i32 to index
        %get3A_595 = arith.index_cast %mul3A_589 : i32 to index
        %get3A_596 = arith.constant 0 : index
        %get3A_597 = tpu.vector_load %arg11[%get3A_594, %get3A_595, %get3A_596] {strides = array<i32>} : memref<4x80x64xi32, #tpu.memory_space<vmem>>, vector<16xi32>,
        %shift_left3A = arith.constant 16 : i32
        %shift_left3A_598 = vector.broadcast %shift_left3A : i32 to vector<16xi32>
        %shift_left3A_599 = arith.shli %get3A_597, %shift_left3A_598 : vector<16xi32>
        %bitcast3A = vector.bitcast %shift_left3A_599 : vector<16xi32> to vector<16xf32>
        %and3A_600 = arith.constant -65536 : i32
        %and3A_601 = vector.broadcast %and3A_600 : i32 to vector<16xi32>
        %and3A_602 = arith.andi %get3A_597, %and3A_601 : vector<16xi32>
        %bitcast3A_603 = vector.bitcast %and3A_602 : vector<16xi32> to vector<16xf32>
        %mul3A_604 = arith.mulf %bitcast3A, %gather3A : vector<16xf32>
        %swap3A = arith.constant 0 : i32
        %swap3A_605 = arith.index_cast %swap3A : i32 to index
        %swap3A_606 = arith.index_cast %mul3A_589 : i32 to index
        %swap3A_607 = arith.constant 0 : index
        %swap3A_608 = tpu.vector_load %arg12[%swap3A_605, %swap3A_606, %swap3A_607] {strides = array<i32>} : memref<2x80x128xf32, #tpu.memory_space<vmem>>, vector<16xf32>,
        tpu.vector_store %arg12[%swap3A_605, %swap3A_606, %swap3A_607], %mul3A_604 {strides = array<i32>} : memref<2x80x128xf32, #tpu.memory_space<vmem>>, vector<16xf32>,
        %mul3A_609 = arith.mulf %bitcast3A_603, %gather3A : vector<16xf32>
        %swap3A_610 = arith.constant 0 : i32
        %swap3A_611 = arith.index_cast %swap3A_610 : i32 to index
        %swap3A_612 = arith.index_cast %mul3A_589 : i32 to index
        %swap3A_613 = arith.constant 16 : index
        %swap3A_614 = tpu.vector_load %arg12[%swap3A_611, %swap3A_612, %swap3A_613] {strides = array<i32>} : memref<2x80x128xf32, #tpu.memory_space<vmem>>, vector<16xf32>,
        tpu.vector_store %arg12[%swap3A_611, %swap3A_612, %swap3A_613], %mul3A_609 {strides = array<i32>} : memref<2x80x128xf32, #tpu.memory_space<vmem>>, vector<16xf32>,
        %get3A_615 = arith.constant 2 : i32
        %get3A_616 = arith.index_cast %get3A_615 : i32 to index
        %get3A_617 = arith.index_cast %mul3A_589 : i32 to index
        %get3A_618 = arith.constant 16 : index
        %get3A_619 = tpu.vector_load %arg11[%get3A_616, %get3A_617, %get3A_618] {strides = array<i32>} : memref<4x80x64xi32, #tpu.memory_space<vmem>>, vector<16xi32>,
        %shift_left3A_620 = arith.constant 16 : i32
        %shift_left3A_621 = vector.broadcast %shift_left3A_620 : i32 to vector<16xi32>
        %shift_left3A_622 = arith.shli %get3A_619, %shift_left3A_621 : vector<16xi32>
        %bitcast3A_623 = vector.bitcast %shift_left3A_622 : vector<16xi32> to vector<16xf32>
        %and3A_624 = arith.constant -65536 : i32
        %and3A_625 = vector.broadcast %and3A_624 : i32 to vector<16xi32>
        %and3A_626 = arith.andi %get3A_619, %and3A_625 : vector<16xi32>
        %bitcast3A_627 = vector.bitcast %and3A_626 : vector<16xi32> to vector<16xf32>
        %mul3A_628 = arith.mulf %bitcast3A_623, %gather3A : vector<16xf32>
        %swap3A_629 = arith.constant 0 : i32
        %swap3A_630 = arith.index_cast %swap3A_629 : i32 to index
        %swap3A_631 = arith.index_cast %mul3A_589 : i32 to index
        %swap3A_632 = arith.constant 32 : index
        %swap3A_633 = tpu.vector_load %arg12[%swap3A_630, %swap3A_631, %swap3A_632] {strides = array<i32>} : memref<2x80x128xf32, #tpu.memory_space<vmem>>, vector<16xf32>,
        tpu.vector_store %arg12[%swap3A_630, %swap3A_631, %swap3A_632], %mul3A_628 {strides = array<i32>} : memref<2x80x128xf32, #tpu.memory_space<vmem>>, vector<16xf32>,
        %mul3A_634 = arith.mulf %bitcast3A_627, %gather3A : vector<16xf32>
        %swap3A_635 = arith.constant 0 : i32
        %swap3A_636 = arith.index_cast %swap3A_635 : i32 to index
        %swap3A_637 = arith.index_cast %mul3A_589 : i32 to index
        %swap3A_638 = arith.constant 48 : index
        %swap3A_639 = tpu.vector_load %arg12[%swap3A_636, %swap3A_637, %swap3A_638] {strides = array<i32>} : memref<2x80x128xf32, #tpu.memory_space<vmem>>, vector<16xf32>,
        tpu.vector_store %arg12[%swap3A_636, %swap3A_637, %swap3A_638], %mul3A_634 {strides = array<i32>} : memref<2x80x128xf32, #tpu.memory_space<vmem>>, vector<16xf32>,
        %get3A_640 = arith.constant 2 : i32
        %get3A_641 = arith.index_cast %get3A_640 : i32 to index
        %get3A_642 = arith.index_cast %mul3A_589 : i32 to index
        %get3A_643 = arith.constant 32 : index
        %get3A_644 = tpu.vector_load %arg11[%get3A_641, %get3A_642, %get3A_643] {strides = array<i32>} : memref<4x80x64xi32, #tpu.memory_space<vmem>>, vector<16xi32>,
        %shift_left3A_645 = arith.constant 16 : i32
        %shift_left3A_646 = vector.broadcast %shift_left3A_645 : i32 to vector<16xi32>
        %shift_left3A_647 = arith.shli %get3A_644, %shift_left3A_646 : vector<16xi32>
        %bitcast3A_648 = vector.bitcast %shift_left3A_647 : vector<16xi32> to vector<16xf32>
        %and3A_649 = arith.constant -65536 : i32
        %and3A_650 = vector.broadcast %and3A_649 : i32 to vector<16xi32>
        %and3A_651 = arith.andi %get3A_644, %and3A_650 : vector<16xi32>
        %bitcast3A_652 = vector.bitcast %and3A_651 : vector<16xi32> to vector<16xf32>
        %mul3A_653 = arith.mulf %bitcast3A_648, %gather3A : vector<16xf32>
        %swap3A_654 = arith.constant 0 : i32
        %swap3A_655 = arith.index_cast %swap3A_654 : i32 to index
        %swap3A_656 = arith.index_cast %mul3A_589 : i32 to index
        %swap3A_657 = arith.constant 64 : index
        %swap3A_658 = tpu.vector_load %arg12[%swap3A_655, %swap3A_656, %swap3A_657] {strides = array<i32>} : memref<2x80x128xf32, #tpu.memory_space<vmem>>, vector<16xf32>,
        tpu.vector_store %arg12[%swap3A_655, %swap3A_656, %swap3A_657], %mul3A_653 {strides = array<i32>} : memref<2x80x128xf32, #tpu.memory_space<vmem>>, vector<16xf32>,
        %mul3A_659 = arith.mulf %bitcast3A_652, %gather3A : vector<16xf32>
        %swap3A_660 = arith.constant 0 : i32
        %swap3A_661 = arith.index_cast %swap3A_660 : i32 to index
        %swap3A_662 = arith.index_cast %mul3A_589 : i32 to index
        %swap3A_663 = arith.constant 80 : index
        %swap3A_664 = tpu.vector_load %arg12[%swap3A_661, %swap3A_662, %swap3A_663] {strides = array<i32>} : memref<2x80x128xf32, #tpu.memory_space<vmem>>, vector<16xf32>,
        tpu.vector_store %arg12[%swap3A_661, %swap3A_662, %swap3A_663], %mul3A_659 {strides = array<i32>} : memref<2x80x128xf32, #tpu.memory_space<vmem>>, vector<16xf32>,
        %get3A_665 = arith.constant 2 : i32
        %get3A_666 = arith.index_cast %get3A_665 : i32 to index
        %get3A_667 = arith.index_cast %mul3A_589 : i32 to index
        %get3A_668 = arith.constant 48 : index
        %get3A_669 = tpu.vector_load %arg11[%get3A_666, %get3A_667, %get3A_668] {strides = array<i32>} : memref<4x80x64xi32, #tpu.memory_space<vmem>>, vector<16xi32>,
        %shift_left3A_670 = arith.constant 16 : i32
        %shift_left3A_671 = vector.broadcast %shift_left3A_670 : i32 to vector<16xi32>
        %shift_left3A_672 = arith.shli %get3A_669, %shift_left3A_671 : vector<16xi32>
        %bitcast3A_673 = vector.bitcast %shift_left3A_672 : vector<16xi32> to vector<16xf32>
        %and3A_674 = arith.constant -65536 : i32
        %and3A_675 = vector.broadcast %and3A_674 : i32 to vector<16xi32>
        %and3A_676 = arith.andi %get3A_669, %and3A_675 : vector<16xi32>
        %bitcast3A_677 = vector.bitcast %and3A_676 : vector<16xi32> to vector<16xf32>
        %mul3A_678 = arith.mulf %bitcast3A_673, %gather3A : vector<16xf32>
        %swap3A_679 = arith.constant 0 : i32
        %swap3A_680 = arith.index_cast %swap3A_679 : i32 to index
        %swap3A_681 = arith.index_cast %mul3A_589 : i32 to index
        %swap3A_682 = arith.constant 96 : index
        %swap3A_683 = tpu.vector_load %arg12[%swap3A_680, %swap3A_681, %swap3A_682] {strides = array<i32>} : memref<2x80x128xf32, #tpu.memory_space<vmem>>, vector<16xf32>,
        tpu.vector_store %arg12[%swap3A_680, %swap3A_681, %swap3A_682], %mul3A_678 {strides = array<i32>} : memref<2x80x128xf32, #tpu.memory_space<vmem>>, vector<16xf32>,
        %mul3A_684 = arith.mulf %bitcast3A_677, %gather3A : vector<16xf32>
        %swap3A_685 = arith.constant 0 : i32
        %swap3A_686 = arith.index_cast %swap3A_685 : i32 to index
        %swap3A_687 = arith.index_cast %mul3A_589 : i32 to index
        %swap3A_688 = arith.constant 112 : index
        %swap3A_689 = tpu.vector_load %arg12[%swap3A_686, %swap3A_687, %swap3A_688] {strides = array<i32>} : memref<2x80x128xf32, #tpu.memory_space<vmem>>, vector<16xf32>,
        tpu.vector_store %arg12[%swap3A_686, %swap3A_687, %swap3A_688], %mul3A_684 {strides = array<i32>} : memref<2x80x128xf32, #tpu.memory_space<vmem>>, vector<16xf32>,
        %add3A_690 = arith.constant 160 : i32
        %add3A_691 = arith.addi %add3A_690, %add3A_591 : i32
        %broadcast_in_dim3A_692 = vector.broadcast %add3A_691 : i32 to vector<16xi32>
        %gather3A_693 = tpu.vector_load_idx %arg10[%broadcast_in_dim3A_692] : memref<320xf32, #tpu.memory_space<vmem>>[vector<16xi32>], vector<16xf32>,
        %get3A_694 = arith.constant 2 : i32
        %get3A_695 = arith.index_cast %get3A_694 : i32 to index
        %get3A_696 = arith.index_cast %add3A_591 : i32 to index
        %get3A_697 = arith.constant 0 : index
        %get3A_698 = tpu.vector_load %arg11[%get3A_695, %get3A_696, %get3A_697] {strides = array<i32>} : memref<4x80x64xi32, #tpu.memory_space<vmem>>, vector<16xi32>,
        %shift_left3A_699 = arith.constant 16 : i32
        %shift_left3A_700 = vector.broadcast %shift_left3A_699 : i32 to vector<16xi32>
        %shift_left3A_701 = arith.shli %get3A_698, %shift_left3A_700 : vector<16xi32>
        %bitcast3A_702 = vector.bitcast %shift_left3A_701 : vector<16xi32> to vector<16xf32>
        %and3A_703 = arith.constant -65536 : i32
        %and3A_704 = vector.broadcast %and3A_703 : i32 to vector<16xi32>
        %and3A_705 = arith.andi %get3A_698, %and3A_704 : vector<16xi32>
        %bitcast3A_706 = vector.bitcast %and3A_705 : vector<16xi32> to vector<16xf32>
        %mul3A_707 = arith.mulf %bitcast3A_702, %gather3A_693 : vector<16xf32>
        %swap3A_708 = arith.constant 0 : i32
        %swap3A_709 = arith.index_cast %swap3A_708 : i32 to index
        %swap3A_710 = arith.index_cast %add3A_591 : i32 to index
        %swap3A_711 = arith.constant 0 : index
        %swap3A_712 = tpu.vector_load %arg12[%swap3A_709, %swap3A_710, %swap3A_711] {strides = array<i32>} : memref<2x80x128xf32, #tpu.memory_space<vmem>>, vector<16xf32>,
        tpu.vector_store %arg12[%swap3A_709, %swap3A_710, %swap3A_711], %mul3A_707 {strides = array<i32>} : memref<2x80x128xf32, #tpu.memory_space<vmem>>, vector<16xf32>,
        %mul3A_713 = arith.mulf %bitcast3A_706, %gather3A_693 : vector<16xf32>
        %swap3A_714 = arith.constant 0 : i32
        %swap3A_715 = arith.index_cast %swap3A_714 : i32 to index
        %swap3A_716 = arith.index_cast %add3A_591 : i32 to index
        %swap3A_717 = arith.constant 16 : index
        %swap3A_718 = tpu.vector_load %arg12[%swap3A_715, %swap3A_716, %swap3A_717] {strides = array<i32>} : memref<2x80x128xf32, #tpu.memory_space<vmem>>, vector<16xf32>,
        tpu.vector_store %arg12[%swap3A_715, %swap3A_716, %swap3A_717], %mul3A_713 {strides = array<i32>} : memref<2x80x128xf32, #tpu.memory_space<vmem>>, vector<16xf32>,
        %get3A_719 = arith.constant 2 : i32
        %get3A_720 = arith.index_cast %get3A_719 : i32 to index
        %get3A_721 = arith.index_cast %add3A_591 : i32 to index
        %get3A_722 = arith.constant 16 : index
        %get3A_723 = tpu.vector_load %arg11[%get3A_720, %get3A_721, %get3A_722] {strides = array<i32>} : memref<4x80x64xi32, #tpu.memory_space<vmem>>, vector<16xi32>,
        %shift_left3A_724 = arith.constant 16 : i32
        %shift_left3A_725 = vector.broadcast %shift_left3A_724 : i32 to vector<16xi32>
        %shift_left3A_726 = arith.shli %get3A_723, %shift_left3A_725 : vector<16xi32>
        %bitcast3A_727 = vector.bitcast %shift_left3A_726 : vector<16xi32> to vector<16xf32>
        %and3A_728 = arith.constant -65536 : i32
        %and3A_729 = vector.broadcast %and3A_728 : i32 to vector<16xi32>
        %and3A_730 = arith.andi %get3A_723, %and3A_729 : vector<16xi32>
        %bitcast3A_731 = vector.bitcast %and3A_730 : vector<16xi32> to vector<16xf32>
        %mul3A_732 = arith.mulf %bitcast3A_727, %gather3A_693 : vector<16xf32>
        %swap3A_733 = arith.constant 0 : i32
        %swap3A_734 = arith.index_cast %swap3A_733 : i32 to index
        %swap3A_735 = arith.index_cast %add3A_591 : i32 to index
        %swap3A_736 = arith.constant 32 : index
        %swap3A_737 = tpu.vector_load %arg12[%swap3A_734, %swap3A_735, %swap3A_736] {strides = array<i32>} : memref<2x80x128xf32, #tpu.memory_space<vmem>>, vector<16xf32>,
        tpu.vector_store %arg12[%swap3A_734, %swap3A_735, %swap3A_736], %mul3A_732 {strides = array<i32>} : memref<2x80x128xf32, #tpu.memory_space<vmem>>, vector<16xf32>,
        %mul3A_738 = arith.mulf %bitcast3A_731, %gather3A_693 : vector<16xf32>
        %swap3A_739 = arith.constant 0 : i32
        %swap3A_740 = arith.index_cast %swap3A_739 : i32 to index
        %swap3A_741 = arith.index_cast %add3A_591 : i32 to index
        %swap3A_742 = arith.constant 48 : index
        %swap3A_743 = tpu.vector_load %arg12[%swap3A_740, %swap3A_741, %swap3A_742] {strides = array<i32>} : memref<2x80x128xf32, #tpu.memory_space<vmem>>, vector<16xf32>,
        tpu.vector_store %arg12[%swap3A_740, %swap3A_741, %swap3A_742], %mul3A_738 {strides = array<i32>} : memref<2x80x128xf32, #tpu.memory_space<vmem>>, vector<16xf32>,
        %get3A_744 = arith.constant 2 : i32
        %get3A_745 = arith.index_cast %get3A_744 : i32 to index
        %get3A_746 = arith.index_cast %add3A_591 : i32 to index
        %get3A_747 = arith.constant 32 : index
        %get3A_748 = tpu.vector_load %arg11[%get3A_745, %get3A_746, %get3A_747] {strides = array<i32>} : memref<4x80x64xi32, #tpu.memory_space<vmem>>, vector<16xi32>,
        %shift_left3A_749 = arith.constant 16 : i32
        %shift_left3A_750 = vector.broadcast %shift_left3A_749 : i32 to vector<16xi32>
        %shift_left3A_751 = arith.shli %get3A_748, %shift_left3A_750 : vector<16xi32>
        %bitcast3A_752 = vector.bitcast %shift_left3A_751 : vector<16xi32> to vector<16xf32>
        %and3A_753 = arith.constant -65536 : i32
        %and3A_754 = vector.broadcast %and3A_753 : i32 to vector<16xi32>
        %and3A_755 = arith.andi %get3A_748, %and3A_754 : vector<16xi32>
        %bitcast3A_756 = vector.bitcast %and3A_755 : vector<16xi32> to vector<16xf32>
        %mul3A_757 = arith.mulf %bitcast3A_752, %gather3A_693 : vector<16xf32>
        %swap3A_758 = arith.constant 0 : i32
        %swap3A_759 = arith.index_cast %swap3A_758 : i32 to index
        %swap3A_760 = arith.index_cast %add3A_591 : i32 to index
        %swap3A_761 = arith.constant 64 : index
        %swap3A_762 = tpu.vector_load %arg12[%swap3A_759, %swap3A_760, %swap3A_761] {strides = array<i32>} : memref<2x80x128xf32, #tpu.memory_space<vmem>>, vector<16xf32>,
        tpu.vector_store %arg12[%swap3A_759, %swap3A_760, %swap3A_761], %mul3A_757 {strides = array<i32>} : memref<2x80x128xf32, #tpu.memory_space<vmem>>, vector<16xf32>,
        %mul3A_763 = arith.mulf %bitcast3A_756, %gather3A_693 : vector<16xf32>
        %swap3A_764 = arith.constant 0 : i32
        %swap3A_765 = arith.index_cast %swap3A_764 : i32 to index
        %swap3A_766 = arith.index_cast %add3A_591 : i32 to index
        %swap3A_767 = arith.constant 80 : index
        %swap3A_768 = tpu.vector_load %arg12[%swap3A_765, %swap3A_766, %swap3A_767] {strides = array<i32>} : memref<2x80x128xf32, #tpu.memory_space<vmem>>, vector<16xf32>,
        tpu.vector_store %arg12[%swap3A_765, %swap3A_766, %swap3A_767], %mul3A_763 {strides = array<i32>} : memref<2x80x128xf32, #tpu.memory_space<vmem>>, vector<16xf32>,
        %get3A_769 = arith.constant 2 : i32
        %get3A_770 = arith.index_cast %get3A_769 : i32 to index
        %get3A_771 = arith.index_cast %add3A_591 : i32 to index
        %get3A_772 = arith.constant 48 : index
        %get3A_773 = tpu.vector_load %arg11[%get3A_770, %get3A_771, %get3A_772] {strides = array<i32>} : memref<4x80x64xi32, #tpu.memory_space<vmem>>, vector<16xi32>,
        %shift_left3A_774 = arith.constant 16 : i32
        %shift_left3A_775 = vector.broadcast %shift_left3A_774 : i32 to vector<16xi32>
        %shift_left3A_776 = arith.shli %get3A_773, %shift_left3A_775 : vector<16xi32>
        %bitcast3A_777 = vector.bitcast %shift_left3A_776 : vector<16xi32> to vector<16xf32>
        %and3A_778 = arith.constant -65536 : i32
        %and3A_779 = vector.broadcast %and3A_778 : i32 to vector<16xi32>
        %and3A_780 = arith.andi %get3A_773, %and3A_779 : vector<16xi32>
        %bitcast3A_781 = vector.bitcast %and3A_780 : vector<16xi32> to vector<16xf32>
        %mul3A_782 = arith.mulf %bitcast3A_777, %gather3A_693 : vector<16xf32>
        %swap3A_783 = arith.constant 0 : i32
        %swap3A_784 = arith.index_cast %swap3A_783 : i32 to index
        %swap3A_785 = arith.index_cast %add3A_591 : i32 to index
        %swap3A_786 = arith.constant 96 : index
        %swap3A_787 = tpu.vector_load %arg12[%swap3A_784, %swap3A_785, %swap3A_786] {strides = array<i32>} : memref<2x80x128xf32, #tpu.memory_space<vmem>>, vector<16xf32>,
        tpu.vector_store %arg12[%swap3A_784, %swap3A_785, %swap3A_786], %mul3A_782 {strides = array<i32>} : memref<2x80x128xf32, #tpu.memory_space<vmem>>, vector<16xf32>,
        %mul3A_788 = arith.mulf %bitcast3A_781, %gather3A_693 : vector<16xf32>
        %swap3A_789 = arith.constant 0 : i32
        %swap3A_790 = arith.index_cast %swap3A_789 : i32 to index
        %swap3A_791 = arith.index_cast %add3A_591 : i32 to index
        %swap3A_792 = arith.constant 112 : index
        %swap3A_793 = tpu.vector_load %arg12[%swap3A_790, %swap3A_791, %swap3A_792] {strides = array<i32>} : memref<2x80x128xf32, #tpu.memory_space<vmem>>, vector<16xf32>,
        tpu.vector_store %arg12[%swap3A_790, %swap3A_791, %swap3A_792], %mul3A_788 {strides = array<i32>} : memref<2x80x128xf32, #tpu.memory_space<vmem>>, vector<16xf32>,
      }
      %scan3A_484 = arith.constant 40 : i32
      %dma_wait3A_485 = arith.constant 2 : i32
      %dma_wait3A_486 = arith.constant 0 : i32
      %dma_wait3A_487 = tpu.memref_slice %arg8[%dma_wait3A_485, %dma_wait3A_486] : memref<4x80xi32, #tpu.memory_space<vmem>> -> memref<1x80xi32, #tpu.memory_space<vmem>>
      %dma_wait3A_488 = tpu.memref_squeeze %dma_wait3A_487 : memref<1x80xi32, #tpu.memory_space<vmem>> -> memref<80xi32, #tpu.memory_space<vmem>>
      %dma_wait3A_489 = arith.constant 0 : i32
      %dma_wait3A_490 = tpu.memref_slice %arg3[%dma_wait3A_489] : memref<327680xi32, #tpu.memory_space<hbm>> -> memref<80xi32, #tpu.memory_space<hbm>>
      %dma_wait3A_491 = arith.constant 0 : i32
      %dma_wait3A_492 = tpu.memref_slice %arg8[%dma_wait3A_485, %dma_wait3A_491] : memref<4x80xi32, #tpu.memory_space<vmem>> -> memref<1x80xi32, #tpu.memory_space<vmem>>
      %dma_wait3A_493 = tpu.memref_squeeze %dma_wait3A_492 : memref<1x80xi32, #tpu.memory_space<vmem>> -> memref<80xi32, #tpu.memory_space<vmem>>
      %dma_wait3A_494 = arith.constant 0 : i32
      %dma_wait3A_495 = tpu.memref_slice %arg3[%dma_wait3A_494] : memref<327680xi32, #tpu.memory_space<hbm>> -> memref<80xi32, #tpu.memory_space<hbm>>
      tpu.wait_dma2 semaphore(%arg26 : memref<!tpu.dma_semaphore, #tpu.memory_space<semaphore_mem>>) src(%dma_wait3A_495 : memref<80xi32, #tpu.memory_space<hbm>>) dst(%dma_wait3A_493 : memref<80xi32, #tpu.memory_space<vmem>>)
      %dma_start3A_496 = arith.constant 0 : i32
      %dma_start3A_497 = arith.constant 2 : i32
      %dma_start3A_498 = arith.constant 0 : i32
      %dma_start3A_499 = arith.constant 0 : i32
      %dma_start3A_500 = tpu.memref_slice %arg12[%dma_start3A_496, %dma_start3A_498, %dma_start3A_499] : memref<2x80x128xf32, #tpu.memory_space<vmem>> -> memref<1x80x128xf32, #tpu.memory_space<vmem>>
      %dma_start3A_501 = tpu.memref_squeeze %dma_start3A_500 : memref<1x80x128xf32, #tpu.memory_space<vmem>> -> memref<80x128xf32, #tpu.memory_space<vmem>>
      %dma_start3A_502 = arith.constant 0 : i32
      %dma_start3A_503 = tpu.memref_slice %arg9[%dma_start3A_497, %dma_start3A_502] : memref<4x80xi32, #tpu.memory_space<vmem>> -> memref<1x80xi32, #tpu.memory_space<vmem>>
      %dma_start3A_504 = tpu.memref_squeeze %dma_start3A_503 : memref<1x80xi32, #tpu.memory_space<vmem>> -> memref<80xi32, #tpu.memory_space<vmem>>
      %dma_start3A_505 = arith.constant 0 : i32
      %dma_start3A_506 = arith.constant 0 : i32
      %dma_start3A_507 = tpu.memref_slice %arg13[%dma_start3A_505, %dma_start3A_506] : memref<10112x128xf32, #tpu.memory_space<vmem_shared>> -> memref<10112x128xf32, #tpu.memory_space<vmem_shared>>
      tpu.enqueue_indirect_dma source(%dma_start3A_501 : memref<80x128xf32, #tpu.memory_space<vmem>>) target(%dma_start3A_507 : memref<10112x128xf32, #tpu.memory_space<vmem_shared>>) offsets(%dma_start3A_504 : memref<80xi32, #tpu.memory_space<vmem>>) semaphore(%arg18 : memref<!tpu.dma_semaphore, #tpu.memory_space<semaphore_mem>>) {add = true}
      %mul3A_508 = arith.constant 4 : i32
      %mul3A_509 = arith.muli %mul3A_508, %while3A_272 : i32
      %add3A_510 = arith.constant 3 : i32
      %add3A_511 = arith.addi %mul3A_509, %add3A_510 : i32
      %dma_wait3A_512 = arith.constant 3 : i32
      %dma_wait3A_513 = arith.constant 0 : i32
      %dma_wait3A_514 = arith.constant 0 : i32
      %dma_wait3A_515 = tpu.memref_slice %arg11[%dma_wait3A_512, %dma_wait3A_513, %dma_wait3A_514] : memref<4x80x64xi32, #tpu.memory_space<vmem>> -> memref<1x80x64xi32, #tpu.memory_space<vmem>>
      %dma_wait3A_516 = tpu.memref_squeeze %dma_wait3A_515 : memref<1x80x64xi32, #tpu.memory_space<vmem>> -> memref<80x64xi32, #tpu.memory_space<vmem>>
      %dma_wait3A_517 = arith.constant 0 : i32
      %dma_wait3A_518 = arith.constant 0 : i32
      %dma_wait3A_519 = tpu.memref_slice %arg2[%dma_wait3A_517, %dma_wait3A_518] : memref<10000x64xi32, #tpu.memory_space<hbm>> -> memref<80x64xi32, #tpu.memory_space<hbm>>
      %dma_wait3A_520 = arith.constant 0 : i32
      %dma_wait3A_521 = arith.constant 0 : i32
      %dma_wait3A_522 = tpu.memref_slice %arg11[%dma_wait3A_512, %dma_wait3A_520, %dma_wait3A_521] : memref<4x80x64xi32, #tpu.memory_space<vmem>> -> memref<1x80x64xi32, #tpu.memory_space<vmem>>
      %dma_wait3A_523 = tpu.memref_squeeze %dma_wait3A_522 : memref<1x80x64xi32, #tpu.memory_space<vmem>> -> memref<80x64xi32, #tpu.memory_space<vmem>>
      %dma_wait3A_524 = arith.constant 0 : i32
      %dma_wait3A_525 = arith.constant 0 : i32
      %dma_wait3A_526 = tpu.memref_slice %arg2[%dma_wait3A_524, %dma_wait3A_525] : memref<10000x64xi32, #tpu.memory_space<hbm>> -> memref<80x64xi32, #tpu.memory_space<hbm>>
      tpu.wait_dma2 semaphore(%arg17 : memref<!tpu.dma_semaphore, #tpu.memory_space<semaphore_mem>>) src(%dma_wait3A_526 : memref<80x64xi32, #tpu.memory_space<hbm>>) dst(%dma_wait3A_523 : memref<80x64xi32, #tpu.memory_space<vmem>>)
      %ge3A_527 = arith.constant 2 : i32
      %ge3A_528 = arith.cmpi sge, %add3A_511, %ge3A_527 : i32
      %convert_element_type3A_529 = arith.extui %ge3A_528 : i1 to i32
      %cond3A_530 = arith.constant 0 : i32
      %cond3A_531 = arith.cmpi ne, %convert_element_type3A_529, %cond3A_530 : i32
      scf.if %cond3A_531 {
        %dma_wait3A_587 = arith.constant 1 : i32
        %dma_wait3A_588 = arith.constant 0 : i32
        %dma_wait3A_589 = arith.constant 0 : i32
        %dma_wait3A_590 = tpu.memref_slice %arg12[%dma_wait3A_587, %dma_wait3A_588, %dma_wait3A_589] : memref<2x80x128xf32, #tpu.memory_space<vmem>> -> memref<1x80x128xf32, #tpu.memory_space<vmem>>
        %dma_wait3A_591 = tpu.memref_squeeze %dma_wait3A_590 : memref<1x80x128xf32, #tpu.memory_space<vmem>> -> memref<80x128xf32, #tpu.memory_space<vmem>>
        %dma_wait3A_592 = arith.constant 0 : i32
        %dma_wait3A_593 = arith.constant 0 : i32
        %dma_wait3A_594 = tpu.memref_slice %arg6[%dma_wait3A_592, %dma_wait3A_593] : memref<10112x128xf32, #tpu.memory_space<hbm>> -> memref<80x128xf32, #tpu.memory_space<hbm>>
        %dma_wait3A_595 = arith.constant 0 : i32
        %dma_wait3A_596 = arith.constant 0 : i32
        %dma_wait3A_597 = tpu.memref_slice %arg12[%dma_wait3A_587, %dma_wait3A_595, %dma_wait3A_596] : memref<2x80x128xf32, #tpu.memory_space<vmem>> -> memref<1x80x128xf32, #tpu.memory_space<vmem>>
        %dma_wait3A_598 = tpu.memref_squeeze %dma_wait3A_597 : memref<1x80x128xf32, #tpu.memory_space<vmem>> -> memref<80x128xf32, #tpu.memory_space<vmem>>
        %dma_wait3A_599 = arith.constant 0 : i32
        %dma_wait3A_600 = arith.constant 0 : i32
        %dma_wait3A_601 = tpu.memref_slice %arg6[%dma_wait3A_599, %dma_wait3A_600] : memref<10112x128xf32, #tpu.memory_space<hbm>> -> memref<80x128xf32, #tpu.memory_space<hbm>>
        tpu.wait_dma2 semaphore(%arg19 : memref<!tpu.dma_semaphore, #tpu.memory_space<semaphore_mem>>) src(%dma_wait3A_601 : memref<80x128xf32, #tpu.memory_space<hbm>>) dst(%dma_wait3A_598 : memref<80x128xf32, #tpu.memory_space<vmem>>)
      } else {
      }
      %add3A_532 = arith.constant 2 : i32
      %add3A_533 = arith.addi %add3A_511, %add3A_532 : i32
      %lt3A_534 = arith.cmpi slt, %add3A_533, %select_n3A : i32
      %convert_element_type3A_535 = arith.extui %lt3A_534 : i1 to i32
      %cond3A_536 = arith.constant 0 : i32
      %cond3A_537 = arith.cmpi ne, %convert_element_type3A_535, %cond3A_536 : i32
      scf.if %cond3A_537 {
        %add3A_587 = arith.constant 2 : i32
        %add3A_588 = arith.addi %add3A_511, %add3A_587 : i32
        %mul3A_589 = arith.constant 80 : i32
        %mul3A_590 = arith.muli %add3A_588, %mul3A_589 : i32
        %add3A_591 = arith.addi %mul3A_10, %mul3A_590 : i32
        %dma_start3A_592 = arith.constant 1 : i32
        %dma_start3A_593 = arith.constant 0 : i32
        %dma_start3A_594 = tpu.memref_slice %arg9[%dma_start3A_592, %dma_start3A_593] : memref<4x80xi32, #tpu.memory_space<vmem>> -> memref<1x80xi32, #tpu.memory_space<vmem>>
        %dma_start3A_595 = tpu.memref_squeeze %dma_start3A_594 : memref<1x80xi32, #tpu.memory_space<vmem>> -> memref<80xi32, #tpu.memory_space<vmem>>
        %dma_start3A_596 = tpu.memref_slice %arg4[%add3A_591] : memref<327680xi32, #tpu.memory_space<hbm>> -> memref<80xi32, #tpu.memory_space<hbm>>
        %dma_start3A_597 = arith.constant 0 : i32
        %dma_start3A_598 = tpu.memref_slice %arg9[%dma_start3A_592, %dma_start3A_597] : memref<4x80xi32, #tpu.memory_space<vmem>> -> memref<1x80xi32, #tpu.memory_space<vmem>>
        %dma_start3A_599 = tpu.memref_squeeze %dma_start3A_598 : memref<1x80xi32, #tpu.memory_space<vmem>> -> memref<80xi32, #tpu.memory_space<vmem>>
        %dma_start3A_600 = tpu.memref_slice %arg4[%add3A_591] : memref<327680xi32, #tpu.memory_space<hbm>> -> memref<80xi32, #tpu.memory_space<hbm>>
        tpu.enqueue_dma source(%dma_start3A_600 : memref<80xi32, #tpu.memory_space<hbm>>) target(%dma_start3A_599 : memref<80xi32, #tpu.memory_space<vmem>>) target_semaphore(%arg25 : memref<!tpu.dma_semaphore, #tpu.memory_space<semaphore_mem>>)
        %mul3A_601 = arith.constant 80 : i32
        %mul3A_602 = arith.muli %add3A_588, %mul3A_601 : i32
        %add3A_603 = arith.addi %mul3A_10, %mul3A_602 : i32
        %dma_start3A_604 = arith.constant 80 : i32
        %dma_start3A_605 = tpu.memref_slice %arg10[%dma_start3A_604] : memref<320xf32, #tpu.memory_space<vmem>> -> memref<80xf32, #tpu.memory_space<vmem>>
        %dma_start3A_606 = tpu.memref_slice %arg5[%add3A_603] : memref<327680xf32, #tpu.memory_space<hbm>> -> memref<80xf32, #tpu.memory_space<hbm>>
        %dma_start3A_607 = arith.constant 80 : i32
        %dma_start3A_608 = tpu.memref_slice %arg10[%dma_start3A_607] : memref<320xf32, #tpu.memory_space<vmem>> -> memref<80xf32, #tpu.memory_space<vmem>>
        %dma_start3A_609 = tpu.memref_slice %arg5[%add3A_603] : memref<327680xf32, #tpu.memory_space<hbm>> -> memref<80xf32, #tpu.memory_space<hbm>>
        tpu.enqueue_dma source(%dma_start3A_609 : memref<80xf32, #tpu.memory_space<hbm>>) target(%dma_start3A_608 : memref<80xf32, #tpu.memory_space<vmem>>) target_semaphore(%arg29 : memref<!tpu.dma_semaphore, #tpu.memory_space<semaphore_mem>>)
      } else {
      }
      %add3A_538 = arith.constant 3 : i32
      %add3A_539 = arith.addi %add3A_511, %add3A_538 : i32
      %lt3A_540 = arith.cmpi slt, %add3A_539, %select_n3A : i32
      %convert_element_type3A_541 = arith.extui %lt3A_540 : i1 to i32
      %cond3A_542 = arith.constant 0 : i32
      %cond3A_543 = arith.cmpi ne, %convert_element_type3A_541, %cond3A_542 : i32
      scf.if %cond3A_543 {
        %dma_wait3A_587 = arith.constant 2 : i32
        %dma_wait3A_588 = arith.constant 0 : i32
        %dma_wait3A_589 = tpu.memref_slice %arg8[%dma_wait3A_587, %dma_wait3A_588] : memref<4x80xi32, #tpu.memory_space<vmem>> -> memref<1x80xi32, #tpu.memory_space<vmem>>
        %dma_wait3A_590 = tpu.memref_squeeze %dma_wait3A_589 : memref<1x80xi32, #tpu.memory_space<vmem>> -> memref<80xi32, #tpu.memory_space<vmem>>
        %dma_wait3A_591 = arith.constant 0 : i32
        %dma_wait3A_592 = tpu.memref_slice %arg3[%dma_wait3A_591] : memref<327680xi32, #tpu.memory_space<hbm>> -> memref<80xi32, #tpu.memory_space<hbm>>
        %dma_wait3A_593 = arith.constant 0 : i32
        %dma_wait3A_594 = tpu.memref_slice %arg8[%dma_wait3A_587, %dma_wait3A_593] : memref<4x80xi32, #tpu.memory_space<vmem>> -> memref<1x80xi32, #tpu.memory_space<vmem>>
        %dma_wait3A_595 = tpu.memref_squeeze %dma_wait3A_594 : memref<1x80xi32, #tpu.memory_space<vmem>> -> memref<80xi32, #tpu.memory_space<vmem>>
        %dma_wait3A_596 = arith.constant 0 : i32
        %dma_wait3A_597 = tpu.memref_slice %arg3[%dma_wait3A_596] : memref<327680xi32, #tpu.memory_space<hbm>> -> memref<80xi32, #tpu.memory_space<hbm>>
        tpu.wait_dma2 semaphore(%arg22 : memref<!tpu.dma_semaphore, #tpu.memory_space<semaphore_mem>>) src(%dma_wait3A_597 : memref<80xi32, #tpu.memory_space<hbm>>) dst(%dma_wait3A_595 : memref<80xi32, #tpu.memory_space<vmem>>)
        %dma_start3A_598 = arith.constant 2 : i32
        %dma_start3A_599 = arith.constant 2 : i32
        %dma_start3A_600 = arith.constant 0 : i32
        %dma_start3A_601 = arith.constant 0 : i32
        %dma_start3A_602 = tpu.memref_slice %arg11[%dma_start3A_599, %dma_start3A_600, %dma_start3A_601] : memref<4x80x64xi32, #tpu.memory_space<vmem>> -> memref<1x80x64xi32, #tpu.memory_space<vmem>>
        %dma_start3A_603 = tpu.memref_squeeze %dma_start3A_602 : memref<1x80x64xi32, #tpu.memory_space<vmem>> -> memref<80x64xi32, #tpu.memory_space<vmem>>
        %dma_start3A_604 = arith.constant 0 : i32
        %dma_start3A_605 = tpu.memref_slice %arg8[%dma_start3A_598, %dma_start3A_604] : memref<4x80xi32, #tpu.memory_space<vmem>> -> memref<1x80xi32, #tpu.memory_space<vmem>>
        %dma_start3A_606 = tpu.memref_squeeze %dma_start3A_605 : memref<1x80xi32, #tpu.memory_space<vmem>> -> memref<80xi32, #tpu.memory_space<vmem>>
        %dma_start3A_607 = arith.constant 0 : i32
        %dma_start3A_608 = arith.constant 0 : i32
        %dma_start3A_609 = tpu.memref_slice %arg2[%dma_start3A_607, %dma_start3A_608] : memref<10000x64xi32, #tpu.memory_space<hbm>> -> memref<10000x64xi32, #tpu.memory_space<hbm>>
        tpu.enqueue_indirect_dma source(%dma_start3A_609 : memref<10000x64xi32, #tpu.memory_space<hbm>>) target(%dma_start3A_603 : memref<80x64xi32, #tpu.memory_space<vmem>>) offsets(%dma_start3A_606 : memref<80xi32, #tpu.memory_space<vmem>>) semaphore(%arg16 : memref<!tpu.dma_semaphore, #tpu.memory_space<semaphore_mem>>)
      } else {
      }
      %add3A_544 = arith.constant 4 : i32
      %add3A_545 = arith.addi %add3A_511, %add3A_544 : i32
      %lt3A_546 = arith.cmpi slt, %add3A_545, %select_n3A : i32
      %convert_element_type3A_547 = arith.extui %lt3A_546 : i1 to i32
      %cond3A_548 = arith.constant 0 : i32
      %cond3A_549 = arith.cmpi ne, %convert_element_type3A_547, %cond3A_548 : i32
      scf.if %cond3A_549 {
        %add3A_587 = arith.constant 4 : i32
        %add3A_588 = arith.addi %add3A_511, %add3A_587 : i32
        %mul3A_589 = arith.constant 80 : i32
        %mul3A_590 = arith.muli %add3A_588, %mul3A_589 : i32
        %add3A_591 = arith.addi %mul3A_10, %mul3A_590 : i32
        %dma_start3A_592 = arith.constant 3 : i32
        %dma_start3A_593 = arith.constant 0 : i32
        %dma_start3A_594 = tpu.memref_slice %arg8[%dma_start3A_592, %dma_start3A_593] : memref<4x80xi32, #tpu.memory_space<vmem>> -> memref<1x80xi32, #tpu.memory_space<vmem>>
        %dma_start3A_595 = tpu.memref_squeeze %dma_start3A_594 : memref<1x80xi32, #tpu.memory_space<vmem>> -> memref<80xi32, #tpu.memory_space<vmem>>
        %dma_start3A_596 = tpu.memref_slice %arg3[%add3A_591] : memref<327680xi32, #tpu.memory_space<hbm>> -> memref<80xi32, #tpu.memory_space<hbm>>
        %dma_start3A_597 = arith.constant 0 : i32
        %dma_start3A_598 = tpu.memref_slice %arg8[%dma_start3A_592, %dma_start3A_597] : memref<4x80xi32, #tpu.memory_space<vmem>> -> memref<1x80xi32, #tpu.memory_space<vmem>>
        %dma_start3A_599 = tpu.memref_squeeze %dma_start3A_598 : memref<1x80xi32, #tpu.memory_space<vmem>> -> memref<80xi32, #tpu.memory_space<vmem>>
        %dma_start3A_600 = tpu.memref_slice %arg3[%add3A_591] : memref<327680xi32, #tpu.memory_space<hbm>> -> memref<80xi32, #tpu.memory_space<hbm>>
        tpu.enqueue_dma source(%dma_start3A_600 : memref<80xi32, #tpu.memory_space<hbm>>) target(%dma_start3A_599 : memref<80xi32, #tpu.memory_space<vmem>>) target_semaphore(%arg23 : memref<!tpu.dma_semaphore, #tpu.memory_space<semaphore_mem>>)
      } else {
      }
      %dma_wait3A_550 = arith.constant 240 : i32
      %dma_wait3A_551 = tpu.memref_slice %arg10[%dma_wait3A_550] : memref<320xf32, #tpu.memory_space<vmem>> -> memref<80xf32, #tpu.memory_space<vmem>>
      %dma_wait3A_552 = arith.constant 0 : i32
      %dma_wait3A_553 = tpu.memref_slice %arg5[%dma_wait3A_552] : memref<327680xf32, #tpu.memory_space<hbm>> -> memref<80xf32, #tpu.memory_space<hbm>>
      %dma_wait3A_554 = arith.constant 240 : i32
      %dma_wait3A_555 = tpu.memref_slice %arg10[%dma_wait3A_554] : memref<320xf32, #tpu.memory_space<vmem>> -> memref<80xf32, #tpu.memory_space<vmem>>
      %dma_wait3A_556 = arith.constant 0 : i32
      %dma_wait3A_557 = tpu.memref_slice %arg5[%dma_wait3A_556] : memref<327680xf32, #tpu.memory_space<hbm>> -> memref<80xf32, #tpu.memory_space<hbm>>
      tpu.wait_dma2 semaphore(%arg31 : memref<!tpu.dma_semaphore, #tpu.memory_space<semaphore_mem>>) src(%dma_wait3A_557 : memref<80xf32, #tpu.memory_space<hbm>>) dst(%dma_wait3A_555 : memref<80xf32, #tpu.memory_space<vmem>>)
      %scan3A_558 = arith.constant 0 : i32
      %scan3A_559 = arith.constant 0 : i32
      %scan3A_560 = arith.constant 40 : i32
      %scan3A_561 = arith.addi %scan3A_559, %scan3A_560 : i32
      %scan3A_562 = arith.constant 1 : i32
      scf.for %scan3A_587 = %scan3A_559 to %scan3A_561 step %scan3A_562  : i32 {
        %mul3A_588 = arith.constant 2 : i32
        %mul3A_589 = arith.muli %scan3A_587, %mul3A_588 : i32
        %add3A_590 = arith.constant 1 : i32
        %add3A_591 = arith.addi %mul3A_589, %add3A_590 : i32
        %add3A_592 = arith.constant 240 : i32
        %add3A_593 = arith.addi %add3A_592, %mul3A_589 : i32
        %broadcast_in_dim3A = vector.broadcast %add3A_593 : i32 to vector<16xi32>
        %gather3A = tpu.vector_load_idx %arg10[%broadcast_in_dim3A] : memref<320xf32, #tpu.memory_space<vmem>>[vector<16xi32>], vector<16xf32>,
        %get3A = arith.constant 3 : i32
        %get3A_594 = arith.index_cast %get3A : i32 to index
        %get3A_595 = arith.index_cast %mul3A_589 : i32 to index
        %get3A_596 = arith.constant 0 : index
        %get3A_597 = tpu.vector_load %arg11[%get3A_594, %get3A_595, %get3A_596] {strides = array<i32>} : memref<4x80x64xi32, #tpu.memory_space<vmem>>, vector<16xi32>,
        %shift_left3A = arith.constant 16 : i32
        %shift_left3A_598 = vector.broadcast %shift_left3A : i32 to vector<16xi32>
        %shift_left3A_599 = arith.shli %get3A_597, %shift_left3A_598 : vector<16xi32>
        %bitcast3A = vector.bitcast %shift_left3A_599 : vector<16xi32> to vector<16xf32>
        %and3A_600 = arith.constant -65536 : i32
        %and3A_601 = vector.broadcast %and3A_600 : i32 to vector<16xi32>
        %and3A_602 = arith.andi %get3A_597, %and3A_601 : vector<16xi32>
        %bitcast3A_603 = vector.bitcast %and3A_602 : vector<16xi32> to vector<16xf32>
        %mul3A_604 = arith.mulf %bitcast3A, %gather3A : vector<16xf32>
        %swap3A = arith.constant 1 : i32
        %swap3A_605 = arith.index_cast %swap3A : i32 to index
        %swap3A_606 = arith.index_cast %mul3A_589 : i32 to index
        %swap3A_607 = arith.constant 0 : index
        %swap3A_608 = tpu.vector_load %arg12[%swap3A_605, %swap3A_606, %swap3A_607] {strides = array<i32>} : memref<2x80x128xf32, #tpu.memory_space<vmem>>, vector<16xf32>,
        tpu.vector_store %arg12[%swap3A_605, %swap3A_606, %swap3A_607], %mul3A_604 {strides = array<i32>} : memref<2x80x128xf32, #tpu.memory_space<vmem>>, vector<16xf32>,
        %mul3A_609 = arith.mulf %bitcast3A_603, %gather3A : vector<16xf32>
        %swap3A_610 = arith.constant 1 : i32
        %swap3A_611 = arith.index_cast %swap3A_610 : i32 to index
        %swap3A_612 = arith.index_cast %mul3A_589 : i32 to index
        %swap3A_613 = arith.constant 16 : index
        %swap3A_614 = tpu.vector_load %arg12[%swap3A_611, %swap3A_612, %swap3A_613] {strides = array<i32>} : memref<2x80x128xf32, #tpu.memory_space<vmem>>, vector<16xf32>,
        tpu.vector_store %arg12[%swap3A_611, %swap3A_612, %swap3A_613], %mul3A_609 {strides = array<i32>} : memref<2x80x128xf32, #tpu.memory_space<vmem>>, vector<16xf32>,
        %get3A_615 = arith.constant 3 : i32
        %get3A_616 = arith.index_cast %get3A_615 : i32 to index
        %get3A_617 = arith.index_cast %mul3A_589 : i32 to index
        %get3A_618 = arith.constant 16 : index
        %get3A_619 = tpu.vector_load %arg11[%get3A_616, %get3A_617, %get3A_618] {strides = array<i32>} : memref<4x80x64xi32, #tpu.memory_space<vmem>>, vector<16xi32>,
        %shift_left3A_620 = arith.constant 16 : i32
        %shift_left3A_621 = vector.broadcast %shift_left3A_620 : i32 to vector<16xi32>
        %shift_left3A_622 = arith.shli %get3A_619, %shift_left3A_621 : vector<16xi32>
        %bitcast3A_623 = vector.bitcast %shift_left3A_622 : vector<16xi32> to vector<16xf32>
        %and3A_624 = arith.constant -65536 : i32
        %and3A_625 = vector.broadcast %and3A_624 : i32 to vector<16xi32>
        %and3A_626 = arith.andi %get3A_619, %and3A_625 : vector<16xi32>
        %bitcast3A_627 = vector.bitcast %and3A_626 : vector<16xi32> to vector<16xf32>
        %mul3A_628 = arith.mulf %bitcast3A_623, %gather3A : vector<16xf32>
        %swap3A_629 = arith.constant 1 : i32
        %swap3A_630 = arith.index_cast %swap3A_629 : i32 to index
        %swap3A_631 = arith.index_cast %mul3A_589 : i32 to index
        %swap3A_632 = arith.constant 32 : index
        %swap3A_633 = tpu.vector_load %arg12[%swap3A_630, %swap3A_631, %swap3A_632] {strides = array<i32>} : memref<2x80x128xf32, #tpu.memory_space<vmem>>, vector<16xf32>,
        tpu.vector_store %arg12[%swap3A_630, %swap3A_631, %swap3A_632], %mul3A_628 {strides = array<i32>} : memref<2x80x128xf32, #tpu.memory_space<vmem>>, vector<16xf32>,
        %mul3A_634 = arith.mulf %bitcast3A_627, %gather3A : vector<16xf32>
        %swap3A_635 = arith.constant 1 : i32
        %swap3A_636 = arith.index_cast %swap3A_635 : i32 to index
        %swap3A_637 = arith.index_cast %mul3A_589 : i32 to index
        %swap3A_638 = arith.constant 48 : index
        %swap3A_639 = tpu.vector_load %arg12[%swap3A_636, %swap3A_637, %swap3A_638] {strides = array<i32>} : memref<2x80x128xf32, #tpu.memory_space<vmem>>, vector<16xf32>,
        tpu.vector_store %arg12[%swap3A_636, %swap3A_637, %swap3A_638], %mul3A_634 {strides = array<i32>} : memref<2x80x128xf32, #tpu.memory_space<vmem>>, vector<16xf32>,
        %get3A_640 = arith.constant 3 : i32
        %get3A_641 = arith.index_cast %get3A_640 : i32 to index
        %get3A_642 = arith.index_cast %mul3A_589 : i32 to index
        %get3A_643 = arith.constant 32 : index
        %get3A_644 = tpu.vector_load %arg11[%get3A_641, %get3A_642, %get3A_643] {strides = array<i32>} : memref<4x80x64xi32, #tpu.memory_space<vmem>>, vector<16xi32>,
        %shift_left3A_645 = arith.constant 16 : i32
        %shift_left3A_646 = vector.broadcast %shift_left3A_645 : i32 to vector<16xi32>
        %shift_left3A_647 = arith.shli %get3A_644, %shift_left3A_646 : vector<16xi32>
        %bitcast3A_648 = vector.bitcast %shift_left3A_647 : vector<16xi32> to vector<16xf32>
        %and3A_649 = arith.constant -65536 : i32
        %and3A_650 = vector.broadcast %and3A_649 : i32 to vector<16xi32>
        %and3A_651 = arith.andi %get3A_644, %and3A_650 : vector<16xi32>
        %bitcast3A_652 = vector.bitcast %and3A_651 : vector<16xi32> to vector<16xf32>
        %mul3A_653 = arith.mulf %bitcast3A_648, %gather3A : vector<16xf32>
        %swap3A_654 = arith.constant 1 : i32
        %swap3A_655 = arith.index_cast %swap3A_654 : i32 to index
        %swap3A_656 = arith.index_cast %mul3A_589 : i32 to index
        %swap3A_657 = arith.constant 64 : index
        %swap3A_658 = tpu.vector_load %arg12[%swap3A_655, %swap3A_656, %swap3A_657] {strides = array<i32>} : memref<2x80x128xf32, #tpu.memory_space<vmem>>, vector<16xf32>,
        tpu.vector_store %arg12[%swap3A_655, %swap3A_656, %swap3A_657], %mul3A_653 {strides = array<i32>} : memref<2x80x128xf32, #tpu.memory_space<vmem>>, vector<16xf32>,
        %mul3A_659 = arith.mulf %bitcast3A_652, %gather3A : vector<16xf32>
        %swap3A_660 = arith.constant 1 : i32
        %swap3A_661 = arith.index_cast %swap3A_660 : i32 to index
        %swap3A_662 = arith.index_cast %mul3A_589 : i32 to index
        %swap3A_663 = arith.constant 80 : index
        %swap3A_664 = tpu.vector_load %arg12[%swap3A_661, %swap3A_662, %swap3A_663] {strides = array<i32>} : memref<2x80x128xf32, #tpu.memory_space<vmem>>, vector<16xf32>,
        tpu.vector_store %arg12[%swap3A_661, %swap3A_662, %swap3A_663], %mul3A_659 {strides = array<i32>} : memref<2x80x128xf32, #tpu.memory_space<vmem>>, vector<16xf32>,
        %get3A_665 = arith.constant 3 : i32
        %get3A_666 = arith.index_cast %get3A_665 : i32 to index
        %get3A_667 = arith.index_cast %mul3A_589 : i32 to index
        %get3A_668 = arith.constant 48 : index
        %get3A_669 = tpu.vector_load %arg11[%get3A_666, %get3A_667, %get3A_668] {strides = array<i32>} : memref<4x80x64xi32, #tpu.memory_space<vmem>>, vector<16xi32>,
        %shift_left3A_670 = arith.constant 16 : i32
        %shift_left3A_671 = vector.broadcast %shift_left3A_670 : i32 to vector<16xi32>
        %shift_left3A_672 = arith.shli %get3A_669, %shift_left3A_671 : vector<16xi32>
        %bitcast3A_673 = vector.bitcast %shift_left3A_672 : vector<16xi32> to vector<16xf32>
        %and3A_674 = arith.constant -65536 : i32
        %and3A_675 = vector.broadcast %and3A_674 : i32 to vector<16xi32>
        %and3A_676 = arith.andi %get3A_669, %and3A_675 : vector<16xi32>
        %bitcast3A_677 = vector.bitcast %and3A_676 : vector<16xi32> to vector<16xf32>
        %mul3A_678 = arith.mulf %bitcast3A_673, %gather3A : vector<16xf32>
        %swap3A_679 = arith.constant 1 : i32
        %swap3A_680 = arith.index_cast %swap3A_679 : i32 to index
        %swap3A_681 = arith.index_cast %mul3A_589 : i32 to index
        %swap3A_682 = arith.constant 96 : index
        %swap3A_683 = tpu.vector_load %arg12[%swap3A_680, %swap3A_681, %swap3A_682] {strides = array<i32>} : memref<2x80x128xf32, #tpu.memory_space<vmem>>, vector<16xf32>,
        tpu.vector_store %arg12[%swap3A_680, %swap3A_681, %swap3A_682], %mul3A_678 {strides = array<i32>} : memref<2x80x128xf32, #tpu.memory_space<vmem>>, vector<16xf32>,
        %mul3A_684 = arith.mulf %bitcast3A_677, %gather3A : vector<16xf32>
        %swap3A_685 = arith.constant 1 : i32
        %swap3A_686 = arith.index_cast %swap3A_685 : i32 to index
        %swap3A_687 = arith.index_cast %mul3A_589 : i32 to index
        %swap3A_688 = arith.constant 112 : index
        %swap3A_689 = tpu.vector_load %arg12[%swap3A_686, %swap3A_687, %swap3A_688] {strides = array<i32>} : memref<2x80x128xf32, #tpu.memory_space<vmem>>, vector<16xf32>,
        tpu.vector_store %arg12[%swap3A_686, %swap3A_687, %swap3A_688], %mul3A_684 {strides = array<i32>} : memref<2x80x128xf32, #tpu.memory_space<vmem>>, vector<16xf32>,
        %add3A_690 = arith.constant 240 : i32
        %add3A_691 = arith.addi %add3A_690, %add3A_591 : i32
        %broadcast_in_dim3A_692 = vector.broadcast %add3A_691 : i32 to vector<16xi32>
        %gather3A_693 = tpu.vector_load_idx %arg10[%broadcast_in_dim3A_692] : memref<320xf32, #tpu.memory_space<vmem>>[vector<16xi32>], vector<16xf32>,
        %get3A_694 = arith.constant 3 : i32
        %get3A_695 = arith.index_cast %get3A_694 : i32 to index
        %get3A_696 = arith.index_cast %add3A_591 : i32 to index
        %get3A_697 = arith.constant 0 : index
        %get3A_698 = tpu.vector_load %arg11[%get3A_695, %get3A_696, %get3A_697] {strides = array<i32>} : memref<4x80x64xi32, #tpu.memory_space<vmem>>, vector<16xi32>,
        %shift_left3A_699 = arith.constant 16 : i32
        %shift_left3A_700 = vector.broadcast %shift_left3A_699 : i32 to vector<16xi32>
        %shift_left3A_701 = arith.shli %get3A_698, %shift_left3A_700 : vector<16xi32>
        %bitcast3A_702 = vector.bitcast %shift_left3A_701 : vector<16xi32> to vector<16xf32>
        %and3A_703 = arith.constant -65536 : i32
        %and3A_704 = vector.broadcast %and3A_703 : i32 to vector<16xi32>
        %and3A_705 = arith.andi %get3A_698, %and3A_704 : vector<16xi32>
        %bitcast3A_706 = vector.bitcast %and3A_705 : vector<16xi32> to vector<16xf32>
        %mul3A_707 = arith.mulf %bitcast3A_702, %gather3A_693 : vector<16xf32>
        %swap3A_708 = arith.constant 1 : i32
        %swap3A_709 = arith.index_cast %swap3A_708 : i32 to index
        %swap3A_710 = arith.index_cast %add3A_591 : i32 to index
        %swap3A_711 = arith.constant 0 : index
        %swap3A_712 = tpu.vector_load %arg12[%swap3A_709, %swap3A_710, %swap3A_711] {strides = array<i32>} : memref<2x80x128xf32, #tpu.memory_space<vmem>>, vector<16xf32>,
        tpu.vector_store %arg12[%swap3A_709, %swap3A_710, %swap3A_711], %mul3A_707 {strides = array<i32>} : memref<2x80x128xf32, #tpu.memory_space<vmem>>, vector<16xf32>,
        %mul3A_713 = arith.mulf %bitcast3A_706, %gather3A_693 : vector<16xf32>
        %swap3A_714 = arith.constant 1 : i32
        %swap3A_715 = arith.index_cast %swap3A_714 : i32 to index
        %swap3A_716 = arith.index_cast %add3A_591 : i32 to index
        %swap3A_717 = arith.constant 16 : index
        %swap3A_718 = tpu.vector_load %arg12[%swap3A_715, %swap3A_716, %swap3A_717] {strides = array<i32>} : memref<2x80x128xf32, #tpu.memory_space<vmem>>, vector<16xf32>,
        tpu.vector_store %arg12[%swap3A_715, %swap3A_716, %swap3A_717], %mul3A_713 {strides = array<i32>} : memref<2x80x128xf32, #tpu.memory_space<vmem>>, vector<16xf32>,
        %get3A_719 = arith.constant 3 : i32
        %get3A_720 = arith.index_cast %get3A_719 : i32 to index
        %get3A_721 = arith.index_cast %add3A_591 : i32 to index
        %get3A_722 = arith.constant 16 : index
        %get3A_723 = tpu.vector_load %arg11[%get3A_720, %get3A_721, %get3A_722] {strides = array<i32>} : memref<4x80x64xi32, #tpu.memory_space<vmem>>, vector<16xi32>,
        %shift_left3A_724 = arith.constant 16 : i32
        %shift_left3A_725 = vector.broadcast %shift_left3A_724 : i32 to vector<16xi32>
        %shift_left3A_726 = arith.shli %get3A_723, %shift_left3A_725 : vector<16xi32>
        %bitcast3A_727 = vector.bitcast %shift_left3A_726 : vector<16xi32> to vector<16xf32>
        %and3A_728 = arith.constant -65536 : i32
        %and3A_729 = vector.broadcast %and3A_728 : i32 to vector<16xi32>
        %and3A_730 = arith.andi %get3A_723, %and3A_729 : vector<16xi32>
        %bitcast3A_731 = vector.bitcast %and3A_730 : vector<16xi32> to vector<16xf32>
        %mul3A_732 = arith.mulf %bitcast3A_727, %gather3A_693 : vector<16xf32>
        %swap3A_733 = arith.constant 1 : i32
        %swap3A_734 = arith.index_cast %swap3A_733 : i32 to index
        %swap3A_735 = arith.index_cast %add3A_591 : i32 to index
        %swap3A_736 = arith.constant 32 : index
        %swap3A_737 = tpu.vector_load %arg12[%swap3A_734, %swap3A_735, %swap3A_736] {strides = array<i32>} : memref<2x80x128xf32, #tpu.memory_space<vmem>>, vector<16xf32>,
        tpu.vector_store %arg12[%swap3A_734, %swap3A_735, %swap3A_736], %mul3A_732 {strides = array<i32>} : memref<2x80x128xf32, #tpu.memory_space<vmem>>, vector<16xf32>,
        %mul3A_738 = arith.mulf %bitcast3A_731, %gather3A_693 : vector<16xf32>
        %swap3A_739 = arith.constant 1 : i32
        %swap3A_740 = arith.index_cast %swap3A_739 : i32 to index
        %swap3A_741 = arith.index_cast %add3A_591 : i32 to index
        %swap3A_742 = arith.constant 48 : index
        %swap3A_743 = tpu.vector_load %arg12[%swap3A_740, %swap3A_741, %swap3A_742] {strides = array<i32>} : memref<2x80x128xf32, #tpu.memory_space<vmem>>, vector<16xf32>,
        tpu.vector_store %arg12[%swap3A_740, %swap3A_741, %swap3A_742], %mul3A_738 {strides = array<i32>} : memref<2x80x128xf32, #tpu.memory_space<vmem>>, vector<16xf32>,
        %get3A_744 = arith.constant 3 : i32
        %get3A_745 = arith.index_cast %get3A_744 : i32 to index
        %get3A_746 = arith.index_cast %add3A_591 : i32 to index
        %get3A_747 = arith.constant 32 : index
        %get3A_748 = tpu.vector_load %arg11[%get3A_745, %get3A_746, %get3A_747] {strides = array<i32>} : memref<4x80x64xi32, #tpu.memory_space<vmem>>, vector<16xi32>,
        %shift_left3A_749 = arith.constant 16 : i32
        %shift_left3A_750 = vector.broadcast %shift_left3A_749 : i32 to vector<16xi32>
        %shift_left3A_751 = arith.shli %get3A_748, %shift_left3A_750 : vector<16xi32>
        %bitcast3A_752 = vector.bitcast %shift_left3A_751 : vector<16xi32> to vector<16xf32>
        %and3A_753 = arith.constant -65536 : i32
        %and3A_754 = vector.broadcast %and3A_753 : i32 to vector<16xi32>
        %and3A_755 = arith.andi %get3A_748, %and3A_754 : vector<16xi32>
        %bitcast3A_756 = vector.bitcast %and3A_755 : vector<16xi32> to vector<16xf32>
        %mul3A_757 = arith.mulf %bitcast3A_752, %gather3A_693 : vector<16xf32>
        %swap3A_758 = arith.constant 1 : i32
        %swap3A_759 = arith.index_cast %swap3A_758 : i32 to index
        %swap3A_760 = arith.index_cast %add3A_591 : i32 to index
        %swap3A_761 = arith.constant 64 : index
        %swap3A_762 = tpu.vector_load %arg12[%swap3A_759, %swap3A_760, %swap3A_761] {strides = array<i32>} : memref<2x80x128xf32, #tpu.memory_space<vmem>>, vector<16xf32>,
        tpu.vector_store %arg12[%swap3A_759, %swap3A_760, %swap3A_761], %mul3A_757 {strides = array<i32>} : memref<2x80x128xf32, #tpu.memory_space<vmem>>, vector<16xf32>,
        %mul3A_763 = arith.mulf %bitcast3A_756, %gather3A_693 : vector<16xf32>
        %swap3A_764 = arith.constant 1 : i32
        %swap3A_765 = arith.index_cast %swap3A_764 : i32 to index
        %swap3A_766 = arith.index_cast %add3A_591 : i32 to index
        %swap3A_767 = arith.constant 80 : index
        %swap3A_768 = tpu.vector_load %arg12[%swap3A_765, %swap3A_766, %swap3A_767] {strides = array<i32>} : memref<2x80x128xf32, #tpu.memory_space<vmem>>, vector<16xf32>,
        tpu.vector_store %arg12[%swap3A_765, %swap3A_766, %swap3A_767], %mul3A_763 {strides = array<i32>} : memref<2x80x128xf32, #tpu.memory_space<vmem>>, vector<16xf32>,
        %get3A_769 = arith.constant 3 : i32
        %get3A_770 = arith.index_cast %get3A_769 : i32 to index
        %get3A_771 = arith.index_cast %add3A_591 : i32 to index
        %get3A_772 = arith.constant 48 : index
        %get3A_773 = tpu.vector_load %arg11[%get3A_770, %get3A_771, %get3A_772] {strides = array<i32>} : memref<4x80x64xi32, #tpu.memory_space<vmem>>, vector<16xi32>,
        %shift_left3A_774 = arith.constant 16 : i32
        %shift_left3A_775 = vector.broadcast %shift_left3A_774 : i32 to vector<16xi32>
        %shift_left3A_776 = arith.shli %get3A_773, %shift_left3A_775 : vector<16xi32>
        %bitcast3A_777 = vector.bitcast %shift_left3A_776 : vector<16xi32> to vector<16xf32>
        %and3A_778 = arith.constant -65536 : i32
        %and3A_779 = vector.broadcast %and3A_778 : i32 to vector<16xi32>
        %and3A_780 = arith.andi %get3A_773, %and3A_779 : vector<16xi32>
        %bitcast3A_781 = vector.bitcast %and3A_780 : vector<16xi32> to vector<16xf32>
        %mul3A_782 = arith.mulf %bitcast3A_777, %gather3A_693 : vector<16xf32>
        %swap3A_783 = arith.constant 1 : i32
        %swap3A_784 = arith.index_cast %swap3A_783 : i32 to index
        %swap3A_785 = arith.index_cast %add3A_591 : i32 to index
        %swap3A_786 = arith.constant 96 : index
        %swap3A_787 = tpu.vector_load %arg12[%swap3A_784, %swap3A_785, %swap3A_786] {strides = array<i32>} : memref<2x80x128xf32, #tpu.memory_space<vmem>>, vector<16xf32>,
        tpu.vector_store %arg12[%swap3A_784, %swap3A_785, %swap3A_786], %mul3A_782 {strides = array<i32>} : memref<2x80x128xf32, #tpu.memory_space<vmem>>, vector<16xf32>,
        %mul3A_788 = arith.mulf %bitcast3A_781, %gather3A_693 : vector<16xf32>
        %swap3A_789 = arith.constant 1 : i32
        %swap3A_790 = arith.index_cast %swap3A_789 : i32 to index
        %swap3A_791 = arith.index_cast %add3A_591 : i32 to index
        %swap3A_792 = arith.constant 112 : index
        %swap3A_793 = tpu.vector_load %arg12[%swap3A_790, %swap3A_791, %swap3A_792] {strides = array<i32>} : memref<2x80x128xf32, #tpu.memory_space<vmem>>, vector<16xf32>,
        tpu.vector_store %arg12[%swap3A_790, %swap3A_791, %swap3A_792], %mul3A_788 {strides = array<i32>} : memref<2x80x128xf32, #tpu.memory_space<vmem>>, vector<16xf32>,
      }
      %scan3A_563 = arith.constant 40 : i32
      %dma_wait3A_564 = arith.constant 3 : i32
      %dma_wait3A_565 = arith.constant 0 : i32
      %dma_wait3A_566 = tpu.memref_slice %arg8[%dma_wait3A_564, %dma_wait3A_565] : memref<4x80xi32, #tpu.memory_space<vmem>> -> memref<1x80xi32, #tpu.memory_space<vmem>>
      %dma_wait3A_567 = tpu.memref_squeeze %dma_wait3A_566 : memref<1x80xi32, #tpu.memory_space<vmem>> -> memref<80xi32, #tpu.memory_space<vmem>>
      %dma_wait3A_568 = arith.constant 0 : i32
      %dma_wait3A_569 = tpu.memref_slice %arg3[%dma_wait3A_568] : memref<327680xi32, #tpu.memory_space<hbm>> -> memref<80xi32, #tpu.memory_space<hbm>>
      %dma_wait3A_570 = arith.constant 0 : i32
      %dma_wait3A_571 = tpu.memref_slice %arg8[%dma_wait3A_564, %dma_wait3A_570] : memref<4x80xi32, #tpu.memory_space<vmem>> -> memref<1x80xi32, #tpu.memory_space<vmem>>
      %dma_wait3A_572 = tpu.memref_squeeze %dma_wait3A_571 : memref<1x80xi32, #tpu.memory_space<vmem>> -> memref<80xi32, #tpu.memory_space<vmem>>
      %dma_wait3A_573 = arith.constant 0 : i32
      %dma_wait3A_574 = tpu.memref_slice %arg3[%dma_wait3A_573] : memref<327680xi32, #tpu.memory_space<hbm>> -> memref<80xi32, #tpu.memory_space<hbm>>
      tpu.wait_dma2 semaphore(%arg27 : memref<!tpu.dma_semaphore, #tpu.memory_space<semaphore_mem>>) src(%dma_wait3A_574 : memref<80xi32, #tpu.memory_space<hbm>>) dst(%dma_wait3A_572 : memref<80xi32, #tpu.memory_space<vmem>>)
      %dma_start3A_575 = arith.constant 1 : i32
      %dma_start3A_576 = arith.constant 3 : i32
      %dma_start3A_577 = arith.constant 0 : i32
      %dma_start3A_578 = arith.constant 0 : i32
      %dma_start3A_579 = tpu.memref_slice %arg12[%dma_start3A_575, %dma_start3A_577, %dma_start3A_578] : memref<2x80x128xf32, #tpu.memory_space<vmem>> -> memref<1x80x128xf32, #tpu.memory_space<vmem>>
      %dma_start3A_580 = tpu.memref_squeeze %dma_start3A_579 : memref<1x80x128xf32, #tpu.memory_space<vmem>> -> memref<80x128xf32, #tpu.memory_space<vmem>>
      %dma_start3A_581 = arith.constant 0 : i32
      %dma_start3A_582 = tpu.memref_slice %arg9[%dma_start3A_576, %dma_start3A_581] : memref<4x80xi32, #tpu.memory_space<vmem>> -> memref<1x80xi32, #tpu.memory_space<vmem>>
      %dma_start3A_583 = tpu.memref_squeeze %dma_start3A_582 : memref<1x80xi32, #tpu.memory_space<vmem>> -> memref<80xi32, #tpu.memory_space<vmem>>
      %dma_start3A_584 = arith.constant 0 : i32
      %dma_start3A_585 = arith.constant 0 : i32
      %dma_start3A_586 = tpu.memref_slice %arg13[%dma_start3A_584, %dma_start3A_585] : memref<10112x128xf32, #tpu.memory_space<vmem_shared>> -> memref<10112x128xf32, #tpu.memory_space<vmem_shared>>
      tpu.enqueue_indirect_dma source(%dma_start3A_580 : memref<80x128xf32, #tpu.memory_space<vmem>>) target(%dma_start3A_586 : memref<10112x128xf32, #tpu.memory_space<vmem_shared>>) offsets(%dma_start3A_583 : memref<80xi32, #tpu.memory_space<vmem>>) semaphore(%arg19 : memref<!tpu.dma_semaphore, #tpu.memory_space<semaphore_mem>>) {add = true}
    }
    %while3A_232 = arith.constant 1 : i32
    scf.for %while3A_272 = %while3A_230 to %while3A_226 step %while3A_232  : i32 {
      %mul3A_273 = arith.constant 4 : i32
      %mul3A_274 = arith.muli %mul3A_273, %while3A_272 : i32
      %add3A_275 = arith.constant 0 : i32
      %add3A_276 = arith.addi %mul3A_274, %add3A_275 : i32
      %dma_wait3A_277 = arith.constant 0 : i32
      %dma_wait3A_278 = arith.constant 0 : i32
      %dma_wait3A_279 = arith.constant 0 : i32
      %dma_wait3A_280 = tpu.memref_slice %arg11[%dma_wait3A_277, %dma_wait3A_278, %dma_wait3A_279] : memref<4x80x64xi32, #tpu.memory_space<vmem>> -> memref<1x80x64xi32, #tpu.memory_space<vmem>>
      %dma_wait3A_281 = tpu.memref_squeeze %dma_wait3A_280 : memref<1x80x64xi32, #tpu.memory_space<vmem>> -> memref<80x64xi32, #tpu.memory_space<vmem>>
      %dma_wait3A_282 = arith.constant 0 : i32
      %dma_wait3A_283 = arith.constant 0 : i32
      %dma_wait3A_284 = tpu.memref_slice %arg2[%dma_wait3A_282, %dma_wait3A_283] : memref<10000x64xi32, #tpu.memory_space<hbm>> -> memref<80x64xi32, #tpu.memory_space<hbm>>
      %dma_wait3A_285 = arith.constant 0 : i32
      %dma_wait3A_286 = arith.constant 0 : i32
      %dma_wait3A_287 = tpu.memref_slice %arg11[%dma_wait3A_277, %dma_wait3A_285, %dma_wait3A_286] : memref<4x80x64xi32, #tpu.memory_space<vmem>> -> memref<1x80x64xi32, #tpu.memory_space<vmem>>
      %dma_wait3A_288 = tpu.memref_squeeze %dma_wait3A_287 : memref<1x80x64xi32, #tpu.memory_space<vmem>> -> memref<80x64xi32, #tpu.memory_space<vmem>>
      %dma_wait3A_289 = arith.constant 0 : i32
      %dma_wait3A_290 = arith.constant 0 : i32
      %dma_wait3A_291 = tpu.memref_slice %arg2[%dma_wait3A_289, %dma_wait3A_290] : memref<10000x64xi32, #tpu.memory_space<hbm>> -> memref<80x64xi32, #tpu.memory_space<hbm>>
      tpu.wait_dma2 semaphore(%arg14 : memref<!tpu.dma_semaphore, #tpu.memory_space<semaphore_mem>>) src(%dma_wait3A_291 : memref<80x64xi32, #tpu.memory_space<hbm>>) dst(%dma_wait3A_288 : memref<80x64xi32, #tpu.memory_space<vmem>>)
      %ge3A = arith.constant 2 : i32
      %ge3A_292 = arith.cmpi sge, %add3A_276, %ge3A : i32
      %convert_element_type3A_293 = arith.extui %ge3A_292 : i1 to i32
      %cond3A_294 = arith.constant 0 : i32
      %cond3A_295 = arith.cmpi ne, %convert_element_type3A_293, %cond3A_294 : i32
      scf.if %cond3A_295 {
        %dma_wait3A_587 = arith.constant 0 : i32
        %dma_wait3A_588 = arith.constant 0 : i32
        %dma_wait3A_589 = arith.constant 0 : i32
        %dma_wait3A_590 = tpu.memref_slice %arg12[%dma_wait3A_587, %dma_wait3A_588, %dma_wait3A_589] : memref<2x80x128xf32, #tpu.memory_space<vmem>> -> memref<1x80x128xf32, #tpu.memory_space<vmem>>
        %dma_wait3A_591 = tpu.memref_squeeze %dma_wait3A_590 : memref<1x80x128xf32, #tpu.memory_space<vmem>> -> memref<80x128xf32, #tpu.memory_space<vmem>>
        %dma_wait3A_592 = arith.constant 0 : i32
        %dma_wait3A_593 = arith.constant 0 : i32
        %dma_wait3A_594 = tpu.memref_slice %arg6[%dma_wait3A_592, %dma_wait3A_593] : memref<10112x128xf32, #tpu.memory_space<hbm>> -> memref<80x128xf32, #tpu.memory_space<hbm>>
        %dma_wait3A_595 = arith.constant 0 : i32
        %dma_wait3A_596 = arith.constant 0 : i32
        %dma_wait3A_597 = tpu.memref_slice %arg12[%dma_wait3A_587, %dma_wait3A_595, %dma_wait3A_596] : memref<2x80x128xf32, #tpu.memory_space<vmem>> -> memref<1x80x128xf32, #tpu.memory_space<vmem>>
        %dma_wait3A_598 = tpu.memref_squeeze %dma_wait3A_597 : memref<1x80x128xf32, #tpu.memory_space<vmem>> -> memref<80x128xf32, #tpu.memory_space<vmem>>
        %dma_wait3A_599 = arith.constant 0 : i32
        %dma_wait3A_600 = arith.constant 0 : i32
        %dma_wait3A_601 = tpu.memref_slice %arg6[%dma_wait3A_599, %dma_wait3A_600] : memref<10112x128xf32, #tpu.memory_space<hbm>> -> memref<80x128xf32, #tpu.memory_space<hbm>>
        tpu.wait_dma2 semaphore(%arg18 : memref<!tpu.dma_semaphore, #tpu.memory_space<semaphore_mem>>) src(%dma_wait3A_601 : memref<80x128xf32, #tpu.memory_space<hbm>>) dst(%dma_wait3A_598 : memref<80x128xf32, #tpu.memory_space<vmem>>)
      } else {
      }
      %add3A_296 = arith.constant 2 : i32
      %add3A_297 = arith.addi %add3A_276, %add3A_296 : i32
      %lt3A = arith.cmpi slt, %add3A_297, %select_n3A : i32
      %convert_element_type3A_298 = arith.extui %lt3A : i1 to i32
      %cond3A_299 = arith.constant 0 : i32
      %cond3A_300 = arith.cmpi ne, %convert_element_type3A_298, %cond3A_299 : i32
      scf.if %cond3A_300 {
        %add3A_587 = arith.constant 2 : i32
        %add3A_588 = arith.addi %add3A_276, %add3A_587 : i32
        %mul3A_589 = arith.constant 80 : i32
        %mul3A_590 = arith.muli %add3A_588, %mul3A_589 : i32
        %add3A_591 = arith.addi %mul3A_10, %mul3A_590 : i32
        %dma_start3A_592 = arith.constant 2 : i32
        %dma_start3A_593 = arith.constant 0 : i32
        %dma_start3A_594 = tpu.memref_slice %arg9[%dma_start3A_592, %dma_start3A_593] : memref<4x80xi32, #tpu.memory_space<vmem>> -> memref<1x80xi32, #tpu.memory_space<vmem>>
        %dma_start3A_595 = tpu.memref_squeeze %dma_start3A_594 : memref<1x80xi32, #tpu.memory_space<vmem>> -> memref<80xi32, #tpu.memory_space<vmem>>
        %dma_start3A_596 = tpu.memref_slice %arg4[%add3A_591] : memref<327680xi32, #tpu.memory_space<hbm>> -> memref<80xi32, #tpu.memory_space<hbm>>
        %dma_start3A_597 = arith.constant 0 : i32
        %dma_start3A_598 = tpu.memref_slice %arg9[%dma_start3A_592, %dma_start3A_597] : memref<4x80xi32, #tpu.memory_space<vmem>> -> memref<1x80xi32, #tpu.memory_space<vmem>>
        %dma_start3A_599 = tpu.memref_squeeze %dma_start3A_598 : memref<1x80xi32, #tpu.memory_space<vmem>> -> memref<80xi32, #tpu.memory_space<vmem>>
        %dma_start3A_600 = tpu.memref_slice %arg4[%add3A_591] : memref<327680xi32, #tpu.memory_space<hbm>> -> memref<80xi32, #tpu.memory_space<hbm>>
        tpu.enqueue_dma source(%dma_start3A_600 : memref<80xi32, #tpu.memory_space<hbm>>) target(%dma_start3A_599 : memref<80xi32, #tpu.memory_space<vmem>>) target_semaphore(%arg26 : memref<!tpu.dma_semaphore, #tpu.memory_space<semaphore_mem>>)
        %mul3A_601 = arith.constant 80 : i32
        %mul3A_602 = arith.muli %add3A_588, %mul3A_601 : i32
        %add3A_603 = arith.addi %mul3A_10, %mul3A_602 : i32
        %dma_start3A_604 = arith.constant 160 : i32
        %dma_start3A_605 = tpu.memref_slice %arg10[%dma_start3A_604] : memref<320xf32, #tpu.memory_space<vmem>> -> memref<80xf32, #tpu.memory_space<vmem>>
        %dma_start3A_606 = tpu.memref_slice %arg5[%add3A_603] : memref<327680xf32, #tpu.memory_space<hbm>> -> memref<80xf32, #tpu.memory_space<hbm>>
        %dma_start3A_607 = arith.constant 160 : i32
        %dma_start3A_608 = tpu.memref_slice %arg10[%dma_start3A_607] : memref<320xf32, #tpu.memory_space<vmem>> -> memref<80xf32, #tpu.memory_space<vmem>>
        %dma_start3A_609 = tpu.memref_slice %arg5[%add3A_603] : memref<327680xf32, #tpu.memory_space<hbm>> -> memref<80xf32, #tpu.memory_space<hbm>>
        tpu.enqueue_dma source(%dma_start3A_609 : memref<80xf32, #tpu.memory_space<hbm>>) target(%dma_start3A_608 : memref<80xf32, #tpu.memory_space<vmem>>) target_semaphore(%arg30 : memref<!tpu.dma_semaphore, #tpu.memory_space<semaphore_mem>>)
      } else {
      }
      %add3A_301 = arith.constant 3 : i32
      %add3A_302 = arith.addi %add3A_276, %add3A_301 : i32
      %lt3A_303 = arith.cmpi slt, %add3A_302, %select_n3A : i32
      %convert_element_type3A_304 = arith.extui %lt3A_303 : i1 to i32
      %cond3A_305 = arith.constant 0 : i32
      %cond3A_306 = arith.cmpi ne, %convert_element_type3A_304, %cond3A_305 : i32
      scf.if %cond3A_306 {
        %dma_wait3A_587 = arith.constant 3 : i32
        %dma_wait3A_588 = arith.constant 0 : i32
        %dma_wait3A_589 = tpu.memref_slice %arg8[%dma_wait3A_587, %dma_wait3A_588] : memref<4x80xi32, #tpu.memory_space<vmem>> -> memref<1x80xi32, #tpu.memory_space<vmem>>
        %dma_wait3A_590 = tpu.memref_squeeze %dma_wait3A_589 : memref<1x80xi32, #tpu.memory_space<vmem>> -> memref<80xi32, #tpu.memory_space<vmem>>
        %dma_wait3A_591 = arith.constant 0 : i32
        %dma_wait3A_592 = tpu.memref_slice %arg3[%dma_wait3A_591] : memref<327680xi32, #tpu.memory_space<hbm>> -> memref<80xi32, #tpu.memory_space<hbm>>
        %dma_wait3A_593 = arith.constant 0 : i32
        %dma_wait3A_594 = tpu.memref_slice %arg8[%dma_wait3A_587, %dma_wait3A_593] : memref<4x80xi32, #tpu.memory_space<vmem>> -> memref<1x80xi32, #tpu.memory_space<vmem>>
        %dma_wait3A_595 = tpu.memref_squeeze %dma_wait3A_594 : memref<1x80xi32, #tpu.memory_space<vmem>> -> memref<80xi32, #tpu.memory_space<vmem>>
        %dma_wait3A_596 = arith.constant 0 : i32
        %dma_wait3A_597 = tpu.memref_slice %arg3[%dma_wait3A_596] : memref<327680xi32, #tpu.memory_space<hbm>> -> memref<80xi32, #tpu.memory_space<hbm>>
        tpu.wait_dma2 semaphore(%arg23 : memref<!tpu.dma_semaphore, #tpu.memory_space<semaphore_mem>>) src(%dma_wait3A_597 : memref<80xi32, #tpu.memory_space<hbm>>) dst(%dma_wait3A_595 : memref<80xi32, #tpu.memory_space<vmem>>)
        %dma_start3A_598 = arith.constant 3 : i32
        %dma_start3A_599 = arith.constant 3 : i32
        %dma_start3A_600 = arith.constant 0 : i32
        %dma_start3A_601 = arith.constant 0 : i32
        %dma_start3A_602 = tpu.memref_slice %arg11[%dma_start3A_599, %dma_start3A_600, %dma_start3A_601] : memref<4x80x64xi32, #tpu.memory_space<vmem>> -> memref<1x80x64xi32, #tpu.memory_space<vmem>>
        %dma_start3A_603 = tpu.memref_squeeze %dma_start3A_602 : memref<1x80x64xi32, #tpu.memory_space<vmem>> -> memref<80x64xi32, #tpu.memory_space<vmem>>
        %dma_start3A_604 = arith.constant 0 : i32
        %dma_start3A_605 = tpu.memref_slice %arg8[%dma_start3A_598, %dma_start3A_604] : memref<4x80xi32, #tpu.memory_space<vmem>> -> memref<1x80xi32, #tpu.memory_space<vmem>>
        %dma_start3A_606 = tpu.memref_squeeze %dma_start3A_605 : memref<1x80xi32, #tpu.memory_space<vmem>> -> memref<80xi32, #tpu.memory_space<vmem>>
        %dma_start3A_607 = arith.constant 0 : i32
        %dma_start3A_608 = arith.constant 0 : i32
        %dma_start3A_609 = tpu.memref_slice %arg2[%dma_start3A_607, %dma_start3A_608] : memref<10000x64xi32, #tpu.memory_space<hbm>> -> memref<10000x64xi32, #tpu.memory_space<hbm>>
        tpu.enqueue_indirect_dma source(%dma_start3A_609 : memref<10000x64xi32, #tpu.memory_space<hbm>>) target(%dma_start3A_603 : memref<80x64xi32, #tpu.memory_space<vmem>>) offsets(%dma_start3A_606 : memref<80xi32, #tpu.memory_space<vmem>>) semaphore(%arg17 : memref<!tpu.dma_semaphore, #tpu.memory_space<semaphore_mem>>)
      } else {
      }
      %add3A_307 = arith.constant 4 : i32
      %add3A_308 = arith.addi %add3A_276, %add3A_307 : i32
      %lt3A_309 = arith.cmpi slt, %add3A_308, %select_n3A : i32
      %convert_element_type3A_310 = arith.extui %lt3A_309 : i1 to i32
      %cond3A_311 = arith.constant 0 : i32
      %cond3A_312 = arith.cmpi ne, %convert_element_type3A_310, %cond3A_311 : i32
      scf.if %cond3A_312 {
        %add3A_587 = arith.constant 4 : i32
        %add3A_588 = arith.addi %add3A_276, %add3A_587 : i32
        %mul3A_589 = arith.constant 80 : i32
        %mul3A_590 = arith.muli %add3A_588, %mul3A_589 : i32
        %add3A_591 = arith.addi %mul3A_10, %mul3A_590 : i32
        %dma_start3A_592 = arith.constant 0 : i32
        %dma_start3A_593 = arith.constant 0 : i32
        %dma_start3A_594 = tpu.memref_slice %arg8[%dma_start3A_592, %dma_start3A_593] : memref<4x80xi32, #tpu.memory_space<vmem>> -> memref<1x80xi32, #tpu.memory_space<vmem>>
        %dma_start3A_595 = tpu.memref_squeeze %dma_start3A_594 : memref<1x80xi32, #tpu.memory_space<vmem>> -> memref<80xi32, #tpu.memory_space<vmem>>
        %dma_start3A_596 = tpu.memref_slice %arg3[%add3A_591] : memref<327680xi32, #tpu.memory_space<hbm>> -> memref<80xi32, #tpu.memory_space<hbm>>
        %dma_start3A_597 = arith.constant 0 : i32
        %dma_start3A_598 = tpu.memref_slice %arg8[%dma_start3A_592, %dma_start3A_597] : memref<4x80xi32, #tpu.memory_space<vmem>> -> memref<1x80xi32, #tpu.memory_space<vmem>>
        %dma_start3A_599 = tpu.memref_squeeze %dma_start3A_598 : memref<1x80xi32, #tpu.memory_space<vmem>> -> memref<80xi32, #tpu.memory_space<vmem>>
        %dma_start3A_600 = tpu.memref_slice %arg3[%add3A_591] : memref<327680xi32, #tpu.memory_space<hbm>> -> memref<80xi32, #tpu.memory_space<hbm>>
        tpu.enqueue_dma source(%dma_start3A_600 : memref<80xi32, #tpu.memory_space<hbm>>) target(%dma_start3A_599 : memref<80xi32, #tpu.memory_space<vmem>>) target_semaphore(%arg20 : memref<!tpu.dma_semaphore, #tpu.memory_space<semaphore_mem>>)
      } else {
      }
      %dma_wait3A_313 = arith.constant 0 : i32
      %dma_wait3A_314 = tpu.memref_slice %arg10[%dma_wait3A_313] : memref<320xf32, #tpu.memory_space<vmem>> -> memref<80xf32, #tpu.memory_space<vmem>>
      %dma_wait3A_315 = arith.constant 0 : i32
      %dma_wait3A_316 = tpu.memref_slice %arg5[%dma_wait3A_315] : memref<327680xf32, #tpu.memory_space<hbm>> -> memref<80xf32, #tpu.memory_space<hbm>>
      %dma_wait3A_317 = arith.constant 0 : i32
      %dma_wait3A_318 = tpu.memref_slice %arg10[%dma_wait3A_317] : memref<320xf32, #tpu.memory_space<vmem>> -> memref<80xf32, #tpu.memory_space<vmem>>
      %dma_wait3A_319 = arith.constant 0 : i32
      %dma_wait3A_320 = tpu.memref_slice %arg5[%dma_wait3A_319] : memref<327680xf32, #tpu.memory_space<hbm>> -> memref<80xf32, #tpu.memory_space<hbm>>
      tpu.wait_dma2 semaphore(%arg28 : memref<!tpu.dma_semaphore, #tpu.memory_space<semaphore_mem>>) src(%dma_wait3A_320 : memref<80xf32, #tpu.memory_space<hbm>>) dst(%dma_wait3A_318 : memref<80xf32, #tpu.memory_space<vmem>>)
      %scan3A_321 = arith.constant 0 : i32
      %scan3A_322 = arith.constant 0 : i32
      %scan3A_323 = arith.constant 40 : i32
      %scan3A_324 = arith.addi %scan3A_322, %scan3A_323 : i32
      %scan3A_325 = arith.constant 1 : i32
      scf.for %scan3A_587 = %scan3A_322 to %scan3A_324 step %scan3A_325  : i32 {
        %mul3A_588 = arith.constant 2 : i32
        %mul3A_589 = arith.muli %scan3A_587, %mul3A_588 : i32
        %add3A_590 = arith.constant 1 : i32
        %add3A_591 = arith.addi %mul3A_589, %add3A_590 : i32
        %add3A_592 = arith.constant 0 : i32
        %add3A_593 = arith.addi %add3A_592, %mul3A_589 : i32
        %broadcast_in_dim3A = vector.broadcast %add3A_593 : i32 to vector<16xi32>
        %gather3A = tpu.vector_load_idx %arg10[%broadcast_in_dim3A] : memref<320xf32, #tpu.memory_space<vmem>>[vector<16xi32>], vector<16xf32>,
        %get3A = arith.constant 0 : i32
        %get3A_594 = arith.index_cast %get3A : i32 to index
        %get3A_595 = arith.index_cast %mul3A_589 : i32 to index
        %get3A_596 = arith.constant 0 : index
        %get3A_597 = tpu.vector_load %arg11[%get3A_594, %get3A_595, %get3A_596] {strides = array<i32>} : memref<4x80x64xi32, #tpu.memory_space<vmem>>, vector<16xi32>,
        %shift_left3A = arith.constant 16 : i32
        %shift_left3A_598 = vector.broadcast %shift_left3A : i32 to vector<16xi32>
        %shift_left3A_599 = arith.shli %get3A_597, %shift_left3A_598 : vector<16xi32>
        %bitcast3A = vector.bitcast %shift_left3A_599 : vector<16xi32> to vector<16xf32>
        %and3A_600 = arith.constant -65536 : i32
        %and3A_601 = vector.broadcast %and3A_600 : i32 to vector<16xi32>
        %and3A_602 = arith.andi %get3A_597, %and3A_601 : vector<16xi32>
        %bitcast3A_603 = vector.bitcast %and3A_602 : vector<16xi32> to vector<16xf32>
        %mul3A_604 = arith.mulf %bitcast3A, %gather3A : vector<16xf32>
        %swap3A = arith.constant 0 : i32
        %swap3A_605 = arith.index_cast %swap3A : i32 to index
        %swap3A_606 = arith.index_cast %mul3A_589 : i32 to index
        %swap3A_607 = arith.constant 0 : index
        %swap3A_608 = tpu.vector_load %arg12[%swap3A_605, %swap3A_606, %swap3A_607] {strides = array<i32>} : memref<2x80x128xf32, #tpu.memory_space<vmem>>, vector<16xf32>,
        tpu.vector_store %arg12[%swap3A_605, %swap3A_606, %swap3A_607], %mul3A_604 {strides = array<i32>} : memref<2x80x128xf32, #tpu.memory_space<vmem>>, vector<16xf32>,
        %mul3A_609 = arith.mulf %bitcast3A_603, %gather3A : vector<16xf32>
        %swap3A_610 = arith.constant 0 : i32
        %swap3A_611 = arith.index_cast %swap3A_610 : i32 to index
        %swap3A_612 = arith.index_cast %mul3A_589 : i32 to index
        %swap3A_613 = arith.constant 16 : index
        %swap3A_614 = tpu.vector_load %arg12[%swap3A_611, %swap3A_612, %swap3A_613] {strides = array<i32>} : memref<2x80x128xf32, #tpu.memory_space<vmem>>, vector<16xf32>,
        tpu.vector_store %arg12[%swap3A_611, %swap3A_612, %swap3A_613], %mul3A_609 {strides = array<i32>} : memref<2x80x128xf32, #tpu.memory_space<vmem>>, vector<16xf32>,
        %get3A_615 = arith.constant 0 : i32
        %get3A_616 = arith.index_cast %get3A_615 : i32 to index
        %get3A_617 = arith.index_cast %mul3A_589 : i32 to index
        %get3A_618 = arith.constant 16 : index
        %get3A_619 = tpu.vector_load %arg11[%get3A_616, %get3A_617, %get3A_618] {strides = array<i32>} : memref<4x80x64xi32, #tpu.memory_space<vmem>>, vector<16xi32>,
        %shift_left3A_620 = arith.constant 16 : i32
        %shift_left3A_621 = vector.broadcast %shift_left3A_620 : i32 to vector<16xi32>
        %shift_left3A_622 = arith.shli %get3A_619, %shift_left3A_621 : vector<16xi32>
        %bitcast3A_623 = vector.bitcast %shift_left3A_622 : vector<16xi32> to vector<16xf32>
        %and3A_624 = arith.constant -65536 : i32
        %and3A_625 = vector.broadcast %and3A_624 : i32 to vector<16xi32>
        %and3A_626 = arith.andi %get3A_619, %and3A_625 : vector<16xi32>
        %bitcast3A_627 = vector.bitcast %and3A_626 : vector<16xi32> to vector<16xf32>
        %mul3A_628 = arith.mulf %bitcast3A_623, %gather3A : vector<16xf32>
        %swap3A_629 = arith.constant 0 : i32
        %swap3A_630 = arith.index_cast %swap3A_629 : i32 to index
        %swap3A_631 = arith.index_cast %mul3A_589 : i32 to index
        %swap3A_632 = arith.constant 32 : index
        %swap3A_633 = tpu.vector_load %arg12[%swap3A_630, %swap3A_631, %swap3A_632] {strides = array<i32>} : memref<2x80x128xf32, #tpu.memory_space<vmem>>, vector<16xf32>,
        tpu.vector_store %arg12[%swap3A_630, %swap3A_631, %swap3A_632], %mul3A_628 {strides = array<i32>} : memref<2x80x128xf32, #tpu.memory_space<vmem>>, vector<16xf32>,
        %mul3A_634 = arith.mulf %bitcast3A_627, %gather3A : vector<16xf32>
        %swap3A_635 = arith.constant 0 : i32
        %swap3A_636 = arith.index_cast %swap3A_635 : i32 to index
        %swap3A_637 = arith.index_cast %mul3A_589 : i32 to index
        %swap3A_638 = arith.constant 48 : index
        %swap3A_639 = tpu.vector_load %arg12[%swap3A_636, %swap3A_637, %swap3A_638] {strides = array<i32>} : memref<2x80x128xf32, #tpu.memory_space<vmem>>, vector<16xf32>,
        tpu.vector_store %arg12[%swap3A_636, %swap3A_637, %swap3A_638], %mul3A_634 {strides = array<i32>} : memref<2x80x128xf32, #tpu.memory_space<vmem>>, vector<16xf32>,
        %get3A_640 = arith.constant 0 : i32
        %get3A_641 = arith.index_cast %get3A_640 : i32 to index
        %get3A_642 = arith.index_cast %mul3A_589 : i32 to index
        %get3A_643 = arith.constant 32 : index
        %get3A_644 = tpu.vector_load %arg11[%get3A_641, %get3A_642, %get3A_643] {strides = array<i32>} : memref<4x80x64xi32, #tpu.memory_space<vmem>>, vector<16xi32>,
        %shift_left3A_645 = arith.constant 16 : i32
        %shift_left3A_646 = vector.broadcast %shift_left3A_645 : i32 to vector<16xi32>
        %shift_left3A_647 = arith.shli %get3A_644, %shift_left3A_646 : vector<16xi32>
        %bitcast3A_648 = vector.bitcast %shift_left3A_647 : vector<16xi32> to vector<16xf32>
        %and3A_649 = arith.constant -65536 : i32
        %and3A_650 = vector.broadcast %and3A_649 : i32 to vector<16xi32>
        %and3A_651 = arith.andi %get3A_644, %and3A_650 : vector<16xi32>
        %bitcast3A_652 = vector.bitcast %and3A_651 : vector<16xi32> to vector<16xf32>
        %mul3A_653 = arith.mulf %bitcast3A_648, %gather3A : vector<16xf32>
        %swap3A_654 = arith.constant 0 : i32
        %swap3A_655 = arith.index_cast %swap3A_654 : i32 to index
        %swap3A_656 = arith.index_cast %mul3A_589 : i32 to index
        %swap3A_657 = arith.constant 64 : index
        %swap3A_658 = tpu.vector_load %arg12[%swap3A_655, %swap3A_656, %swap3A_657] {strides = array<i32>} : memref<2x80x128xf32, #tpu.memory_space<vmem>>, vector<16xf32>,
        tpu.vector_store %arg12[%swap3A_655, %swap3A_656, %swap3A_657], %mul3A_653 {strides = array<i32>} : memref<2x80x128xf32, #tpu.memory_space<vmem>>, vector<16xf32>,
        %mul3A_659 = arith.mulf %bitcast3A_652, %gather3A : vector<16xf32>
        %swap3A_660 = arith.constant 0 : i32
        %swap3A_661 = arith.index_cast %swap3A_660 : i32 to index
        %swap3A_662 = arith.index_cast %mul3A_589 : i32 to index
        %swap3A_663 = arith.constant 80 : index
        %swap3A_664 = tpu.vector_load %arg12[%swap3A_661, %swap3A_662, %swap3A_663] {strides = array<i32>} : memref<2x80x128xf32, #tpu.memory_space<vmem>>, vector<16xf32>,
        tpu.vector_store %arg12[%swap3A_661, %swap3A_662, %swap3A_663], %mul3A_659 {strides = array<i32>} : memref<2x80x128xf32, #tpu.memory_space<vmem>>, vector<16xf32>,
        %get3A_665 = arith.constant 0 : i32
        %get3A_666 = arith.index_cast %get3A_665 : i32 to index
        %get3A_667 = arith.index_cast %mul3A_589 : i32 to index
        %get3A_668 = arith.constant 48 : index
        %get3A_669 = tpu.vector_load %arg11[%get3A_666, %get3A_667, %get3A_668] {strides = array<i32>} : memref<4x80x64xi32, #tpu.memory_space<vmem>>, vector<16xi32>,
        %shift_left3A_670 = arith.constant 16 : i32
        %shift_left3A_671 = vector.broadcast %shift_left3A_670 : i32 to vector<16xi32>
        %shift_left3A_672 = arith.shli %get3A_669, %shift_left3A_671 : vector<16xi32>
        %bitcast3A_673 = vector.bitcast %shift_left3A_672 : vector<16xi32> to vector<16xf32>
        %and3A_674 = arith.constant -65536 : i32
        %and3A_675 = vector.broadcast %and3A_674 : i32 to vector<16xi32>
        %and3A_676 = arith.andi %get3A_669, %and3A_675 : vector<16xi32>
        %bitcast3A_677 = vector.bitcast %and3A_676 : vector<16xi32> to vector<16xf32>
        %mul3A_678 = arith.mulf %bitcast3A_673, %gather3A : vector<16xf32>
        %swap3A_679 = arith.constant 0 : i32
        %swap3A_680 = arith.index_cast %swap3A_679 : i32 to index
        %swap3A_681 = arith.index_cast %mul3A_589 : i32 to index
        %swap3A_682 = arith.constant 96 : index
        %swap3A_683 = tpu.vector_load %arg12[%swap3A_680, %swap3A_681, %swap3A_682] {strides = array<i32>} : memref<2x80x128xf32, #tpu.memory_space<vmem>>, vector<16xf32>,
        tpu.vector_store %arg12[%swap3A_680, %swap3A_681, %swap3A_682], %mul3A_678 {strides = array<i32>} : memref<2x80x128xf32, #tpu.memory_space<vmem>>, vector<16xf32>,
        %mul3A_684 = arith.mulf %bitcast3A_677, %gather3A : vector<16xf32>
        %swap3A_685 = arith.constant 0 : i32
        %swap3A_686 = arith.index_cast %swap3A_685 : i32 to index
        %swap3A_687 = arith.index_cast %mul3A_589 : i32 to index
        %swap3A_688 = arith.constant 112 : index
        %swap3A_689 = tpu.vector_load %arg12[%swap3A_686, %swap3A_687, %swap3A_688] {strides = array<i32>} : memref<2x80x128xf32, #tpu.memory_space<vmem>>, vector<16xf32>,
        tpu.vector_store %arg12[%swap3A_686, %swap3A_687, %swap3A_688], %mul3A_684 {strides = array<i32>} : memref<2x80x128xf32, #tpu.memory_space<vmem>>, vector<16xf32>,
        %add3A_690 = arith.constant 0 : i32
        %add3A_691 = arith.addi %add3A_690, %add3A_591 : i32
        %broadcast_in_dim3A_692 = vector.broadcast %add3A_691 : i32 to vector<16xi32>
        %gather3A_693 = tpu.vector_load_idx %arg10[%broadcast_in_dim3A_692] : memref<320xf32, #tpu.memory_space<vmem>>[vector<16xi32>], vector<16xf32>,
        %get3A_694 = arith.constant 0 : i32
        %get3A_695 = arith.index_cast %get3A_694 : i32 to index
        %get3A_696 = arith.index_cast %add3A_591 : i32 to index
        %get3A_697 = arith.constant 0 : index
        %get3A_698 = tpu.vector_load %arg11[%get3A_695, %get3A_696, %get3A_697] {strides = array<i32>} : memref<4x80x64xi32, #tpu.memory_space<vmem>>, vector<16xi32>,
        %shift_left3A_699 = arith.constant 16 : i32
        %shift_left3A_700 = vector.broadcast %shift_left3A_699 : i32 to vector<16xi32>
        %shift_left3A_701 = arith.shli %get3A_698, %shift_left3A_700 : vector<16xi32>
        %bitcast3A_702 = vector.bitcast %shift_left3A_701 : vector<16xi32> to vector<16xf32>
        %and3A_703 = arith.constant -65536 : i32
        %and3A_704 = vector.broadcast %and3A_703 : i32 to vector<16xi32>
        %and3A_705 = arith.andi %get3A_698, %and3A_704 : vector<16xi32>
        %bitcast3A_706 = vector.bitcast %and3A_705 : vector<16xi32> to vector<16xf32>
        %mul3A_707 = arith.mulf %bitcast3A_702, %gather3A_693 : vector<16xf32>
        %swap3A_708 = arith.constant 0 : i32
        %swap3A_709 = arith.index_cast %swap3A_708 : i32 to index
        %swap3A_710 = arith.index_cast %add3A_591 : i32 to index
        %swap3A_711 = arith.constant 0 : index
        %swap3A_712 = tpu.vector_load %arg12[%swap3A_709, %swap3A_710, %swap3A_711] {strides = array<i32>} : memref<2x80x128xf32, #tpu.memory_space<vmem>>, vector<16xf32>,
        tpu.vector_store %arg12[%swap3A_709, %swap3A_710, %swap3A_711], %mul3A_707 {strides = array<i32>} : memref<2x80x128xf32, #tpu.memory_space<vmem>>, vector<16xf32>,
        %mul3A_713 = arith.mulf %bitcast3A_706, %gather3A_693 : vector<16xf32>
        %swap3A_714 = arith.constant 0 : i32
        %swap3A_715 = arith.index_cast %swap3A_714 : i32 to index
        %swap3A_716 = arith.index_cast %add3A_591 : i32 to index
        %swap3A_717 = arith.constant 16 : index
        %swap3A_718 = tpu.vector_load %arg12[%swap3A_715, %swap3A_716, %swap3A_717] {strides = array<i32>} : memref<2x80x128xf32, #tpu.memory_space<vmem>>, vector<16xf32>,
        tpu.vector_store %arg12[%swap3A_715, %swap3A_716, %swap3A_717], %mul3A_713 {strides = array<i32>} : memref<2x80x128xf32, #tpu.memory_space<vmem>>, vector<16xf32>,
        %get3A_719 = arith.constant 0 : i32
        %get3A_720 = arith.index_cast %get3A_719 : i32 to index
        %get3A_721 = arith.index_cast %add3A_591 : i32 to index
        %get3A_722 = arith.constant 16 : index
        %get3A_723 = tpu.vector_load %arg11[%get3A_720, %get3A_721, %get3A_722] {strides = array<i32>} : memref<4x80x64xi32, #tpu.memory_space<vmem>>, vector<16xi32>,
        %shift_left3A_724 = arith.constant 16 : i32
        %shift_left3A_725 = vector.broadcast %shift_left3A_724 : i32 to vector<16xi32>
        %shift_left3A_726 = arith.shli %get3A_723, %shift_left3A_725 : vector<16xi32>
        %bitcast3A_727 = vector.bitcast %shift_left3A_726 : vector<16xi32> to vector<16xf32>
        %and3A_728 = arith.constant -65536 : i32
        %and3A_729 = vector.broadcast %and3A_728 : i32 to vector<16xi32>
        %and3A_730 = arith.andi %get3A_723, %and3A_729 : vector<16xi32>
        %bitcast3A_731 = vector.bitcast %and3A_730 : vector<16xi32> to vector<16xf32>
        %mul3A_732 = arith.mulf %bitcast3A_727, %gather3A_693 : vector<16xf32>
        %swap3A_733 = arith.constant 0 : i32
        %swap3A_734 = arith.index_cast %swap3A_733 : i32 to index
        %swap3A_735 = arith.index_cast %add3A_591 : i32 to index
        %swap3A_736 = arith.constant 32 : index
        %swap3A_737 = tpu.vector_load %arg12[%swap3A_734, %swap3A_735, %swap3A_736] {strides = array<i32>} : memref<2x80x128xf32, #tpu.memory_space<vmem>>, vector<16xf32>,
        tpu.vector_store %arg12[%swap3A_734, %swap3A_735, %swap3A_736], %mul3A_732 {strides = array<i32>} : memref<2x80x128xf32, #tpu.memory_space<vmem>>, vector<16xf32>,
        %mul3A_738 = arith.mulf %bitcast3A_731, %gather3A_693 : vector<16xf32>
        %swap3A_739 = arith.constant 0 : i32
        %swap3A_740 = arith.index_cast %swap3A_739 : i32 to index
        %swap3A_741 = arith.index_cast %add3A_591 : i32 to index
        %swap3A_742 = arith.constant 48 : index
        %swap3A_743 = tpu.vector_load %arg12[%swap3A_740, %swap3A_741, %swap3A_742] {strides = array<i32>} : memref<2x80x128xf32, #tpu.memory_space<vmem>>, vector<16xf32>,
        tpu.vector_store %arg12[%swap3A_740, %swap3A_741, %swap3A_742], %mul3A_738 {strides = array<i32>} : memref<2x80x128xf32, #tpu.memory_space<vmem>>, vector<16xf32>,
        %get3A_744 = arith.constant 0 : i32
        %get3A_745 = arith.index_cast %get3A_744 : i32 to index
        %get3A_746 = arith.index_cast %add3A_591 : i32 to index
        %get3A_747 = arith.constant 32 : index
        %get3A_748 = tpu.vector_load %arg11[%get3A_745, %get3A_746, %get3A_747] {strides = array<i32>} : memref<4x80x64xi32, #tpu.memory_space<vmem>>, vector<16xi32>,
        %shift_left3A_749 = arith.constant 16 : i32
        %shift_left3A_750 = vector.broadcast %shift_left3A_749 : i32 to vector<16xi32>
        %shift_left3A_751 = arith.shli %get3A_748, %shift_left3A_750 : vector<16xi32>
        %bitcast3A_752 = vector.bitcast %shift_left3A_751 : vector<16xi32> to vector<16xf32>
        %and3A_753 = arith.constant -65536 : i32
        %and3A_754 = vector.broadcast %and3A_753 : i32 to vector<16xi32>
        %and3A_755 = arith.andi %get3A_748, %and3A_754 : vector<16xi32>
        %bitcast3A_756 = vector.bitcast %and3A_755 : vector<16xi32> to vector<16xf32>
        %mul3A_757 = arith.mulf %bitcast3A_752, %gather3A_693 : vector<16xf32>
        %swap3A_758 = arith.constant 0 : i32
        %swap3A_759 = arith.index_cast %swap3A_758 : i32 to index
        %swap3A_760 = arith.index_cast %add3A_591 : i32 to index
        %swap3A_761 = arith.constant 64 : index
        %swap3A_762 = tpu.vector_load %arg12[%swap3A_759, %swap3A_760, %swap3A_761] {strides = array<i32>} : memref<2x80x128xf32, #tpu.memory_space<vmem>>, vector<16xf32>,
        tpu.vector_store %arg12[%swap3A_759, %swap3A_760, %swap3A_761], %mul3A_757 {strides = array<i32>} : memref<2x80x128xf32, #tpu.memory_space<vmem>>, vector<16xf32>,
        %mul3A_763 = arith.mulf %bitcast3A_756, %gather3A_693 : vector<16xf32>
        %swap3A_764 = arith.constant 0 : i32
        %swap3A_765 = arith.index_cast %swap3A_764 : i32 to index
        %swap3A_766 = arith.index_cast %add3A_591 : i32 to index
        %swap3A_767 = arith.constant 80 : index
        %swap3A_768 = tpu.vector_load %arg12[%swap3A_765, %swap3A_766, %swap3A_767] {strides = array<i32>} : memref<2x80x128xf32, #tpu.memory_space<vmem>>, vector<16xf32>,
        tpu.vector_store %arg12[%swap3A_765, %swap3A_766, %swap3A_767], %mul3A_763 {strides = array<i32>} : memref<2x80x128xf32, #tpu.memory_space<vmem>>, vector<16xf32>,
        %get3A_769 = arith.constant 0 : i32
        %get3A_770 = arith.index_cast %get3A_769 : i32 to index
        %get3A_771 = arith.index_cast %add3A_591 : i32 to index
        %get3A_772 = arith.constant 48 : index
        %get3A_773 = tpu.vector_load %arg11[%get3A_770, %get3A_771, %get3A_772] {strides = array<i32>} : memref<4x80x64xi32, #tpu.memory_space<vmem>>, vector<16xi32>,
        %shift_left3A_774 = arith.constant 16 : i32
        %shift_left3A_775 = vector.broadcast %shift_left3A_774 : i32 to vector<16xi32>
        %shift_left3A_776 = arith.shli %get3A_773, %shift_left3A_775 : vector<16xi32>
        %bitcast3A_777 = vector.bitcast %shift_left3A_776 : vector<16xi32> to vector<16xf32>
        %and3A_778 = arith.constant -65536 : i32
        %and3A_779 = vector.broadcast %and3A_778 : i32 to vector<16xi32>
        %and3A_780 = arith.andi %get3A_773, %and3A_779 : vector<16xi32>
        %bitcast3A_781 = vector.bitcast %and3A_780 : vector<16xi32> to vector<16xf32>
        %mul3A_782 = arith.mulf %bitcast3A_777, %gather3A_693 : vector<16xf32>
        %swap3A_783 = arith.constant 0 : i32
        %swap3A_784 = arith.index_cast %swap3A_783 : i32 to index
        %swap3A_785 = arith.index_cast %add3A_591 : i32 to index
        %swap3A_786 = arith.constant 96 : index
        %swap3A_787 = tpu.vector_load %arg12[%swap3A_784, %swap3A_785, %swap3A_786] {strides = array<i32>} : memref<2x80x128xf32, #tpu.memory_space<vmem>>, vector<16xf32>,
        tpu.vector_store %arg12[%swap3A_784, %swap3A_785, %swap3A_786], %mul3A_782 {strides = array<i32>} : memref<2x80x128xf32, #tpu.memory_space<vmem>>, vector<16xf32>,
        %mul3A_788 = arith.mulf %bitcast3A_781, %gather3A_693 : vector<16xf32>
        %swap3A_789 = arith.constant 0 : i32
        %swap3A_790 = arith.index_cast %swap3A_789 : i32 to index
        %swap3A_791 = arith.index_cast %add3A_591 : i32 to index
        %swap3A_792 = arith.constant 112 : index
        %swap3A_793 = tpu.vector_load %arg12[%swap3A_790, %swap3A_791, %swap3A_792] {strides = array<i32>} : memref<2x80x128xf32, #tpu.memory_space<vmem>>, vector<16xf32>,
        tpu.vector_store %arg12[%swap3A_790, %swap3A_791, %swap3A_792], %mul3A_788 {strides = array<i32>} : memref<2x80x128xf32, #tpu.memory_space<vmem>>, vector<16xf32>,
      }
      %scan3A_326 = arith.constant 40 : i32
      %dma_wait3A_327 = arith.constant 0 : i32
      %dma_wait3A_328 = arith.constant 0 : i32
      %dma_wait3A_329 = tpu.memref_slice %arg8[%dma_wait3A_327, %dma_wait3A_328] : memref<4x80xi32, #tpu.memory_space<vmem>> -> memref<1x80xi32, #tpu.memory_space<vmem>>
      %dma_wait3A_330 = tpu.memref_squeeze %dma_wait3A_329 : memref<1x80xi32, #tpu.memory_space<vmem>> -> memref<80xi32, #tpu.memory_space<vmem>>
      %dma_wait3A_331 = arith.constant 0 : i32
      %dma_wait3A_332 = tpu.memref_slice %arg3[%dma_wait3A_331] : memref<327680xi32, #tpu.memory_space<hbm>> -> memref<80xi32, #tpu.memory_space<hbm>>
      %dma_wait3A_333 = arith.constant 0 : i32
      %dma_wait3A_334 = tpu.memref_slice %arg8[%dma_wait3A_327, %dma_wait3A_333] : memref<4x80xi32, #tpu.memory_space<vmem>> -> memref<1x80xi32, #tpu.memory_space<vmem>>
      %dma_wait3A_335 = tpu.memref_squeeze %dma_wait3A_334 : memref<1x80xi32, #tpu.memory_space<vmem>> -> memref<80xi32, #tpu.memory_space<vmem>>
      %dma_wait3A_336 = arith.constant 0 : i32
      %dma_wait3A_337 = tpu.memref_slice %arg3[%dma_wait3A_336] : memref<327680xi32, #tpu.memory_space<hbm>> -> memref<80xi32, #tpu.memory_space<hbm>>
      tpu.wait_dma2 semaphore(%arg24 : memref<!tpu.dma_semaphore, #tpu.memory_space<semaphore_mem>>) src(%dma_wait3A_337 : memref<80xi32, #tpu.memory_space<hbm>>) dst(%dma_wait3A_335 : memref<80xi32, #tpu.memory_space<vmem>>)
      %dma_start3A_338 = arith.constant 0 : i32
      %dma_start3A_339 = arith.constant 0 : i32
      %dma_start3A_340 = arith.constant 0 : i32
      %dma_start3A_341 = arith.constant 0 : i32
      %dma_start3A_342 = tpu.memref_slice %arg12[%dma_start3A_338, %dma_start3A_340, %dma_start3A_341] : memref<2x80x128xf32, #tpu.memory_space<vmem>> -> memref<1x80x128xf32, #tpu.memory_space<vmem>>
      %dma_start3A_343 = tpu.memref_squeeze %dma_start3A_342 : memref<1x80x128xf32, #tpu.memory_space<vmem>> -> memref<80x128xf32, #tpu.memory_space<vmem>>
      %dma_start3A_344 = arith.constant 0 : i32
      %dma_start3A_345 = tpu.memref_slice %arg9[%dma_start3A_339, %dma_start3A_344] : memref<4x80xi32, #tpu.memory_space<vmem>> -> memref<1x80xi32, #tpu.memory_space<vmem>>
      %dma_start3A_346 = tpu.memref_squeeze %dma_start3A_345 : memref<1x80xi32, #tpu.memory_space<vmem>> -> memref<80xi32, #tpu.memory_space<vmem>>
      %dma_start3A_347 = arith.constant 0 : i32
      %dma_start3A_348 = arith.constant 0 : i32
      %dma_start3A_349 = tpu.memref_slice %arg13[%dma_start3A_347, %dma_start3A_348] : memref<10112x128xf32, #tpu.memory_space<vmem_shared>> -> memref<10112x128xf32, #tpu.memory_space<vmem_shared>>
      tpu.enqueue_indirect_dma source(%dma_start3A_343 : memref<80x128xf32, #tpu.memory_space<vmem>>) target(%dma_start3A_349 : memref<10112x128xf32, #tpu.memory_space<vmem_shared>>) offsets(%dma_start3A_346 : memref<80xi32, #tpu.memory_space<vmem>>) semaphore(%arg18 : memref<!tpu.dma_semaphore, #tpu.memory_space<semaphore_mem>>) {add = true}
      %mul3A_350 = arith.constant 4 : i32
      %mul3A_351 = arith.muli %mul3A_350, %while3A_272 : i32
      %add3A_352 = arith.constant 1 : i32
      %add3A_353 = arith.addi %mul3A_351, %add3A_352 : i32
      %dma_wait3A_354 = arith.constant 1 : i32
      %dma_wait3A_355 = arith.constant 0 : i32
      %dma_wait3A_356 = arith.constant 0 : i32
      %dma_wait3A_357 = tpu.memref_slice %arg11[%dma_wait3A_354, %dma_wait3A_355, %dma_wait3A_356] : memref<4x80x64xi32, #tpu.memory_space<vmem>> -> memref<1x80x64xi32, #tpu.memory_space<vmem>>
      %dma_wait3A_358 = tpu.memref_squeeze %dma_wait3A_357 : memref<1x80x64xi32, #tpu.memory_space<vmem>> -> memref<80x64xi32, #tpu.memory_space<vmem>>
      %dma_wait3A_359 = arith.constant 0 : i32
      %dma_wait3A_360 = arith.constant 0 : i32
      %dma_wait3A_361 = tpu.memref_slice %arg2[%dma_wait3A_359, %dma_wait3A_360] : memref<10000x64xi32, #tpu.memory_space<hbm>> -> memref<80x64xi32, #tpu.memory_space<hbm>>
      %dma_wait3A_362 = arith.constant 0 : i32
      %dma_wait3A_363 = arith.constant 0 : i32
      %dma_wait3A_364 = tpu.memref_slice %arg11[%dma_wait3A_354, %dma_wait3A_362, %dma_wait3A_363] : memref<4x80x64xi32, #tpu.memory_space<vmem>> -> memref<1x80x64xi32, #tpu.memory_space<vmem>>
      %dma_wait3A_365 = tpu.memref_squeeze %dma_wait3A_364 : memref<1x80x64xi32, #tpu.memory_space<vmem>> -> memref<80x64xi32, #tpu.memory_space<vmem>>
      %dma_wait3A_366 = arith.constant 0 : i32
      %dma_wait3A_367 = arith.constant 0 : i32
      %dma_wait3A_368 = tpu.memref_slice %arg2[%dma_wait3A_366, %dma_wait3A_367] : memref<10000x64xi32, #tpu.memory_space<hbm>> -> memref<80x64xi32, #tpu.memory_space<hbm>>
      tpu.wait_dma2 semaphore(%arg15 : memref<!tpu.dma_semaphore, #tpu.memory_space<semaphore_mem>>) src(%dma_wait3A_368 : memref<80x64xi32, #tpu.memory_space<hbm>>) dst(%dma_wait3A_365 : memref<80x64xi32, #tpu.memory_space<vmem>>)
      %ge3A_369 = arith.constant 2 : i32
      %ge3A_370 = arith.cmpi sge, %add3A_353, %ge3A_369 : i32
      %convert_element_type3A_371 = arith.extui %ge3A_370 : i1 to i32
      %cond3A_372 = arith.constant 0 : i32
      %cond3A_373 = arith.cmpi ne, %convert_element_type3A_371, %cond3A_372 : i32
      scf.if %cond3A_373 {
        %dma_wait3A_587 = arith.constant 1 : i32
        %dma_wait3A_588 = arith.constant 0 : i32
        %dma_wait3A_589 = arith.constant 0 : i32
        %dma_wait3A_590 = tpu.memref_slice %arg12[%dma_wait3A_587, %dma_wait3A_588, %dma_wait3A_589] : memref<2x80x128xf32, #tpu.memory_space<vmem>> -> memref<1x80x128xf32, #tpu.memory_space<vmem>>
        %dma_wait3A_591 = tpu.memref_squeeze %dma_wait3A_590 : memref<1x80x128xf32, #tpu.memory_space<vmem>> -> memref<80x128xf32, #tpu.memory_space<vmem>>
        %dma_wait3A_592 = arith.constant 0 : i32
        %dma_wait3A_593 = arith.constant 0 : i32
        %dma_wait3A_594 = tpu.memref_slice %arg6[%dma_wait3A_592, %dma_wait3A_593] : memref<10112x128xf32, #tpu.memory_space<hbm>> -> memref<80x128xf32, #tpu.memory_space<hbm>>
        %dma_wait3A_595 = arith.constant 0 : i32
        %dma_wait3A_596 = arith.constant 0 : i32
        %dma_wait3A_597 = tpu.memref_slice %arg12[%dma_wait3A_587, %dma_wait3A_595, %dma_wait3A_596] : memref<2x80x128xf32, #tpu.memory_space<vmem>> -> memref<1x80x128xf32, #tpu.memory_space<vmem>>
        %dma_wait3A_598 = tpu.memref_squeeze %dma_wait3A_597 : memref<1x80x128xf32, #tpu.memory_space<vmem>> -> memref<80x128xf32, #tpu.memory_space<vmem>>
        %dma_wait3A_599 = arith.constant 0 : i32
        %dma_wait3A_600 = arith.constant 0 : i32
        %dma_wait3A_601 = tpu.memref_slice %arg6[%dma_wait3A_599, %dma_wait3A_600] : memref<10112x128xf32, #tpu.memory_space<hbm>> -> memref<80x128xf32, #tpu.memory_space<hbm>>
        tpu.wait_dma2 semaphore(%arg19 : memref<!tpu.dma_semaphore, #tpu.memory_space<semaphore_mem>>) src(%dma_wait3A_601 : memref<80x128xf32, #tpu.memory_space<hbm>>) dst(%dma_wait3A_598 : memref<80x128xf32, #tpu.memory_space<vmem>>)
      } else {
      }
      %add3A_374 = arith.constant 2 : i32
      %add3A_375 = arith.addi %add3A_353, %add3A_374 : i32
      %lt3A_376 = arith.cmpi slt, %add3A_375, %select_n3A : i32
      %convert_element_type3A_377 = arith.extui %lt3A_376 : i1 to i32
      %cond3A_378 = arith.constant 0 : i32
      %cond3A_379 = arith.cmpi ne, %convert_element_type3A_377, %cond3A_378 : i32
      scf.if %cond3A_379 {
        %add3A_587 = arith.constant 2 : i32
        %add3A_588 = arith.addi %add3A_353, %add3A_587 : i32
        %mul3A_589 = arith.constant 80 : i32
        %mul3A_590 = arith.muli %add3A_588, %mul3A_589 : i32
        %add3A_591 = arith.addi %mul3A_10, %mul3A_590 : i32
        %dma_start3A_592 = arith.constant 3 : i32
        %dma_start3A_593 = arith.constant 0 : i32
        %dma_start3A_594 = tpu.memref_slice %arg9[%dma_start3A_592, %dma_start3A_593] : memref<4x80xi32, #tpu.memory_space<vmem>> -> memref<1x80xi32, #tpu.memory_space<vmem>>
        %dma_start3A_595 = tpu.memref_squeeze %dma_start3A_594 : memref<1x80xi32, #tpu.memory_space<vmem>> -> memref<80xi32, #tpu.memory_space<vmem>>
        %dma_start3A_596 = tpu.memref_slice %arg4[%add3A_591] : memref<327680xi32, #tpu.memory_space<hbm>> -> memref<80xi32, #tpu.memory_space<hbm>>
        %dma_start3A_597 = arith.constant 0 : i32
        %dma_start3A_598 = tpu.memref_slice %arg9[%dma_start3A_592, %dma_start3A_597] : memref<4x80xi32, #tpu.memory_space<vmem>> -> memref<1x80xi32, #tpu.memory_space<vmem>>
        %dma_start3A_599 = tpu.memref_squeeze %dma_start3A_598 : memref<1x80xi32, #tpu.memory_space<vmem>> -> memref<80xi32, #tpu.memory_space<vmem>>
        %dma_start3A_600 = tpu.memref_slice %arg4[%add3A_591] : memref<327680xi32, #tpu.memory_space<hbm>> -> memref<80xi32, #tpu.memory_space<hbm>>
        tpu.enqueue_dma source(%dma_start3A_600 : memref<80xi32, #tpu.memory_space<hbm>>) target(%dma_start3A_599 : memref<80xi32, #tpu.memory_space<vmem>>) target_semaphore(%arg27 : memref<!tpu.dma_semaphore, #tpu.memory_space<semaphore_mem>>)
        %mul3A_601 = arith.constant 80 : i32
        %mul3A_602 = arith.muli %add3A_588, %mul3A_601 : i32
        %add3A_603 = arith.addi %mul3A_10, %mul3A_602 : i32
        %dma_start3A_604 = arith.constant 240 : i32
        %dma_start3A_605 = tpu.memref_slice %arg10[%dma_start3A_604] : memref<320xf32, #tpu.memory_space<vmem>> -> memref<80xf32, #tpu.memory_space<vmem>>
        %dma_start3A_606 = tpu.memref_slice %arg5[%add3A_603] : memref<327680xf32, #tpu.memory_space<hbm>> -> memref<80xf32, #tpu.memory_space<hbm>>
        %dma_start3A_607 = arith.constant 240 : i32
        %dma_start3A_608 = tpu.memref_slice %arg10[%dma_start3A_607] : memref<320xf32, #tpu.memory_space<vmem>> -> memref<80xf32, #tpu.memory_space<vmem>>
        %dma_start3A_609 = tpu.memref_slice %arg5[%add3A_603] : memref<327680xf32, #tpu.memory_space<hbm>> -> memref<80xf32, #tpu.memory_space<hbm>>
        tpu.enqueue_dma source(%dma_start3A_609 : memref<80xf32, #tpu.memory_space<hbm>>) target(%dma_start3A_608 : memref<80xf32, #tpu.memory_space<vmem>>) target_semaphore(%arg31 : memref<!tpu.dma_semaphore, #tpu.memory_space<semaphore_mem>>)
      } else {
      }
      %add3A_380 = arith.constant 3 : i32
      %add3A_381 = arith.addi %add3A_353, %add3A_380 : i32
      %lt3A_382 = arith.cmpi slt, %add3A_381, %select_n3A : i32
      %convert_element_type3A_383 = arith.extui %lt3A_382 : i1 to i32
      %cond3A_384 = arith.constant 0 : i32
      %cond3A_385 = arith.cmpi ne, %convert_element_type3A_383, %cond3A_384 : i32
      scf.if %cond3A_385 {
        %dma_wait3A_587 = arith.constant 0 : i32
        %dma_wait3A_588 = arith.constant 0 : i32
        %dma_wait3A_589 = tpu.memref_slice %arg8[%dma_wait3A_587, %dma_wait3A_588] : memref<4x80xi32, #tpu.memory_space<vmem>> -> memref<1x80xi32, #tpu.memory_space<vmem>>
        %dma_wait3A_590 = tpu.memref_squeeze %dma_wait3A_589 : memref<1x80xi32, #tpu.memory_space<vmem>> -> memref<80xi32, #tpu.memory_space<vmem>>
        %dma_wait3A_591 = arith.constant 0 : i32
        %dma_wait3A_592 = tpu.memref_slice %arg3[%dma_wait3A_591] : memref<327680xi32, #tpu.memory_space<hbm>> -> memref<80xi32, #tpu.memory_space<hbm>>
        %dma_wait3A_593 = arith.constant 0 : i32
        %dma_wait3A_594 = tpu.memref_slice %arg8[%dma_wait3A_587, %dma_wait3A_593] : memref<4x80xi32, #tpu.memory_space<vmem>> -> memref<1x80xi32, #tpu.memory_space<vmem>>
        %dma_wait3A_595 = tpu.memref_squeeze %dma_wait3A_594 : memref<1x80xi32, #tpu.memory_space<vmem>> -> memref<80xi32, #tpu.memory_space<vmem>>
        %dma_wait3A_596 = arith.constant 0 : i32
        %dma_wait3A_597 = tpu.memref_slice %arg3[%dma_wait3A_596] : memref<327680xi32, #tpu.memory_space<hbm>> -> memref<80xi32, #tpu.memory_space<hbm>>
        tpu.wait_dma2 semaphore(%arg20 : memref<!tpu.dma_semaphore, #tpu.memory_space<semaphore_mem>>) src(%dma_wait3A_597 : memref<80xi32, #tpu.memory_space<hbm>>) dst(%dma_wait3A_595 : memref<80xi32, #tpu.memory_space<vmem>>)
        %dma_start3A_598 = arith.constant 0 : i32
        %dma_start3A_599 = arith.constant 0 : i32
        %dma_start3A_600 = arith.constant 0 : i32
        %dma_start3A_601 = arith.constant 0 : i32
        %dma_start3A_602 = tpu.memref_slice %arg11[%dma_start3A_599, %dma_start3A_600, %dma_start3A_601] : memref<4x80x64xi32, #tpu.memory_space<vmem>> -> memref<1x80x64xi32, #tpu.memory_space<vmem>>
        %dma_start3A_603 = tpu.memref_squeeze %dma_start3A_602 : memref<1x80x64xi32, #tpu.memory_space<vmem>> -> memref<80x64xi32, #tpu.memory_space<vmem>>
        %dma_start3A_604 = arith.constant 0 : i32
        %dma_start3A_605 = tpu.memref_slice %arg8[%dma_start3A_598, %dma_start3A_604] : memref<4x80xi32, #tpu.memory_space<vmem>> -> memref<1x80xi32, #tpu.memory_space<vmem>>
        %dma_start3A_606 = tpu.memref_squeeze %dma_start3A_605 : memref<1x80xi32, #tpu.memory_space<vmem>> -> memref<80xi32, #tpu.memory_space<vmem>>
        %dma_start3A_607 = arith.constant 0 : i32
        %dma_start3A_608 = arith.constant 0 : i32
        %dma_start3A_609 = tpu.memref_slice %arg2[%dma_start3A_607, %dma_start3A_608] : memref<10000x64xi32, #tpu.memory_space<hbm>> -> memref<10000x64xi32, #tpu.memory_space<hbm>>
        tpu.enqueue_indirect_dma source(%dma_start3A_609 : memref<10000x64xi32, #tpu.memory_space<hbm>>) target(%dma_start3A_603 : memref<80x64xi32, #tpu.memory_space<vmem>>) offsets(%dma_start3A_606 : memref<80xi32, #tpu.memory_space<vmem>>) semaphore(%arg14 : memref<!tpu.dma_semaphore, #tpu.memory_space<semaphore_mem>>)
      } else {
      }
      %add3A_386 = arith.constant 4 : i32
      %add3A_387 = arith.addi %add3A_353, %add3A_386 : i32
      %lt3A_388 = arith.cmpi slt, %add3A_387, %select_n3A : i32
      %convert_element_type3A_389 = arith.extui %lt3A_388 : i1 to i32
      %cond3A_390 = arith.constant 0 : i32
      %cond3A_391 = arith.cmpi ne, %convert_element_type3A_389, %cond3A_390 : i32
      scf.if %cond3A_391 {
        %add3A_587 = arith.constant 4 : i32
        %add3A_588 = arith.addi %add3A_353, %add3A_587 : i32
        %mul3A_589 = arith.constant 80 : i32
        %mul3A_590 = arith.muli %add3A_588, %mul3A_589 : i32
        %add3A_591 = arith.addi %mul3A_10, %mul3A_590 : i32
        %dma_start3A_592 = arith.constant 1 : i32
        %dma_start3A_593 = arith.constant 0 : i32
        %dma_start3A_594 = tpu.memref_slice %arg8[%dma_start3A_592, %dma_start3A_593] : memref<4x80xi32, #tpu.memory_space<vmem>> -> memref<1x80xi32, #tpu.memory_space<vmem>>
        %dma_start3A_595 = tpu.memref_squeeze %dma_start3A_594 : memref<1x80xi32, #tpu.memory_space<vmem>> -> memref<80xi32, #tpu.memory_space<vmem>>
        %dma_start3A_596 = tpu.memref_slice %arg3[%add3A_591] : memref<327680xi32, #tpu.memory_space<hbm>> -> memref<80xi32, #tpu.memory_space<hbm>>
        %dma_start3A_597 = arith.constant 0 : i32
        %dma_start3A_598 = tpu.memref_slice %arg8[%dma_start3A_592, %dma_start3A_597] : memref<4x80xi32, #tpu.memory_space<vmem>> -> memref<1x80xi32, #tpu.memory_space<vmem>>
        %dma_start3A_599 = tpu.memref_squeeze %dma_start3A_598 : memref<1x80xi32, #tpu.memory_space<vmem>> -> memref<80xi32, #tpu.memory_space<vmem>>
        %dma_start3A_600 = tpu.memref_slice %arg3[%add3A_591] : memref<327680xi32, #tpu.memory_space<hbm>> -> memref<80xi32, #tpu.memory_space<hbm>>
        tpu.enqueue_dma source(%dma_start3A_600 : memref<80xi32, #tpu.memory_space<hbm>>) target(%dma_start3A_599 : memref<80xi32, #tpu.memory_space<vmem>>) target_semaphore(%arg21 : memref<!tpu.dma_semaphore, #tpu.memory_space<semaphore_mem>>)
      } else {
      }
      %dma_wait3A_392 = arith.constant 80 : i32
      %dma_wait3A_393 = tpu.memref_slice %arg10[%dma_wait3A_392] : memref<320xf32, #tpu.memory_space<vmem>> -> memref<80xf32, #tpu.memory_space<vmem>>
      %dma_wait3A_394 = arith.constant 0 : i32
      %dma_wait3A_395 = tpu.memref_slice %arg5[%dma_wait3A_394] : memref<327680xf32, #tpu.memory_space<hbm>> -> memref<80xf32, #tpu.memory_space<hbm>>
      %dma_wait3A_396 = arith.constant 80 : i32
      %dma_wait3A_397 = tpu.memref_slice %arg10[%dma_wait3A_396] : memref<320xf32, #tpu.memory_space<vmem>> -> memref<80xf32, #tpu.memory_space<vmem>>
      %dma_wait3A_398 = arith.constant 0 : i32
      %dma_wait3A_399 = tpu.memref_slice %arg5[%dma_wait3A_398] : memref<327680xf32, #tpu.memory_space<hbm>> -> memref<80xf32, #tpu.memory_space<hbm>>
      tpu.wait_dma2 semaphore(%arg29 : memref<!tpu.dma_semaphore, #tpu.memory_space<semaphore_mem>>) src(%dma_wait3A_399 : memref<80xf32, #tpu.memory_space<hbm>>) dst(%dma_wait3A_397 : memref<80xf32, #tpu.memory_space<vmem>>)
      %scan3A_400 = arith.constant 0 : i32
      %scan3A_401 = arith.constant 0 : i32
      %scan3A_402 = arith.constant 40 : i32
      %scan3A_403 = arith.addi %scan3A_401, %scan3A_402 : i32
      %scan3A_404 = arith.constant 1 : i32
      scf.for %scan3A_587 = %scan3A_401 to %scan3A_403 step %scan3A_404  : i32 {
        %mul3A_588 = arith.constant 2 : i32
        %mul3A_589 = arith.muli %scan3A_587, %mul3A_588 : i32
        %add3A_590 = arith.constant 1 : i32
        %add3A_591 = arith.addi %mul3A_589, %add3A_590 : i32
        %add3A_592 = arith.constant 80 : i32
        %add3A_593 = arith.addi %add3A_592, %mul3A_589 : i32
        %broadcast_in_dim3A = vector.broadcast %add3A_593 : i32 to vector<16xi32>
        %gather3A = tpu.vector_load_idx %arg10[%broadcast_in_dim3A] : memref<320xf32, #tpu.memory_space<vmem>>[vector<16xi32>], vector<16xf32>,
        %get3A = arith.constant 1 : i32
        %get3A_594 = arith.index_cast %get3A : i32 to index
        %get3A_595 = arith.index_cast %mul3A_589 : i32 to index
        %get3A_596 = arith.constant 0 : index
        %get3A_597 = tpu.vector_load %arg11[%get3A_594, %get3A_595, %get3A_596] {strides = array<i32>} : memref<4x80x64xi32, #tpu.memory_space<vmem>>, vector<16xi32>,
        %shift_left3A = arith.constant 16 : i32
        %shift_left3A_598 = vector.broadcast %shift_left3A : i32 to vector<16xi32>
        %shift_left3A_599 = arith.shli %get3A_597, %shift_left3A_598 : vector<16xi32>
        %bitcast3A = vector.bitcast %shift_left3A_599 : vector<16xi32> to vector<16xf32>
        %and3A_600 = arith.constant -65536 : i32
        %and3A_601 = vector.broadcast %and3A_600 : i32 to vector<16xi32>
        %and3A_602 = arith.andi %get3A_597, %and3A_601 : vector<16xi32>
        %bitcast3A_603 = vector.bitcast %and3A_602 : vector<16xi32> to vector<16xf32>
        %mul3A_604 = arith.mulf %bitcast3A, %gather3A : vector<16xf32>
        %swap3A = arith.constant 1 : i32
        %swap3A_605 = arith.index_cast %swap3A : i32 to index
        %swap3A_606 = arith.index_cast %mul3A_589 : i32 to index
        %swap3A_607 = arith.constant 0 : index
        %swap3A_608 = tpu.vector_load %arg12[%swap3A_605, %swap3A_606, %swap3A_607] {strides = array<i32>} : memref<2x80x128xf32, #tpu.memory_space<vmem>>, vector<16xf32>,
        tpu.vector_store %arg12[%swap3A_605, %swap3A_606, %swap3A_607], %mul3A_604 {strides = array<i32>} : memref<2x80x128xf32, #tpu.memory_space<vmem>>, vector<16xf32>,
        %mul3A_609 = arith.mulf %bitcast3A_603, %gather3A : vector<16xf32>
        %swap3A_610 = arith.constant 1 : i32
        %swap3A_611 = arith.index_cast %swap3A_610 : i32 to index
        %swap3A_612 = arith.index_cast %mul3A_589 : i32 to index
        %swap3A_613 = arith.constant 16 : index
        %swap3A_614 = tpu.vector_load %arg12[%swap3A_611, %swap3A_612, %swap3A_613] {strides = array<i32>} : memref<2x80x128xf32, #tpu.memory_space<vmem>>, vector<16xf32>,
        tpu.vector_store %arg12[%swap3A_611, %swap3A_612, %swap3A_613], %mul3A_609 {strides = array<i32>} : memref<2x80x128xf32, #tpu.memory_space<vmem>>, vector<16xf32>,
        %get3A_615 = arith.constant 1 : i32
        %get3A_616 = arith.index_cast %get3A_615 : i32 to index
        %get3A_617 = arith.index_cast %mul3A_589 : i32 to index
        %get3A_618 = arith.constant 16 : index
        %get3A_619 = tpu.vector_load %arg11[%get3A_616, %get3A_617, %get3A_618] {strides = array<i32>} : memref<4x80x64xi32, #tpu.memory_space<vmem>>, vector<16xi32>,
        %shift_left3A_620 = arith.constant 16 : i32
        %shift_left3A_621 = vector.broadcast %shift_left3A_620 : i32 to vector<16xi32>
        %shift_left3A_622 = arith.shli %get3A_619, %shift_left3A_621 : vector<16xi32>
        %bitcast3A_623 = vector.bitcast %shift_left3A_622 : vector<16xi32> to vector<16xf32>
        %and3A_624 = arith.constant -65536 : i32
        %and3A_625 = vector.broadcast %and3A_624 : i32 to vector<16xi32>
        %and3A_626 = arith.andi %get3A_619, %and3A_625 : vector<16xi32>
        %bitcast3A_627 = vector.bitcast %and3A_626 : vector<16xi32> to vector<16xf32>
        %mul3A_628 = arith.mulf %bitcast3A_623, %gather3A : vector<16xf32>
        %swap3A_629 = arith.constant 1 : i32
        %swap3A_630 = arith.index_cast %swap3A_629 : i32 to index
        %swap3A_631 = arith.index_cast %mul3A_589 : i32 to index
        %swap3A_632 = arith.constant 32 : index
        %swap3A_633 = tpu.vector_load %arg12[%swap3A_630, %swap3A_631, %swap3A_632] {strides = array<i32>} : memref<2x80x128xf32, #tpu.memory_space<vmem>>, vector<16xf32>,
        tpu.vector_store %arg12[%swap3A_630, %swap3A_631, %swap3A_632], %mul3A_628 {strides = array<i32>} : memref<2x80x128xf32, #tpu.memory_space<vmem>>, vector<16xf32>,
        %mul3A_634 = arith.mulf %bitcast3A_627, %gather3A : vector<16xf32>
        %swap3A_635 = arith.constant 1 : i32
        %swap3A_636 = arith.index_cast %swap3A_635 : i32 to index
        %swap3A_637 = arith.index_cast %mul3A_589 : i32 to index
        %swap3A_638 = arith.constant 48 : index
        %swap3A_639 = tpu.vector_load %arg12[%swap3A_636, %swap3A_637, %swap3A_638] {strides = array<i32>} : memref<2x80x128xf32, #tpu.memory_space<vmem>>, vector<16xf32>,
        tpu.vector_store %arg12[%swap3A_636, %swap3A_637, %swap3A_638], %mul3A_634 {strides = array<i32>} : memref<2x80x128xf32, #tpu.memory_space<vmem>>, vector<16xf32>,
        %get3A_640 = arith.constant 1 : i32
        %get3A_641 = arith.index_cast %get3A_640 : i32 to index
        %get3A_642 = arith.index_cast %mul3A_589 : i32 to index
        %get3A_643 = arith.constant 32 : index
        %get3A_644 = tpu.vector_load %arg11[%get3A_641, %get3A_642, %get3A_643] {strides = array<i32>} : memref<4x80x64xi32, #tpu.memory_space<vmem>>, vector<16xi32>,
        %shift_left3A_645 = arith.constant 16 : i32
        %shift_left3A_646 = vector.broadcast %shift_left3A_645 : i32 to vector<16xi32>
        %shift_left3A_647 = arith.shli %get3A_644, %shift_left3A_646 : vector<16xi32>
        %bitcast3A_648 = vector.bitcast %shift_left3A_647 : vector<16xi32> to vector<16xf32>
        %and3A_649 = arith.constant -65536 : i32
        %and3A_650 = vector.broadcast %and3A_649 : i32 to vector<16xi32>
        %and3A_651 = arith.andi %get3A_644, %and3A_650 : vector<16xi32>
        %bitcast3A_652 = vector.bitcast %and3A_651 : vector<16xi32> to vector<16xf32>
        %mul3A_653 = arith.mulf %bitcast3A_648, %gather3A : vector<16xf32>
        %swap3A_654 = arith.constant 1 : i32
        %swap3A_655 = arith.index_cast %swap3A_654 : i32 to index
        %swap3A_656 = arith.index_cast %mul3A_589 : i32 to index
        %swap3A_657 = arith.constant 64 : index
        %swap3A_658 = tpu.vector_load %arg12[%swap3A_655, %swap3A_656, %swap3A_657] {strides = array<i32>} : memref<2x80x128xf32, #tpu.memory_space<vmem>>, vector<16xf32>,
        tpu.vector_store %arg12[%swap3A_655, %swap3A_656, %swap3A_657], %mul3A_653 {strides = array<i32>} : memref<2x80x128xf32, #tpu.memory_space<vmem>>, vector<16xf32>,
        %mul3A_659 = arith.mulf %bitcast3A_652, %gather3A : vector<16xf32>
        %swap3A_660 = arith.constant 1 : i32
        %swap3A_661 = arith.index_cast %swap3A_660 : i32 to index
        %swap3A_662 = arith.index_cast %mul3A_589 : i32 to index
        %swap3A_663 = arith.constant 80 : index
        %swap3A_664 = tpu.vector_load %arg12[%swap3A_661, %swap3A_662, %swap3A_663] {strides = array<i32>} : memref<2x80x128xf32, #tpu.memory_space<vmem>>, vector<16xf32>,
        tpu.vector_store %arg12[%swap3A_661, %swap3A_662, %swap3A_663], %mul3A_659 {strides = array<i32>} : memref<2x80x128xf32, #tpu.memory_space<vmem>>, vector<16xf32>,
        %get3A_665 = arith.constant 1 : i32
        %get3A_666 = arith.index_cast %get3A_665 : i32 to index
        %get3A_667 = arith.index_cast %mul3A_589 : i32 to index
        %get3A_668 = arith.constant 48 : index
        %get3A_669 = tpu.vector_load %arg11[%get3A_666, %get3A_667, %get3A_668] {strides = array<i32>} : memref<4x80x64xi32, #tpu.memory_space<vmem>>, vector<16xi32>,
        %shift_left3A_670 = arith.constant 16 : i32
        %shift_left3A_671 = vector.broadcast %shift_left3A_670 : i32 to vector<16xi32>
        %shift_left3A_672 = arith.shli %get3A_669, %shift_left3A_671 : vector<16xi32>
        %bitcast3A_673 = vector.bitcast %shift_left3A_672 : vector<16xi32> to vector<16xf32>
        %and3A_674 = arith.constant -65536 : i32
        %and3A_675 = vector.broadcast %and3A_674 : i32 to vector<16xi32>
        %and3A_676 = arith.andi %get3A_669, %and3A_675 : vector<16xi32>
        %bitcast3A_677 = vector.bitcast %and3A_676 : vector<16xi32> to vector<16xf32>
        %mul3A_678 = arith.mulf %bitcast3A_673, %gather3A : vector<16xf32>
        %swap3A_679 = arith.constant 1 : i32
        %swap3A_680 = arith.index_cast %swap3A_679 : i32 to index
        %swap3A_681 = arith.index_cast %mul3A_589 : i32 to index
        %swap3A_682 = arith.constant 96 : index
        %swap3A_683 = tpu.vector_load %arg12[%swap3A_680, %swap3A_681, %swap3A_682] {strides = array<i32>} : memref<2x80x128xf32, #tpu.memory_space<vmem>>, vector<16xf32>,
        tpu.vector_store %arg12[%swap3A_680, %swap3A_681, %swap3A_682], %mul3A_678 {strides = array<i32>} : memref<2x80x128xf32, #tpu.memory_space<vmem>>, vector<16xf32>,
        %mul3A_684 = arith.mulf %bitcast3A_677, %gather3A : vector<16xf32>
        %swap3A_685 = arith.constant 1 : i32
        %swap3A_686 = arith.index_cast %swap3A_685 : i32 to index
        %swap3A_687 = arith.index_cast %mul3A_589 : i32 to index
        %swap3A_688 = arith.constant 112 : index
        %swap3A_689 = tpu.vector_load %arg12[%swap3A_686, %swap3A_687, %swap3A_688] {strides = array<i32>} : memref<2x80x128xf32, #tpu.memory_space<vmem>>, vector<16xf32>,
        tpu.vector_store %arg12[%swap3A_686, %swap3A_687, %swap3A_688], %mul3A_684 {strides = array<i32>} : memref<2x80x128xf32, #tpu.memory_space<vmem>>, vector<16xf32>,
        %add3A_690 = arith.constant 80 : i32
        %add3A_691 = arith.addi %add3A_690, %add3A_591 : i32
        %broadcast_in_dim3A_692 = vector.broadcast %add3A_691 : i32 to vector<16xi32>
        %gather3A_693 = tpu.vector_load_idx %arg10[%broadcast_in_dim3A_692] : memref<320xf32, #tpu.memory_space<vmem>>[vector<16xi32>], vector<16xf32>,
        %get3A_694 = arith.constant 1 : i32
        %get3A_695 = arith.index_cast %get3A_694 : i32 to index
        %get3A_696 = arith.index_cast %add3A_591 : i32 to index
        %get3A_697 = arith.constant 0 : index
        %get3A_698 = tpu.vector_load %arg11[%get3A_695, %get3A_696, %get3A_697] {strides = array<i32>} : memref<4x80x64xi32, #tpu.memory_space<vmem>>, vector<16xi32>,
        %shift_left3A_699 = arith.constant 16 : i32
        %shift_left3A_700 = vector.broadcast %shift_left3A_699 : i32 to vector<16xi32>
        %shift_left3A_701 = arith.shli %get3A_698, %shift_left3A_700 : vector<16xi32>
        %bitcast3A_702 = vector.bitcast %shift_left3A_701 : vector<16xi32> to vector<16xf32>
        %and3A_703 = arith.constant -65536 : i32
        %and3A_704 = vector.broadcast %and3A_703 : i32 to vector<16xi32>
        %and3A_705 = arith.andi %get3A_698, %and3A_704 : vector<16xi32>
        %bitcast3A_706 = vector.bitcast %and3A_705 : vector<16xi32> to vector<16xf32>
        %mul3A_707 = arith.mulf %bitcast3A_702, %gather3A_693 : vector<16xf32>
        %swap3A_708 = arith.constant 1 : i32
        %swap3A_709 = arith.index_cast %swap3A_708 : i32 to index
        %swap3A_710 = arith.index_cast %add3A_591 : i32 to index
        %swap3A_711 = arith.constant 0 : index
        %swap3A_712 = tpu.vector_load %arg12[%swap3A_709, %swap3A_710, %swap3A_711] {strides = array<i32>} : memref<2x80x128xf32, #tpu.memory_space<vmem>>, vector<16xf32>,
        tpu.vector_store %arg12[%swap3A_709, %swap3A_710, %swap3A_711], %mul3A_707 {strides = array<i32>} : memref<2x80x128xf32, #tpu.memory_space<vmem>>, vector<16xf32>,
        %mul3A_713 = arith.mulf %bitcast3A_706, %gather3A_693 : vector<16xf32>
        %swap3A_714 = arith.constant 1 : i32
        %swap3A_715 = arith.index_cast %swap3A_714 : i32 to index
        %swap3A_716 = arith.index_cast %add3A_591 : i32 to index
        %swap3A_717 = arith.constant 16 : index
        %swap3A_718 = tpu.vector_load %arg12[%swap3A_715, %swap3A_716, %swap3A_717] {strides = array<i32>} : memref<2x80x128xf32, #tpu.memory_space<vmem>>, vector<16xf32>,
        tpu.vector_store %arg12[%swap3A_715, %swap3A_716, %swap3A_717], %mul3A_713 {strides = array<i32>} : memref<2x80x128xf32, #tpu.memory_space<vmem>>, vector<16xf32>,
        %get3A_719 = arith.constant 1 : i32
        %get3A_720 = arith.index_cast %get3A_719 : i32 to index
        %get3A_721 = arith.index_cast %add3A_591 : i32 to index
        %get3A_722 = arith.constant 16 : index
        %get3A_723 = tpu.vector_load %arg11[%get3A_720, %get3A_721, %get3A_722] {strides = array<i32>} : memref<4x80x64xi32, #tpu.memory_space<vmem>>, vector<16xi32>,
        %shift_left3A_724 = arith.constant 16 : i32
        %shift_left3A_725 = vector.broadcast %shift_left3A_724 : i32 to vector<16xi32>
        %shift_left3A_726 = arith.shli %get3A_723, %shift_left3A_725 : vector<16xi32>
        %bitcast3A_727 = vector.bitcast %shift_left3A_726 : vector<16xi32> to vector<16xf32>
        %and3A_728 = arith.constant -65536 : i32
        %and3A_729 = vector.broadcast %and3A_728 : i32 to vector<16xi32>
        %and3A_730 = arith.andi %get3A_723, %and3A_729 : vector<16xi32>
        %bitcast3A_731 = vector.bitcast %and3A_730 : vector<16xi32> to vector<16xf32>
        %mul3A_732 = arith.mulf %bitcast3A_727, %gather3A_693 : vector<16xf32>
        %swap3A_733 = arith.constant 1 : i32
        %swap3A_734 = arith.index_cast %swap3A_733 : i32 to index
        %swap3A_735 = arith.index_cast %add3A_591 : i32 to index
        %swap3A_736 = arith.constant 32 : index
        %swap3A_737 = tpu.vector_load %arg12[%swap3A_734, %swap3A_735, %swap3A_736] {strides = array<i32>} : memref<2x80x128xf32, #tpu.memory_space<vmem>>, vector<16xf32>,
        tpu.vector_store %arg12[%swap3A_734, %swap3A_735, %swap3A_736], %mul3A_732 {strides = array<i32>} : memref<2x80x128xf32, #tpu.memory_space<vmem>>, vector<16xf32>,
        %mul3A_738 = arith.mulf %bitcast3A_731, %gather3A_693 : vector<16xf32>
        %swap3A_739 = arith.constant 1 : i32
        %swap3A_740 = arith.index_cast %swap3A_739 : i32 to index
        %swap3A_741 = arith.index_cast %add3A_591 : i32 to index
        %swap3A_742 = arith.constant 48 : index
        %swap3A_743 = tpu.vector_load %arg12[%swap3A_740, %swap3A_741, %swap3A_742] {strides = array<i32>} : memref<2x80x128xf32, #tpu.memory_space<vmem>>, vector<16xf32>,
        tpu.vector_store %arg12[%swap3A_740, %swap3A_741, %swap3A_742], %mul3A_738 {strides = array<i32>} : memref<2x80x128xf32, #tpu.memory_space<vmem>>, vector<16xf32>,
        %get3A_744 = arith.constant 1 : i32
        %get3A_745 = arith.index_cast %get3A_744 : i32 to index
        %get3A_746 = arith.index_cast %add3A_591 : i32 to index
        %get3A_747 = arith.constant 32 : index
        %get3A_748 = tpu.vector_load %arg11[%get3A_745, %get3A_746, %get3A_747] {strides = array<i32>} : memref<4x80x64xi32, #tpu.memory_space<vmem>>, vector<16xi32>,
        %shift_left3A_749 = arith.constant 16 : i32
        %shift_left3A_750 = vector.broadcast %shift_left3A_749 : i32 to vector<16xi32>
        %shift_left3A_751 = arith.shli %get3A_748, %shift_left3A_750 : vector<16xi32>
        %bitcast3A_752 = vector.bitcast %shift_left3A_751 : vector<16xi32> to vector<16xf32>
        %and3A_753 = arith.constant -65536 : i32
        %and3A_754 = vector.broadcast %and3A_753 : i32 to vector<16xi32>
        %and3A_755 = arith.andi %get3A_748, %and3A_754 : vector<16xi32>
        %bitcast3A_756 = vector.bitcast %and3A_755 : vector<16xi32> to vector<16xf32>
        %mul3A_757 = arith.mulf %bitcast3A_752, %gather3A_693 : vector<16xf32>
        %swap3A_758 = arith.constant 1 : i32
        %swap3A_759 = arith.index_cast %swap3A_758 : i32 to index
        %swap3A_760 = arith.index_cast %add3A_591 : i32 to index
        %swap3A_761 = arith.constant 64 : index
        %swap3A_762 = tpu.vector_load %arg12[%swap3A_759, %swap3A_760, %swap3A_761] {strides = array<i32>} : memref<2x80x128xf32, #tpu.memory_space<vmem>>, vector<16xf32>,
        tpu.vector_store %arg12[%swap3A_759, %swap3A_760, %swap3A_761], %mul3A_757 {strides = array<i32>} : memref<2x80x128xf32, #tpu.memory_space<vmem>>, vector<16xf32>,
        %mul3A_763 = arith.mulf %bitcast3A_756, %gather3A_693 : vector<16xf32>
        %swap3A_764 = arith.constant 1 : i32
        %swap3A_765 = arith.index_cast %swap3A_764 : i32 to index
        %swap3A_766 = arith.index_cast %add3A_591 : i32 to index
        %swap3A_767 = arith.constant 80 : index
        %swap3A_768 = tpu.vector_load %arg12[%swap3A_765, %swap3A_766, %swap3A_767] {strides = array<i32>} : memref<2x80x128xf32, #tpu.memory_space<vmem>>, vector<16xf32>,
        tpu.vector_store %arg12[%swap3A_765, %swap3A_766, %swap3A_767], %mul3A_763 {strides = array<i32>} : memref<2x80x128xf32, #tpu.memory_space<vmem>>, vector<16xf32>,
        %get3A_769 = arith.constant 1 : i32
        %get3A_770 = arith.index_cast %get3A_769 : i32 to index
        %get3A_771 = arith.index_cast %add3A_591 : i32 to index
        %get3A_772 = arith.constant 48 : index
        %get3A_773 = tpu.vector_load %arg11[%get3A_770, %get3A_771, %get3A_772] {strides = array<i32>} : memref<4x80x64xi32, #tpu.memory_space<vmem>>, vector<16xi32>,
        %shift_left3A_774 = arith.constant 16 : i32
        %shift_left3A_775 = vector.broadcast %shift_left3A_774 : i32 to vector<16xi32>
        %shift_left3A_776 = arith.shli %get3A_773, %shift_left3A_775 : vector<16xi32>
        %bitcast3A_777 = vector.bitcast %shift_left3A_776 : vector<16xi32> to vector<16xf32>
        %and3A_778 = arith.constant -65536 : i32
        %and3A_779 = vector.broadcast %and3A_778 : i32 to vector<16xi32>
        %and3A_780 = arith.andi %get3A_773, %and3A_779 : vector<16xi32>
        %bitcast3A_781 = vector.bitcast %and3A_780 : vector<16xi32> to vector<16xf32>
        %mul3A_782 = arith.mulf %bitcast3A_777, %gather3A_693 : vector<16xf32>
        %swap3A_783 = arith.constant 1 : i32
        %swap3A_784 = arith.index_cast %swap3A_783 : i32 to index
        %swap3A_785 = arith.index_cast %add3A_591 : i32 to index
        %swap3A_786 = arith.constant 96 : index
        %swap3A_787 = tpu.vector_load %arg12[%swap3A_784, %swap3A_785, %swap3A_786] {strides = array<i32>} : memref<2x80x128xf32, #tpu.memory_space<vmem>>, vector<16xf32>,
        tpu.vector_store %arg12[%swap3A_784, %swap3A_785, %swap3A_786], %mul3A_782 {strides = array<i32>} : memref<2x80x128xf32, #tpu.memory_space<vmem>>, vector<16xf32>,
        %mul3A_788 = arith.mulf %bitcast3A_781, %gather3A_693 : vector<16xf32>
        %swap3A_789 = arith.constant 1 : i32
        %swap3A_790 = arith.index_cast %swap3A_789 : i32 to index
        %swap3A_791 = arith.index_cast %add3A_591 : i32 to index
        %swap3A_792 = arith.constant 112 : index
        %swap3A_793 = tpu.vector_load %arg12[%swap3A_790, %swap3A_791, %swap3A_792] {strides = array<i32>} : memref<2x80x128xf32, #tpu.memory_space<vmem>>, vector<16xf32>,
        tpu.vector_store %arg12[%swap3A_790, %swap3A_791, %swap3A_792], %mul3A_788 {strides = array<i32>} : memref<2x80x128xf32, #tpu.memory_space<vmem>>, vector<16xf32>,
      }
      %scan3A_405 = arith.constant 40 : i32
      %dma_wait3A_406 = arith.constant 1 : i32
      %dma_wait3A_407 = arith.constant 0 : i32
      %dma_wait3A_408 = tpu.memref_slice %arg8[%dma_wait3A_406, %dma_wait3A_407] : memref<4x80xi32, #tpu.memory_space<vmem>> -> memref<1x80xi32, #tpu.memory_space<vmem>>
      %dma_wait3A_409 = tpu.memref_squeeze %dma_wait3A_408 : memref<1x80xi32, #tpu.memory_space<vmem>> -> memref<80xi32, #tpu.memory_space<vmem>>
      %dma_wait3A_410 = arith.constant 0 : i32
      %dma_wait3A_411 = tpu.memref_slice %arg3[%dma_wait3A_410] : memref<327680xi32, #tpu.memory_space<hbm>> -> memref<80xi32, #tpu.memory_space<hbm>>
      %dma_wait3A_412 = arith.constant 0 : i32
      %dma_wait3A_413 = tpu.memref_slice %arg8[%dma_wait3A_406, %dma_wait3A_412] : memref<4x80xi32, #tpu.memory_space<vmem>> -> memref<1x80xi32, #tpu.memory_space<vmem>>
      %dma_wait3A_414 = tpu.memref_squeeze %dma_wait3A_413 : memref<1x80xi32, #tpu.memory_space<vmem>> -> memref<80xi32, #tpu.memory_space<vmem>>
      %dma_wait3A_415 = arith.constant 0 : i32
      %dma_wait3A_416 = tpu.memref_slice %arg3[%dma_wait3A_415] : memref<327680xi32, #tpu.memory_space<hbm>> -> memref<80xi32, #tpu.memory_space<hbm>>
      tpu.wait_dma2 semaphore(%arg25 : memref<!tpu.dma_semaphore, #tpu.memory_space<semaphore_mem>>) src(%dma_wait3A_416 : memref<80xi32, #tpu.memory_space<hbm>>) dst(%dma_wait3A_414 : memref<80xi32, #tpu.memory_space<vmem>>)
      %dma_start3A_417 = arith.constant 1 : i32
      %dma_start3A_418 = arith.constant 1 : i32
      %dma_start3A_419 = arith.constant 0 : i32
      %dma_start3A_420 = arith.constant 0 : i32
      %dma_start3A_421 = tpu.memref_slice %arg12[%dma_start3A_417, %dma_start3A_419, %dma_start3A_420] : memref<2x80x128xf32, #tpu.memory_space<vmem>> -> memref<1x80x128xf32, #tpu.memory_space<vmem>>
      %dma_start3A_422 = tpu.memref_squeeze %dma_start3A_421 : memref<1x80x128xf32, #tpu.memory_space<vmem>> -> memref<80x128xf32, #tpu.memory_space<vmem>>
      %dma_start3A_423 = arith.constant 0 : i32
      %dma_start3A_424 = tpu.memref_slice %arg9[%dma_start3A_418, %dma_start3A_423] : memref<4x80xi32, #tpu.memory_space<vmem>> -> memref<1x80xi32, #tpu.memory_space<vmem>>
      %dma_start3A_425 = tpu.memref_squeeze %dma_start3A_424 : memref<1x80xi32, #tpu.memory_space<vmem>> -> memref<80xi32, #tpu.memory_space<vmem>>
      %dma_start3A_426 = arith.constant 0 : i32
      %dma_start3A_427 = arith.constant 0 : i32
      %dma_start3A_428 = tpu.memref_slice %arg13[%dma_start3A_426, %dma_start3A_427] : memref<10112x128xf32, #tpu.memory_space<vmem_shared>> -> memref<10112x128xf32, #tpu.memory_space<vmem_shared>>
      tpu.enqueue_indirect_dma source(%dma_start3A_422 : memref<80x128xf32, #tpu.memory_space<vmem>>) target(%dma_start3A_428 : memref<10112x128xf32, #tpu.memory_space<vmem_shared>>) offsets(%dma_start3A_425 : memref<80xi32, #tpu.memory_space<vmem>>) semaphore(%arg19 : memref<!tpu.dma_semaphore, #tpu.memory_space<semaphore_mem>>) {add = true}
      %mul3A_429 = arith.constant 4 : i32
      %mul3A_430 = arith.muli %mul3A_429, %while3A_272 : i32
      %add3A_431 = arith.constant 2 : i32
      %add3A_432 = arith.addi %mul3A_430, %add3A_431 : i32
      %dma_wait3A_433 = arith.constant 2 : i32
      %dma_wait3A_434 = arith.constant 0 : i32
      %dma_wait3A_435 = arith.constant 0 : i32
      %dma_wait3A_436 = tpu.memref_slice %arg11[%dma_wait3A_433, %dma_wait3A_434, %dma_wait3A_435] : memref<4x80x64xi32, #tpu.memory_space<vmem>> -> memref<1x80x64xi32, #tpu.memory_space<vmem>>
      %dma_wait3A_437 = tpu.memref_squeeze %dma_wait3A_436 : memref<1x80x64xi32, #tpu.memory_space<vmem>> -> memref<80x64xi32, #tpu.memory_space<vmem>>
      %dma_wait3A_438 = arith.constant 0 : i32
      %dma_wait3A_439 = arith.constant 0 : i32
      %dma_wait3A_440 = tpu.memref_slice %arg2[%dma_wait3A_438, %dma_wait3A_439] : memref<10000x64xi32, #tpu.memory_space<hbm>> -> memref<80x64xi32, #tpu.memory_space<hbm>>
      %dma_wait3A_441 = arith.constant 0 : i32
      %dma_wait3A_442 = arith.constant 0 : i32
      %dma_wait3A_443 = tpu.memref_slice %arg11[%dma_wait3A_433, %dma_wait3A_441, %dma_wait3A_442] : memref<4x80x64xi32, #tpu.memory_space<vmem>> -> memref<1x80x64xi32, #tpu.memory_space<vmem>>
      %dma_wait3A_444 = tpu.memref_squeeze %dma_wait3A_443 : memref<1x80x64xi32, #tpu.memory_space<vmem>> -> memref<80x64xi32, #tpu.memory_space<vmem>>
      %dma_wait3A_445 = arith.constant 0 : i32
      %dma_wait3A_446 = arith.constant 0 : i32
      %dma_wait3A_447 = tpu.memref_slice %arg2[%dma_wait3A_445, %dma_wait3A_446] : memref<10000x64xi32, #tpu.memory_space<hbm>> -> memref<80x64xi32, #tpu.memory_space<hbm>>
      tpu.wait_dma2 semaphore(%arg16 : memref<!tpu.dma_semaphore, #tpu.memory_space<semaphore_mem>>) src(%dma_wait3A_447 : memref<80x64xi32, #tpu.memory_space<hbm>>) dst(%dma_wait3A_444 : memref<80x64xi32, #tpu.memory_space<vmem>>)
      %ge3A_448 = arith.constant 2 : i32
      %ge3A_449 = arith.cmpi sge, %add3A_432, %ge3A_448 : i32
      %convert_element_type3A_450 = arith.extui %ge3A_449 : i1 to i32
      %cond3A_451 = arith.constant 0 : i32
      %cond3A_452 = arith.cmpi ne, %convert_element_type3A_450, %cond3A_451 : i32
      scf.if %cond3A_452 {
        %dma_wait3A_587 = arith.constant 0 : i32
        %dma_wait3A_588 = arith.constant 0 : i32
        %dma_wait3A_589 = arith.constant 0 : i32
        %dma_wait3A_590 = tpu.memref_slice %arg12[%dma_wait3A_587, %dma_wait3A_588, %dma_wait3A_589] : memref<2x80x128xf32, #tpu.memory_space<vmem>> -> memref<1x80x128xf32, #tpu.memory_space<vmem>>
        %dma_wait3A_591 = tpu.memref_squeeze %dma_wait3A_590 : memref<1x80x128xf32, #tpu.memory_space<vmem>> -> memref<80x128xf32, #tpu.memory_space<vmem>>
        %dma_wait3A_592 = arith.constant 0 : i32
        %dma_wait3A_593 = arith.constant 0 : i32
        %dma_wait3A_594 = tpu.memref_slice %arg6[%dma_wait3A_592, %dma_wait3A_593] : memref<10112x128xf32, #tpu.memory_space<hbm>> -> memref<80x128xf32, #tpu.memory_space<hbm>>
        %dma_wait3A_595 = arith.constant 0 : i32
        %dma_wait3A_596 = arith.constant 0 : i32
        %dma_wait3A_597 = tpu.memref_slice %arg12[%dma_wait3A_587, %dma_wait3A_595, %dma_wait3A_596] : memref<2x80x128xf32, #tpu.memory_space<vmem>> -> memref<1x80x128xf32, #tpu.memory_space<vmem>>
        %dma_wait3A_598 = tpu.memref_squeeze %dma_wait3A_597 : memref<1x80x128xf32, #tpu.memory_space<vmem>> -> memref<80x128xf32, #tpu.memory_space<vmem>>
        %dma_wait3A_599 = arith.constant 0 : i32
        %dma_wait3A_600 = arith.constant 0 : i32
        %dma_wait3A_601 = tpu.memref_slice %arg6[%dma_wait3A_599, %dma_wait3A_600] : memref<10112x128xf32, #tpu.memory_space<hbm>> -> memref<80x128xf32, #tpu.memory_space<hbm>>
        tpu.wait_dma2 semaphore(%arg18 : memref<!tpu.dma_semaphore, #tpu.memory_space<semaphore_mem>>) src(%dma_wait3A_601 : memref<80x128xf32, #tpu.memory_space<hbm>>) dst(%dma_wait3A_598 : memref<80x128xf32, #tpu.memory_space<vmem>>)
      } else {
      }
      %add3A_453 = arith.constant 2 : i32
      %add3A_454 = arith.addi %add3A_432, %add3A_453 : i32
      %lt3A_455 = arith.cmpi slt, %add3A_454, %select_n3A : i32
      %convert_element_type3A_456 = arith.extui %lt3A_455 : i1 to i32
      %cond3A_457 = arith.constant 0 : i32
      %cond3A_458 = arith.cmpi ne, %convert_element_type3A_456, %cond3A_457 : i32
      scf.if %cond3A_458 {
        %add3A_587 = arith.constant 2 : i32
        %add3A_588 = arith.addi %add3A_432, %add3A_587 : i32
        %mul3A_589 = arith.constant 80 : i32
        %mul3A_590 = arith.muli %add3A_588, %mul3A_589 : i32
        %add3A_591 = arith.addi %mul3A_10, %mul3A_590 : i32
        %dma_start3A_592 = arith.constant 0 : i32
        %dma_start3A_593 = arith.constant 0 : i32
        %dma_start3A_594 = tpu.memref_slice %arg9[%dma_start3A_592, %dma_start3A_593] : memref<4x80xi32, #tpu.memory_space<vmem>> -> memref<1x80xi32, #tpu.memory_space<vmem>>
        %dma_start3A_595 = tpu.memref_squeeze %dma_start3A_594 : memref<1x80xi32, #tpu.memory_space<vmem>> -> memref<80xi32, #tpu.memory_space<vmem>>
        %dma_start3A_596 = tpu.memref_slice %arg4[%add3A_591] : memref<327680xi32, #tpu.memory_space<hbm>> -> memref<80xi32, #tpu.memory_space<hbm>>
        %dma_start3A_597 = arith.constant 0 : i32
        %dma_start3A_598 = tpu.memref_slice %arg9[%dma_start3A_592, %dma_start3A_597] : memref<4x80xi32, #tpu.memory_space<vmem>> -> memref<1x80xi32, #tpu.memory_space<vmem>>
        %dma_start3A_599 = tpu.memref_squeeze %dma_start3A_598 : memref<1x80xi32, #tpu.memory_space<vmem>> -> memref<80xi32, #tpu.memory_space<vmem>>
        %dma_start3A_600 = tpu.memref_slice %arg4[%add3A_591] : memref<327680xi32, #tpu.memory_space<hbm>> -> memref<80xi32, #tpu.memory_space<hbm>>
        tpu.enqueue_dma source(%dma_start3A_600 : memref<80xi32, #tpu.memory_space<hbm>>) target(%dma_start3A_599 : memref<80xi32, #tpu.memory_space<vmem>>) target_semaphore(%arg24 : memref<!tpu.dma_semaphore, #tpu.memory_space<semaphore_mem>>)
        %mul3A_601 = arith.constant 80 : i32
        %mul3A_602 = arith.muli %add3A_588, %mul3A_601 : i32
        %add3A_603 = arith.addi %mul3A_10, %mul3A_602 : i32
        %dma_start3A_604 = arith.constant 0 : i32
        %dma_start3A_605 = tpu.memref_slice %arg10[%dma_start3A_604] : memref<320xf32, #tpu.memory_space<vmem>> -> memref<80xf32, #tpu.memory_space<vmem>>
        %dma_start3A_606 = tpu.memref_slice %arg5[%add3A_603] : memref<327680xf32, #tpu.memory_space<hbm>> -> memref<80xf32, #tpu.memory_space<hbm>>
        %dma_start3A_607 = arith.constant 0 : i32
        %dma_start3A_608 = tpu.memref_slice %arg10[%dma_start3A_607] : memref<320xf32, #tpu.memory_space<vmem>> -> memref<80xf32, #tpu.memory_space<vmem>>
        %dma_start3A_609 = tpu.memref_slice %arg5[%add3A_603] : memref<327680xf32, #tpu.memory_space<hbm>> -> memref<80xf32, #tpu.memory_space<hbm>>
        tpu.enqueue_dma source(%dma_start3A_609 : memref<80xf32, #tpu.memory_space<hbm>>) target(%dma_start3A_608 : memref<80xf32, #tpu.memory_space<vmem>>) target_semaphore(%arg28 : memref<!tpu.dma_semaphore, #tpu.memory_space<semaphore_mem>>)
      } else {
      }
      %add3A_459 = arith.constant 3 : i32
      %add3A_460 = arith.addi %add3A_432, %add3A_459 : i32
      %lt3A_461 = arith.cmpi slt, %add3A_460, %select_n3A : i32
      %convert_element_type3A_462 = arith.extui %lt3A_461 : i1 to i32
      %cond3A_463 = arith.constant 0 : i32
      %cond3A_464 = arith.cmpi ne, %convert_element_type3A_462, %cond3A_463 : i32
      scf.if %cond3A_464 {
        %dma_wait3A_587 = arith.constant 1 : i32
        %dma_wait3A_588 = arith.constant 0 : i32
        %dma_wait3A_589 = tpu.memref_slice %arg8[%dma_wait3A_587, %dma_wait3A_588] : memref<4x80xi32, #tpu.memory_space<vmem>> -> memref<1x80xi32, #tpu.memory_space<vmem>>
        %dma_wait3A_590 = tpu.memref_squeeze %dma_wait3A_589 : memref<1x80xi32, #tpu.memory_space<vmem>> -> memref<80xi32, #tpu.memory_space<vmem>>
        %dma_wait3A_591 = arith.constant 0 : i32
        %dma_wait3A_592 = tpu.memref_slice %arg3[%dma_wait3A_591] : memref<327680xi32, #tpu.memory_space<hbm>> -> memref<80xi32, #tpu.memory_space<hbm>>
        %dma_wait3A_593 = arith.constant 0 : i32
        %dma_wait3A_594 = tpu.memref_slice %arg8[%dma_wait3A_587, %dma_wait3A_593] : memref<4x80xi32, #tpu.memory_space<vmem>> -> memref<1x80xi32, #tpu.memory_space<vmem>>
        %dma_wait3A_595 = tpu.memref_squeeze %dma_wait3A_594 : memref<1x80xi32, #tpu.memory_space<vmem>> -> memref<80xi32, #tpu.memory_space<vmem>>
        %dma_wait3A_596 = arith.constant 0 : i32
        %dma_wait3A_597 = tpu.memref_slice %arg3[%dma_wait3A_596] : memref<327680xi32, #tpu.memory_space<hbm>> -> memref<80xi32, #tpu.memory_space<hbm>>
        tpu.wait_dma2 semaphore(%arg21 : memref<!tpu.dma_semaphore, #tpu.memory_space<semaphore_mem>>) src(%dma_wait3A_597 : memref<80xi32, #tpu.memory_space<hbm>>) dst(%dma_wait3A_595 : memref<80xi32, #tpu.memory_space<vmem>>)
        %dma_start3A_598 = arith.constant 1 : i32
        %dma_start3A_599 = arith.constant 1 : i32
        %dma_start3A_600 = arith.constant 0 : i32
        %dma_start3A_601 = arith.constant 0 : i32
        %dma_start3A_602 = tpu.memref_slice %arg11[%dma_start3A_599, %dma_start3A_600, %dma_start3A_601] : memref<4x80x64xi32, #tpu.memory_space<vmem>> -> memref<1x80x64xi32, #tpu.memory_space<vmem>>
        %dma_start3A_603 = tpu.memref_squeeze %dma_start3A_602 : memref<1x80x64xi32, #tpu.memory_space<vmem>> -> memref<80x64xi32, #tpu.memory_space<vmem>>
        %dma_start3A_604 = arith.constant 0 : i32
        %dma_start3A_605 = tpu.memref_slice %arg8[%dma_start3A_598, %dma_start3A_604] : memref<4x80xi32, #tpu.memory_space<vmem>> -> memref<1x80xi32, #tpu.memory_space<vmem>>
        %dma_start3A_606 = tpu.memref_squeeze %dma_start3A_605 : memref<1x80xi32, #tpu.memory_space<vmem>> -> memref<80xi32, #tpu.memory_space<vmem>>
        %dma_start3A_607 = arith.constant 0 : i32
        %dma_start3A_608 = arith.constant 0 : i32
        %dma_start3A_609 = tpu.memref_slice %arg2[%dma_start3A_607, %dma_start3A_608] : memref<10000x64xi32, #tpu.memory_space<hbm>> -> memref<10000x64xi32, #tpu.memory_space<hbm>>
        tpu.enqueue_indirect_dma source(%dma_start3A_609 : memref<10000x64xi32, #tpu.memory_space<hbm>>) target(%dma_start3A_603 : memref<80x64xi32, #tpu.memory_space<vmem>>) offsets(%dma_start3A_606 : memref<80xi32, #tpu.memory_space<vmem>>) semaphore(%arg15 : memref<!tpu.dma_semaphore, #tpu.memory_space<semaphore_mem>>)
      } else {
      }
      %add3A_465 = arith.constant 4 : i32
      %add3A_466 = arith.addi %add3A_432, %add3A_465 : i32
      %lt3A_467 = arith.cmpi slt, %add3A_466, %select_n3A : i32
      %convert_element_type3A_468 = arith.extui %lt3A_467 : i1 to i32
      %cond3A_469 = arith.constant 0 : i32
      %cond3A_470 = arith.cmpi ne, %convert_element_type3A_468, %cond3A_469 : i32
      scf.if %cond3A_470 {
        %add3A_587 = arith.constant 4 : i32
        %add3A_588 = arith.addi %add3A_432, %add3A_587 : i32
        %mul3A_589 = arith.constant 80 : i32
        %mul3A_590 = arith.muli %add3A_588, %mul3A_589 : i32
        %add3A_591 = arith.addi %mul3A_10, %mul3A_590 : i32
        %dma_start3A_592 = arith.constant 2 : i32
        %dma_start3A_593 = arith.constant 0 : i32
        %dma_start3A_594 = tpu.memref_slice %arg8[%dma_start3A_592, %dma_start3A_593] : memref<4x80xi32, #tpu.memory_space<vmem>> -> memref<1x80xi32, #tpu.memory_space<vmem>>
        %dma_start3A_595 = tpu.memref_squeeze %dma_start3A_594 : memref<1x80xi32, #tpu.memory_space<vmem>> -> memref<80xi32, #tpu.memory_space<vmem>>
        %dma_start3A_596 = tpu.memref_slice %arg3[%add3A_591] : memref<327680xi32, #tpu.memory_space<hbm>> -> memref<80xi32, #tpu.memory_space<hbm>>
        %dma_start3A_597 = arith.constant 0 : i32
        %dma_start3A_598 = tpu.memref_slice %arg8[%dma_start3A_592, %dma_start3A_597] : memref<4x80xi32, #tpu.memory_space<vmem>> -> memref<1x80xi32, #tpu.memory_space<vmem>>
        %dma_start3A_599 = tpu.memref_squeeze %dma_start3A_598 : memref<1x80xi32, #tpu.memory_space<vmem>> -> memref<80xi32, #tpu.memory_space<vmem>>
        %dma_start3A_600 = tpu.memref_slice %arg3[%add3A_591] : memref<327680xi32, #tpu.memory_space<hbm>> -> memref<80xi32, #tpu.memory_space<hbm>>
        tpu.enqueue_dma source(%dma_start3A_600 : memref<80xi32, #tpu.memory_space<hbm>>) target(%dma_start3A_599 : memref<80xi32, #tpu.memory_space<vmem>>) target_semaphore(%arg22 : memref<!tpu.dma_semaphore, #tpu.memory_space<semaphore_mem>>)
      } else {
      }
      %dma_wait3A_471 = arith.constant 160 : i32
      %dma_wait3A_472 = tpu.memref_slice %arg10[%dma_wait3A_471] : memref<320xf32, #tpu.memory_space<vmem>> -> memref<80xf32, #tpu.memory_space<vmem>>
      %dma_wait3A_473 = arith.constant 0 : i32
      %dma_wait3A_474 = tpu.memref_slice %arg5[%dma_wait3A_473] : memref<327680xf32, #tpu.memory_space<hbm>> -> memref<80xf32, #tpu.memory_space<hbm>>
      %dma_wait3A_475 = arith.constant 160 : i32
      %dma_wait3A_476 = tpu.memref_slice %arg10[%dma_wait3A_475] : memref<320xf32, #tpu.memory_space<vmem>> -> memref<80xf32, #tpu.memory_space<vmem>>
      %dma_wait3A_477 = arith.constant 0 : i32
      %dma_wait3A_478 = tpu.memref_slice %arg5[%dma_wait3A_477] : memref<327680xf32, #tpu.memory_space<hbm>> -> memref<80xf32, #tpu.memory_space<hbm>>
      tpu.wait_dma2 semaphore(%arg30 : memref<!tpu.dma_semaphore, #tpu.memory_space<semaphore_mem>>) src(%dma_wait3A_478 : memref<80xf32, #tpu.memory_space<hbm>>) dst(%dma_wait3A_476 : memref<80xf32, #tpu.memory_space<vmem>>)
      %scan3A_479 = arith.constant 0 : i32
      %scan3A_480 = arith.constant 0 : i32
      %scan3A_481 = arith.constant 40 : i32
      %scan3A_482 = arith.addi %scan3A_480, %scan3A_481 : i32
      %scan3A_483 = arith.constant 1 : i32
      scf.for %scan3A_587 = %scan3A_480 to %scan3A_482 step %scan3A_483  : i32 {
        %mul3A_588 = arith.constant 2 : i32
        %mul3A_589 = arith.muli %scan3A_587, %mul3A_588 : i32
        %add3A_590 = arith.constant 1 : i32
        %add3A_591 = arith.addi %mul3A_589, %add3A_590 : i32
        %add3A_592 = arith.constant 160 : i32
        %add3A_593 = arith.addi %add3A_592, %mul3A_589 : i32
        %broadcast_in_dim3A = vector.broadcast %add3A_593 : i32 to vector<16xi32>
        %gather3A = tpu.vector_load_idx %arg10[%broadcast_in_dim3A] : memref<320xf32, #tpu.memory_space<vmem>>[vector<16xi32>], vector<16xf32>,
        %get3A = arith.constant 2 : i32
        %get3A_594 = arith.index_cast %get3A : i32 to index
        %get3A_595 = arith.index_cast %mul3A_589 : i32 to index
        %get3A_596 = arith.constant 0 : index
        %get3A_597 = tpu.vector_load %arg11[%get3A_594, %get3A_595, %get3A_596] {strides = array<i32>} : memref<4x80x64xi32, #tpu.memory_space<vmem>>, vector<16xi32>,
        %shift_left3A = arith.constant 16 : i32
        %shift_left3A_598 = vector.broadcast %shift_left3A : i32 to vector<16xi32>
        %shift_left3A_599 = arith.shli %get3A_597, %shift_left3A_598 : vector<16xi32>
        %bitcast3A = vector.bitcast %shift_left3A_599 : vector<16xi32> to vector<16xf32>
        %and3A_600 = arith.constant -65536 : i32
        %and3A_601 = vector.broadcast %and3A_600 : i32 to vector<16xi32>
        %and3A_602 = arith.andi %get3A_597, %and3A_601 : vector<16xi32>
        %bitcast3A_603 = vector.bitcast %and3A_602 : vector<16xi32> to vector<16xf32>
        %mul3A_604 = arith.mulf %bitcast3A, %gather3A : vector<16xf32>
        %swap3A = arith.constant 0 : i32
        %swap3A_605 = arith.index_cast %swap3A : i32 to index
        %swap3A_606 = arith.index_cast %mul3A_589 : i32 to index
        %swap3A_607 = arith.constant 0 : index
        %swap3A_608 = tpu.vector_load %arg12[%swap3A_605, %swap3A_606, %swap3A_607] {strides = array<i32>} : memref<2x80x128xf32, #tpu.memory_space<vmem>>, vector<16xf32>,
        tpu.vector_store %arg12[%swap3A_605, %swap3A_606, %swap3A_607], %mul3A_604 {strides = array<i32>} : memref<2x80x128xf32, #tpu.memory_space<vmem>>, vector<16xf32>,
        %mul3A_609 = arith.mulf %bitcast3A_603, %gather3A : vector<16xf32>
        %swap3A_610 = arith.constant 0 : i32
        %swap3A_611 = arith.index_cast %swap3A_610 : i32 to index
        %swap3A_612 = arith.index_cast %mul3A_589 : i32 to index
        %swap3A_613 = arith.constant 16 : index
        %swap3A_614 = tpu.vector_load %arg12[%swap3A_611, %swap3A_612, %swap3A_613] {strides = array<i32>} : memref<2x80x128xf32, #tpu.memory_space<vmem>>, vector<16xf32>,
        tpu.vector_store %arg12[%swap3A_611, %swap3A_612, %swap3A_613], %mul3A_609 {strides = array<i32>} : memref<2x80x128xf32, #tpu.memory_space<vmem>>, vector<16xf32>,
        %get3A_615 = arith.constant 2 : i32
        %get3A_616 = arith.index_cast %get3A_615 : i32 to index
        %get3A_617 = arith.index_cast %mul3A_589 : i32 to index
        %get3A_618 = arith.constant 16 : index
        %get3A_619 = tpu.vector_load %arg11[%get3A_616, %get3A_617, %get3A_618] {strides = array<i32>} : memref<4x80x64xi32, #tpu.memory_space<vmem>>, vector<16xi32>,
        %shift_left3A_620 = arith.constant 16 : i32
        %shift_left3A_621 = vector.broadcast %shift_left3A_620 : i32 to vector<16xi32>
        %shift_left3A_622 = arith.shli %get3A_619, %shift_left3A_621 : vector<16xi32>
        %bitcast3A_623 = vector.bitcast %shift_left3A_622 : vector<16xi32> to vector<16xf32>
        %and3A_624 = arith.constant -65536 : i32
        %and3A_625 = vector.broadcast %and3A_624 : i32 to vector<16xi32>
        %and3A_626 = arith.andi %get3A_619, %and3A_625 : vector<16xi32>
        %bitcast3A_627 = vector.bitcast %and3A_626 : vector<16xi32> to vector<16xf32>
        %mul3A_628 = arith.mulf %bitcast3A_623, %gather3A : vector<16xf32>
        %swap3A_629 = arith.constant 0 : i32
        %swap3A_630 = arith.index_cast %swap3A_629 : i32 to index
        %swap3A_631 = arith.index_cast %mul3A_589 : i32 to index
        %swap3A_632 = arith.constant 32 : index
        %swap3A_633 = tpu.vector_load %arg12[%swap3A_630, %swap3A_631, %swap3A_632] {strides = array<i32>} : memref<2x80x128xf32, #tpu.memory_space<vmem>>, vector<16xf32>,
        tpu.vector_store %arg12[%swap3A_630, %swap3A_631, %swap3A_632], %mul3A_628 {strides = array<i32>} : memref<2x80x128xf32, #tpu.memory_space<vmem>>, vector<16xf32>,
        %mul3A_634 = arith.mulf %bitcast3A_627, %gather3A : vector<16xf32>
        %swap3A_635 = arith.constant 0 : i32
        %swap3A_636 = arith.index_cast %swap3A_635 : i32 to index
        %swap3A_637 = arith.index_cast %mul3A_589 : i32 to index
        %swap3A_638 = arith.constant 48 : index
        %swap3A_639 = tpu.vector_load %arg12[%swap3A_636, %swap3A_637, %swap3A_638] {strides = array<i32>} : memref<2x80x128xf32, #tpu.memory_space<vmem>>, vector<16xf32>,
        tpu.vector_store %arg12[%swap3A_636, %swap3A_637, %swap3A_638], %mul3A_634 {strides = array<i32>} : memref<2x80x128xf32, #tpu.memory_space<vmem>>, vector<16xf32>,
        %get3A_640 = arith.constant 2 : i32
        %get3A_641 = arith.index_cast %get3A_640 : i32 to index
        %get3A_642 = arith.index_cast %mul3A_589 : i32 to index
        %get3A_643 = arith.constant 32 : index
        %get3A_644 = tpu.vector_load %arg11[%get3A_641, %get3A_642, %get3A_643] {strides = array<i32>} : memref<4x80x64xi32, #tpu.memory_space<vmem>>, vector<16xi32>,
        %shift_left3A_645 = arith.constant 16 : i32
        %shift_left3A_646 = vector.broadcast %shift_left3A_645 : i32 to vector<16xi32>
        %shift_left3A_647 = arith.shli %get3A_644, %shift_left3A_646 : vector<16xi32>
        %bitcast3A_648 = vector.bitcast %shift_left3A_647 : vector<16xi32> to vector<16xf32>
        %and3A_649 = arith.constant -65536 : i32
        %and3A_650 = vector.broadcast %and3A_649 : i32 to vector<16xi32>
        %and3A_651 = arith.andi %get3A_644, %and3A_650 : vector<16xi32>
        %bitcast3A_652 = vector.bitcast %and3A_651 : vector<16xi32> to vector<16xf32>
        %mul3A_653 = arith.mulf %bitcast3A_648, %gather3A : vector<16xf32>
        %swap3A_654 = arith.constant 0 : i32
        %swap3A_655 = arith.index_cast %swap3A_654 : i32 to index
        %swap3A_656 = arith.index_cast %mul3A_589 : i32 to index
        %swap3A_657 = arith.constant 64 : index
        %swap3A_658 = tpu.vector_load %arg12[%swap3A_655, %swap3A_656, %swap3A_657] {strides = array<i32>} : memref<2x80x128xf32, #tpu.memory_space<vmem>>, vector<16xf32>,
        tpu.vector_store %arg12[%swap3A_655, %swap3A_656, %swap3A_657], %mul3A_653 {strides = array<i32>} : memref<2x80x128xf32, #tpu.memory_space<vmem>>, vector<16xf32>,
        %mul3A_659 = arith.mulf %bitcast3A_652, %gather3A : vector<16xf32>
        %swap3A_660 = arith.constant 0 : i32
        %swap3A_661 = arith.index_cast %swap3A_660 : i32 to index
        %swap3A_662 = arith.index_cast %mul3A_589 : i32 to index
        %swap3A_663 = arith.constant 80 : index
        %swap3A_664 = tpu.vector_load %arg12[%swap3A_661, %swap3A_662, %swap3A_663] {strides = array<i32>} : memref<2x80x128xf32, #tpu.memory_space<vmem>>, vector<16xf32>,
        tpu.vector_store %arg12[%swap3A_661, %swap3A_662, %swap3A_663], %mul3A_659 {strides = array<i32>} : memref<2x80x128xf32, #tpu.memory_space<vmem>>, vector<16xf32>,
        %get3A_665 = arith.constant 2 : i32
        %get3A_666 = arith.index_cast %get3A_665 : i32 to index
        %get3A_667 = arith.index_cast %mul3A_589 : i32 to index
        %get3A_668 = arith.constant 48 : index
        %get3A_669 = tpu.vector_load %arg11[%get3A_666, %get3A_667, %get3A_668] {strides = array<i32>} : memref<4x80x64xi32, #tpu.memory_space<vmem>>, vector<16xi32>,
        %shift_left3A_670 = arith.constant 16 : i32
        %shift_left3A_671 = vector.broadcast %shift_left3A_670 : i32 to vector<16xi32>
        %shift_left3A_672 = arith.shli %get3A_669, %shift_left3A_671 : vector<16xi32>
        %bitcast3A_673 = vector.bitcast %shift_left3A_672 : vector<16xi32> to vector<16xf32>
        %and3A_674 = arith.constant -65536 : i32
        %and3A_675 = vector.broadcast %and3A_674 : i32 to vector<16xi32>
        %and3A_676 = arith.andi %get3A_669, %and3A_675 : vector<16xi32>
        %bitcast3A_677 = vector.bitcast %and3A_676 : vector<16xi32> to vector<16xf32>
        %mul3A_678 = arith.mulf %bitcast3A_673, %gather3A : vector<16xf32>
        %swap3A_679 = arith.constant 0 : i32
        %swap3A_680 = arith.index_cast %swap3A_679 : i32 to index
        %swap3A_681 = arith.index_cast %mul3A_589 : i32 to index
        %swap3A_682 = arith.constant 96 : index
        %swap3A_683 = tpu.vector_load %arg12[%swap3A_680, %swap3A_681, %swap3A_682] {strides = array<i32>} : memref<2x80x128xf32, #tpu.memory_space<vmem>>, vector<16xf32>,
        tpu.vector_store %arg12[%swap3A_680, %swap3A_681, %swap3A_682], %mul3A_678 {strides = array<i32>} : memref<2x80x128xf32, #tpu.memory_space<vmem>>, vector<16xf32>,
        %mul3A_684 = arith.mulf %bitcast3A_677, %gather3A : vector<16xf32>
        %swap3A_685 = arith.constant 0 : i32
        %swap3A_686 = arith.index_cast %swap3A_685 : i32 to index
        %swap3A_687 = arith.index_cast %mul3A_589 : i32 to index
        %swap3A_688 = arith.constant 112 : index
        %swap3A_689 = tpu.vector_load %arg12[%swap3A_686, %swap3A_687, %swap3A_688] {strides = array<i32>} : memref<2x80x128xf32, #tpu.memory_space<vmem>>, vector<16xf32>,
        tpu.vector_store %arg12[%swap3A_686, %swap3A_687, %swap3A_688], %mul3A_684 {strides = array<i32>} : memref<2x80x128xf32, #tpu.memory_space<vmem>>, vector<16xf32>,
        %add3A_690 = arith.constant 160 : i32
        %add3A_691 = arith.addi %add3A_690, %add3A_591 : i32
        %broadcast_in_dim3A_692 = vector.broadcast %add3A_691 : i32 to vector<16xi32>
        %gather3A_693 = tpu.vector_load_idx %arg10[%broadcast_in_dim3A_692] : memref<320xf32, #tpu.memory_space<vmem>>[vector<16xi32>], vector<16xf32>,
        %get3A_694 = arith.constant 2 : i32
        %get3A_695 = arith.index_cast %get3A_694 : i32 to index
        %get3A_696 = arith.index_cast %add3A_591 : i32 to index
        %get3A_697 = arith.constant 0 : index
        %get3A_698 = tpu.vector_load %arg11[%get3A_695, %get3A_696, %get3A_697] {strides = array<i32>} : memref<4x80x64xi32, #tpu.memory_space<vmem>>, vector<16xi32>,
        %shift_left3A_699 = arith.constant 16 : i32
        %shift_left3A_700 = vector.broadcast %shift_left3A_699 : i32 to vector<16xi32>
        %shift_left3A_701 = arith.shli %get3A_698, %shift_left3A_700 : vector<16xi32>
        %bitcast3A_702 = vector.bitcast %shift_left3A_701 : vector<16xi32> to vector<16xf32>
        %and3A_703 = arith.constant -65536 : i32
        %and3A_704 = vector.broadcast %and3A_703 : i32 to vector<16xi32>
        %and3A_705 = arith.andi %get3A_698, %and3A_704 : vector<16xi32>
        %bitcast3A_706 = vector.bitcast %and3A_705 : vector<16xi32> to vector<16xf32>
        %mul3A_707 = arith.mulf %bitcast3A_702, %gather3A_693 : vector<16xf32>
        %swap3A_708 = arith.constant 0 : i32
        %swap3A_709 = arith.index_cast %swap3A_708 : i32 to index
        %swap3A_710 = arith.index_cast %add3A_591 : i32 to index
        %swap3A_711 = arith.constant 0 : index
        %swap3A_712 = tpu.vector_load %arg12[%swap3A_709, %swap3A_710, %swap3A_711] {strides = array<i32>} : memref<2x80x128xf32, #tpu.memory_space<vmem>>, vector<16xf32>,
        tpu.vector_store %arg12[%swap3A_709, %swap3A_710, %swap3A_711], %mul3A_707 {strides = array<i32>} : memref<2x80x128xf32, #tpu.memory_space<vmem>>, vector<16xf32>,
        %mul3A_713 = arith.mulf %bitcast3A_706, %gather3A_693 : vector<16xf32>
        %swap3A_714 = arith.constant 0 : i32
        %swap3A_715 = arith.index_cast %swap3A_714 : i32 to index
        %swap3A_716 = arith.index_cast %add3A_591 : i32 to index
        %swap3A_717 = arith.constant 16 : index
        %swap3A_718 = tpu.vector_load %arg12[%swap3A_715, %swap3A_716, %swap3A_717] {strides = array<i32>} : memref<2x80x128xf32, #tpu.memory_space<vmem>>, vector<16xf32>,
        tpu.vector_store %arg12[%swap3A_715, %swap3A_716, %swap3A_717], %mul3A_713 {strides = array<i32>} : memref<2x80x128xf32, #tpu.memory_space<vmem>>, vector<16xf32>,
        %get3A_719 = arith.constant 2 : i32
        %get3A_720 = arith.index_cast %get3A_719 : i32 to index
        %get3A_721 = arith.index_cast %add3A_591 : i32 to index
        %get3A_722 = arith.constant 16 : index
        %get3A_723 = tpu.vector_load %arg11[%get3A_720, %get3A_721, %get3A_722] {strides = array<i32>} : memref<4x80x64xi32, #tpu.memory_space<vmem>>, vector<16xi32>,
        %shift_left3A_724 = arith.constant 16 : i32
        %shift_left3A_725 = vector.broadcast %shift_left3A_724 : i32 to vector<16xi32>
        %shift_left3A_726 = arith.shli %get3A_723, %shift_left3A_725 : vector<16xi32>
        %bitcast3A_727 = vector.bitcast %shift_left3A_726 : vector<16xi32> to vector<16xf32>
        %and3A_728 = arith.constant -65536 : i32
        %and3A_729 = vector.broadcast %and3A_728 : i32 to vector<16xi32>
        %and3A_730 = arith.andi %get3A_723, %and3A_729 : vector<16xi32>
        %bitcast3A_731 = vector.bitcast %and3A_730 : vector<16xi32> to vector<16xf32>
        %mul3A_732 = arith.mulf %bitcast3A_727, %gather3A_693 : vector<16xf32>
        %swap3A_733 = arith.constant 0 : i32
        %swap3A_734 = arith.index_cast %swap3A_733 : i32 to index
        %swap3A_735 = arith.index_cast %add3A_591 : i32 to index
        %swap3A_736 = arith.constant 32 : index
        %swap3A_737 = tpu.vector_load %arg12[%swap3A_734, %swap3A_735, %swap3A_736] {strides = array<i32>} : memref<2x80x128xf32, #tpu.memory_space<vmem>>, vector<16xf32>,
        tpu.vector_store %arg12[%swap3A_734, %swap3A_735, %swap3A_736], %mul3A_732 {strides = array<i32>} : memref<2x80x128xf32, #tpu.memory_space<vmem>>, vector<16xf32>,
        %mul3A_738 = arith.mulf %bitcast3A_731, %gather3A_693 : vector<16xf32>
        %swap3A_739 = arith.constant 0 : i32
        %swap3A_740 = arith.index_cast %swap3A_739 : i32 to index
        %swap3A_741 = arith.index_cast %add3A_591 : i32 to index
        %swap3A_742 = arith.constant 48 : index
        %swap3A_743 = tpu.vector_load %arg12[%swap3A_740, %swap3A_741, %swap3A_742] {strides = array<i32>} : memref<2x80x128xf32, #tpu.memory_space<vmem>>, vector<16xf32>,
        tpu.vector_store %arg12[%swap3A_740, %swap3A_741, %swap3A_742], %mul3A_738 {strides = array<i32>} : memref<2x80x128xf32, #tpu.memory_space<vmem>>, vector<16xf32>,
        %get3A_744 = arith.constant 2 : i32
        %get3A_745 = arith.index_cast %get3A_744 : i32 to index
        %get3A_746 = arith.index_cast %add3A_591 : i32 to index
        %get3A_747 = arith.constant 32 : index
        %get3A_748 = tpu.vector_load %arg11[%get3A_745, %get3A_746, %get3A_747] {strides = array<i32>} : memref<4x80x64xi32, #tpu.memory_space<vmem>>, vector<16xi32>,
        %shift_left3A_749 = arith.constant 16 : i32
        %shift_left3A_750 = vector.broadcast %shift_left3A_749 : i32 to vector<16xi32>
        %shift_left3A_751 = arith.shli %get3A_748, %shift_left3A_750 : vector<16xi32>
        %bitcast3A_752 = vector.bitcast %shift_left3A_751 : vector<16xi32> to vector<16xf32>
        %and3A_753 = arith.constant -65536 : i32
        %and3A_754 = vector.broadcast %and3A_753 : i32 to vector<16xi32>
        %and3A_755 = arith.andi %get3A_748, %and3A_754 : vector<16xi32>
        %bitcast3A_756 = vector.bitcast %and3A_755 : vector<16xi32> to vector<16xf32>
        %mul3A_757 = arith.mulf %bitcast3A_752, %gather3A_693 : vector<16xf32>
        %swap3A_758 = arith.constant 0 : i32
        %swap3A_759 = arith.index_cast %swap3A_758 : i32 to index
        %swap3A_760 = arith.index_cast %add3A_591 : i32 to index
        %swap3A_761 = arith.constant 64 : index
        %swap3A_762 = tpu.vector_load %arg12[%swap3A_759, %swap3A_760, %swap3A_761] {strides = array<i32>} : memref<2x80x128xf32, #tpu.memory_space<vmem>>, vector<16xf32>,
        tpu.vector_store %arg12[%swap3A_759, %swap3A_760, %swap3A_761], %mul3A_757 {strides = array<i32>} : memref<2x80x128xf32, #tpu.memory_space<vmem>>, vector<16xf32>,
        %mul3A_763 = arith.mulf %bitcast3A_756, %gather3A_693 : vector<16xf32>
        %swap3A_764 = arith.constant 0 : i32
        %swap3A_765 = arith.index_cast %swap3A_764 : i32 to index
        %swap3A_766 = arith.index_cast %add3A_591 : i32 to index
        %swap3A_767 = arith.constant 80 : index
        %swap3A_768 = tpu.vector_load %arg12[%swap3A_765, %swap3A_766, %swap3A_767] {strides = array<i32>} : memref<2x80x128xf32, #tpu.memory_space<vmem>>, vector<16xf32>,
        tpu.vector_store %arg12[%swap3A_765, %swap3A_766, %swap3A_767], %mul3A_763 {strides = array<i32>} : memref<2x80x128xf32, #tpu.memory_space<vmem>>, vector<16xf32>,
        %get3A_769 = arith.constant 2 : i32
        %get3A_770 = arith.index_cast %get3A_769 : i32 to index
        %get3A_771 = arith.index_cast %add3A_591 : i32 to index
        %get3A_772 = arith.constant 48 : index
        %get3A_773 = tpu.vector_load %arg11[%get3A_770, %get3A_771, %get3A_772] {strides = array<i32>} : memref<4x80x64xi32, #tpu.memory_space<vmem>>, vector<16xi32>,
        %shift_left3A_774 = arith.constant 16 : i32
        %shift_left3A_775 = vector.broadcast %shift_left3A_774 : i32 to vector<16xi32>
        %shift_left3A_776 = arith.shli %get3A_773, %shift_left3A_775 : vector<16xi32>
        %bitcast3A_777 = vector.bitcast %shift_left3A_776 : vector<16xi32> to vector<16xf32>
        %and3A_778 = arith.constant -65536 : i32
        %and3A_779 = vector.broadcast %and3A_778 : i32 to vector<16xi32>
        %and3A_780 = arith.andi %get3A_773, %and3A_779 : vector<16xi32>
        %bitcast3A_781 = vector.bitcast %and3A_780 : vector<16xi32> to vector<16xf32>
        %mul3A_782 = arith.mulf %bitcast3A_777, %gather3A_693 : vector<16xf32>
        %swap3A_783 = arith.constant 0 : i32
        %swap3A_784 = arith.index_cast %swap3A_783 : i32 to index
        %swap3A_785 = arith.index_cast %add3A_591 : i32 to index
        %swap3A_786 = arith.constant 96 : index
        %swap3A_787 = tpu.vector_load %arg12[%swap3A_784, %swap3A_785, %swap3A_786] {strides = array<i32>} : memref<2x80x128xf32, #tpu.memory_space<vmem>>, vector<16xf32>,
        tpu.vector_store %arg12[%swap3A_784, %swap3A_785, %swap3A_786], %mul3A_782 {strides = array<i32>} : memref<2x80x128xf32, #tpu.memory_space<vmem>>, vector<16xf32>,
        %mul3A_788 = arith.mulf %bitcast3A_781, %gather3A_693 : vector<16xf32>
        %swap3A_789 = arith.constant 0 : i32
        %swap3A_790 = arith.index_cast %swap3A_789 : i32 to index
        %swap3A_791 = arith.index_cast %add3A_591 : i32 to index
        %swap3A_792 = arith.constant 112 : index
        %swap3A_793 = tpu.vector_load %arg12[%swap3A_790, %swap3A_791, %swap3A_792] {strides = array<i32>} : memref<2x80x128xf32, #tpu.memory_space<vmem>>, vector<16xf32>,
        tpu.vector_store %arg12[%swap3A_790, %swap3A_791, %swap3A_792], %mul3A_788 {strides = array<i32>} : memref<2x80x128xf32, #tpu.memory_space<vmem>>, vector<16xf32>,
      }
      %scan3A_484 = arith.constant 40 : i32
      %dma_wait3A_485 = arith.constant 2 : i32
      %dma_wait3A_486 = arith.constant 0 : i32
      %dma_wait3A_487 = tpu.memref_slice %arg8[%dma_wait3A_485, %dma_wait3A_486] : memref<4x80xi32, #tpu.memory_space<vmem>> -> memref<1x80xi32, #tpu.memory_space<vmem>>
      %dma_wait3A_488 = tpu.memref_squeeze %dma_wait3A_487 : memref<1x80xi32, #tpu.memory_space<vmem>> -> memref<80xi32, #tpu.memory_space<vmem>>
      %dma_wait3A_489 = arith.constant 0 : i32
      %dma_wait3A_490 = tpu.memref_slice %arg3[%dma_wait3A_489] : memref<327680xi32, #tpu.memory_space<hbm>> -> memref<80xi32, #tpu.memory_space<hbm>>
      %dma_wait3A_491 = arith.constant 0 : i32
      %dma_wait3A_492 = tpu.memref_slice %arg8[%dma_wait3A_485, %dma_wait3A_491] : memref<4x80xi32, #tpu.memory_space<vmem>> -> memref<1x80xi32, #tpu.memory_space<vmem>>
      %dma_wait3A_493 = tpu.memref_squeeze %dma_wait3A_492 : memref<1x80xi32, #tpu.memory_space<vmem>> -> memref<80xi32, #tpu.memory_space<vmem>>
      %dma_wait3A_494 = arith.constant 0 : i32
      %dma_wait3A_495 = tpu.memref_slice %arg3[%dma_wait3A_494] : memref<327680xi32, #tpu.memory_space<hbm>> -> memref<80xi32, #tpu.memory_space<hbm>>
      tpu.wait_dma2 semaphore(%arg26 : memref<!tpu.dma_semaphore, #tpu.memory_space<semaphore_mem>>) src(%dma_wait3A_495 : memref<80xi32, #tpu.memory_space<hbm>>) dst(%dma_wait3A_493 : memref<80xi32, #tpu.memory_space<vmem>>)
      %dma_start3A_496 = arith.constant 0 : i32
      %dma_start3A_497 = arith.constant 2 : i32
      %dma_start3A_498 = arith.constant 0 : i32
      %dma_start3A_499 = arith.constant 0 : i32
      %dma_start3A_500 = tpu.memref_slice %arg12[%dma_start3A_496, %dma_start3A_498, %dma_start3A_499] : memref<2x80x128xf32, #tpu.memory_space<vmem>> -> memref<1x80x128xf32, #tpu.memory_space<vmem>>
      %dma_start3A_501 = tpu.memref_squeeze %dma_start3A_500 : memref<1x80x128xf32, #tpu.memory_space<vmem>> -> memref<80x128xf32, #tpu.memory_space<vmem>>
      %dma_start3A_502 = arith.constant 0 : i32
      %dma_start3A_503 = tpu.memref_slice %arg9[%dma_start3A_497, %dma_start3A_502] : memref<4x80xi32, #tpu.memory_space<vmem>> -> memref<1x80xi32, #tpu.memory_space<vmem>>
      %dma_start3A_504 = tpu.memref_squeeze %dma_start3A_503 : memref<1x80xi32, #tpu.memory_space<vmem>> -> memref<80xi32, #tpu.memory_space<vmem>>
      %dma_start3A_505 = arith.constant 0 : i32
      %dma_start3A_506 = arith.constant 0 : i32
      %dma_start3A_507 = tpu.memref_slice %arg13[%dma_start3A_505, %dma_start3A_506] : memref<10112x128xf32, #tpu.memory_space<vmem_shared>> -> memref<10112x128xf32, #tpu.memory_space<vmem_shared>>
      tpu.enqueue_indirect_dma source(%dma_start3A_501 : memref<80x128xf32, #tpu.memory_space<vmem>>) target(%dma_start3A_507 : memref<10112x128xf32, #tpu.memory_space<vmem_shared>>) offsets(%dma_start3A_504 : memref<80xi32, #tpu.memory_space<vmem>>) semaphore(%arg18 : memref<!tpu.dma_semaphore, #tpu.memory_space<semaphore_mem>>) {add = true}
      %mul3A_508 = arith.constant 4 : i32
      %mul3A_509 = arith.muli %mul3A_508, %while3A_272 : i32
      %add3A_510 = arith.constant 3 : i32
      %add3A_511 = arith.addi %mul3A_509, %add3A_510 : i32
      %dma_wait3A_512 = arith.constant 3 : i32
      %dma_wait3A_513 = arith.constant 0 : i32
      %dma_wait3A_514 = arith.constant 0 : i32
      %dma_wait3A_515 = tpu.memref_slice %arg11[%dma_wait3A_512, %dma_wait3A_513, %dma_wait3A_514] : memref<4x80x64xi32, #tpu.memory_space<vmem>> -> memref<1x80x64xi32, #tpu.memory_space<vmem>>
      %dma_wait3A_516 = tpu.memref_squeeze %dma_wait3A_515 : memref<1x80x64xi32, #tpu.memory_space<vmem>> -> memref<80x64xi32, #tpu.memory_space<vmem>>
      %dma_wait3A_517 = arith.constant 0 : i32
      %dma_wait3A_518 = arith.constant 0 : i32
      %dma_wait3A_519 = tpu.memref_slice %arg2[%dma_wait3A_517, %dma_wait3A_518] : memref<10000x64xi32, #tpu.memory_space<hbm>> -> memref<80x64xi32, #tpu.memory_space<hbm>>
      %dma_wait3A_520 = arith.constant 0 : i32
      %dma_wait3A_521 = arith.constant 0 : i32
      %dma_wait3A_522 = tpu.memref_slice %arg11[%dma_wait3A_512, %dma_wait3A_520, %dma_wait3A_521] : memref<4x80x64xi32, #tpu.memory_space<vmem>> -> memref<1x80x64xi32, #tpu.memory_space<vmem>>
      %dma_wait3A_523 = tpu.memref_squeeze %dma_wait3A_522 : memref<1x80x64xi32, #tpu.memory_space<vmem>> -> memref<80x64xi32, #tpu.memory_space<vmem>>
      %dma_wait3A_524 = arith.constant 0 : i32
      %dma_wait3A_525 = arith.constant 0 : i32
      %dma_wait3A_526 = tpu.memref_slice %arg2[%dma_wait3A_524, %dma_wait3A_525] : memref<10000x64xi32, #tpu.memory_space<hbm>> -> memref<80x64xi32, #tpu.memory_space<hbm>>
      tpu.wait_dma2 semaphore(%arg17 : memref<!tpu.dma_semaphore, #tpu.memory_space<semaphore_mem>>) src(%dma_wait3A_526 : memref<80x64xi32, #tpu.memory_space<hbm>>) dst(%dma_wait3A_523 : memref<80x64xi32, #tpu.memory_space<vmem>>)
      %ge3A_527 = arith.constant 2 : i32
      %ge3A_528 = arith.cmpi sge, %add3A_511, %ge3A_527 : i32
      %convert_element_type3A_529 = arith.extui %ge3A_528 : i1 to i32
      %cond3A_530 = arith.constant 0 : i32
      %cond3A_531 = arith.cmpi ne, %convert_element_type3A_529, %cond3A_530 : i32
      scf.if %cond3A_531 {
        %dma_wait3A_587 = arith.constant 1 : i32
        %dma_wait3A_588 = arith.constant 0 : i32
        %dma_wait3A_589 = arith.constant 0 : i32
        %dma_wait3A_590 = tpu.memref_slice %arg12[%dma_wait3A_587, %dma_wait3A_588, %dma_wait3A_589] : memref<2x80x128xf32, #tpu.memory_space<vmem>> -> memref<1x80x128xf32, #tpu.memory_space<vmem>>
        %dma_wait3A_591 = tpu.memref_squeeze %dma_wait3A_590 : memref<1x80x128xf32, #tpu.memory_space<vmem>> -> memref<80x128xf32, #tpu.memory_space<vmem>>
        %dma_wait3A_592 = arith.constant 0 : i32
        %dma_wait3A_593 = arith.constant 0 : i32
        %dma_wait3A_594 = tpu.memref_slice %arg6[%dma_wait3A_592, %dma_wait3A_593] : memref<10112x128xf32, #tpu.memory_space<hbm>> -> memref<80x128xf32, #tpu.memory_space<hbm>>
        %dma_wait3A_595 = arith.constant 0 : i32
        %dma_wait3A_596 = arith.constant 0 : i32
        %dma_wait3A_597 = tpu.memref_slice %arg12[%dma_wait3A_587, %dma_wait3A_595, %dma_wait3A_596] : memref<2x80x128xf32, #tpu.memory_space<vmem>> -> memref<1x80x128xf32, #tpu.memory_space<vmem>>
        %dma_wait3A_598 = tpu.memref_squeeze %dma_wait3A_597 : memref<1x80x128xf32, #tpu.memory_space<vmem>> -> memref<80x128xf32, #tpu.memory_space<vmem>>
        %dma_wait3A_599 = arith.constant 0 : i32
        %dma_wait3A_600 = arith.constant 0 : i32
        %dma_wait3A_601 = tpu.memref_slice %arg6[%dma_wait3A_599, %dma_wait3A_600] : memref<10112x128xf32, #tpu.memory_space<hbm>> -> memref<80x128xf32, #tpu.memory_space<hbm>>
        tpu.wait_dma2 semaphore(%arg19 : memref<!tpu.dma_semaphore, #tpu.memory_space<semaphore_mem>>) src(%dma_wait3A_601 : memref<80x128xf32, #tpu.memory_space<hbm>>) dst(%dma_wait3A_598 : memref<80x128xf32, #tpu.memory_space<vmem>>)
      } else {
      }
      %add3A_532 = arith.constant 2 : i32
      %add3A_533 = arith.addi %add3A_511, %add3A_532 : i32
      %lt3A_534 = arith.cmpi slt, %add3A_533, %select_n3A : i32
      %convert_element_type3A_535 = arith.extui %lt3A_534 : i1 to i32
      %cond3A_536 = arith.constant 0 : i32
      %cond3A_537 = arith.cmpi ne, %convert_element_type3A_535, %cond3A_536 : i32
      scf.if %cond3A_537 {
        %add3A_587 = arith.constant 2 : i32
        %add3A_588 = arith.addi %add3A_511, %add3A_587 : i32
        %mul3A_589 = arith.constant 80 : i32
        %mul3A_590 = arith.muli %add3A_588, %mul3A_589 : i32
        %add3A_591 = arith.addi %mul3A_10, %mul3A_590 : i32
        %dma_start3A_592 = arith.constant 1 : i32
        %dma_start3A_593 = arith.constant 0 : i32
        %dma_start3A_594 = tpu.memref_slice %arg9[%dma_start3A_592, %dma_start3A_593] : memref<4x80xi32, #tpu.memory_space<vmem>> -> memref<1x80xi32, #tpu.memory_space<vmem>>
        %dma_start3A_595 = tpu.memref_squeeze %dma_start3A_594 : memref<1x80xi32, #tpu.memory_space<vmem>> -> memref<80xi32, #tpu.memory_space<vmem>>
        %dma_start3A_596 = tpu.memref_slice %arg4[%add3A_591] : memref<327680xi32, #tpu.memory_space<hbm>> -> memref<80xi32, #tpu.memory_space<hbm>>
        %dma_start3A_597 = arith.constant 0 : i32
        %dma_start3A_598 = tpu.memref_slice %arg9[%dma_start3A_592, %dma_start3A_597] : memref<4x80xi32, #tpu.memory_space<vmem>> -> memref<1x80xi32, #tpu.memory_space<vmem>>
        %dma_start3A_599 = tpu.memref_squeeze %dma_start3A_598 : memref<1x80xi32, #tpu.memory_space<vmem>> -> memref<80xi32, #tpu.memory_space<vmem>>
        %dma_start3A_600 = tpu.memref_slice %arg4[%add3A_591] : memref<327680xi32, #tpu.memory_space<hbm>> -> memref<80xi32, #tpu.memory_space<hbm>>
        tpu.enqueue_dma source(%dma_start3A_600 : memref<80xi32, #tpu.memory_space<hbm>>) target(%dma_start3A_599 : memref<80xi32, #tpu.memory_space<vmem>>) target_semaphore(%arg25 : memref<!tpu.dma_semaphore, #tpu.memory_space<semaphore_mem>>)
        %mul3A_601 = arith.constant 80 : i32
        %mul3A_602 = arith.muli %add3A_588, %mul3A_601 : i32
        %add3A_603 = arith.addi %mul3A_10, %mul3A_602 : i32
        %dma_start3A_604 = arith.constant 80 : i32
        %dma_start3A_605 = tpu.memref_slice %arg10[%dma_start3A_604] : memref<320xf32, #tpu.memory_space<vmem>> -> memref<80xf32, #tpu.memory_space<vmem>>
        %dma_start3A_606 = tpu.memref_slice %arg5[%add3A_603] : memref<327680xf32, #tpu.memory_space<hbm>> -> memref<80xf32, #tpu.memory_space<hbm>>
        %dma_start3A_607 = arith.constant 80 : i32
        %dma_start3A_608 = tpu.memref_slice %arg10[%dma_start3A_607] : memref<320xf32, #tpu.memory_space<vmem>> -> memref<80xf32, #tpu.memory_space<vmem>>
        %dma_start3A_609 = tpu.memref_slice %arg5[%add3A_603] : memref<327680xf32, #tpu.memory_space<hbm>> -> memref<80xf32, #tpu.memory_space<hbm>>
        tpu.enqueue_dma source(%dma_start3A_609 : memref<80xf32, #tpu.memory_space<hbm>>) target(%dma_start3A_608 : memref<80xf32, #tpu.memory_space<vmem>>) target_semaphore(%arg29 : memref<!tpu.dma_semaphore, #tpu.memory_space<semaphore_mem>>)
      } else {
      }
      %add3A_538 = arith.constant 3 : i32
      %add3A_539 = arith.addi %add3A_511, %add3A_538 : i32
      %lt3A_540 = arith.cmpi slt, %add3A_539, %select_n3A : i32
      %convert_element_type3A_541 = arith.extui %lt3A_540 : i1 to i32
      %cond3A_542 = arith.constant 0 : i32
      %cond3A_543 = arith.cmpi ne, %convert_element_type3A_541, %cond3A_542 : i32
      scf.if %cond3A_543 {
        %dma_wait3A_587 = arith.constant 2 : i32
        %dma_wait3A_588 = arith.constant 0 : i32
        %dma_wait3A_589 = tpu.memref_slice %arg8[%dma_wait3A_587, %dma_wait3A_588] : memref<4x80xi32, #tpu.memory_space<vmem>> -> memref<1x80xi32, #tpu.memory_space<vmem>>
        %dma_wait3A_590 = tpu.memref_squeeze %dma_wait3A_589 : memref<1x80xi32, #tpu.memory_space<vmem>> -> memref<80xi32, #tpu.memory_space<vmem>>
        %dma_wait3A_591 = arith.constant 0 : i32
        %dma_wait3A_592 = tpu.memref_slice %arg3[%dma_wait3A_591] : memref<327680xi32, #tpu.memory_space<hbm>> -> memref<80xi32, #tpu.memory_space<hbm>>
        %dma_wait3A_593 = arith.constant 0 : i32
        %dma_wait3A_594 = tpu.memref_slice %arg8[%dma_wait3A_587, %dma_wait3A_593] : memref<4x80xi32, #tpu.memory_space<vmem>> -> memref<1x80xi32, #tpu.memory_space<vmem>>
        %dma_wait3A_595 = tpu.memref_squeeze %dma_wait3A_594 : memref<1x80xi32, #tpu.memory_space<vmem>> -> memref<80xi32, #tpu.memory_space<vmem>>
        %dma_wait3A_596 = arith.constant 0 : i32
        %dma_wait3A_597 = tpu.memref_slice %arg3[%dma_wait3A_596] : memref<327680xi32, #tpu.memory_space<hbm>> -> memref<80xi32, #tpu.memory_space<hbm>>
        tpu.wait_dma2 semaphore(%arg22 : memref<!tpu.dma_semaphore, #tpu.memory_space<semaphore_mem>>) src(%dma_wait3A_597 : memref<80xi32, #tpu.memory_space<hbm>>) dst(%dma_wait3A_595 : memref<80xi32, #tpu.memory_space<vmem>>)
        %dma_start3A_598 = arith.constant 2 : i32
        %dma_start3A_599 = arith.constant 2 : i32
        %dma_start3A_600 = arith.constant 0 : i32
        %dma_start3A_601 = arith.constant 0 : i32
        %dma_start3A_602 = tpu.memref_slice %arg11[%dma_start3A_599, %dma_start3A_600, %dma_start3A_601] : memref<4x80x64xi32, #tpu.memory_space<vmem>> -> memref<1x80x64xi32, #tpu.memory_space<vmem>>
        %dma_start3A_603 = tpu.memref_squeeze %dma_start3A_602 : memref<1x80x64xi32, #tpu.memory_space<vmem>> -> memref<80x64xi32, #tpu.memory_space<vmem>>
        %dma_start3A_604 = arith.constant 0 : i32
        %dma_start3A_605 = tpu.memref_slice %arg8[%dma_start3A_598, %dma_start3A_604] : memref<4x80xi32, #tpu.memory_space<vmem>> -> memref<1x80xi32, #tpu.memory_space<vmem>>
        %dma_start3A_606 = tpu.memref_squeeze %dma_start3A_605 : memref<1x80xi32, #tpu.memory_space<vmem>> -> memref<80xi32, #tpu.memory_space<vmem>>
        %dma_start3A_607 = arith.constant 0 : i32
        %dma_start3A_608 = arith.constant 0 : i32
        %dma_start3A_609 = tpu.memref_slice %arg2[%dma_start3A_607, %dma_start3A_608] : memref<10000x64xi32, #tpu.memory_space<hbm>> -> memref<10000x64xi32, #tpu.memory_space<hbm>>
        tpu.enqueue_indirect_dma source(%dma_start3A_609 : memref<10000x64xi32, #tpu.memory_space<hbm>>) target(%dma_start3A_603 : memref<80x64xi32, #tpu.memory_space<vmem>>) offsets(%dma_start3A_606 : memref<80xi32, #tpu.memory_space<vmem>>) semaphore(%arg16 : memref<!tpu.dma_semaphore, #tpu.memory_space<semaphore_mem>>)
      } else {
      }
      %add3A_544 = arith.constant 4 : i32
      %add3A_545 = arith.addi %add3A_511, %add3A_544 : i32
      %lt3A_546 = arith.cmpi slt, %add3A_545, %select_n3A : i32
      %convert_element_type3A_547 = arith.extui %lt3A_546 : i1 to i32
      %cond3A_548 = arith.constant 0 : i32
      %cond3A_549 = arith.cmpi ne, %convert_element_type3A_547, %cond3A_548 : i32
      scf.if %cond3A_549 {
        %add3A_587 = arith.constant 4 : i32
        %add3A_588 = arith.addi %add3A_511, %add3A_587 : i32
        %mul3A_589 = arith.constant 80 : i32
        %mul3A_590 = arith.muli %add3A_588, %mul3A_589 : i32
        %add3A_591 = arith.addi %mul3A_10, %mul3A_590 : i32
        %dma_start3A_592 = arith.constant 3 : i32
        %dma_start3A_593 = arith.constant 0 : i32
        %dma_start3A_594 = tpu.memref_slice %arg8[%dma_start3A_592, %dma_start3A_593] : memref<4x80xi32, #tpu.memory_space<vmem>> -> memref<1x80xi32, #tpu.memory_space<vmem>>
        %dma_start3A_595 = tpu.memref_squeeze %dma_start3A_594 : memref<1x80xi32, #tpu.memory_space<vmem>> -> memref<80xi32, #tpu.memory_space<vmem>>
        %dma_start3A_596 = tpu.memref_slice %arg3[%add3A_591] : memref<327680xi32, #tpu.memory_space<hbm>> -> memref<80xi32, #tpu.memory_space<hbm>>
        %dma_start3A_597 = arith.constant 0 : i32
        %dma_start3A_598 = tpu.memref_slice %arg8[%dma_start3A_592, %dma_start3A_597] : memref<4x80xi32, #tpu.memory_space<vmem>> -> memref<1x80xi32, #tpu.memory_space<vmem>>
        %dma_start3A_599 = tpu.memref_squeeze %dma_start3A_598 : memref<1x80xi32, #tpu.memory_space<vmem>> -> memref<80xi32, #tpu.memory_space<vmem>>
        %dma_start3A_600 = tpu.memref_slice %arg3[%add3A_591] : memref<327680xi32, #tpu.memory_space<hbm>> -> memref<80xi32, #tpu.memory_space<hbm>>
        tpu.enqueue_dma source(%dma_start3A_600 : memref<80xi32, #tpu.memory_space<hbm>>) target(%dma_start3A_599 : memref<80xi32, #tpu.memory_space<vmem>>) target_semaphore(%arg23 : memref<!tpu.dma_semaphore, #tpu.memory_space<semaphore_mem>>)
      } else {
      }
      %dma_wait3A_550 = arith.constant 240 : i32
      %dma_wait3A_551 = tpu.memref_slice %arg10[%dma_wait3A_550] : memref<320xf32, #tpu.memory_space<vmem>> -> memref<80xf32, #tpu.memory_space<vmem>>
      %dma_wait3A_552 = arith.constant 0 : i32
      %dma_wait3A_553 = tpu.memref_slice %arg5[%dma_wait3A_552] : memref<327680xf32, #tpu.memory_space<hbm>> -> memref<80xf32, #tpu.memory_space<hbm>>
      %dma_wait3A_554 = arith.constant 240 : i32
      %dma_wait3A_555 = tpu.memref_slice %arg10[%dma_wait3A_554] : memref<320xf32, #tpu.memory_space<vmem>> -> memref<80xf32, #tpu.memory_space<vmem>>
      %dma_wait3A_556 = arith.constant 0 : i32
      %dma_wait3A_557 = tpu.memref_slice %arg5[%dma_wait3A_556] : memref<327680xf32, #tpu.memory_space<hbm>> -> memref<80xf32, #tpu.memory_space<hbm>>
      tpu.wait_dma2 semaphore(%arg31 : memref<!tpu.dma_semaphore, #tpu.memory_space<semaphore_mem>>) src(%dma_wait3A_557 : memref<80xf32, #tpu.memory_space<hbm>>) dst(%dma_wait3A_555 : memref<80xf32, #tpu.memory_space<vmem>>)
      %scan3A_558 = arith.constant 0 : i32
      %scan3A_559 = arith.constant 0 : i32
      %scan3A_560 = arith.constant 40 : i32
      %scan3A_561 = arith.addi %scan3A_559, %scan3A_560 : i32
      %scan3A_562 = arith.constant 1 : i32
      scf.for %scan3A_587 = %scan3A_559 to %scan3A_561 step %scan3A_562  : i32 {
        %mul3A_588 = arith.constant 2 : i32
        %mul3A_589 = arith.muli %scan3A_587, %mul3A_588 : i32
        %add3A_590 = arith.constant 1 : i32
        %add3A_591 = arith.addi %mul3A_589, %add3A_590 : i32
        %add3A_592 = arith.constant 240 : i32
        %add3A_593 = arith.addi %add3A_592, %mul3A_589 : i32
        %broadcast_in_dim3A = vector.broadcast %add3A_593 : i32 to vector<16xi32>
        %gather3A = tpu.vector_load_idx %arg10[%broadcast_in_dim3A] : memref<320xf32, #tpu.memory_space<vmem>>[vector<16xi32>], vector<16xf32>,
        %get3A = arith.constant 3 : i32
        %get3A_594 = arith.index_cast %get3A : i32 to index
        %get3A_595 = arith.index_cast %mul3A_589 : i32 to index
        %get3A_596 = arith.constant 0 : index
        %get3A_597 = tpu.vector_load %arg11[%get3A_594, %get3A_595, %get3A_596] {strides = array<i32>} : memref<4x80x64xi32, #tpu.memory_space<vmem>>, vector<16xi32>,
        %shift_left3A = arith.constant 16 : i32
        %shift_left3A_598 = vector.broadcast %shift_left3A : i32 to vector<16xi32>
        %shift_left3A_599 = arith.shli %get3A_597, %shift_left3A_598 : vector<16xi32>
        %bitcast3A = vector.bitcast %shift_left3A_599 : vector<16xi32> to vector<16xf32>
        %and3A_600 = arith.constant -65536 : i32
        %and3A_601 = vector.broadcast %and3A_600 : i32 to vector<16xi32>
        %and3A_602 = arith.andi %get3A_597, %and3A_601 : vector<16xi32>
        %bitcast3A_603 = vector.bitcast %and3A_602 : vector<16xi32> to vector<16xf32>
        %mul3A_604 = arith.mulf %bitcast3A, %gather3A : vector<16xf32>
        %swap3A = arith.constant 1 : i32
        %swap3A_605 = arith.index_cast %swap3A : i32 to index
        %swap3A_606 = arith.index_cast %mul3A_589 : i32 to index
        %swap3A_607 = arith.constant 0 : index
        %swap3A_608 = tpu.vector_load %arg12[%swap3A_605, %swap3A_606, %swap3A_607] {strides = array<i32>} : memref<2x80x128xf32, #tpu.memory_space<vmem>>, vector<16xf32>,
        tpu.vector_store %arg12[%swap3A_605, %swap3A_606, %swap3A_607], %mul3A_604 {strides = array<i32>} : memref<2x80x128xf32, #tpu.memory_space<vmem>>, vector<16xf32>,
        %mul3A_609 = arith.mulf %bitcast3A_603, %gather3A : vector<16xf32>
        %swap3A_610 = arith.constant 1 : i32
        %swap3A_611 = arith.index_cast %swap3A_610 : i32 to index
        %swap3A_612 = arith.index_cast %mul3A_589 : i32 to index
        %swap3A_613 = arith.constant 16 : index
        %swap3A_614 = tpu.vector_load %arg12[%swap3A_611, %swap3A_612, %swap3A_613] {strides = array<i32>} : memref<2x80x128xf32, #tpu.memory_space<vmem>>, vector<16xf32>,
        tpu.vector_store %arg12[%swap3A_611, %swap3A_612, %swap3A_613], %mul3A_609 {strides = array<i32>} : memref<2x80x128xf32, #tpu.memory_space<vmem>>, vector<16xf32>,
        %get3A_615 = arith.constant 3 : i32
        %get3A_616 = arith.index_cast %get3A_615 : i32 to index
        %get3A_617 = arith.index_cast %mul3A_589 : i32 to index
        %get3A_618 = arith.constant 16 : index
        %get3A_619 = tpu.vector_load %arg11[%get3A_616, %get3A_617, %get3A_618] {strides = array<i32>} : memref<4x80x64xi32, #tpu.memory_space<vmem>>, vector<16xi32>,
        %shift_left3A_620 = arith.constant 16 : i32
        %shift_left3A_621 = vector.broadcast %shift_left3A_620 : i32 to vector<16xi32>
        %shift_left3A_622 = arith.shli %get3A_619, %shift_left3A_621 : vector<16xi32>
        %bitcast3A_623 = vector.bitcast %shift_left3A_622 : vector<16xi32> to vector<16xf32>
        %and3A_624 = arith.constant -65536 : i32
        %and3A_625 = vector.broadcast %and3A_624 : i32 to vector<16xi32>
        %and3A_626 = arith.andi %get3A_619, %and3A_625 : vector<16xi32>
        %bitcast3A_627 = vector.bitcast %and3A_626 : vector<16xi32> to vector<16xf32>
        %mul3A_628 = arith.mulf %bitcast3A_623, %gather3A : vector<16xf32>
        %swap3A_629 = arith.constant 1 : i32
        %swap3A_630 = arith.index_cast %swap3A_629 : i32 to index
        %swap3A_631 = arith.index_cast %mul3A_589 : i32 to index
        %swap3A_632 = arith.constant 32 : index
        %swap3A_633 = tpu.vector_load %arg12[%swap3A_630, %swap3A_631, %swap3A_632] {strides = array<i32>} : memref<2x80x128xf32, #tpu.memory_space<vmem>>, vector<16xf32>,
        tpu.vector_store %arg12[%swap3A_630, %swap3A_631, %swap3A_632], %mul3A_628 {strides = array<i32>} : memref<2x80x128xf32, #tpu.memory_space<vmem>>, vector<16xf32>,
        %mul3A_634 = arith.mulf %bitcast3A_627, %gather3A : vector<16xf32>
        %swap3A_635 = arith.constant 1 : i32
        %swap3A_636 = arith.index_cast %swap3A_635 : i32 to index
        %swap3A_637 = arith.index_cast %mul3A_589 : i32 to index
        %swap3A_638 = arith.constant 48 : index
        %swap3A_639 = tpu.vector_load %arg12[%swap3A_636, %swap3A_637, %swap3A_638] {strides = array<i32>} : memref<2x80x128xf32, #tpu.memory_space<vmem>>, vector<16xf32>,
        tpu.vector_store %arg12[%swap3A_636, %swap3A_637, %swap3A_638], %mul3A_634 {strides = array<i32>} : memref<2x80x128xf32, #tpu.memory_space<vmem>>, vector<16xf32>,
        %get3A_640 = arith.constant 3 : i32
        %get3A_641 = arith.index_cast %get3A_640 : i32 to index
        %get3A_642 = arith.index_cast %mul3A_589 : i32 to index
        %get3A_643 = arith.constant 32 : index
        %get3A_644 = tpu.vector_load %arg11[%get3A_641, %get3A_642, %get3A_643] {strides = array<i32>} : memref<4x80x64xi32, #tpu.memory_space<vmem>>, vector<16xi32>,
        %shift_left3A_645 = arith.constant 16 : i32
        %shift_left3A_646 = vector.broadcast %shift_left3A_645 : i32 to vector<16xi32>
        %shift_left3A_647 = arith.shli %get3A_644, %shift_left3A_646 : vector<16xi32>
        %bitcast3A_648 = vector.bitcast %shift_left3A_647 : vector<16xi32> to vector<16xf32>
        %and3A_649 = arith.constant -65536 : i32
        %and3A_650 = vector.broadcast %and3A_649 : i32 to vector<16xi32>
        %and3A_651 = arith.andi %get3A_644, %and3A_650 : vector<16xi32>
        %bitcast3A_652 = vector.bitcast %and3A_651 : vector<16xi32> to vector<16xf32>
        %mul3A_653 = arith.mulf %bitcast3A_648, %gather3A : vector<16xf32>
        %swap3A_654 = arith.constant 1 : i32
        %swap3A_655 = arith.index_cast %swap3A_654 : i32 to index
        %swap3A_656 = arith.index_cast %mul3A_589 : i32 to index
        %swap3A_657 = arith.constant 64 : index
        %swap3A_658 = tpu.vector_load %arg12[%swap3A_655, %swap3A_656, %swap3A_657] {strides = array<i32>} : memref<2x80x128xf32, #tpu.memory_space<vmem>>, vector<16xf32>,
        tpu.vector_store %arg12[%swap3A_655, %swap3A_656, %swap3A_657], %mul3A_653 {strides = array<i32>} : memref<2x80x128xf32, #tpu.memory_space<vmem>>, vector<16xf32>,
        %mul3A_659 = arith.mulf %bitcast3A_652, %gather3A : vector<16xf32>
        %swap3A_660 = arith.constant 1 : i32
        %swap3A_661 = arith.index_cast %swap3A_660 : i32 to index
        %swap3A_662 = arith.index_cast %mul3A_589 : i32 to index
        %swap3A_663 = arith.constant 80 : index
        %swap3A_664 = tpu.vector_load %arg12[%swap3A_661, %swap3A_662, %swap3A_663] {strides = array<i32>} : memref<2x80x128xf32, #tpu.memory_space<vmem>>, vector<16xf32>,
        tpu.vector_store %arg12[%swap3A_661, %swap3A_662, %swap3A_663], %mul3A_659 {strides = array<i32>} : memref<2x80x128xf32, #tpu.memory_space<vmem>>, vector<16xf32>,
        %get3A_665 = arith.constant 3 : i32
        %get3A_666 = arith.index_cast %get3A_665 : i32 to index
        %get3A_667 = arith.index_cast %mul3A_589 : i32 to index
        %get3A_668 = arith.constant 48 : index
        %get3A_669 = tpu.vector_load %arg11[%get3A_666, %get3A_667, %get3A_668] {strides = array<i32>} : memref<4x80x64xi32, #tpu.memory_space<vmem>>, vector<16xi32>,
        %shift_left3A_670 = arith.constant 16 : i32
        %shift_left3A_671 = vector.broadcast %shift_left3A_670 : i32 to vector<16xi32>
        %shift_left3A_672 = arith.shli %get3A_669, %shift_left3A_671 : vector<16xi32>
        %bitcast3A_673 = vector.bitcast %shift_left3A_672 : vector<16xi32> to vector<16xf32>
        %and3A_674 = arith.constant -65536 : i32
        %and3A_675 = vector.broadcast %and3A_674 : i32 to vector<16xi32>
        %and3A_676 = arith.andi %get3A_669, %and3A_675 : vector<16xi32>
        %bitcast3A_677 = vector.bitcast %and3A_676 : vector<16xi32> to vector<16xf32>
        %mul3A_678 = arith.mulf %bitcast3A_673, %gather3A : vector<16xf32>
        %swap3A_679 = arith.constant 1 : i32
        %swap3A_680 = arith.index_cast %swap3A_679 : i32 to index
        %swap3A_681 = arith.index_cast %mul3A_589 : i32 to index
        %swap3A_682 = arith.constant 96 : index
        %swap3A_683 = tpu.vector_load %arg12[%swap3A_680, %swap3A_681, %swap3A_682] {strides = array<i32>} : memref<2x80x128xf32, #tpu.memory_space<vmem>>, vector<16xf32>,
        tpu.vector_store %arg12[%swap3A_680, %swap3A_681, %swap3A_682], %mul3A_678 {strides = array<i32>} : memref<2x80x128xf32, #tpu.memory_space<vmem>>, vector<16xf32>,
        %mul3A_684 = arith.mulf %bitcast3A_677, %gather3A : vector<16xf32>
        %swap3A_685 = arith.constant 1 : i32
        %swap3A_686 = arith.index_cast %swap3A_685 : i32 to index
        %swap3A_687 = arith.index_cast %mul3A_589 : i32 to index
        %swap3A_688 = arith.constant 112 : index
        %swap3A_689 = tpu.vector_load %arg12[%swap3A_686, %swap3A_687, %swap3A_688] {strides = array<i32>} : memref<2x80x128xf32, #tpu.memory_space<vmem>>, vector<16xf32>,
        tpu.vector_store %arg12[%swap3A_686, %swap3A_687, %swap3A_688], %mul3A_684 {strides = array<i32>} : memref<2x80x128xf32, #tpu.memory_space<vmem>>, vector<16xf32>,
        %add3A_690 = arith.constant 240 : i32
        %add3A_691 = arith.addi %add3A_690, %add3A_591 : i32
        %broadcast_in_dim3A_692 = vector.broadcast %add3A_691 : i32 to vector<16xi32>
        %gather3A_693 = tpu.vector_load_idx %arg10[%broadcast_in_dim3A_692] : memref<320xf32, #tpu.memory_space<vmem>>[vector<16xi32>], vector<16xf32>,
        %get3A_694 = arith.constant 3 : i32
        %get3A_695 = arith.index_cast %get3A_694 : i32 to index
        %get3A_696 = arith.index_cast %add3A_591 : i32 to index
        %get3A_697 = arith.constant 0 : index
        %get3A_698 = tpu.vector_load %arg11[%get3A_695, %get3A_696, %get3A_697] {strides = array<i32>} : memref<4x80x64xi32, #tpu.memory_space<vmem>>, vector<16xi32>,
        %shift_left3A_699 = arith.constant 16 : i32
        %shift_left3A_700 = vector.broadcast %shift_left3A_699 : i32 to vector<16xi32>
        %shift_left3A_701 = arith.shli %get3A_698, %shift_left3A_700 : vector<16xi32>
        %bitcast3A_702 = vector.bitcast %shift_left3A_701 : vector<16xi32> to vector<16xf32>
        %and3A_703 = arith.constant -65536 : i32
        %and3A_704 = vector.broadcast %and3A_703 : i32 to vector<16xi32>
        %and3A_705 = arith.andi %get3A_698, %and3A_704 : vector<16xi32>
        %bitcast3A_706 = vector.bitcast %and3A_705 : vector<16xi32> to vector<16xf32>
        %mul3A_707 = arith.mulf %bitcast3A_702, %gather3A_693 : vector<16xf32>
        %swap3A_708 = arith.constant 1 : i32
        %swap3A_709 = arith.index_cast %swap3A_708 : i32 to index
        %swap3A_710 = arith.index_cast %add3A_591 : i32 to index
        %swap3A_711 = arith.constant 0 : index
        %swap3A_712 = tpu.vector_load %arg12[%swap3A_709, %swap3A_710, %swap3A_711] {strides = array<i32>} : memref<2x80x128xf32, #tpu.memory_space<vmem>>, vector<16xf32>,
        tpu.vector_store %arg12[%swap3A_709, %swap3A_710, %swap3A_711], %mul3A_707 {strides = array<i32>} : memref<2x80x128xf32, #tpu.memory_space<vmem>>, vector<16xf32>,
        %mul3A_713 = arith.mulf %bitcast3A_706, %gather3A_693 : vector<16xf32>
        %swap3A_714 = arith.constant 1 : i32
        %swap3A_715 = arith.index_cast %swap3A_714 : i32 to index
        %swap3A_716 = arith.index_cast %add3A_591 : i32 to index
        %swap3A_717 = arith.constant 16 : index
        %swap3A_718 = tpu.vector_load %arg12[%swap3A_715, %swap3A_716, %swap3A_717] {strides = array<i32>} : memref<2x80x128xf32, #tpu.memory_space<vmem>>, vector<16xf32>,
        tpu.vector_store %arg12[%swap3A_715, %swap3A_716, %swap3A_717], %mul3A_713 {strides = array<i32>} : memref<2x80x128xf32, #tpu.memory_space<vmem>>, vector<16xf32>,
        %get3A_719 = arith.constant 3 : i32
        %get3A_720 = arith.index_cast %get3A_719 : i32 to index
        %get3A_721 = arith.index_cast %add3A_591 : i32 to index
        %get3A_722 = arith.constant 16 : index
        %get3A_723 = tpu.vector_load %arg11[%get3A_720, %get3A_721, %get3A_722] {strides = array<i32>} : memref<4x80x64xi32, #tpu.memory_space<vmem>>, vector<16xi32>,
        %shift_left3A_724 = arith.constant 16 : i32
        %shift_left3A_725 = vector.broadcast %shift_left3A_724 : i32 to vector<16xi32>
        %shift_left3A_726 = arith.shli %get3A_723, %shift_left3A_725 : vector<16xi32>
        %bitcast3A_727 = vector.bitcast %shift_left3A_726 : vector<16xi32> to vector<16xf32>
        %and3A_728 = arith.constant -65536 : i32
        %and3A_729 = vector.broadcast %and3A_728 : i32 to vector<16xi32>
        %and3A_730 = arith.andi %get3A_723, %and3A_729 : vector<16xi32>
        %bitcast3A_731 = vector.bitcast %and3A_730 : vector<16xi32> to vector<16xf32>
        %mul3A_732 = arith.mulf %bitcast3A_727, %gather3A_693 : vector<16xf32>
        %swap3A_733 = arith.constant 1 : i32
        %swap3A_734 = arith.index_cast %swap3A_733 : i32 to index
        %swap3A_735 = arith.index_cast %add3A_591 : i32 to index
        %swap3A_736 = arith.constant 32 : index
        %swap3A_737 = tpu.vector_load %arg12[%swap3A_734, %swap3A_735, %swap3A_736] {strides = array<i32>} : memref<2x80x128xf32, #tpu.memory_space<vmem>>, vector<16xf32>,
        tpu.vector_store %arg12[%swap3A_734, %swap3A_735, %swap3A_736], %mul3A_732 {strides = array<i32>} : memref<2x80x128xf32, #tpu.memory_space<vmem>>, vector<16xf32>,
        %mul3A_738 = arith.mulf %bitcast3A_731, %gather3A_693 : vector<16xf32>
        %swap3A_739 = arith.constant 1 : i32
        %swap3A_740 = arith.index_cast %swap3A_739 : i32 to index
        %swap3A_741 = arith.index_cast %add3A_591 : i32 to index
        %swap3A_742 = arith.constant 48 : index
        %swap3A_743 = tpu.vector_load %arg12[%swap3A_740, %swap3A_741, %swap3A_742] {strides = array<i32>} : memref<2x80x128xf32, #tpu.memory_space<vmem>>, vector<16xf32>,
        tpu.vector_store %arg12[%swap3A_740, %swap3A_741, %swap3A_742], %mul3A_738 {strides = array<i32>} : memref<2x80x128xf32, #tpu.memory_space<vmem>>, vector<16xf32>,
        %get3A_744 = arith.constant 3 : i32
        %get3A_745 = arith.index_cast %get3A_744 : i32 to index
        %get3A_746 = arith.index_cast %add3A_591 : i32 to index
        %get3A_747 = arith.constant 32 : index
        %get3A_748 = tpu.vector_load %arg11[%get3A_745, %get3A_746, %get3A_747] {strides = array<i32>} : memref<4x80x64xi32, #tpu.memory_space<vmem>>, vector<16xi32>,
        %shift_left3A_749 = arith.constant 16 : i32
        %shift_left3A_750 = vector.broadcast %shift_left3A_749 : i32 to vector<16xi32>
        %shift_left3A_751 = arith.shli %get3A_748, %shift_left3A_750 : vector<16xi32>
        %bitcast3A_752 = vector.bitcast %shift_left3A_751 : vector<16xi32> to vector<16xf32>
        %and3A_753 = arith.constant -65536 : i32
        %and3A_754 = vector.broadcast %and3A_753 : i32 to vector<16xi32>
        %and3A_755 = arith.andi %get3A_748, %and3A_754 : vector<16xi32>
        %bitcast3A_756 = vector.bitcast %and3A_755 : vector<16xi32> to vector<16xf32>
        %mul3A_757 = arith.mulf %bitcast3A_752, %gather3A_693 : vector<16xf32>
        %swap3A_758 = arith.constant 1 : i32
        %swap3A_759 = arith.index_cast %swap3A_758 : i32 to index
        %swap3A_760 = arith.index_cast %add3A_591 : i32 to index
        %swap3A_761 = arith.constant 64 : index
        %swap3A_762 = tpu.vector_load %arg12[%swap3A_759, %swap3A_760, %swap3A_761] {strides = array<i32>} : memref<2x80x128xf32, #tpu.memory_space<vmem>>, vector<16xf32>,
        tpu.vector_store %arg12[%swap3A_759, %swap3A_760, %swap3A_761], %mul3A_757 {strides = array<i32>} : memref<2x80x128xf32, #tpu.memory_space<vmem>>, vector<16xf32>,
        %mul3A_763 = arith.mulf %bitcast3A_756, %gather3A_693 : vector<16xf32>
        %swap3A_764 = arith.constant 1 : i32
        %swap3A_765 = arith.index_cast %swap3A_764 : i32 to index
        %swap3A_766 = arith.index_cast %add3A_591 : i32 to index
        %swap3A_767 = arith.constant 80 : index
        %swap3A_768 = tpu.vector_load %arg12[%swap3A_765, %swap3A_766, %swap3A_767] {strides = array<i32>} : memref<2x80x128xf32, #tpu.memory_space<vmem>>, vector<16xf32>,
        tpu.vector_store %arg12[%swap3A_765, %swap3A_766, %swap3A_767], %mul3A_763 {strides = array<i32>} : memref<2x80x128xf32, #tpu.memory_space<vmem>>, vector<16xf32>,
        %get3A_769 = arith.constant 3 : i32
        %get3A_770 = arith.index_cast %get3A_769 : i32 to index
        %get3A_771 = arith.index_cast %add3A_591 : i32 to index
        %get3A_772 = arith.constant 48 : index
        %get3A_773 = tpu.vector_load %arg11[%get3A_770, %get3A_771, %get3A_772] {strides = array<i32>} : memref<4x80x64xi32, #tpu.memory_space<vmem>>, vector<16xi32>,
        %shift_left3A_774 = arith.constant 16 : i32
        %shift_left3A_775 = vector.broadcast %shift_left3A_774 : i32 to vector<16xi32>
        %shift_left3A_776 = arith.shli %get3A_773, %shift_left3A_775 : vector<16xi32>
        %bitcast3A_777 = vector.bitcast %shift_left3A_776 : vector<16xi32> to vector<16xf32>
        %and3A_778 = arith.constant -65536 : i32
        %and3A_779 = vector.broadcast %and3A_778 : i32 to vector<16xi32>
        %and3A_780 = arith.andi %get3A_773, %and3A_779 : vector<16xi32>
        %bitcast3A_781 = vector.bitcast %and3A_780 : vector<16xi32> to vector<16xf32>
        %mul3A_782 = arith.mulf %bitcast3A_777, %gather3A_693 : vector<16xf32>
        %swap3A_783 = arith.constant 1 : i32
        %swap3A_784 = arith.index_cast %swap3A_783 : i32 to index
        %swap3A_785 = arith.index_cast %add3A_591 : i32 to index
        %swap3A_786 = arith.constant 96 : index
        %swap3A_787 = tpu.vector_load %arg12[%swap3A_784, %swap3A_785, %swap3A_786] {strides = array<i32>} : memref<2x80x128xf32, #tpu.memory_space<vmem>>, vector<16xf32>,
        tpu.vector_store %arg12[%swap3A_784, %swap3A_785, %swap3A_786], %mul3A_782 {strides = array<i32>} : memref<2x80x128xf32, #tpu.memory_space<vmem>>, vector<16xf32>,
        %mul3A_788 = arith.mulf %bitcast3A_781, %gather3A_693 : vector<16xf32>
        %swap3A_789 = arith.constant 1 : i32
        %swap3A_790 = arith.index_cast %swap3A_789 : i32 to index
        %swap3A_791 = arith.index_cast %add3A_591 : i32 to index
        %swap3A_792 = arith.constant 112 : index
        %swap3A_793 = tpu.vector_load %arg12[%swap3A_790, %swap3A_791, %swap3A_792] {strides = array<i32>} : memref<2x80x128xf32, #tpu.memory_space<vmem>>, vector<16xf32>,
        tpu.vector_store %arg12[%swap3A_790, %swap3A_791, %swap3A_792], %mul3A_788 {strides = array<i32>} : memref<2x80x128xf32, #tpu.memory_space<vmem>>, vector<16xf32>,
      }
      %scan3A_563 = arith.constant 40 : i32
      %dma_wait3A_564 = arith.constant 3 : i32
      %dma_wait3A_565 = arith.constant 0 : i32
      %dma_wait3A_566 = tpu.memref_slice %arg8[%dma_wait3A_564, %dma_wait3A_565] : memref<4x80xi32, #tpu.memory_space<vmem>> -> memref<1x80xi32, #tpu.memory_space<vmem>>
      %dma_wait3A_567 = tpu.memref_squeeze %dma_wait3A_566 : memref<1x80xi32, #tpu.memory_space<vmem>> -> memref<80xi32, #tpu.memory_space<vmem>>
      %dma_wait3A_568 = arith.constant 0 : i32
      %dma_wait3A_569 = tpu.memref_slice %arg3[%dma_wait3A_568] : memref<327680xi32, #tpu.memory_space<hbm>> -> memref<80xi32, #tpu.memory_space<hbm>>
      %dma_wait3A_570 = arith.constant 0 : i32
      %dma_wait3A_571 = tpu.memref_slice %arg8[%dma_wait3A_564, %dma_wait3A_570] : memref<4x80xi32, #tpu.memory_space<vmem>> -> memref<1x80xi32, #tpu.memory_space<vmem>>
      %dma_wait3A_572 = tpu.memref_squeeze %dma_wait3A_571 : memref<1x80xi32, #tpu.memory_space<vmem>> -> memref<80xi32, #tpu.memory_space<vmem>>
      %dma_wait3A_573 = arith.constant 0 : i32
      %dma_wait3A_574 = tpu.memref_slice %arg3[%dma_wait3A_573] : memref<327680xi32, #tpu.memory_space<hbm>> -> memref<80xi32, #tpu.memory_space<hbm>>
      tpu.wait_dma2 semaphore(%arg27 : memref<!tpu.dma_semaphore, #tpu.memory_space<semaphore_mem>>) src(%dma_wait3A_574 : memref<80xi32, #tpu.memory_space<hbm>>) dst(%dma_wait3A_572 : memref<80xi32, #tpu.memory_space<vmem>>)
      %dma_start3A_575 = arith.constant 1 : i32
      %dma_start3A_576 = arith.constant 3 : i32
      %dma_start3A_577 = arith.constant 0 : i32
      %dma_start3A_578 = arith.constant 0 : i32
      %dma_start3A_579 = tpu.memref_slice %arg12[%dma_start3A_575, %dma_start3A_577, %dma_start3A_578] : memref<2x80x128xf32, #tpu.memory_space<vmem>> -> memref<1x80x128xf32, #tpu.memory_space<vmem>>
      %dma_start3A_580 = tpu.memref_squeeze %dma_start3A_579 : memref<1x80x128xf32, #tpu.memory_space<vmem>> -> memref<80x128xf32, #tpu.memory_space<vmem>>
      %dma_start3A_581 = arith.constant 0 : i32
      %dma_start3A_582 = tpu.memref_slice %arg9[%dma_start3A_576, %dma_start3A_581] : memref<4x80xi32, #tpu.memory_space<vmem>> -> memref<1x80xi32, #tpu.memory_space<vmem>>
      %dma_start3A_583 = tpu.memref_squeeze %dma_start3A_582 : memref<1x80xi32, #tpu.memory_space<vmem>> -> memref<80xi32, #tpu.memory_space<vmem>>
      %dma_start3A_584 = arith.constant 0 : i32
      %dma_start3A_585 = arith.constant 0 : i32
      %dma_start3A_586 = tpu.memref_slice %arg13[%dma_start3A_584, %dma_start3A_585] : memref<10112x128xf32, #tpu.memory_space<vmem_shared>> -> memref<10112x128xf32, #tpu.memory_space<vmem_shared>>
      tpu.enqueue_indirect_dma source(%dma_start3A_580 : memref<80x128xf32, #tpu.memory_space<vmem>>) target(%dma_start3A_586 : memref<10112x128xf32, #tpu.memory_space<vmem_shared>>) offsets(%dma_start3A_583 : memref<80xi32, #tpu.memory_space<vmem>>) semaphore(%arg19 : memref<!tpu.dma_semaphore, #tpu.memory_space<semaphore_mem>>) {add = true}
    }
    %dma_wait3A_233 = arith.constant 0 : i32
    %dma_wait3A_234 = arith.constant 0 : i32
    %dma_wait3A_235 = arith.constant 0 : i32
    %dma_wait3A_236 = tpu.memref_slice %arg12[%dma_wait3A_233, %dma_wait3A_234, %dma_wait3A_235] : memref<2x80x128xf32, #tpu.memory_space<vmem>> -> memref<1x80x128xf32, #tpu.memory_space<vmem>>
    %dma_wait3A_237 = tpu.memref_squeeze %dma_wait3A_236 : memref<1x80x128xf32, #tpu.memory_space<vmem>> -> memref<80x128xf32, #tpu.memory_space<vmem>>
    %dma_wait3A_238 = arith.constant 0 : i32
    %dma_wait3A_239 = arith.constant 0 : i32
    %dma_wait3A_240 = tpu.memref_slice %arg6[%dma_wait3A_238, %dma_wait3A_239] : memref<10112x128xf32, #tpu.memory_space<hbm>> -> memref<80x128xf32, #tpu.memory_space<hbm>>
    %dma_wait3A_241 = arith.constant 0 : i32
    %dma_wait3A_242 = arith.constant 0 : i32
    %dma_wait3A_243 = tpu.memref_slice %arg12[%dma_wait3A_233, %dma_wait3A_241, %dma_wait3A_242] : memref<2x80x128xf32, #tpu.memory_space<vmem>> -> memref<1x80x128xf32, #tpu.memory_space<vmem>>
    %dma_wait3A_244 = tpu.memref_squeeze %dma_wait3A_243 : memref<1x80x128xf32, #tpu.memory_space<vmem>> -> memref<80x128xf32, #tpu.memory_space<vmem>>
    %dma_wait3A_245 = arith.constant 0 : i32
    %dma_wait3A_246 = arith.constant 0 : i32
    %dma_wait3A_247 = tpu.memref_slice %arg6[%dma_wait3A_245, %dma_wait3A_246] : memref<10112x128xf32, #tpu.memory_space<hbm>> -> memref<80x128xf32, #tpu.memory_space<hbm>>
    tpu.wait_dma2 semaphore(%arg18 : memref<!tpu.dma_semaphore, #tpu.memory_space<semaphore_mem>>) src(%dma_wait3A_247 : memref<80x128xf32, #tpu.memory_space<hbm>>) dst(%dma_wait3A_244 : memref<80x128xf32, #tpu.memory_space<vmem>>)
    %dma_wait3A_248 = arith.constant 1 : i32
    %dma_wait3A_249 = arith.constant 0 : i32
    %dma_wait3A_250 = arith.constant 0 : i32
    %dma_wait3A_251 = tpu.memref_slice %arg12[%dma_wait3A_248, %dma_wait3A_249, %dma_wait3A_250] : memref<2x80x128xf32, #tpu.memory_space<vmem>> -> memref<1x80x128xf32, #tpu.memory_space<vmem>>
    %dma_wait3A_252 = tpu.memref_squeeze %dma_wait3A_251 : memref<1x80x128xf32, #tpu.memory_space<vmem>> -> memref<80x128xf32, #tpu.memory_space<vmem>>
    %dma_wait3A_253 = arith.constant 0 : i32
    %dma_wait3A_254 = arith.constant 0 : i32
    %dma_wait3A_255 = tpu.memref_slice %arg6[%dma_wait3A_253, %dma_wait3A_254] : memref<10112x128xf32, #tpu.memory_space<hbm>> -> memref<80x128xf32, #tpu.memory_space<hbm>>
    %dma_wait3A_256 = arith.constant 0 : i32
    %dma_wait3A_257 = arith.constant 0 : i32
    %dma_wait3A_258 = tpu.memref_slice %arg12[%dma_wait3A_248, %dma_wait3A_256, %dma_wait3A_257] : memref<2x80x128xf32, #tpu.memory_space<vmem>> -> memref<1x80x128xf32, #tpu.memory_space<vmem>>
    %dma_wait3A_259 = tpu.memref_squeeze %dma_wait3A_258 : memref<1x80x128xf32, #tpu.memory_space<vmem>> -> memref<80x128xf32, #tpu.memory_space<vmem>>
    %dma_wait3A_260 = arith.constant 0 : i32
    %dma_wait3A_261 = arith.constant 0 : i32
    %dma_wait3A_262 = tpu.memref_slice %arg6[%dma_wait3A_260, %dma_wait3A_261] : memref<10112x128xf32, #tpu.memory_space<hbm>> -> memref<80x128xf32, #tpu.memory_space<hbm>>
    tpu.wait_dma2 semaphore(%arg19 : memref<!tpu.dma_semaphore, #tpu.memory_space<semaphore_mem>>) src(%dma_wait3A_262 : memref<80x128xf32, #tpu.memory_space<hbm>>) dst(%dma_wait3A_259 : memref<80x128xf32, #tpu.memory_space<vmem>>)
    %barrier3A_263 = arith.constant 0 : index
    tpu.barrier barrier_id(%barrier3A_263)
    %eq3A_264 = arith.constant 0 : i32
    %eq3A_265 = arith.cmpi eq, %arg0, %eq3A_264 : i32
    %convert_element_type3A = arith.extui %eq3A_265 : i1 to i32
    %cond3A = arith.constant 0 : i32
    %cond3A_266 = arith.cmpi ne, %convert_element_type3A, %cond3A : i32
    scf.if %cond3A_266 {
      %mul3A_272 = arith.constant 632 : i32
      %mul3A_273 = arith.muli %arg1, %mul3A_272 : i32
      %mul3A_274 = arith.constant 632 : i32
      %mul3A_275 = arith.muli %arg1, %mul3A_274 : i32
      "tpu.region"() ({
        %run_scoped3A_276 = tpu.sem_alloc : memref<!tpu.dma_semaphore, #tpu.memory_space<semaphore_mem>>
        %dma_start3A_277 = arith.constant 0 : i32
        %dma_start3A_278 = tpu.memref_slice %arg6[%mul3A_275, %dma_start3A_277] : memref<10112x128xf32, #tpu.memory_space<hbm>> -> memref<632x128xf32, #tpu.memory_space<hbm>>
        %dma_start3A_279 = arith.constant 0 : i32
        %dma_start3A_280 = tpu.memref_slice %arg13[%mul3A_273, %dma_start3A_279] : memref<10112x128xf32, #tpu.memory_space<vmem_shared>> -> memref<632x128xf32, #tpu.memory_space<vmem_shared>>
        tpu.enqueue_dma source(%dma_start3A_280 : memref<632x128xf32, #tpu.memory_space<vmem_shared>>) target(%dma_start3A_278 : memref<632x128xf32, #tpu.memory_space<hbm>>) target_semaphore(%run_scoped3A_276 : memref<!tpu.dma_semaphore, #tpu.memory_space<semaphore_mem>>)
        %dma_wait3A_281 = arith.constant 0 : i32
        %dma_wait3A_282 = tpu.memref_slice %arg6[%mul3A_275, %dma_wait3A_281] : memref<10112x128xf32, #tpu.memory_space<hbm>> -> memref<632x128xf32, #tpu.memory_space<hbm>>
        %dma_wait3A_283 = arith.constant 0 : i32
        %dma_wait3A_284 = tpu.memref_slice %arg13[%mul3A_273, %dma_wait3A_283] : memref<10112x128xf32, #tpu.memory_space<vmem_shared>> -> memref<632x128xf32, #tpu.memory_space<vmem_shared>>
        tpu.wait_dma2 semaphore(%run_scoped3A_276 : memref<!tpu.dma_semaphore, #tpu.memory_space<semaphore_mem>>) src(%dma_wait3A_284 : memref<632x128xf32, #tpu.memory_space<vmem_shared>>) dst(%dma_wait3A_282 : memref<632x128xf32, #tpu.memory_space<hbm>>)
        tpu.yield
      }) : () -> ()
    } else {
    }
    %eq3A_267 = arith.constant 1 : i32
    %eq3A_268 = arith.cmpi eq, %arg0, %eq3A_267 : i32
    %convert_element_type3A_269 = arith.extui %eq3A_268 : i1 to i32
    %cond3A_270 = arith.constant 0 : i32
    %cond3A_271 = arith.cmpi ne, %convert_element_type3A_269, %cond3A_270 : i32
    scf.if %cond3A_271 {
      %mul3A_272 = arith.constant 632 : i32
      %mul3A_273 = arith.muli %arg1, %mul3A_272 : i32
      %mul3A_274 = arith.constant 632 : i32
      %mul3A_275 = arith.muli %arg1, %mul3A_274 : i32
      "tpu.region"() ({
        %run_scoped3A_276 = tpu.sem_alloc : memref<!tpu.dma_semaphore, #tpu.memory_space<semaphore_mem>>
        %dma_start3A_277 = arith.constant 0 : i32
        %dma_start3A_278 = tpu.memref_slice %arg7[%mul3A_275, %dma_start3A_277] : memref<10112x128xf32, #tpu.memory_space<hbm>> -> memref<632x128xf32, #tpu.memory_space<hbm>>
        %dma_start3A_279 = arith.constant 0 : i32
        %dma_start3A_280 = tpu.memref_slice %arg13[%mul3A_273, %dma_start3A_279] : memref<10112x128xf32, #tpu.memory_space<vmem_shared>> -> memref<632x128xf32, #tpu.memory_space<vmem_shared>>
        tpu.enqueue_dma source(%dma_start3A_280 : memref<632x128xf32, #tpu.memory_space<vmem_shared>>) target(%dma_start3A_278 : memref<632x128xf32, #tpu.memory_space<hbm>>) target_semaphore(%run_scoped3A_276 : memref<!tpu.dma_semaphore, #tpu.memory_space<semaphore_mem>>)
        %dma_wait3A_281 = arith.constant 0 : i32
        %dma_wait3A_282 = tpu.memref_slice %arg7[%mul3A_275, %dma_wait3A_281] : memref<10112x128xf32, #tpu.memory_space<hbm>> -> memref<632x128xf32, #tpu.memory_space<hbm>>
        %dma_wait3A_283 = arith.constant 0 : i32
        %dma_wait3A_284 = tpu.memref_slice %arg13[%mul3A_273, %dma_wait3A_283] : memref<10112x128xf32, #tpu.memory_space<vmem_shared>> -> memref<632x128xf32, #tpu.memory_space<vmem_shared>>
        tpu.wait_dma2 semaphore(%run_scoped3A_276 : memref<!tpu.dma_semaphore, #tpu.memory_space<semaphore_mem>>) src(%dma_wait3A_284 : memref<632x128xf32, #tpu.memory_space<vmem_shared>>) dst(%dma_wait3A_282 : memref<632x128xf32, #tpu.memory_space<hbm>>)
        tpu.yield
      }) : () -> ()
    } else {
    }
    return
  }
}

module attributes {stable_mosaic.version = 14 : i64} {
  func.func @_mm_body(%arg0: i32, %arg1: memref<2000x128xf32, #tpu.memory_space<vmem>>, %arg2: memref<128x128xf32, #tpu.memory_space<vmem>>, %arg3: memref<128x128xf32, #tpu.memory_space<vmem>>, %arg4: memref<128xf32, #tpu.memory_space<vmem>>, %arg5: memref<2000x128xbf16, #tpu.memory_space<vmem>>, %arg6: memref<2000x128xf32, #tpu.memory_space<vmem>>) attributes {dimension_semantics = [#tpu.dimension_semantics<arbitrary>], iteration_bounds = array<i64: 5>, scalar_prefetch = 0 : i64, scratch_operands = 0 : i64, tpu.core_type = #tpu.core_type<tc>, window_params = [{transform_indices = @transform_0, window_bounds = array<i64: 2000, 128>}, {pipeline_mode = #tpu.pipeline_mode<synchronous>, transform_indices = @transform_1, window_bounds = array<i64: 128, 128>}, {pipeline_mode = #tpu.pipeline_mode<synchronous>, transform_indices = @transform_2, window_bounds = array<i64: 128, 128>}, {pipeline_mode = #tpu.pipeline_mode<synchronous>, transform_indices = @transform_3, window_bounds = array<i64: 128>}, {transform_indices = @transform_4, window_bounds = array<i64: 2000, 128>}, {transform_indices = @transform_5, window_bounds = array<i64: 2000, 128>}]} {
    %get3A = arith.constant 0 : index
    %get3A_0 = arith.constant 0 : index
    %get3A_1 = vector.load %arg1[%get3A, %get3A_0] : memref<2000x128xf32, #tpu.memory_space<vmem>>, vector<2000x128xf32>
    %get3A_2 = arith.constant 0 : index
    %get3A_3 = arith.constant 0 : index
    %get3A_4 = vector.load %arg2[%get3A_2, %get3A_3] : memref<128x128xf32, #tpu.memory_space<vmem>>, vector<128x128xf32>
    %dot_general3A = arith.constant dense<0.000000e+00> : vector<2000x128xf32>
    %dot_general3A_5 = tpu.matmul %get3A_1, %get3A_4, %dot_general3A {dimension_numbers = #tpu.dot_dimension_numbers<[1], [0], [0], [1], [0, 0, 1, 1], [], []>, transpose_lhs_hint = false} : vector<2000x128xf32>, vector<128x128xf32>, vector<2000x128xf32> -> vector<2000x128xf32>
    %convert_element_type3A = arith.truncf %dot_general3A_5 : vector<2000x128xf32> to vector<2000x128xbf16>
    %swap3A = arith.constant 0 : index
    %swap3A_6 = arith.constant 0 : index
    %swap3A_7 = vector.load %arg5[%swap3A, %swap3A_6] : memref<2000x128xbf16, #tpu.memory_space<vmem>>, vector<2000x128xbf16>
    tpu.vector_store %arg5[%swap3A, %swap3A_6], %convert_element_type3A {strides = array<i32>} : memref<2000x128xbf16, #tpu.memory_space<vmem>>, vector<2000x128xbf16>,
    %get3A_8 = arith.constant 0 : index
    %get3A_9 = arith.constant 0 : index
    %get3A_10 = vector.load %arg3[%get3A_8, %get3A_9] : memref<128x128xf32, #tpu.memory_space<vmem>>, vector<128x128xf32>
    %dot_general3A_11 = arith.constant dense<0.000000e+00> : vector<2000x128xf32>
    %dot_general3A_12 = tpu.matmul %get3A_1, %get3A_10, %dot_general3A_11 {dimension_numbers = #tpu.dot_dimension_numbers<[1], [0], [0], [1], [0, 0, 1, 1], [], []>, transpose_lhs_hint = false} : vector<2000x128xf32>, vector<128x128xf32>, vector<2000x128xf32> -> vector<2000x128xf32>
    %get3A_13 = arith.constant 0 : index
    %get3A_14 = vector.load %arg4[%get3A_13] : memref<128xf32, #tpu.memory_space<vmem>>, vector<128xf32>
    %broadcast_in_dim3A = vector.shape_cast %get3A_14 : vector<128xf32> to vector<1x128xf32>
    %add3A = vector.broadcast %broadcast_in_dim3A : vector<1x128xf32> to vector<2000x128xf32>
    %add3A_15 = arith.addf %dot_general3A_12, %add3A : vector<2000x128xf32>
    %swap3A_16 = arith.constant 0 : index
    %swap3A_17 = arith.constant 0 : index
    %swap3A_18 = vector.load %arg6[%swap3A_16, %swap3A_17] : memref<2000x128xf32, #tpu.memory_space<vmem>>, vector<2000x128xf32>
    tpu.vector_store %arg6[%swap3A_16, %swap3A_17], %add3A_15 {strides = array<i32>} : memref<2000x128xf32, #tpu.memory_space<vmem>>, vector<2000x128xf32>,
    return
  }
  func.func @transform_0(%arg0: i32) -> (i32, i32) {
    %c0_i32 = arith.constant 0 : i32
    %c0_i32_0 = arith.constant 0 : i32
    return %arg0, %c0_i32 : i32, i32
  }
  func.func @transform_1(%arg0: i32) -> (i32, i32) {
    %c0_i32 = arith.constant 0 : i32
    %c0_i32_0 = arith.constant 0 : i32
    %c0_i32_1 = arith.constant 0 : i32
    return %c0_i32, %c0_i32_0 : i32, i32
  }
  func.func @transform_2(%arg0: i32) -> (i32, i32) {
    %c0_i32 = arith.constant 0 : i32
    %c0_i32_0 = arith.constant 0 : i32
    %c0_i32_1 = arith.constant 0 : i32
    return %c0_i32, %c0_i32_0 : i32, i32
  }
  func.func @transform_3(%arg0: i32) -> i32 {
    %c0_i32 = arith.constant 0 : i32
    %c0_i32_0 = arith.constant 0 : i32
    return %c0_i32 : i32
  }
  func.func @transform_4(%arg0: i32) -> (i32, i32) {
    %c0_i32 = arith.constant 0 : i32
    %c0_i32_0 = arith.constant 0 : i32
    return %arg0, %c0_i32 : i32, i32
  }
  func.func @transform_5(%arg0: i32) -> (i32, i32) {
    %c0_i32 = arith.constant 0 : i32
    %c0_i32_0 = arith.constant 0 : i32
    return %arg0, %c0_i32 : i32, i32
  }
}

module attributes {stable_mosaic.version = 14 : i64} {
  func.func @_fin_body(%arg0: i32, %arg1: memref<2000x128xf32, #tpu.memory_space<vmem>>, %arg2: memref<2000x128xf32, #tpu.memory_space<vmem>>, %arg3: memref<2000x128xf32, #tpu.memory_space<vmem>>, %arg4: memref<2000x128xf32, #tpu.memory_space<vmem>>) attributes {dimension_semantics = [#tpu.dimension_semantics<arbitrary>], iteration_bounds = array<i64: 5>, scalar_prefetch = 0 : i64, scratch_operands = 0 : i64, tpu.core_type = #tpu.core_type<tc>, window_params = [{transform_indices = @transform_0, window_bounds = array<i64: 2000, 128>}, {transform_indices = @transform_1, window_bounds = array<i64: 2000, 128>}, {transform_indices = @transform_2, window_bounds = array<i64: 2000, 128>}, {transform_indices = @transform_3, window_bounds = array<i64: 2000, 128>}]} {
    %get3A = arith.constant 0 : index
    %get3A_0 = arith.constant 0 : index
    %get3A_1 = vector.load %arg1[%get3A, %get3A_0] : memref<2000x128xf32, #tpu.memory_space<vmem>>, vector<2000x128xf32>
    %get3A_2 = arith.constant 0 : index
    %get3A_3 = arith.constant 0 : index
    %get3A_4 = vector.load %arg2[%get3A_2, %get3A_3] : memref<2000x128xf32, #tpu.memory_space<vmem>>, vector<2000x128xf32>
    %add3A = arith.addf %get3A_1, %get3A_4 : vector<2000x128xf32>
    %get3A_5 = arith.constant 0 : index
    %get3A_6 = arith.constant 0 : index
    %get3A_7 = vector.load %arg3[%get3A_5, %get3A_6] : memref<2000x128xf32, #tpu.memory_space<vmem>>, vector<2000x128xf32>
    %add3A_8 = arith.addf %add3A, %get3A_7 : vector<2000x128xf32>
    %max3A = arith.constant 0.000000e+00 : f32
    %max3A_9 = vector.broadcast %max3A : f32 to vector<2000x128xf32>
    %max3A_10 = arith.maximumf %add3A_8, %max3A_9 : vector<2000x128xf32>
    %swap3A = arith.constant 0 : index
    %swap3A_11 = arith.constant 0 : index
    %swap3A_12 = vector.load %arg4[%swap3A, %swap3A_11] : memref<2000x128xf32, #tpu.memory_space<vmem>>, vector<2000x128xf32>
    tpu.vector_store %arg4[%swap3A, %swap3A_11], %max3A_10 {strides = array<i32>} : memref<2000x128xf32, #tpu.memory_space<vmem>>, vector<2000x128xf32>,
    return
  }
  func.func @transform_0(%arg0: i32) -> (i32, i32) {
    %c0_i32 = arith.constant 0 : i32
    %c0_i32_0 = arith.constant 0 : i32
    return %arg0, %c0_i32 : i32, i32
  }
  func.func @transform_1(%arg0: i32) -> (i32, i32) {
    %c0_i32 = arith.constant 0 : i32
    %c0_i32_0 = arith.constant 0 : i32
    return %arg0, %c0_i32 : i32, i32
  }
  func.func @transform_2(%arg0: i32) -> (i32, i32) {
    %c0_i32 = arith.constant 0 : i32
    %c0_i32_0 = arith.constant 0 : i32
    return %arg0, %c0_i32 : i32, i32
  }
  func.func @transform_3(%arg0: i32) -> (i32, i32) {
    %c0_i32 = arith.constant 0 : i32
    %c0_i32_0 = arith.constant 0 : i32
    return %arg0, %c0_i32 : i32, i32
  }
}

</mosaic_0001>

<sc_bundles>
// kernel: kernel.6.cloned.1.call-start
scs
__scs_entry_jumppad:
0x0: {  	(pc) =	sbr.rel $0x88, $3  }
0x1: {  	(tag) =	ssettag $0x0;
	lr =	simm.s32 $0x1  }
0x2: {  	[smem:$0x3F9A] =	sst lr;
	_ =	strace $0xD0000000  }
0x3: {  	_ = 	snop  }
0x4: {  	_ = 	snop  }
0x5: {  	_ = 	snop  }
0x6: {  	_ = 	snop  }
0x7: {  	_ = 	snop  }
__scs_overlays_trampoline_lowered:
0x8: {  	[smem:$0x3FA9] =	sst s0  }
0x9: {  	[smem:$0x3FAA] =	sst s1  }
0xa: {  	[smem:$0x3FAB] =	sst s2  }
0xb: {  	[smem:$0x3FAC] =	sst s3  }
0xc: {  	[smem:$0x3FAD] =	sst s4  }
0xd: {  	[smem:$0x3FAE] =	sst s5  }
0xe: {  	[smem:$0x3FAF] =	sst s6  }
0xf: {  	[smem:$0x3FB0] =	sst s7  }
0x10: {  	[smem:$0x3FB1] =	sst s8  }
0x11: {  	[smem:$0x3FB2] =	sst s9;
	s0 =	simm.s32 @!p0 $0x0  }
0x12: {  	s1 =	sld [smem:$0x3F98];
	s0 =	simm.s32 @p0 $0x1  }
0x13: {  	[smem:$0x3FB3] =	sst s0;
	s0 =	simm.s32 @!p1 $0x0  }
0x14: {  	s2 =	sld [smem:$0x3F97];
	s0 =	simm.s32 @p1 $0x1  }
0x15: {  	[smem:$0x3FB4] =	sst s0;
	s0 =	simm.s32 @!p2 $0x0  }
0x16: {  	s3 =	sld [smem:$0x3FDB];
	s0 =	simm.s32 @p2 $0x1  }
0x17: {  	s4 =	simm.s32 $0x1BF5;
	[smem:$0x3FB6] =	sst s0  }
0x18: {  	s0 =	sld [smem:$0x3F99];
	_ =	swait.ge [sflag:s4], $0x0  }
0x19: {  	s7 =	sld [smem:$0x3F9A]  }
0x1a: {  	s8 =	sadd.s32 $0xFFFFE003, lr  }
0x1b: {  	s9 =	sadd.s32 $0xFFFFFEF7, lr;
	s5 =	simm.s32 $0xFFFFFFFF;
	p2 =	slt.u32 s8, $0xFFFFF086  }
0x1c: {  	p1 =	slt.u32 s9, $0xF7A;
	s5 =	simm.s32 @!p2 $0x0  }
0x1d: {  	s5 =	simm.s32 @p1 $0x1;
	p0 =	seq.s32 s7, s2  }
0x1e: {  	s7 =	smul.u32 @!p0 $0xF7A, s2;
	p2 =	seq.s32 @!p0 s5, $0x0  }
0x1f: {  	s9 =	smul.u32 $0xF7A, s1;
	s8 =	simm.s32 @!p0 $0x1BF5;
	p2 =	por !p2, p0  }
0x20: {  	[sflag:s8] =	ssyncset.s32 @!p0 $0xFFFFF086;
	s6 =	sadd.s32 @!p0 s3, s7;
	s7 =	simm.s32 @!p0 $0x108  }
0x21: {  	s3 =	sadd.s32 s3, s9;
	s6 =	sadd.s32 @!p0 $0x88, s6;
	s7 =	simm.s32 @p2 $0x1082  }
0x22: {  	[simem:s7], [sflag:s8] =	dma.local @!p0 [hbm:s6], $0xF7A  }
0x23: {  	s9 =	sor.u32 $0xD0000000, s2;
	s6 =	simm.s32 $0x108;
	_ =	swait.ge @!p0 [sflag:s8], $0x0  }
0x24: {  	s3 =	sadd.s32 $0x88, s3;
	s6 =	simm.s32 @!p1 $0x1082;
	[sflag:s4] =	ssyncset.s32 $0xFFFFF086  }
0x25: {  	[simem:s6], [sflag:s4] =	dma.local [hbm:s3], $0xF7A  }
0x26: {  	[smem:$0x3F9A] =	sst s1;
	(tag) =	ssettag s2;
	_ =	strace s9  }
0x27: {  	s1 =	sld [smem:$0x3FAA]  }
0x28: {  	s2 =	sld [smem:$0x3FAB]  }
0x29: {  	s4 =	sld [smem:$0x3FAD]  }
0x2a: {  	p0 =	seq.s32 s5, $0x0;
	s5 =	sld [smem:$0x3FAE]  }
0x2b: {  	s6 =	sld [smem:$0x3FAF]  }
0x2c: {  	s7 =	sld [smem:$0x3FB0]  }
0x2d: {  	s3 =	simm.s32 $0x108;
	s8 =	sld [smem:$0x3FB1]  }
0x2e: {  	s3 =	simm.s32 @!p0 $0x1082;
	s9 =	sld [smem:$0x3FB2]  }
0x2f: {  	lr =	sadd.s32 s0, s3;
	s0 =	sld [smem:$0x3FA9]  }
0x30: {  	s3 =	sld [smem:$0x3FAC]  }
0x31: {  	[smem:$0x3FB5] =	sst s10  }
0x32: {  	s10 =	sld [smem:$0x3FB3];
	_ =	sdelay $0x3  }
0x33: {  	p0 =	seq.s32 s10, $0x1;
	s10 =	sld [smem:$0x3FB5];
	_ =	sdelay $0x3  }
0x34: {  	[smem:$0x3FB5] =	sst s10  }
0x35: {  	s10 =	sld [smem:$0x3FB4];
	_ =	sdelay $0x3  }
0x36: {  	p1 =	seq.s32 s10, $0x1;
	s10 =	sld [smem:$0x3FB5];
	_ =	sdelay $0x3  }
0x37: {  	[smem:$0x3FB5] =	sst s10  }
0x38: {  	s10 =	sld [smem:$0x3FB6]  }
0x39: {  	_ = 	snop;
	(pc) =	sbr.ind lr, $3  }
0x3a: {  	_ = 	snop  }
0x3b: {  	_ = 	snop  }
0x3c: {  	p2 =	seq.s32 s10, $0x1;
	s10 =	sld [smem:$0x3FB5]  }
0x3d: {  	_ =	shalt  }
0x3e: {  	_ =	shalt  }
0x3f: {  	_ =	shalt  }
0x40: {  	_ =	shalt  }
0x41: {  	_ =	shalt  }
0x42: {  	_ =	shalt  }
0x43: {  	_ =	shalt  }
0x44: {  	_ =	shalt  }
0x45: {  	_ =	shalt  }
0x46: {  	_ =	shalt  }
0x47: {  	_ =	shalt  }
0x48: {  	_ =	shalt  }
0x49: {  	_ =	shalt  }
0x4a: {  	_ =	shalt  }
0x4b: {  	_ =	shalt  }
0x4c: {  	_ =	shalt  }
0x4d: {  	_ =	shalt  }
0x4e: {  	_ =	shalt  }
0x4f: {  	_ =	shalt  }
0x50: {  	_ =	shalt  }
0x51: {  	_ =	shalt  }
0x52: {  	_ =	shalt  }
0x53: {  	_ =	shalt  }
0x54: {  	_ =	shalt  }
0x55: {  	_ =	shalt  }
0x56: {  	_ =	shalt  }
0x57: {  	_ =	shalt  }
0x58: {  	_ =	shalt  }
0x59: {  	_ =	shalt  }
0x5a: {  	_ =	shalt  }
0x5b: {  	_ =	shalt  }
0x5c: {  	_ =	shalt  }
0x5d: {  	_ =	shalt  }
0x5e: {  	_ =	shalt  }
0x5f: {  	_ =	shalt  }
0x60: {  	_ =	shalt  }
0x61: {  	_ =	shalt  }
0x62: {  	_ =	shalt  }
0x63: {  	_ =	shalt  }
0x64: {  	_ =	shalt  }
0x65: {  	_ =	shalt  }
0x66: {  	_ =	shalt  }
0x67: {  	_ =	shalt  }
0x68: {  	_ =	shalt  }
0x69: {  	_ =	shalt  }
0x6a: {  	_ =	shalt  }
0x6b: {  	_ =	shalt  }
0x6c: {  	_ =	shalt  }
0x6d: {  	_ =	shalt  }
0x6e: {  	_ =	shalt  }
0x6f: {  	_ =	shalt  }
0x70: {  	_ =	shalt  }
0x71: {  	_ =	shalt  }
0x72: {  	_ =	shalt  }
0x73: {  	_ =	shalt  }
0x74: {  	_ =	shalt  }
0x75: {  	_ =	shalt  }
0x76: {  	_ =	shalt  }
0x77: {  	_ =	shalt  }
0x78: {  	_ =	shalt  }
0x79: {  	_ =	shalt  }
0x7a: {  	_ =	shalt  }
0x7b: {  	_ =	shalt  }
0x7c: {  	_ =	shalt  }
0x7d: {  	_ =	shalt  }
0x7e: {  	_ =	shalt  }
0x7f: {  	_ =	shalt  }
0x80: {  	_ =	shalt  }
0x81: {  	_ =	shalt  }
0x82: {  	_ =	shalt  }
0x83: {  	_ =	shalt  }
0x84: {  	_ =	shalt  }
0x85: {  	_ =	shalt  }
0x86: {  	_ =	shalt  }
0x87: {  	_ =	shalt  }
.Lfunc_end0:
.L_simem_size_0:
called_computation_lowered:
.L_overlay_start_0:
0x88: {  	s2 =	sld [smem:$0x3FD9]  }
0x89: {  	s3 =	sld [smem:$0x3FFE];
	_ =	sdelay $0x1  }
0x8a: {  	s1 =	srdreg.scid  }
0x8b: {  	s0 =	sand.u32 $0x1, s1  }
0x8c: {  	s17 =	sshll.u32 s0, $0xA;
	s2 =	sadd.s32 s3, s2  }
0x8d: {  	s2 =	sadd.s32 s2, s17  }
0x8e: {  	[smem:$0x3FC1] =	sst s2  }
0x8f: {  	_ = 	snop  }
0x90: {  	s2 =	sld [smem:$0x3FD0];
	(tm) =	ssettm $0x1  }
0x91: {  	s18 =	sld [smem:$0x3FFB];
	_ =	sdelay $0x3  }
0x92: {  	_ =	strace s18  }
0x93: {  	s3 =	sld [smem:$0x3FFC];
	_ =	sdelay $0x3  }
0x94: {  	_ =	strace s3  }
0x95: {  	s3 =	sld [smem:$0x3FFD];
	_ =	sdelay $0x3  }
0x96: {  	_ =	strace s3  }
0x97: {  	_ =	strace $0x8FFFFFFF  }
0x98: {  	s19 =	sld [smem:$0x3FDB];
	_ =	sdelay $0x1  }
0x99: {  	s4 =	simm.s32 $_scs_section_size  }
0x9a: {  	s5 =	simm.s32 $_size__tile_overlayer_lowered;
	s6 =	simm.s32 $_tile_overlayer_lowered  }
0x9b: {  	s22 =	simm.s32 $0x1BFF;
	s21 =	sshll.u32 s6, $0x1;
	s3 =	sadd.s32 s4, s19  }
0x9c: {  	s7 =	simm.s32 $0x0;
	s20 =	sshll.u32 s5, $0x1;
	s5 =	sadd.s32 s21, s3  }
0x9d: {  	[timem:s7], [sflag:s22] =	dma.local [hbm:s5], s20  }
0x9e: {  	_ =	swait.ge [sflag:s22], s20  }
0x9f: {  	s4 =	ssub.s32 $0x0, s20;
	[sflag:s22] =	ssyncset.done $0x0  }
0xa0: {  	[sflag:s22] =	ssyncadd.s32 s4;
	_ =	sdelay $0x1  }
0xa1: {  	s23 =	simm.s32 $0x1B8B  }
0xa2: {  	_ =	swait.ge [sflag:s23], $0x1  }
0xa3: {  	[sflag:s23] =	ssyncset.done $0x0  }
0xa4: {  	s25 =	simm.s32 $0x1B8E;
	s24 =	sld [smem:$0x3FFE];
	[sflag:s23] =	ssyncadd.s32 $0xFFFFFFFF  }
0xa5: {  	s26 =	simm.s32 $execute0_lowered;
	[smem:$0x3FD2] =	sst s25  }
0xa6: {  	s5 =	sshll.u32 s26, $0x1;
	_ =	strace $0x80000046;
	[dreg:$0x1] =	wrdreg $0xFFFFFFFF  }
0xa7: {  	s28 =	simm.s32 $_size_execute0_lowered;
	s3 =	sadd.s32 s3, s5;
	[dreg:$0x0] =	wrdreg $0x0  }
0xa8: {  	s5 =	sshll.u32 s28, $0x1;
	[dreg:$0x2] =	wrdreg s3  }
0xa9: {  	[dreg:$0x3] =	wrdreg s5  }
0xaa: {  	[dreg:$0x4] =	wrdreg $0xC0  }
0xab: {  	_ =	task [dreg:s7], $0x5FFFF  }
0xac: {  	[dreg:$0x1] =	wrdreg $0xFFFFFFFF  }
0xad: {  	[dreg:$0x0] =	wrdreg $0x60  }
0xae: {  	[dreg:$0x2] =	wrdreg s2  }
0xaf: {  	[dreg:$0x3] =	wrdreg s24  }
0xb0: {  	[dreg:$0x4] =	wrdreg $0xA3C00  }
0xb1: {  	[dreg:$0x5] =	wrdreg $0x9  }
0xb2: {  	_ =	task.clear_ibuf [dreg:s7], $0x6FFFF;
	_ =	strace $0x90000046  }
0xb3: {  	s29 =	simm.s32 $0x9;
	_ =	strace $0x80000048  }
0xb4: {  	_ =	swait.ge [sflag:s29], $0x1  }
0xb5: {  	[sflag:s29] =	ssyncadd.s32 $0xFFFFFFFF  }
0xb6: {  	_ =	strace $0x90000048  }
0xb7: {  	_ =	sfence  }
0xb8: {  	s30 =	sld [smem:$0x0];
	_ =	sdelay $0x2  }
0xb9: {  	s31 =	sshll.u32 s1, $0xD;
	s1 =	sshrl.u32 s1, $0x2  }
0xba: {  	s3 =	sand.u32 $0x4000, s31;
	s1 =	sadd.s32 s1, s30  }
0xbb: {  	s0 =	sor.u32 s3, s0;
	s1 =	sshll.u32 s1, $0x11  }
0xbc: {  	s0 =	sor.u32 s1, s0  }
0xbd: {  	s0 =	sadd.s32 $0x8F2B, s0  }
0xbe: {  	[sflag:s0] =	ssyncadd.remote.s32 $0x1  }
0xbf: {  	_ =	sfence.sel $0xFFFF  }
0xc0: {  	[dreg:$0x0] =	wrdreg $0xFFFFFFFF;
	(pc) =	sbr.abs _section_cstart, $3  }
0xc1: {  	[dreg:$0x1] =	wrdreg $0xFFFFFFFF  }
0xc2: {  	_ =	task.clear_ibuf [dreg:s7], $0x2FFFF;
	_ =	strace $0x9FFFFFFF  }
0xc3: {  	(tm) =	ssettm $0x7FFFFFFF  }
tec
execute0_lowered:
.L_overlay_start_1:
0x0: {  	(tag) =	ssettag $0x1  }
0x1: {  	s1 =	rddreg [dreg:$0x0]  }
0x2: {  	s0 =	rddreg [dreg:$0x1]  }
0x3: {  	s3 =	rddreg [dreg:$0x2]  }
0x4: {  	s2 =	srdreg.scid;
	s13 =	stileid.u32;
	s4 =	simm.s32 $0x0  }
0x5: {  	s2 =	sand.u32 $0x1, s2;
	s5 =	sshll.u32 s13, $0x7;
	[smem:$0x7FF] =	sst s4  }
0x6: {  	s7 =	sadd.s32 $0xE00, s0;
	s8 =	sadd.s32 $0x14E00, s0;
	s28 =	smul.u32 $0x4F000, s13  }
0x7: {  	s13 =	smul.u32 $0x13C00, s13;
	s6 =	sshll.u32 s2, $0xB;
	_ =	strace $0x80000047  }
0x8: {  	s9 =	ssub.s32 $0x2, s2;
	p0 =	seq.s32 s2, $0x0;
	s2 =	simm.s32 $0x1EE00  }
0x9: {  	s5 =	sor.u32 s6, s5;
	s6 =	sadd.s32 $0xAE00, s0;
	s11 =	sshrl.u32 s9, $0x1  }
0xa: {  	s16 =	sshrl.u32 s28, $0x2;
	s2 =	simm.s32 @!p0 $0x46600;
	s21 =	sshrl.u32 s13, $0x3  }
0xb: {  	s10 =	smul.u32 $0xA, s5;
	s0 =	sadd.s32 s2, s0;
	s28 =	sor.u32 $0x6, s5  }
0xc: {  	s9 =	ssub.s32 s9, s11;
	s0 =	sadd.s32 s0, s21;
	[dreg:$0x16] =	wrdreg s28  }
0xd: {  	s25 =	smax.u32 s9, $0x1;
	[dreg:$0x11] =	wrdreg s0  }
0xe: {  	s26 =	sor.u32 $0xA, s10;
	s29 =	sadd.s32 s7, s10;
	[dreg:$0x14] =	wrdreg s25  }
0xf: {  	s14 =	sadd.s32 s6, s10;
	s10 =	sadd.s32 s8, s10;
	[dreg:$0x7] =	wrdreg s29  }
0x10: {  	[dreg:$0x8] =	wrdreg s10  }
0x11: {  	s12 =	sadd.s32 s6, s26;
	[dreg:$0x4] =	wrdreg s14  }
0x12: {  	s30 =	simm.s32 $0x50;
	s15 =	sadd.s32 $0x14, s14;
	[dreg:$0x5] =	wrdreg s12  }
0x13: {  	s31 =	simm.s32 $0x11;
	s11 =	sadd.s32 s8, s26;
	[dreg:$0x6] =	wrdreg s15  }
0x14: {  	s2 =	simm.s32 $0xE;
	s29 =	sor.u32 $0x7, s5;
	[dreg:$0xa] =	wrdreg s11  }
0x15: {  	s10 =	sadd.s32 s16, s3;
	s15 =	sadd.s32 s7, s26;
	[dreg:$0x17] =	wrdreg s29  }
0x16: {  	s9 =	simm.s32 $0x10;
	s17 =	sadd.s32 $0x2800, s10;
	[dreg:$0x9] =	wrdreg s15  }
0x17: {  	s21 =	simm.s32 $0x4;
	s18 =	sadd.s32 $0x5000, s10;
	[dreg:$0xc] =	wrdreg s17  }
0x18: {  	s0 =	simm.s32 $0x12;
	s19 =	sadd.s32 $0x7800, s10;
	[dreg:$0xd] =	wrdreg s18  }
0x19: {  	s16 =	simm.s32 $0x5;
	s20 =	sadd.s32 $0xA000, s10;
	[dreg:$0xe] =	wrdreg s19  }
0x1a: {  	s22 =	sadd.s32 $0xC800, s10;
	s23 =	sadd.s32 $0xF000, s10;
	[dreg:$0xf] =	wrdreg s20  }
0x1b: {  	s24 =	sadd.s32 $0x11800, s10;
	s26 =	sadd.s32 $0x1E, s14;
	[dreg:$0x10] =	wrdreg s22  }
0x1c: {  	s10 =	simm.s32 $0x280;
	s12 =	simm.s32 $0xC;
	[dreg:$0x12] =	wrdreg s23  }
0x1d: {  	s14 =	simm.s32 $0x3;
	s15 =	sadd.s32 s13, s3;
	[dreg:$0x13] =	wrdreg s24  }
0x1e: {  	[dreg:$0x15] =	wrdreg s26;
	s18 =	simm.s32 $0x13;
	s22 =	simm.s32 $0x1E0  }
0x1f: {  	s23 =	simm.s32 $0xB;
	s24 =	simm.s32 $0x2;
	s19 =	simm.s32 $0xD  }
0x20: {  	v0 =	vimm.f32 $0.0e+00;
	s26 =	simm.s32 $0x6;
	s13 =	simm.s32 $0x0;
	[dreg:$0xb] =	wrdreg s15  }
.LBB2_1:
0x21: {  	[dreg:$0x18] =	wrdreg s13  }
0x22: {  	s11 =	rddreg [dreg:$0x4]  }
0x23: {  	[tilespmem:s4], [sflag:$0x7] =	stream.linear.gather [hbm4b:s11+s4], $0x50, $0x38;
	[tilespmem:$0x1DFC0] =	vst v63  }
0x24: {  	s13 =	rddreg [dreg:$0x5]  }
0x25: {  	[tilespmem:s30], [sflag:$0x8] =	stream.linear.gather [hbm4b:s13+s4], $0x50, $0x38;
	[tilespmem:$0x1DFC0] =	vst v63  }
0x26: {  	s17 =	rddreg [dreg:$0x6];
	s13 =	simm.s32 $0xA0  }
0x27: {  	[tilespmem:s13], [sflag:$0x9] =	stream.linear.gather [hbm4b:s17+s4], $0x50, $0x38;
	[tilespmem:$0x1DFC0] =	vst v63  }
0x28: {  	s20 =	rddreg [dreg:$0x15];
	s17 =	simm.s32 $0xF0  }
0x29: {  	[tilespmem:s17], [sflag:$0xA] =	stream.linear.gather [hbm4b:s20+s4], $0x50, $0x38;
	[tilespmem:$0x1DFC0] =	vst v63  }
0x2a: {  	s25 =	rddreg [dreg:$0x7];
	s28 =	simm.s32 $0x140  }
0x2b: {  	[tilespmem:s28], [sflag:$0xB] =	stream.linear.gather [hbm4b:s25+s4], $0x50, $0x38;
	[tilespmem:$0x1DFC0] =	vst v63  }
0x2c: {  	s29 =	rddreg [dreg:$0x8]  }
0x2d: {  	[tilespmem:s10], [sflag:$0xF] =	stream.linear.gather [hbm4b:s29+s4], $0x50, $0x38;
	[tilespmem:$0x1DFC0] =	vst v63  }
0x2e: {  	s17 =	rddreg [dreg:$0x9];
	s20 =	simm.s32 $0x190  }
0x2f: {  	[tilespmem:s20], [sflag:$0xC] =	stream.linear.gather [hbm4b:s17+s4], $0x50, $0x38;
	[tilespmem:$0x1DFC0] =	vst v63  }
0x30: {  	s25 =	rddreg [dreg:$0xa];
	s28 =	simm.s32 $0x2D0;
	s29 =	simm.s32 $0x7  }
0x31: {  	[tilespmem:s28], [sflag:$0x10] =	stream.linear.gather [hbm4b:s25+s4], $0x50, $0x38;
	[tilespmem:$0x1DFC0] =	vst v63  }
0x32: {  	_ =	swait.ge [sflag:s29], $0x50  }
0x33: {  	[sflag:s29] =	ssyncset.done $0x0  }
0x34: {  	s17 =	simm.s32 $0x3C0;
	s20 =	simm.s32 $0x8;
	[sflag:s29] =	ssyncadd.s32 $0xFFFFFFB0  }
0x35: {  	[tilespmem:s17], [sflag:$0x1] =	stream.indirect.gather [hbm4b:s1+s30], $0x40, s4, s30, $0xb8;
	[tilespmem:$0x1DFC0] =	vst v63  }
0x36: {  	_ =	swait.ge [sflag:s20], $0x50  }
0x37: {  	[sflag:s20] =	ssyncset.done $0x0  }
0x38: {  	s25 =	simm.s32 $0x17C0;
	s28 =	simm.s32 $0x9;
	[sflag:s20] =	ssyncadd.s32 $0xFFFFFFB0  }
0x39: {  	[tilespmem:s25], [sflag:$0x2] =	stream.indirect.gather [hbm4b:s1+s30], $0x40, s30, s30, $0xb8;
	[tilespmem:$0x1DFC0] =	vst v63  }
0x3a: {  	_ =	swait.ge [sflag:s28], $0x50  }
0x3b: {  	[sflag:s28] =	ssyncset.done $0x0  }
0x3c: {  	s29 =	simm.s32 $0x2BC0;
	[sflag:s28] =	ssyncadd.s32 $0xFFFFFFB0  }
0x3d: {  	[tilespmem:s29], [sflag:$0x3] =	stream.indirect.gather [hbm4b:s1+s30], $0x40, s13, s30, $0xb8;
	[tilespmem:$0x1DFC0] =	vst v63  }
0x3e: {  	s11 =	simm.s32 $0x0;
	s13 =	simm.s32 $0x200  }
.LBB2_2:
0x3f: {  	p0 =	sne.s32 s13, $0x9E00;
	[tilespmem:s11+$0x5430] =	vst v0  }
0x40: {  	[tilespmem:s11+$0x53C0] =	vst v0  }
0x41: {  	[tilespmem:s11+$0x53D0] =	vst v0  }
.Ltmp0:
0x42: {  	[tilespmem:s11+$0x53E0] =	vst v0;
	(pc) =	sbr.rel @p0 .LBB2_2-.Ltmp0, $4  }
0x43: {  	[tilespmem:s11+$0x53F0] =	vst v0  }
0x44: {  	[tilespmem:s11+$0x5400] =	vst v0  }
0x45: {  	[tilespmem:s11+$0x5410] =	vst v0  }
0x46: {  	[tilespmem:s11+$0x5420] =	vst v0;
	s11 =	sshra.s32 s13, $0x2;
	s13 =	sadd.s32 $0x200, s13  }
0x47: {  	[tilespmem:s11+$0x5430] =	vst v0  }
0x48: {  	[tilespmem:s11+$0x53C0] =	vst v0  }
0x49: {  	[tilespmem:s11+$0x53D0] =	vst v0  }
0x4a: {  	[tilespmem:s11+$0x53E0] =	vst v0  }
0x4b: {  	[tilespmem:s11+$0x53F0] =	vst v0  }
0x4c: {  	[tilespmem:s11+$0x5400] =	vst v0  }
0x4d: {  	[tilespmem:s11+$0x5410] =	vst v0  }
0x4e: {  	[tilespmem:s11+$0x5420] =	vst v0;
	s13 =	simm.s32 $0x53C0  }
0x4f: {  	[spmem:s15] =	stream.linear.scatter [tilespmem:s13], [sflag:$0x13], $0x2800, $0x38;
	[tilespmem:$0x1DFC0] =	vst v63  }
0x50: {  	_ =	swait.ge [sflag:s18], $0x2800  }
0x51: {  	[sflag:s18] =	ssyncset.done $0x0  }
0x52: {  	s29 =	rddreg [dreg:$0xc];
	[sflag:s18] =	ssyncadd.s32 $0xFFFFD800  }
0x53: {  	[spmem:s29] =	stream.linear.scatter [tilespmem:s13], [sflag:$0x13], $0x2800, $0x38;
	[tilespmem:$0x1DFC0] =	vst v63  }
0x54: {  	_ =	swait.ge [sflag:s18], $0x2800  }
0x55: {  	[sflag:s18] =	ssyncset.done $0x0  }
0x56: {  	s15 =	rddreg [dreg:$0xd];
	[sflag:s18] =	ssyncadd.s32 $0xFFFFD800  }
0x57: {  	[spmem:s15] =	stream.linear.scatter [tilespmem:s13], [sflag:$0x13], $0x2800, $0x38;
	[tilespmem:$0x1DFC0] =	vst v63  }
0x58: {  	_ =	swait.ge [sflag:s18], $0x2800  }
0x59: {  	[sflag:s18] =	ssyncset.done $0x0  }
0x5a: {  	s17 =	rddreg [dreg:$0xe];
	[sflag:s18] =	ssyncadd.s32 $0xFFFFD800  }
0x5b: {  	[spmem:s17] =	stream.linear.scatter [tilespmem:s13], [sflag:$0x13], $0x2800, $0x38;
	[tilespmem:$0x1DFC0] =	vst v63  }
0x5c: {  	_ =	swait.ge [sflag:s18], $0x2800  }
0x5d: {  	[sflag:s18] =	ssyncset.done $0x0  }
0x5e: {  	s20 =	rddreg [dreg:$0xf];
	[sflag:s18] =	ssyncadd.s32 $0xFFFFD800  }
0x5f: {  	[spmem:s20] =	stream.linear.scatter [tilespmem:s13], [sflag:$0x13], $0x2800, $0x38;
	[tilespmem:$0x1DFC0] =	vst v63  }
0x60: {  	_ =	swait.ge [sflag:s18], $0x2800  }
0x61: {  	[sflag:s18] =	ssyncset.done $0x0  }
0x62: {  	s25 =	rddreg [dreg:$0x10];
	[sflag:s18] =	ssyncadd.s32 $0xFFFFD800  }
0x63: {  	[spmem:s25] =	stream.linear.scatter [tilespmem:s13], [sflag:$0x13], $0x2800, $0x38;
	[tilespmem:$0x1DFC0] =	vst v63  }
0x64: {  	_ =	swait.ge [sflag:s18], $0x2800  }
0x65: {  	[sflag:s18] =	ssyncset.done $0x0  }
0x66: {  	s28 =	rddreg [dreg:$0x12];
	[sflag:s18] =	ssyncadd.s32 $0xFFFFD800  }
0x67: {  	[spmem:s28] =	stream.linear.scatter [tilespmem:s13], [sflag:$0x13], $0x2800, $0x38;
	[tilespmem:$0x1DFC0] =	vst v63  }
0x68: {  	_ =	swait.ge [sflag:s18], $0x2800  }
0x69: {  	[sflag:s18] =	ssyncset.done $0x0  }
0x6a: {  	s29 =	rddreg [dreg:$0x13];
	[sflag:s18] =	ssyncadd.s32 $0xFFFFD800  }
0x6b: {  	[spmem:s29] =	stream.linear.scatter [tilespmem:s13], [sflag:$0x13], $0x2400, $0x38;
	[tilespmem:$0x1DFC0] =	vst v63  }
0x6c: {  	_ =	swait.ge [sflag:s18], $0x2400  }
0x6d: {  	[sflag:s18] =	ssyncset.done $0x0  }
0x6e: {  	[sflag:s18] =	ssyncadd.s32 $0xFFFFDC00  }
0x6f: {  	s11 =	simm.s32 $0x0;
	[bflag:$0x0] =	sbarrier.arrive $0xFFFF  }
.LBB2_4:
0x70: {  	s15 =	simm.s32 $0x1  }
0x71: {  	s28 =	sshll.u32 s11, $0x2;
	_ =	swait.ge [sflag:s15], $0x1400  }
0x72: {  	p1 =	seq.s32 s11, $0x0;
	s13 =	sor.u32 s28, s5;
	[sflag:s15] =	ssyncset.done $0x0  }
0x73: {  	s18 =	smul.u32 $0xA, s13;
	[sflag:s15] =	ssyncadd.s32 $0xFFFFEC00;
	s15 =	simm.s32 @!p1 $0x5  }
0x74: {  	_ =	swait.ge @!p1 [sflag:s15], $0x2800  }
0x75: {  	s13 =	sadd.s32 $0x14, s18;
	[sflag:s15] =	ssyncset.done @!p1 $0x0  }
0x76: {  	s17 =	simm.s32 $0xA;
	s20 =	sadd.s32 s7, s13;
	[sflag:s15] =	ssyncadd.s32 @!p1 $0xFFFFD800  }
0x77: {  	[tilespmem:s22], [sflag:$0xD] =	stream.linear.gather [hbm4b:s20+s4], $0x50, $0x38;
	[tilespmem:$0x1DFC0] =	vst v63  }
0x78: {  	p0 =	seq.s32 s11, $0x1F;
	s13 =	sadd.s32 s8, s13;
	s22 =	simm.s32 $0x320  }
0x79: {  	[tilespmem:s22], [sflag:$0x11] =	stream.linear.gather [hbm4b:s13+s4], $0x50, $0x38;
	[tilespmem:$0x1DFC0] =	vst v63  }
0x7a: {  	s25 =	simm.s32 $0x0;
	s13 =	sadd.s32 $0x4, s28;
	_ =	swait.ge [sflag:s17], $0x50  }
0x7b: {  	s15 =	simm.s32 $0xF0;
	s13 =	sadd.s32 @!p0 s5, s13;
	[sflag:s17] =	ssyncset.done $0x0  }
0x7c: {  	v1 =	vmov s25;
	s29 =	smul.u32 @!p0 $0xA, s13;
	[sflag:s17] =	ssyncadd.s32 $0xFFFFFFB0;
	s17 =	simm.s32 $0x3FC0  }
0x7d: {  	v1 =	vand.u32 $0xFFFFFFFE, v1;
	[tilespmem:s17], [sflag:$0x4] =	stream.indirect.gather [hbm4b:s1+s30], $0x40, s15, s30, $0xb8;
	[tilespmem:$0x1DFC0] =	vst v63  }
0x7e: {  	v1 =	vbroadcast v1, $0x0;
	s20 =	simm.s32 $0xF;
	s13 =	sadd.s32 @!p0 s6, s29;
	s15 =	simm.s32 @!p0 $0x0  }
0x7f: {  	[tilespmem:s15], [sflag:$0x7] =	stream.linear.gather @!p0 [hbm4b:s13+s15], $0x50, $0x38;
	[tilespmem:$0x1DFC0] =	vst v63  }
0x80: {  	_ =	swait.ge [sflag:s20], $0x50  }
0x81: {  	[sflag:s20] =	ssyncset.done $0x0  }
0x82: {  	s25 =	simm.s32 $0x400;
	[sflag:s20] =	ssyncadd.s32 $0xFFFFFFB0  }
0x83: {  	v2 =	vld [tilespmem:s25+$0xFFFFFFC0]  }
0x84: {  	v1 =	vld.idx.msk [tilespmem:v1+s10+$0x0], $0xffff;
	_ =	sdelay $0x3  }
0x85: {  	v3 =	vshll.u32 v2, $0x10  }
0x86: {  	v2 =	vand.u32 $0xFFFF0000, v2;
	v3 =	vmul.f32 v3, v1  }
0x87: {  	s13 =	simm.s32 $0x5440;
	v2 =	vmul.f32 v2, v1  }
0x88: {  	[tilespmem:s13+$0xFFFFFF80] =	vst v3  }
0x89: {  	[tilespmem:s13+$0xFFFFFF90] =	vst v2  }
0x8a: {  	v2 =	vld [tilespmem:s25+$0xFFFFFFD0];
	_ =	sdelay $0x4  }
0x8b: {  	v3 =	vshll.u32 v2, $0x10  }
0x8c: {  	v2 =	vand.u32 $0xFFFF0000, v2;
	v3 =	vmul.f32 v3, v1  }
0x8d: {  	v2 =	vmul.f32 v2, v1  }
0x8e: {  	[tilespmem:s13+$0xFFFFFFA0] =	vst v3  }
0x8f: {  	[tilespmem:s13+$0xFFFFFFB0] =	vst v2  }
0x90: {  	v2 =	vld [tilespmem:s25+$0xFFFFFFE0];
	_ =	sdelay $0x4  }
0x91: {  	v3 =	vshll.u32 v2, $0x10  }
0x92: {  	v2 =	vand.u32 $0xFFFF0000, v2;
	v3 =	vmul.f32 v3, v1  }
0x93: {  	v2 =	vmul.f32 v2, v1  }
0x94: {  	[tilespmem:s13+$0xFFFFFFC0] =	vst v3  }
0x95: {  	[tilespmem:s13+$0xFFFFFFD0] =	vst v2  }
0x96: {  	v2 =	vld [tilespmem:s25+$0xFFFFFFF0];
	_ =	sdelay $0x4  }
0x97: {  	s22 =	simm.s32 $0x1;
	v3 =	vshll.u32 v2, $0x10  }
0x98: {  	v4 =	vmov s22;
	v2 =	vand.u32 $0xFFFF0000, v2;
	v3 =	vmul.f32 v3, v1  }
0x99: {  	v1 =	vmul.f32 v2, v1  }
0x9a: {  	[tilespmem:s13+$0xFFFFFFE0] =	vst v3  }
0x9b: {  	[tilespmem:s13+$0xFFFFFFF0] =	vst v1  }
0x9c: {  	v2 =	vld [tilespmem:s25+$0x0]  }
0x9d: {  	v1 =	vld.idx.msk [tilespmem:v4+s10+$0x0], $0xffff;
	_ =	sdelay $0x3  }
0x9e: {  	v3 =	vshll.u32 v2, $0x10  }
0x9f: {  	v2 =	vand.u32 $0xFFFF0000, v2;
	v3 =	vmul.f32 v3, v1  }
0xa0: {  	v2 =	vmul.f32 v2, v1  }
0xa1: {  	[tilespmem:s13+$0x0] =	vst v3  }
0xa2: {  	[tilespmem:s13+$0x10] =	vst v2  }
0xa3: {  	v2 =	vld [tilespmem:s25+$0x10];
	_ =	sdelay $0x4  }
0xa4: {  	v3 =	vshll.u32 v2, $0x10  }
0xa5: {  	v2 =	vand.u32 $0xFFFF0000, v2;
	v3 =	vmul.f32 v3, v1  }
0xa6: {  	v2 =	vmul.f32 v2, v1  }
0xa7: {  	[tilespmem:s13+$0x20] =	vst v3  }
0xa8: {  	[tilespmem:s13+$0x30] =	vst v2  }
0xa9: {  	v2 =	vld [tilespmem:s25+$0x20];
	_ =	sdelay $0x4  }
0xaa: {  	v3 =	vshll.u32 v2, $0x10  }
0xab: {  	v2 =	vand.u32 $0xFFFF0000, v2;
	v3 =	vmul.f32 v3, v1  }
0xac: {  	v2 =	vmul.f32 v2, v1  }
0xad: {  	[tilespmem:s13+$0x40] =	vst v3  }
0xae: {  	s17 =	simm.s32 $0x3;
	s15 =	simm.s32 $0x5440;
	[tilespmem:s13+$0x50] =	vst v2  }
.LBB2_5:
0xaf: {  	p2 =	sne.s32 s17, $0x4F;
	v2 =	vld [tilespmem:s25+$0x30];
	s25 =	sadd.s32 $0x80, s25;
	s13 =	sadd.s32 $0x100, s13  }
0xb0: {  	s20 =	smov.u32 s17;
	s17 =	sadd.s32 $0x2, s17  }
0xb1: {  	s22 =	sadd.s32 $0xFFFFFFFF, s20  }
0xb2: {  	v3 =	vmov s22  }
0xb3: {  	v3 =	vand.u32 $0xFFFFFFFE, v3  }
0xb4: {  	v3 =	vbroadcast v3, $0x0;
	v4 =	vshll.u32 v2, $0x10;
	v2 =	vand.u32 $0xFFFF0000, v2  }
0xb5: {  	v4 =	vmul.f32 v4, v1;
	v1 =	vmul.f32 v2, v1;
	_ =	sdelay $0x1  }
0xb6: {  	[tilespmem:s15+$0x60] =	vst v4  }
0xb7: {  	[tilespmem:s15+$0x70] =	vst v1;
	s15 =	smov.u32 s13  }
0xb8: {  	v1 =	vld [tilespmem:s25+$0xFFFFFFC0]  }
0xb9: {  	v2 =	vld.idx.msk [tilespmem:v3+s10+$0x0], $0xffff;
	_ =	sdelay $0x4  }
0xba: {  	v3 =	vshll.u32 v1, $0x10;
	v1 =	vand.u32 $0xFFFF0000, v1  }
0xbb: {  	v3 =	vmul.f32 v3, v2;
	v1 =	vmul.f32 v1, v2;
	_ =	sdelay $0x1  }
0xbc: {  	[tilespmem:s13+$0xFFFFFF80] =	vst v3  }
0xbd: {  	[tilespmem:s13+$0xFFFFFF90] =	vst v1  }
0xbe: {  	v1 =	vld [tilespmem:s25+$0xFFFFFFD0];
	_ =	sdelay $0x4  }
0xbf: {  	v3 =	vshll.u32 v1, $0x10;
	v1 =	vand.u32 $0xFFFF0000, v1  }
0xc0: {  	v3 =	vmul.f32 v3, v2;
	v1 =	vmul.f32 v1, v2;
	_ =	sdelay $0x1  }
0xc1: {  	[tilespmem:s13+$0xFFFFFFA0] =	vst v3  }
0xc2: {  	[tilespmem:s13+$0xFFFFFFB0] =	vst v1  }
0xc3: {  	v1 =	vld [tilespmem:s25+$0xFFFFFFE0];
	_ =	sdelay $0x4  }
0xc4: {  	v3 =	vshll.u32 v1, $0x10;
	v1 =	vand.u32 $0xFFFF0000, v1  }
0xc5: {  	v3 =	vmul.f32 v3, v2;
	v1 =	vmul.f32 v1, v2;
	_ =	sdelay $0x1  }
0xc6: {  	[tilespmem:s13+$0xFFFFFFC0] =	vst v3  }
0xc7: {  	[tilespmem:s13+$0xFFFFFFD0] =	vst v1  }
0xc8: {  	v1 =	vld [tilespmem:s25+$0xFFFFFFF0];
	_ =	sdelay $0x4  }
0xc9: {  	v4 =	vmov s20;
	v3 =	vshll.u32 v1, $0x10;
	v1 =	vand.u32 $0xFFFF0000, v1  }
0xca: {  	v3 =	vmul.f32 v3, v2;
	v1 =	vmul.f32 v1, v2;
	_ =	sdelay $0x1  }
0xcb: {  	[tilespmem:s13+$0xFFFFFFE0] =	vst v3  }
0xcc: {  	[tilespmem:s13+$0xFFFFFFF0] =	vst v1  }
0xcd: {  	v1 =	vld.idx.msk [tilespmem:v4+s10+$0x0], $0xffff  }
0xce: {  	v2 =	vld [tilespmem:s25+$0x0];
	_ =	sdelay $0x4  }
0xcf: {  	v3 =	vshll.u32 v2, $0x10;
	v2 =	vand.u32 $0xFFFF0000, v2  }
0xd0: {  	v3 =	vmul.f32 v3, v1;
	v2 =	vmul.f32 v2, v1;
	_ =	sdelay $0x1  }
0xd1: {  	[tilespmem:s13+$0x0] =	vst v3  }
0xd2: {  	[tilespmem:s13+$0x10] =	vst v2  }
0xd3: {  	v2 =	vld [tilespmem:s25+$0x10];
	_ =	sdelay $0x4  }
0xd4: {  	v3 =	vshll.u32 v2, $0x10;
	v2 =	vand.u32 $0xFFFF0000, v2  }
0xd5: {  	v3 =	vmul.f32 v3, v1;
	v2 =	vmul.f32 v2, v1;
	_ =	sdelay $0x1  }
0xd6: {  	[tilespmem:s13+$0x20] =	vst v3  }
0xd7: {  	[tilespmem:s13+$0x30] =	vst v2  }
0xd8: {  	v2 =	vld [tilespmem:s25+$0x20];
	_ =	sdelay $0x4  }
.Ltmp1:
0xd9: {  	v3 =	vshll.u32 v2, $0x10;
	v2 =	vand.u32 $0xFFFF0000, v2;
	(pc) =	sbr.rel @p2 .LBB2_5-.Ltmp1, $3  }
0xda: {  	v3 =	vmul.f32 v3, v1;
	v2 =	vmul.f32 v2, v1;
	_ =	sdelay $0x1  }
0xdb: {  	[tilespmem:s13+$0x40] =	vst v3  }
0xdc: {  	[tilespmem:s13+$0x50] =	vst v2  }
0xdd: {  	v2 =	vld [tilespmem:s25+$0x30];
	_ =	sdelay $0x4  }
0xde: {  	v3 =	vshll.u32 v2, $0x10  }
0xdf: {  	v2 =	vand.u32 $0xFFFF0000, v2;
	v3 =	vmul.f32 v3, v1  }
0xe0: {  	v1 =	vmul.f32 v2, v1  }
0xe1: {  	[tilespmem:s15+$0x60] =	vst v3  }
0xe2: {  	[tilespmem:s15+$0x70] =	vst v1  }
0xe3: {  	_ =	swait.ge [sflag:s23], $0x50  }
0xe4: {  	[sflag:s23] =	ssyncset.done $0x0  }
0xe5: {  	s13 =	simm.s32 $0x140;
	s22 =	simm.s32 $0x53C0;
	[sflag:s23] =	ssyncadd.s32 $0xFFFFFFB0  }
0xe6: {  	[spmem:s3] =	stream.indirect.scatter.add.f32 [tilespmem:s22], [sflag:$0x5], $0x80, s13, s30, $0xb8;
	[tilespmem:$0x1DFC0] =	vst v63  }
0xe7: {  	_ =	swait.ge [sflag:s24], $0x1400  }
0xe8: {  	[sflag:s24] =	ssyncset.done $0x0  }
0xe9: {  	s13 =	simm.s32 @!p1 $0x6;
	[sflag:s24] =	ssyncadd.s32 $0xFFFFEC00  }
0xea: {  	_ =	swait.ge @!p1 [sflag:s13], $0x2800  }
0xeb: {  	s25 =	sadd.s32 $0x1E, s18;
	s17 =	simm.s32 $0x230;
	[sflag:s13] =	ssyncset.done @!p1 $0x0  }
0xec: {  	s18 =	sadd.s32 s7, s25;
	s20 =	sadd.s32 s8, s25;
	[sflag:s13] =	ssyncadd.s32 @!p1 $0xFFFFD800  }
0xed: {  	[tilespmem:s17], [sflag:$0xE] =	stream.linear.gather [hbm4b:s18+s4], $0x50, $0x38;
	[tilespmem:$0x1DFC0] =	vst v63  }
0xee: {  	s22 =	simm.s32 $0x370;
	s13 =	simm.s32 @!p0 $0x7;
	s18 =	sadd.s32 @!p0 $0x5, s28  }
0xef: {  	[tilespmem:s22], [sflag:$0x12] =	stream.linear.gather [hbm4b:s20+s4], $0x50, $0x38;
	[tilespmem:$0x1DFC0] =	vst v63  }
0xf0: {  	s25 =	simm.s32 $0x50;
	s15 =	sadd.s32 @!p0 s5, s18;
	_ =	swait.ge @!p0 [sflag:s13], $0x50  }
0xf1: {  	s20 =	simm.s32 @!p0 $0x0;
	s22 =	simm.s32 @!p0 $0x3C0;
	[sflag:s13] =	ssyncset.done @!p0 $0x0  }
0xf2: {  	v1 =	vmov s25;
	s15 =	smul.u32 @!p0 $0xA, s15;
	[sflag:s13] =	ssyncadd.s32 @!p0 $0xFFFFFFB0;
	s13 =	simm.s32 @!p0 $0x50  }
0xf3: {  	v1 =	vand.u32 $0xFFFFFFFE, v1;
	[tilespmem:s22], [sflag:$0x1] =	stream.indirect.gather @!p0 [hbm4b:s1+s13], $0x40, s20, s13, $0xb8;
	[tilespmem:$0x1DFC0] =	vst v63  }
0xf4: {  	v1 =	vbroadcast v1, $0x0;
	s15 =	sadd.s32 @!p0 s6, s15  }
0xf5: {  	[tilespmem:s13], [sflag:$0x8] =	stream.linear.gather @!p0 [hbm4b:s15+s20], $0x50, $0x38;
	[tilespmem:$0x1DFC0] =	vst v63  }
0xf6: {  	_ =	swait.ge [sflag:s9], $0x50  }
0xf7: {  	[sflag:s9] =	ssyncset.done $0x0  }
0xf8: {  	s25 =	simm.s32 $0x1830;
	[sflag:s9] =	ssyncadd.s32 $0xFFFFFFB0  }
0xf9: {  	v2 =	vld [tilespmem:s25+$0xFFFFFF90]  }
0xfa: {  	v1 =	vld.idx.msk [tilespmem:v1+s10+$0x0], $0xffff;
	_ =	sdelay $0x3  }
0xfb: {  	v3 =	vshll.u32 v2, $0x10  }
0xfc: {  	v2 =	vand.u32 $0xFFFF0000, v2;
	v3 =	vmul.f32 v3, v1  }
0xfd: {  	s13 =	simm.s32 $0x7CB0;
	v2 =	vmul.f32 v2, v1  }
0xfe: {  	[tilespmem:s13+$0xFFFFFF10] =	vst v3  }
0xff: {  	[tilespmem:s13+$0xFFFFFF20] =	vst v2  }
0x100: {  	v2 =	vld [tilespmem:s25+$0xFFFFFFA0];
	_ =	sdelay $0x4  }
0x101: {  	v3 =	vshll.u32 v2, $0x10  }
0x102: {  	v2 =	vand.u32 $0xFFFF0000, v2;
	v3 =	vmul.f32 v3, v1  }
0x103: {  	v2 =	vmul.f32 v2, v1  }
0x104: {  	[tilespmem:s13+$0xFFFFFF30] =	vst v3  }
0x105: {  	[tilespmem:s13+$0xFFFFFF40] =	vst v2  }
0x106: {  	v2 =	vld [tilespmem:s25+$0xFFFFFFB0];
	_ =	sdelay $0x4  }
0x107: {  	v3 =	vshll.u32 v2, $0x10  }
0x108: {  	v2 =	vand.u32 $0xFFFF0000, v2;
	v3 =	vmul.f32 v3, v1  }
0x109: {  	v2 =	vmul.f32 v2, v1  }
0x10a: {  	[tilespmem:s13+$0xFFFFFF50] =	vst v3  }
0x10b: {  	[tilespmem:s13+$0xFFFFFF60] =	vst v2  }
0x10c: {  	v2 =	vld [tilespmem:s25+$0xFFFFFFC0];
	_ =	sdelay $0x4  }
0x10d: {  	s22 =	simm.s32 $0x51;
	v3 =	vshll.u32 v2, $0x10  }
0x10e: {  	v4 =	vmov s22;
	v2 =	vand.u32 $0xFFFF0000, v2;
	v3 =	vmul.f32 v3, v1  }
0x10f: {  	v1 =	vmul.f32 v2, v1  }
0x110: {  	[tilespmem:s13+$0xFFFFFF70] =	vst v3  }
0x111: {  	[tilespmem:s13+$0xFFFFFF80] =	vst v1  }
0x112: {  	v2 =	vld [tilespmem:s25+$0xFFFFFFD0]  }
0x113: {  	v1 =	vld.idx.msk [tilespmem:v4+s10+$0x0], $0xffff;
	_ =	sdelay $0x3  }
0x114: {  	v3 =	vshll.u32 v2, $0x10  }
0x115: {  	v2 =	vand.u32 $0xFFFF0000, v2;
	v3 =	vmul.f32 v3, v1  }
0x116: {  	v2 =	vmul.f32 v2, v1  }
0x117: {  	[tilespmem:s13+$0xFFFFFF90] =	vst v3  }
0x118: {  	[tilespmem:s13+$0xFFFFFFA0] =	vst v2  }
0x119: {  	v2 =	vld [tilespmem:s25+$0xFFFFFFE0];
	_ =	sdelay $0x4  }
0x11a: {  	v3 =	vshll.u32 v2, $0x10  }
0x11b: {  	v2 =	vand.u32 $0xFFFF0000, v2;
	v3 =	vmul.f32 v3, v1  }
0x11c: {  	v2 =	vmul.f32 v2, v1  }
0x11d: {  	[tilespmem:s13+$0xFFFFFFB0] =	vst v3  }
0x11e: {  	[tilespmem:s13+$0xFFFFFFC0] =	vst v2  }
0x11f: {  	v2 =	vld [tilespmem:s25+$0xFFFFFFF0];
	_ =	sdelay $0x4  }
0x120: {  	v3 =	vshll.u32 v2, $0x10  }
0x121: {  	v2 =	vand.u32 $0xFFFF0000, v2;
	v3 =	vmul.f32 v3, v1  }
0x122: {  	v2 =	vmul.f32 v2, v1  }
0x123: {  	[tilespmem:s13+$0xFFFFFFD0] =	vst v3  }
0x124: {  	s17 =	simm.s32 $0x53;
	s18 =	simm.s32 @p0 $0x81;
	s15 =	simm.s32 $0x7CB0;
	[tilespmem:s13+$0xFFFFFFE0] =	vst v2  }
.LBB2_7:
0x125: {  	p1 =	sne.s32 s17, $0x9F;
	v2 =	vld [tilespmem:s25+$0x0];
	s25 =	sadd.s32 $0x80, s25;
	s13 =	sadd.s32 $0x100, s13  }
0x126: {  	s20 =	smov.u32 s17;
	s17 =	sadd.s32 $0x2, s17  }
0x127: {  	s22 =	sadd.s32 $0xFFFFFFFF, s20  }
0x128: {  	v3 =	vmov s22  }
0x129: {  	v3 =	vand.u32 $0xFFFFFFFE, v3  }
0x12a: {  	v3 =	vbroadcast v3, $0x0;
	v4 =	vshll.u32 v2, $0x10;
	v2 =	vand.u32 $0xFFFF0000, v2  }
0x12b: {  	v4 =	vmul.f32 v4, v1;
	v1 =	vmul.f32 v2, v1;
	_ =	sdelay $0x1  }
0x12c: {  	[tilespmem:s15+$0xFFFFFFF0] =	vst v4  }
0x12d: {  	[tilespmem:s15+$0x0] =	vst v1;
	s15 =	smov.u32 s13  }
0x12e: {  	v1 =	vld [tilespmem:s25+$0xFFFFFF90]  }
0x12f: {  	v2 =	vld.idx.msk [tilespmem:v3+s10+$0x0], $0xffff;
	_ =	sdelay $0x4  }
0x130: {  	v3 =	vshll.u32 v1, $0x10;
	v1 =	vand.u32 $0xFFFF0000, v1  }
0x131: {  	v3 =	vmul.f32 v3, v2;
	v1 =	vmul.f32 v1, v2;
	_ =	sdelay $0x1  }
0x132: {  	[tilespmem:s13+$0xFFFFFF10] =	vst v3  }
0x133: {  	[tilespmem:s13+$0xFFFFFF20] =	vst v1  }
0x134: {  	v1 =	vld [tilespmem:s25+$0xFFFFFFA0];
	_ =	sdelay $0x4  }
0x135: {  	v3 =	vshll.u32 v1, $0x10;
	v1 =	vand.u32 $0xFFFF0000, v1  }
0x136: {  	v3 =	vmul.f32 v3, v2;
	v1 =	vmul.f32 v1, v2;
	_ =	sdelay $0x1  }
0x137: {  	[tilespmem:s13+$0xFFFFFF30] =	vst v3  }
0x138: {  	[tilespmem:s13+$0xFFFFFF40] =	vst v1  }
0x139: {  	v1 =	vld [tilespmem:s25+$0xFFFFFFB0];
	_ =	sdelay $0x4  }
0x13a: {  	v3 =	vshll.u32 v1, $0x10;
	v1 =	vand.u32 $0xFFFF0000, v1  }
0x13b: {  	v3 =	vmul.f32 v3, v2;
	v1 =	vmul.f32 v1, v2;
	_ =	sdelay $0x1  }
0x13c: {  	[tilespmem:s13+$0xFFFFFF50] =	vst v3  }
0x13d: {  	[tilespmem:s13+$0xFFFFFF60] =	vst v1  }
0x13e: {  	v1 =	vld [tilespmem:s25+$0xFFFFFFC0];
	_ =	sdelay $0x4  }
0x13f: {  	v4 =	vmov s20;
	v3 =	vshll.u32 v1, $0x10;
	v1 =	vand.u32 $0xFFFF0000, v1  }
0x140: {  	v3 =	vmul.f32 v3, v2;
	v1 =	vmul.f32 v1, v2;
	_ =	sdelay $0x1  }
0x141: {  	[tilespmem:s13+$0xFFFFFF70] =	vst v3  }
0x142: {  	[tilespmem:s13+$0xFFFFFF80] =	vst v1  }
0x143: {  	v1 =	vld.idx.msk [tilespmem:v4+s10+$0x0], $0xffff  }
0x144: {  	v2 =	vld [tilespmem:s25+$0xFFFFFFD0];
	_ =	sdelay $0x4  }
0x145: {  	v3 =	vshll.u32 v2, $0x10;
	v2 =	vand.u32 $0xFFFF0000, v2  }
0x146: {  	v3 =	vmul.f32 v3, v1;
	v2 =	vmul.f32 v2, v1;
	_ =	sdelay $0x1  }
0x147: {  	[tilespmem:s13+$0xFFFFFF90] =	vst v3  }
0x148: {  	[tilespmem:s13+$0xFFFFFFA0] =	vst v2  }
0x149: {  	v2 =	vld [tilespmem:s25+$0xFFFFFFE0];
	_ =	sdelay $0x4  }
0x14a: {  	v3 =	vshll.u32 v2, $0x10;
	v2 =	vand.u32 $0xFFFF0000, v2  }
0x14b: {  	v3 =	vmul.f32 v3, v1;
	v2 =	vmul.f32 v2, v1;
	_ =	sdelay $0x1  }
0x14c: {  	[tilespmem:s13+$0xFFFFFFB0] =	vst v3  }
0x14d: {  	[tilespmem:s13+$0xFFFFFFC0] =	vst v2  }
0x14e: {  	v2 =	vld [tilespmem:s25+$0xFFFFFFF0];
	_ =	sdelay $0x4  }
.Ltmp2:
0x14f: {  	v3 =	vshll.u32 v2, $0x10;
	v2 =	vand.u32 $0xFFFF0000, v2;
	(pc) =	sbr.rel @p1 .LBB2_7-.Ltmp2, $3  }
0x150: {  	v3 =	vmul.f32 v3, v1;
	v2 =	vmul.f32 v2, v1;
	_ =	sdelay $0x1  }
0x151: {  	[tilespmem:s13+$0xFFFFFFD0] =	vst v3  }
0x152: {  	[tilespmem:s13+$0xFFFFFFE0] =	vst v2  }
0x153: {  	v2 =	vld [tilespmem:s25+$0x0];
	_ =	sdelay $0x4  }
0x154: {  	v3 =	vshll.u32 v2, $0x10  }
0x155: {  	v2 =	vand.u32 $0xFFFF0000, v2;
	v3 =	vmul.f32 v3, v1  }
0x156: {  	v1 =	vmul.f32 v2, v1  }
0x157: {  	[tilespmem:s15+$0xFFFFFFF0] =	vst v3  }
0x158: {  	[tilespmem:s15+$0x0] =	vst v1  }
0x159: {  	_ =	swait.ge [sflag:s12], $0x50  }
0x15a: {  	[sflag:s12] =	ssyncset.done $0x0  }
0x15b: {  	s13 =	simm.s32 $0x190;
	s22 =	simm.s32 $0x7BC0;
	[sflag:s12] =	ssyncadd.s32 $0xFFFFFFB0  }
0x15c: {  	[spmem:s3] =	stream.indirect.scatter.add.f32 [tilespmem:s22], [sflag:$0x6], $0x80, s13, s30, $0xb8;
	[tilespmem:$0x1DFC0] =	vst v63  }
0x15d: {  	_ =	swait.ge [sflag:s14], $0x1400  }
0x15e: {  	[sflag:s14] =	ssyncset.done $0x0  }
0x15f: {  	[sflag:s14] =	ssyncadd.s32 $0xFFFFEC00  }
0x160: {  	_ =	swait.ge [sflag:s16], $0x2800  }
0x161: {  	s17 =	simm.s32 @!p0 $0x140;
	[sflag:s16] =	ssyncset.done $0x0  }
0x162: {  	s15 =	simm.s32 @!p0 $0x0;
	s13 =	sadd.s32 @!p0 s7, s29;
	[sflag:s16] =	ssyncadd.s32 $0xFFFFD800  }
0x163: {  	[tilespmem:s17], [sflag:$0xB] =	stream.linear.gather @!p0 [hbm4b:s13+s15], $0x50, $0x38;
	[tilespmem:$0x1DFC0] =	vst v63  }
0x164: {  	s13 =	sadd.s32 @!p0 s8, s29;
	s17 =	simm.s32 @!p0 $0x280  }
0x165: {  	[tilespmem:s17], [sflag:$0xF] =	stream.linear.gather @!p0 [hbm4b:s13+s15], $0x50, $0x38;
	[tilespmem:$0x1DFC0] =	vst v63  }
0x166: {  	s13 =	simm.s32 @!p0 $0x8  }
0x167: {  	_ =	swait.ge @!p0 [sflag:s13], $0x50  }
0x168: {  	[sflag:s13] =	ssyncset.done @!p0 $0x0  }
0x169: {  	[sflag:s13] =	ssyncadd.s32 @!p0 $0xFFFFFFB0;
	s13 =	rddreg [dreg:$0x16]  }
0x16a: {  	s25 =	simm.s32 $0xA0;
	s13 =	sadd.s32 @!p0 s28, s13  }
0x16b: {  	s20 =	simm.s32 @!p0 $0x50;
	v1 =	vmov s25;
	s17 =	simm.s32 @!p0 $0x17C0;
	s13 =	smul.u32 @!p0 $0xA, s13  }
0x16c: {  	v1 =	vand.u32 $0xFFFFFFFE, v1;
	[tilespmem:s17], [sflag:$0x2] =	stream.indirect.gather @!p0 [hbm4b:s1+s20], $0x40, s20, s20, $0xb8;
	[tilespmem:$0x1DFC0] =	vst v63  }
0x16d: {  	v1 =	vbroadcast v1, $0x0;
	s17 =	simm.s32 @!p0 $0xA0;
	s13 =	sadd.s32 @!p0 s6, s13  }
0x16e: {  	[tilespmem:s17], [sflag:$0x9] =	stream.linear.gather @!p0 [hbm4b:s13+s15], $0x50, $0x38;
	[tilespmem:$0x1DFC0] =	vst v63  }
0x16f: {  	_ =	swait.ge [sflag:s31], $0x50  }
0x170: {  	[sflag:s31] =	ssyncset.done $0x0  }
0x171: {  	s25 =	simm.s32 $0x2C30;
	[sflag:s31] =	ssyncadd.s32 $0xFFFFFFB0  }
0x172: {  	v2 =	vld [tilespmem:s25+$0xFFFFFF90]  }
0x173: {  	v1 =	vld.idx.msk [tilespmem:v1+s10+$0x0], $0xffff;
	_ =	sdelay $0x3  }
0x174: {  	v3 =	vshll.u32 v2, $0x10  }
0x175: {  	v2 =	vand.u32 $0xFFFF0000, v2;
	v3 =	vmul.f32 v3, v1  }
0x176: {  	s13 =	simm.s32 $0x5440;
	v2 =	vmul.f32 v2, v1  }
0x177: {  	[tilespmem:s13+$0xFFFFFF80] =	vst v3  }
0x178: {  	[tilespmem:s13+$0xFFFFFF90] =	vst v2  }
0x179: {  	v2 =	vld [tilespmem:s25+$0xFFFFFFA0];
	_ =	sdelay $0x4  }
0x17a: {  	v3 =	vshll.u32 v2, $0x10  }
0x17b: {  	v2 =	vand.u32 $0xFFFF0000, v2;
	v3 =	vmul.f32 v3, v1  }
0x17c: {  	v2 =	vmul.f32 v2, v1  }
0x17d: {  	[tilespmem:s13+$0xFFFFFFA0] =	vst v3  }
0x17e: {  	[tilespmem:s13+$0xFFFFFFB0] =	vst v2  }
0x17f: {  	v2 =	vld [tilespmem:s25+$0xFFFFFFB0];
	_ =	sdelay $0x4  }
0x180: {  	v3 =	vshll.u32 v2, $0x10  }
0x181: {  	v2 =	vand.u32 $0xFFFF0000, v2;
	v3 =	vmul.f32 v3, v1  }
0x182: {  	v2 =	vmul.f32 v2, v1  }
0x183: {  	[tilespmem:s13+$0xFFFFFFC0] =	vst v3  }
0x184: {  	[tilespmem:s13+$0xFFFFFFD0] =	vst v2  }
0x185: {  	v2 =	vld [tilespmem:s25+$0xFFFFFFC0];
	_ =	sdelay $0x4  }
0x186: {  	s29 =	simm.s32 $0xA1;
	v3 =	vshll.u32 v2, $0x10  }
0x187: {  	v4 =	vmov s29;
	v2 =	vand.u32 $0xFFFF0000, v2;
	v3 =	vmul.f32 v3, v1  }
0x188: {  	v1 =	vmul.f32 v2, v1  }
0x189: {  	[tilespmem:s13+$0xFFFFFFE0] =	vst v3  }
0x18a: {  	[tilespmem:s13+$0xFFFFFFF0] =	vst v1  }
0x18b: {  	v2 =	vld [tilespmem:s25+$0xFFFFFFD0]  }
0x18c: {  	v1 =	vld.idx.msk [tilespmem:v4+s10+$0x0], $0xffff;
	_ =	sdelay $0x3  }
0x18d: {  	v3 =	vshll.u32 v2, $0x10  }
0x18e: {  	v2 =	vand.u32 $0xFFFF0000, v2;
	v3 =	vmul.f32 v3, v1  }
0x18f: {  	v2 =	vmul.f32 v2, v1  }
0x190: {  	[tilespmem:s13+$0x0] =	vst v3  }
0x191: {  	[tilespmem:s13+$0x10] =	vst v2  }
0x192: {  	v2 =	vld [tilespmem:s25+$0xFFFFFFE0];
	_ =	sdelay $0x4  }
0x193: {  	v3 =	vshll.u32 v2, $0x10  }
0x194: {  	v2 =	vand.u32 $0xFFFF0000, v2;
	v3 =	vmul.f32 v3, v1  }
0x195: {  	v2 =	vmul.f32 v2, v1  }
0x196: {  	[tilespmem:s13+$0x20] =	vst v3  }
0x197: {  	[tilespmem:s13+$0x30] =	vst v2  }
0x198: {  	v2 =	vld [tilespmem:s25+$0xFFFFFFF0];
	_ =	sdelay $0x4  }
0x199: {  	v3 =	vshll.u32 v2, $0x10  }
0x19a: {  	v2 =	vand.u32 $0xFFFF0000, v2;
	v3 =	vmul.f32 v3, v1  }
0x19b: {  	v2 =	vmul.f32 v2, v1  }
0x19c: {  	[tilespmem:s13+$0x40] =	vst v3  }
0x19d: {  	s22 =	simm.s32 $0x1E0;
	s17 =	simm.s32 $0xA2;
	s15 =	simm.s32 $0x5440;
	[tilespmem:s13+$0x50] =	vst v2  }
.LBB2_9:
0x19e: {  	p1 =	sne.s32 s17, $0xEE;
	v2 =	vld [tilespmem:s25+$0x0];
	s25 =	sadd.s32 $0x80, s25;
	s13 =	sadd.s32 $0x100, s13  }
0x19f: {  	s20 =	smov.u32 s17;
	s17 =	sadd.s32 $0x2, s17;
	_ =	sdelay $0x1  }
0x1a0: {  	v3 =	vmov s20  }
0x1a1: {  	v3 =	vand.u32 $0xFFFFFFFE, v3  }
0x1a2: {  	v3 =	vbroadcast v3, $0x0;
	v4 =	vshll.u32 v2, $0x10;
	v2 =	vand.u32 $0xFFFF0000, v2  }
0x1a3: {  	v4 =	vmul.f32 v4, v1;
	v1 =	vmul.f32 v2, v1;
	_ =	sdelay $0x1  }
0x1a4: {  	[tilespmem:s15+$0x60] =	vst v4  }
0x1a5: {  	[tilespmem:s15+$0x70] =	vst v1;
	s15 =	smov.u32 s13  }
0x1a6: {  	v1 =	vld [tilespmem:s25+$0xFFFFFF90]  }
0x1a7: {  	v2 =	vld.idx.msk [tilespmem:v3+s10+$0x0], $0xffff;
	_ =	sdelay $0x4  }
0x1a8: {  	v3 =	vshll.u32 v1, $0x10;
	v1 =	vand.u32 $0xFFFF0000, v1  }
0x1a9: {  	v3 =	vmul.f32 v3, v2;
	v1 =	vmul.f32 v1, v2;
	_ =	sdelay $0x1  }
0x1aa: {  	[tilespmem:s13+$0xFFFFFF80] =	vst v3  }
0x1ab: {  	[tilespmem:s13+$0xFFFFFF90] =	vst v1  }
0x1ac: {  	v1 =	vld [tilespmem:s25+$0xFFFFFFA0];
	_ =	sdelay $0x4  }
0x1ad: {  	v3 =	vshll.u32 v1, $0x10;
	v1 =	vand.u32 $0xFFFF0000, v1  }
0x1ae: {  	v3 =	vmul.f32 v3, v2;
	v1 =	vmul.f32 v1, v2;
	_ =	sdelay $0x1  }
0x1af: {  	[tilespmem:s13+$0xFFFFFFA0] =	vst v3  }
0x1b0: {  	[tilespmem:s13+$0xFFFFFFB0] =	vst v1  }
0x1b1: {  	v1 =	vld [tilespmem:s25+$0xFFFFFFB0];
	_ =	sdelay $0x4  }
0x1b2: {  	v3 =	vshll.u32 v1, $0x10;
	v1 =	vand.u32 $0xFFFF0000, v1  }
0x1b3: {  	v3 =	vmul.f32 v3, v2;
	v1 =	vmul.f32 v1, v2;
	_ =	sdelay $0x1  }
0x1b4: {  	[tilespmem:s13+$0xFFFFFFC0] =	vst v3  }
0x1b5: {  	[tilespmem:s13+$0xFFFFFFD0] =	vst v1  }
0x1b6: {  	v1 =	vld [tilespmem:s25+$0xFFFFFFC0];
	_ =	sdelay $0x3  }
0x1b7: {  	s20 =	sadd.s32 $0x1, s20  }
0x1b8: {  	v4 =	vmov s20;
	v3 =	vshll.u32 v1, $0x10;
	v1 =	vand.u32 $0xFFFF0000, v1  }
0x1b9: {  	v3 =	vmul.f32 v3, v2;
	v1 =	vmul.f32 v1, v2;
	_ =	sdelay $0x1  }
0x1ba: {  	[tilespmem:s13+$0xFFFFFFE0] =	vst v3  }
0x1bb: {  	[tilespmem:s13+$0xFFFFFFF0] =	vst v1  }
0x1bc: {  	v1 =	vld.idx.msk [tilespmem:v4+s10+$0x0], $0xffff  }
0x1bd: {  	v2 =	vld [tilespmem:s25+$0xFFFFFFD0];
	_ =	sdelay $0x4  }
0x1be: {  	v3 =	vshll.u32 v2, $0x10;
	v2 =	vand.u32 $0xFFFF0000, v2  }
0x1bf: {  	v3 =	vmul.f32 v3, v1;
	v2 =	vmul.f32 v2, v1;
	_ =	sdelay $0x1  }
0x1c0: {  	[tilespmem:s13+$0x0] =	vst v3  }
0x1c1: {  	[tilespmem:s13+$0x10] =	vst v2  }
0x1c2: {  	v2 =	vld [tilespmem:s25+$0xFFFFFFE0];
	_ =	sdelay $0x4  }
0x1c3: {  	v3 =	vshll.u32 v2, $0x10;
	v2 =	vand.u32 $0xFFFF0000, v2  }
0x1c4: {  	v3 =	vmul.f32 v3, v1;
	v2 =	vmul.f32 v2, v1;
	_ =	sdelay $0x1  }
0x1c5: {  	[tilespmem:s13+$0x20] =	vst v3  }
0x1c6: {  	[tilespmem:s13+$0x30] =	vst v2  }
0x1c7: {  	v2 =	vld [tilespmem:s25+$0xFFFFFFF0];
	_ =	sdelay $0x4  }
.Ltmp3:
0x1c8: {  	v3 =	vshll.u32 v2, $0x10;
	v2 =	vand.u32 $0xFFFF0000, v2;
	(pc) =	sbr.rel @p1 .LBB2_9-.Ltmp3, $3  }
0x1c9: {  	v3 =	vmul.f32 v3, v1;
	v2 =	vmul.f32 v2, v1;
	_ =	sdelay $0x1  }
0x1ca: {  	[tilespmem:s13+$0x40] =	vst v3  }
0x1cb: {  	[tilespmem:s13+$0x50] =	vst v2  }
0x1cc: {  	v2 =	vld [tilespmem:s25+$0x0];
	_ =	sdelay $0x4  }
0x1cd: {  	v3 =	vshll.u32 v2, $0x10  }
0x1ce: {  	v2 =	vand.u32 $0xFFFF0000, v2;
	v3 =	vmul.f32 v3, v1  }
0x1cf: {  	v1 =	vmul.f32 v2, v1  }
0x1d0: {  	[tilespmem:s15+$0x60] =	vst v3  }
0x1d1: {  	[tilespmem:s15+$0x70] =	vst v1  }
0x1d2: {  	_ =	swait.ge [sflag:s19], $0x50  }
0x1d3: {  	[sflag:s19] =	ssyncset.done $0x0  }
0x1d4: {  	s13 =	simm.s32 $0x53C0;
	[sflag:s19] =	ssyncadd.s32 $0xFFFFFFB0  }
0x1d5: {  	[spmem:s3] =	stream.indirect.scatter.add.f32 [tilespmem:s13], [sflag:$0x5], $0x80, s22, s30, $0xb8;
	[tilespmem:$0x1DFC0] =	vst v63  }
0x1d6: {  	_ =	swait.ge [sflag:s21], $0x1400  }
0x1d7: {  	[sflag:s21] =	ssyncset.done $0x0  }
0x1d8: {  	s13 =	sadd.s32 @!p0 s5, s18;
	[sflag:s21] =	ssyncadd.s32 $0xFFFFEC00  }
0x1d9: {  	s13 =	smul.u32 @!p0 $0xA, s13;
	_ =	swait.ge [sflag:s26], $0x2800  }
0x1da: {  	s17 =	simm.s32 @!p0 $0x0;
	[sflag:s26] =	ssyncset.done $0x0  }
0x1db: {  	s18 =	simm.s32 @!p0 $0x190;
	s15 =	sadd.s32 @!p0 s7, s13;
	[sflag:s26] =	ssyncadd.s32 $0xFFFFD800  }
0x1dc: {  	[tilespmem:s18], [sflag:$0xC] =	stream.linear.gather @!p0 [hbm4b:s15+s17], $0x50, $0x38;
	[tilespmem:$0x1DFC0] =	vst v63  }
0x1dd: {  	s13 =	sadd.s32 @!p0 s8, s13;
	s15 =	simm.s32 @!p0 $0x2D0  }
0x1de: {  	[tilespmem:s15], [sflag:$0x10] =	stream.linear.gather @!p0 [hbm4b:s13+s17], $0x50, $0x38;
	[tilespmem:$0x1DFC0] =	vst v63  }
0x1df: {  	s13 =	simm.s32 @!p0 $0x9  }
0x1e0: {  	_ =	swait.ge @!p0 [sflag:s13], $0x50  }
0x1e1: {  	s20 =	simm.s32 @!p0 $0xA0;
	s18 =	simm.s32 @!p0 $0x2BC0;
	s15 =	rddreg [dreg:$0x17]  }
0x1e2: {  	[sflag:s13] =	ssyncset.done @!p0 $0x0;
	s15 =	sadd.s32 @!p0 s28, s15;
	s28 =	simm.s32 $0xF0  }
0x1e3: {  	[sflag:s13] =	ssyncadd.s32 @!p0 $0xFFFFFFB0;
	s13 =	simm.s32 @!p0 $0x50;
	v1 =	vmov s28;
	s15 =	smul.u32 @!p0 $0xA, s15  }
0x1e4: {  	[tilespmem:s18], [sflag:$0x3] =	stream.indirect.gather @!p0 [hbm4b:s1+s13], $0x40, s20, s13, $0xb8;
	v1 =	vand.u32 $0xFFFFFFFE, v1;
	[tilespmem:$0x1DFC0] =	vst v63  }
0x1e5: {  	s13 =	sadd.s32 @!p0 s6, s15;
	s15 =	simm.s32 @!p0 $0xF0;
	v1 =	vbroadcast v1, $0x0  }
0x1e6: {  	[tilespmem:s15], [sflag:$0xA] =	stream.linear.gather @!p0 [hbm4b:s13+s17], $0x50, $0x38;
	[tilespmem:$0x1DFC0] =	vst v63  }
0x1e7: {  	_ =	swait.ge [sflag:s0], $0x50  }
0x1e8: {  	[sflag:s0] =	ssyncset.done $0x0  }
0x1e9: {  	s18 =	simm.s32 $0x4030;
	[sflag:s0] =	ssyncadd.s32 $0xFFFFFFB0  }
0x1ea: {  	v2 =	vld [tilespmem:s18+$0xFFFFFF90]  }
0x1eb: {  	v1 =	vld.idx.msk [tilespmem:v1+s10+$0x0], $0xffff;
	_ =	sdelay $0x3  }
0x1ec: {  	v3 =	vshll.u32 v2, $0x10  }
0x1ed: {  	v2 =	vand.u32 $0xFFFF0000, v2;
	v3 =	vmul.f32 v3, v1  }
0x1ee: {  	s13 =	simm.s32 $0x7CB0;
	v2 =	vmul.f32 v2, v1  }
0x1ef: {  	[tilespmem:s13+$0xFFFFFF10] =	vst v3  }
0x1f0: {  	[tilespmem:s13+$0xFFFFFF20] =	vst v2  }
0x1f1: {  	v2 =	vld [tilespmem:s18+$0xFFFFFFA0];
	_ =	sdelay $0x4  }
0x1f2: {  	v3 =	vshll.u32 v2, $0x10  }
0x1f3: {  	v2 =	vand.u32 $0xFFFF0000, v2;
	v3 =	vmul.f32 v3, v1  }
0x1f4: {  	v2 =	vmul.f32 v2, v1  }
0x1f5: {  	[tilespmem:s13+$0xFFFFFF30] =	vst v3  }
0x1f6: {  	[tilespmem:s13+$0xFFFFFF40] =	vst v2  }
0x1f7: {  	v2 =	vld [tilespmem:s18+$0xFFFFFFB0];
	_ =	sdelay $0x4  }
0x1f8: {  	v3 =	vshll.u32 v2, $0x10  }
0x1f9: {  	v2 =	vand.u32 $0xFFFF0000, v2;
	v3 =	vmul.f32 v3, v1  }
0x1fa: {  	v2 =	vmul.f32 v2, v1  }
0x1fb: {  	[tilespmem:s13+$0xFFFFFF50] =	vst v3  }
0x1fc: {  	[tilespmem:s13+$0xFFFFFF60] =	vst v2  }
0x1fd: {  	v2 =	vld [tilespmem:s18+$0xFFFFFFC0];
	_ =	sdelay $0x4  }
0x1fe: {  	s29 =	simm.s32 $0xF1;
	v3 =	vshll.u32 v2, $0x10  }
0x1ff: {  	v4 =	vmov s29;
	v2 =	vand.u32 $0xFFFF0000, v2;
	v3 =	vmul.f32 v3, v1  }
0x200: {  	v1 =	vmul.f32 v2, v1  }
0x201: {  	[tilespmem:s13+$0xFFFFFF70] =	vst v3  }
0x202: {  	[tilespmem:s13+$0xFFFFFF80] =	vst v1  }
0x203: {  	v2 =	vld [tilespmem:s18+$0xFFFFFFD0]  }
0x204: {  	v1 =	vld.idx.msk [tilespmem:v4+s10+$0x0], $0xffff;
	_ =	sdelay $0x3  }
0x205: {  	v3 =	vshll.u32 v2, $0x10  }
0x206: {  	v2 =	vand.u32 $0xFFFF0000, v2;
	v3 =	vmul.f32 v3, v1  }
0x207: {  	v2 =	vmul.f32 v2, v1  }
0x208: {  	[tilespmem:s13+$0xFFFFFF90] =	vst v3  }
0x209: {  	[tilespmem:s13+$0xFFFFFFA0] =	vst v2  }
0x20a: {  	v2 =	vld [tilespmem:s18+$0xFFFFFFE0];
	_ =	sdelay $0x4  }
0x20b: {  	v3 =	vshll.u32 v2, $0x10  }
0x20c: {  	v2 =	vand.u32 $0xFFFF0000, v2;
	v3 =	vmul.f32 v3, v1  }
0x20d: {  	v2 =	vmul.f32 v2, v1  }
0x20e: {  	[tilespmem:s13+$0xFFFFFFB0] =	vst v3  }
0x20f: {  	[tilespmem:s13+$0xFFFFFFC0] =	vst v2  }
0x210: {  	v2 =	vld [tilespmem:s18+$0xFFFFFFF0];
	_ =	sdelay $0x4  }
0x211: {  	v3 =	vshll.u32 v2, $0x10  }
0x212: {  	v2 =	vand.u32 $0xFFFF0000, v2;
	v3 =	vmul.f32 v3, v1  }
0x213: {  	v2 =	vmul.f32 v2, v1  }
0x214: {  	[tilespmem:s13+$0xFFFFFFD0] =	vst v3  }
0x215: {  	s17 =	simm.s32 $0xF2;
	s15 =	simm.s32 $0x7CB0;
	[tilespmem:s13+$0xFFFFFFE0] =	vst v2  }
.LBB2_11:
0x216: {  	p0 =	sne.s32 s17, $0x13E;
	v2 =	vld [tilespmem:s18+$0x0];
	s18 =	sadd.s32 $0x80, s18;
	s13 =	sadd.s32 $0x100, s13  }
0x217: {  	s20 =	smov.u32 s17;
	s17 =	sadd.s32 $0x2, s17;
	_ =	sdelay $0x1  }
0x218: {  	v3 =	vmov s20  }
0x219: {  	v3 =	vand.u32 $0xFFFFFFFE, v3  }
0x21a: {  	v3 =	vbroadcast v3, $0x0;
	v4 =	vshll.u32 v2, $0x10;
	v2 =	vand.u32 $0xFFFF0000, v2  }
0x21b: {  	v4 =	vmul.f32 v4, v1;
	v1 =	vmul.f32 v2, v1;
	_ =	sdelay $0x1  }
0x21c: {  	[tilespmem:s15+$0xFFFFFFF0] =	vst v4  }
0x21d: {  	[tilespmem:s15+$0x0] =	vst v1;
	s15 =	smov.u32 s13  }
0x21e: {  	v1 =	vld [tilespmem:s18+$0xFFFFFF90]  }
0x21f: {  	v2 =	vld.idx.msk [tilespmem:v3+s10+$0x0], $0xffff;
	_ =	sdelay $0x4  }
0x220: {  	v3 =	vshll.u32 v1, $0x10;
	v1 =	vand.u32 $0xFFFF0000, v1  }
0x221: {  	v3 =	vmul.f32 v3, v2;
	v1 =	vmul.f32 v1, v2;
	_ =	sdelay $0x1  }
0x222: {  	[tilespmem:s13+$0xFFFFFF10] =	vst v3  }
0x223: {  	[tilespmem:s13+$0xFFFFFF20] =	vst v1  }
0x224: {  	v1 =	vld [tilespmem:s18+$0xFFFFFFA0];
	_ =	sdelay $0x4  }
0x225: {  	v3 =	vshll.u32 v1, $0x10;
	v1 =	vand.u32 $0xFFFF0000, v1  }
0x226: {  	v3 =	vmul.f32 v3, v2;
	v1 =	vmul.f32 v1, v2;
	_ =	sdelay $0x1  }
0x227: {  	[tilespmem:s13+$0xFFFFFF30] =	vst v3  }
0x228: {  	[tilespmem:s13+$0xFFFFFF40] =	vst v1  }
0x229: {  	v1 =	vld [tilespmem:s18+$0xFFFFFFB0];
	_ =	sdelay $0x4  }
0x22a: {  	v3 =	vshll.u32 v1, $0x10;
	v1 =	vand.u32 $0xFFFF0000, v1  }
0x22b: {  	v3 =	vmul.f32 v3, v2;
	v1 =	vmul.f32 v1, v2;
	_ =	sdelay $0x1  }
0x22c: {  	[tilespmem:s13+$0xFFFFFF50] =	vst v3  }
0x22d: {  	[tilespmem:s13+$0xFFFFFF60] =	vst v1  }
0x22e: {  	v1 =	vld [tilespmem:s18+$0xFFFFFFC0];
	_ =	sdelay $0x3  }
0x22f: {  	s20 =	sadd.s32 $0x1, s20  }
0x230: {  	v4 =	vmov s20;
	v3 =	vshll.u32 v1, $0x10;
	v1 =	vand.u32 $0xFFFF0000, v1  }
0x231: {  	v3 =	vmul.f32 v3, v2;
	v1 =	vmul.f32 v1, v2;
	_ =	sdelay $0x1  }
0x232: {  	[tilespmem:s13+$0xFFFFFF70] =	vst v3  }
0x233: {  	[tilespmem:s13+$0xFFFFFF80] =	vst v1  }
0x234: {  	v1 =	vld.idx.msk [tilespmem:v4+s10+$0x0], $0xffff  }
0x235: {  	v2 =	vld [tilespmem:s18+$0xFFFFFFD0];
	_ =	sdelay $0x4  }
0x236: {  	v3 =	vshll.u32 v2, $0x10;
	v2 =	vand.u32 $0xFFFF0000, v2  }
0x237: {  	v3 =	vmul.f32 v3, v1;
	v2 =	vmul.f32 v2, v1;
	_ =	sdelay $0x1  }
0x238: {  	[tilespmem:s13+$0xFFFFFF90] =	vst v3  }
0x239: {  	[tilespmem:s13+$0xFFFFFFA0] =	vst v2  }
0x23a: {  	v2 =	vld [tilespmem:s18+$0xFFFFFFE0];
	_ =	sdelay $0x4  }
0x23b: {  	v3 =	vshll.u32 v2, $0x10;
	v2 =	vand.u32 $0xFFFF0000, v2  }
0x23c: {  	v3 =	vmul.f32 v3, v1;
	v2 =	vmul.f32 v2, v1;
	_ =	sdelay $0x1  }
0x23d: {  	[tilespmem:s13+$0xFFFFFFB0] =	vst v3  }
0x23e: {  	[tilespmem:s13+$0xFFFFFFC0] =	vst v2  }
0x23f: {  	v2 =	vld [tilespmem:s18+$0xFFFFFFF0];
	_ =	sdelay $0x4  }
.Ltmp4:
0x240: {  	v3 =	vshll.u32 v2, $0x10;
	v2 =	vand.u32 $0xFFFF0000, v2;
	(pc) =	sbr.rel @p0 .LBB2_11-.Ltmp4, $3  }
0x241: {  	v3 =	vmul.f32 v3, v1;
	v2 =	vmul.f32 v2, v1;
	_ =	sdelay $0x1  }
0x242: {  	[tilespmem:s13+$0xFFFFFFD0] =	vst v3  }
0x243: {  	[tilespmem:s13+$0xFFFFFFE0] =	vst v2  }
0x244: {  	v2 =	vld [tilespmem:s18+$0x0];
	_ =	sdelay $0x4  }
0x245: {  	v3 =	vshll.u32 v2, $0x10  }
0x246: {  	v2 =	vand.u32 $0xFFFF0000, v2;
	v3 =	vmul.f32 v3, v1  }
0x247: {  	s11 =	sadd.s32 $0x1, s11;
	v1 =	vmul.f32 v2, v1  }
0x248: {  	p0 =	sne.s32 s11, $0x20;
	[tilespmem:s15+$0xFFFFFFF0] =	vst v3  }
.Ltmp5:
0x249: {  	[tilespmem:s15+$0x0] =	vst v1;
	(pc) =	sbr.rel @p0 .LBB2_4-.Ltmp5, $4  }
0x24a: {  	_ =	swait.ge [sflag:s2], $0x50  }
0x24b: {  	[sflag:s2] =	ssyncset.done $0x0  }
0x24c: {  	s13 =	simm.s32 $0x230;
	s29 =	simm.s32 $0x7BC0;
	[sflag:s2] =	ssyncadd.s32 $0xFFFFFFB0  }
0x24d: {  	[spmem:s3] =	stream.indirect.scatter.add.f32 [tilespmem:s29], [sflag:$0x6], $0x80, s13, s30, $0xb8;
	[tilespmem:$0x1DFC0] =	vst v63  }
0x24e: {  	_ =	swait.ge [sflag:s16], $0x2800  }
0x24f: {  	[sflag:s16] =	ssyncset.done $0x0  }
0x250: {  	[sflag:s16] =	ssyncadd.s32 $0xFFFFD800  }
0x251: {  	_ =	swait.ge [sflag:s26], $0x2800  }
0x252: {  	[sflag:s26] =	ssyncset.done $0x0  }
0x253: {  	[sflag:s26] =	ssyncadd.s32 $0xFFFFD800  }
0x254: {  	s11 =	stileid.u32;
	[bflag:$0x0] =	sbarrier.arrive $0xFFFF  }
0x255: {  	s18 =	simm.s32 $0x13;
	s11 =	sshll.u32 s11, $0x6;
	s15 =	rddreg [dreg:$0xb]  }
0x256: {  	s11 =	sor.u32 $0x1C13, s11;
	s17 =	rddreg [dreg:$0x11];
	s13 =	sshrl.u32 s15, $0x3  }
0x257: {  	[hbm:s17], [sflag:s11] =	dma.local [spmem:s13], $0x2780  }
0x258: {  	_ =	swait.ge [sflag:s18], $0x2780  }
0x259: {  	s28 =	rddreg [dreg:$0x18]  }
0x25a: {  	s29 =	rddreg [dreg:$0x14];
	s13 =	sadd.s32 $0x1, s28  }
0x25b: {  	p0 =	sne.s32 s13, s29  }
.Ltmp6:
0x25c: {  	_ = 	snop;
	(pc) =	sbr.rel @p0 .LBB2_1-.Ltmp6, $3  }
0x25d: {  	_ =	sdelay $0x1  }
0x25e: {  	[sflag:s18] =	ssyncset.done $0x0  }
0x25f: {  	[sflag:s18] =	ssyncadd.s32 $0xFFFFD880  }
0x260: {  	_ =	sfence.sel $0x180000  }
0x261: {  	[bflag:$0x0] =	sbarrier.arrive $0xFFFF  }
0x262: {  	_ =	strace $0x90000047  }
0x263: {  	s0 =	stileid.u32;
	[bflag:$0x2] =	sbarrier.arrive $0xFFFF  }
0x264: {  	p0 =	sne.s32 s0, $0x0;
	s0 =	rddreg [dreg:$0x3]  }
0x265: {  	s0 =	sadd.s32 @!p0 $0x100000, s0  }
0x266: {  	[sflag:s0] =	ssyncadd.tile.s32 @!p0 $0x1;
	_ =	shalt  }
.Lfunc_end2:
_tile_overlayer_lowered:
.L_overlay_start_2:
0x267: {  	(tag) =	ssettag $0x2  }
0x268: {  	s0 =	rddreg [dreg:$0x0];
	s2 =	stileid.u32  }
0x269: {  	s1 =	rddreg [dreg:$0x1];
	p0 =	sne.s32 s2, $0x0  }
0x26a: {  	s3 =	rddreg [dreg:$0x2];
	[bflag:$0x3] =	sbarrier.arrive $0xFFFF;
	s2 =	simm.s32 @!p0 $0x1C13  }
0x26b: {  	[timem:s3], [sflag:s2] =	dma.local @!p0 [hbm:s0], s1  }
0x26c: {  	s0 =	simm.s32 @!p0 $0x13  }
0x26d: {  	_ =	swait.ge @!p0 [sflag:s0], s1  }
0x26e: {  	s1 =	ssub.s32 @!p0 $0x0, s1;
	[sflag:s0] =	ssyncset.done @!p0 $0x0  }
0x26f: {  	[sflag:s0] =	ssyncadd.s32 @!p0 s1  }
0x270: {  	[bflag:$0x3] =	sbarrier.arrive $0xFFFF  }
0x271: {  	_ =	shalt  }

</sc_bundles>
